<compile_context>
chip_gen: v7x
topology: tpu7x:2x2x1
jax: 0.10.2.dev20260603
libtpu: 0.0.44.dev20260713+nightly
codegen_flags: <defaults>
</compile_context>

<pallas_src>
import functools

import jax
import jax.numpy as jnp
from jax import lax
from jax.experimental import pallas as pl
from jax.experimental.pallas import tpu as pltpu
from jax.experimental.pallas import tpu_sc as plsc

ROUTER_N_ITERS = 20
ROUTER_EPS = 0.03
ROUTER_EPS_INIT = 4.0
ROUTER_EPS_DECAY = 0.7
ROUTER_FETCH_K_RATIO = 9.0 / 8.0

XB, XN, XD = 4, 8192, 1024
NROWS = XB * XN
MV_BLK = 2048
TOPK = 1024

NW = 32
BSEL = XB * TOPK
BPW = BSEL // NW
CH = 32
NCH = BPW // CH


def _eps_schedule():
    eps_list = []
    cur = max(ROUTER_EPS_INIT, ROUTER_EPS)
    for _ in range(ROUTER_N_ITERS):
        eps_list.append(cur)
        cur = max(cur * ROUTER_EPS_DECAY, ROUTER_EPS)
    return eps_list, cur


def _mv_body(x_ref, rt_ref, o_ref):
    o_ref[0] = lax.dot_general(rt_ref[...], x_ref[...],
                               (((1,), (1,)), ((), ())))


NSEG = XN // TOPK


def _cmp_exchange(key, idx, p_key, p_idx, i_is_lo, dir_up):
    cur_first = (key > p_key) | ((key == p_key) & (idx < p_idx))
    take_cur = (cur_first == i_is_lo) == dir_up
    return jnp.where(take_cur, key, p_key), jnp.where(take_cur, idx, p_idx)


def _lane_stage(key, idx, j, dir_up):
    pos = lax.broadcasted_iota(jnp.int32, key.shape, 1)
    bitj = (pos & j) != 0
    p_key = jnp.where(bitj, jnp.roll(key, j, axis=-1),
                      jnp.roll(key, -j, axis=-1))
    p_idx = jnp.where(bitj, jnp.roll(idx, j, axis=-1),
                      jnp.roll(idx, -j, axis=-1))
    return _cmp_exchange(key, idx, p_key, p_idx, ~bitj, dir_up)


def _router_body(s_ref, nt_ref, idx_ref, sc_ref, gidx_ref):
    s = s_ref[...]
    ek = jnp.minimum(nt_ref[0, 0].astype(jnp.float32)
                     * jnp.float32(ROUTER_FETCH_K_RATIO), jnp.float32(XN))
    logk = jnp.log(jnp.maximum(ek, jnp.float32(1e-20)))
    eps_list, eps_fin = _eps_schedule()
    a = eps_list[0] * (logk - jnp.log(jnp.float32(XN)))
    b = -jnp.maximum(s + a, 0.0)
    for eps in eps_list[1:]:
        sb = (s + b) / eps
        m = jnp.max(sb, axis=(1, 2), keepdims=True)
        lse = jnp.log(jnp.sum(jnp.exp(sb - m), axis=(1, 2), keepdims=True)) + m
        a = eps * (logk - lse)
        b = -jnp.maximum(s + a, 0.0)
    scores = jnp.exp((s + a + b) / eps_fin)

    nrows = XB * NSEG
    key = scores.reshape(nrows, TOPK)
    rowi = lax.broadcasted_iota(jnp.int32, (nrows, TOPK), 0)
    lane = lax.broadcasted_iota(jnp.int32, (nrows, TOPK), 1)
    idx = (rowi & (NSEG - 1)) * TOPK + lane
    row_odd = (rowi & 1) != 0
    pos = lane
    k = 2
    while k <= TOPK:
        j = k // 2
        while j >= 1:
            dir_up = ((pos & k) == 0) != row_odd
            key, idx = _lane_stage(key, idx, j, dir_up)
            j //= 2
        k *= 2

    r = nrows
    while r > XB:
        k4 = key.reshape(r // 2, 2, TOPK)
        i4 = idx.reshape(r // 2, 2, TOPK)
        ak, bk = k4[:, 0, :], k4[:, 1, :]
        ai, bi = i4[:, 0, :], i4[:, 1, :]
        afirst = (ak > bk) | ((ak == bk) & (ai < bi))
        key = jnp.where(afirst, ak, bk)
        idx = jnp.where(afirst, ai, bi)
        r //= 2
        if r > XB:
            rowi = lax.broadcasted_iota(jnp.int32, (r, TOPK), 0)
            dir_up = (rowi & 1) == 0
        else:
            dir_up = True
        pos = lax.broadcasted_iota(jnp.int32, (r, TOPK), 1)
        j = TOPK // 2
        while j >= 1:
            key, idx = _lane_stage(key, idx, j, dir_up)
            j //= 2

    sel_v = key
    sel_i = idx
    idx_ref[...] = sel_i
    sc_ref[...] = sel_v + (1.0 - sel_v)
    row = lax.broadcasted_iota(jnp.int32, (XB, TOPK), 0)
    gidx_ref[...] = row * XN + sel_i


def _router_call(s, nt_arr):
    return pl.pallas_call(
        _router_body,
        in_specs=[pl.BlockSpec(memory_space=pltpu.VMEM),
                  pl.BlockSpec(memory_space=pltpu.SMEM)],
        out_shape=(jax.ShapeDtypeStruct((XB, TOPK), jnp.int32),
                   jax.ShapeDtypeStruct((XB, TOPK), jnp.float32),
                   jax.ShapeDtypeStruct((XB, TOPK), jnp.int32)),
    )(s.reshape(XB, NSEG, TOPK), nt_arr)


def _sc_gather(table, gidx):
    mesh = plsc.VectorSubcoreMesh(core_axis_name="c", subcore_axis_name="s")

    @functools.partial(
        pl.kernel, mesh=mesh,
        out_type=jax.ShapeDtypeStruct((BSEL, XD), jnp.float32),
        scratch_types=[pltpu.VMEM((BPW,), jnp.int32),
                       pltpu.VMEM((CH, XD), jnp.float32),
                       pltpu.VMEM((CH, XD), jnp.float32),
                       pltpu.SemaphoreType.DMA,
                       pltpu.SemaphoreType.DMA],
    )
    def gk(idx_hbm, table_hbm, out_hbm, idx_v, rows_v0, rows_v1, sem0, sem1):
        cid = lax.axis_index("c")
        sid = lax.axis_index("s")
        wid = sid * 2 + cid
        base = wid * BPW
        bufs = (rows_v0, rows_v1)
        sems = (sem0, sem1)
        pltpu.sync_copy(idx_hbm.at[wid // (TOPK // BPW), pl.ds((wid % (TOPK // BPW)) * BPW, BPW)], idx_v)
        cur = pltpu.async_copy(table_hbm.at[idx_v.at[pl.ds(0, CH)]], bufs[0], sems[0])
        for c in range(NCH):
            nxt = None
            if c + 1 < NCH:
                nxt = pltpu.async_copy(table_hbm.at[idx_v.at[pl.ds((c + 1) * CH, CH)]],
                                       bufs[(c + 1) % 2], sems[(c + 1) % 2])
            cur.wait()
            pltpu.sync_copy(bufs[c % 2], out_hbm.at[pl.ds(base + c * CH, CH)])
            cur = nxt

    return gk(gidx, table)


def kernel(x, routing_token, num_tokens):
    b, n, d = x.shape
    x2 = x.reshape(NROWS, XD)
    nblk = NROWS // MV_BLK
    s3 = pl.pallas_call(
        _mv_body,
        grid=(nblk,),
        in_specs=[pl.BlockSpec((MV_BLK, XD), lambda i: (i, 0)),
                  pl.BlockSpec((1, XD), lambda i: (0, 0))],
        out_specs=pl.BlockSpec((1, 1, MV_BLK), lambda i: (i, 0, 0)),
        out_shape=jax.ShapeDtypeStruct((nblk, 1, MV_BLK), jnp.float32),
    )(x2, routing_token)
    s = s3.reshape(b, n)

    nt_arr = jnp.asarray(num_tokens, jnp.int32).reshape(1, 1)
    sel_i, sel_sc, gidx = _router_call(s, nt_arr)
    routed = _sc_gather(x2, gidx).reshape(b, TOPK, XD)
    return sel_i, sel_sc, routed

# --- scband reference (transcript-rebuilt; emitter-appended) ---
"""Pipeline reference for scband-coordinate-descent-router-25391846654016 (READ-ONLY COPY).

The authoritative reference and input builder live on the scoring server;
editing this copy changes nothing except your own understanding.
"""

import jax, jax.numpy as jnp
import numpy as np

N_ITERS = 20
EPS = 0.03
EPS_INIT = 4.0
EPS_DECAY = 0.7
FETCH_K_RATIO = 9.0 / 8.0


def coor_descent(s, n_iters, k, eps, eps_init, eps_decay):
    # faithful port of coor_descent (no mask case)
    logk = jnp.log(jnp.maximum(jnp.asarray(k, s.dtype), 1e-20))
    a = jnp.zeros(s.shape[:-1] + (1,), dtype=s.dtype)
    b = -s
    current_eps = max(eps_init if eps_init is not None else eps, eps)
    for _ in range(n_iters):
        sb = (s + b) / current_eps
        a = current_eps * (logk - jax.scipy.special.logsumexp(sb, axis=-1, keepdims=True))
        b = -jax.nn.relu(s + a)
        current_eps = max(current_eps * eps_decay, eps)
    scores = jnp.exp((s + a + b) / current_eps)
    return scores


def setup_inputs(seed: int = 0) -> dict:
    key = jax.random.key(seed)
    k1, k2 = jax.random.split(key)
    x = jax.random.normal(k1, (4, 8192, 1024), dtype=jnp.float32)
    # learned routing token parameter: (num_routing_tokens=1, dim=1024)
    routing_token = jax.random.normal(k2, (1, 1024), dtype=jnp.float32)
    return {"x": x, "routing_token": routing_token, "num_tokens": 1024}


def reference(x, routing_token, num_tokens):
    b, n, d = x.shape
    r = routing_token.shape[0]  # num_routing_tokens = 1
    # n > num_tokens, no route_block_size, no mask, no cosine_sim_routing
    s = jnp.einsum('bnd,rd->brn', x, routing_token)
    # x = repeat(x, 'b ... -> (b r) ...') with r=1 is identity
    s = s.reshape(b * r, n)  # pack '* n'
    effective_k = jnp.minimum(num_tokens * FETCH_K_RATIO, n)
    scores = coor_descent(s, N_ITERS, effective_k, EPS, EPS_INIT, EPS_DECAY)
    num_tokens_static = 1024
    selected_scores, selected_indices = jax.lax.top_k(scores, num_tokens_static)
    # straight through: forward value becomes 1.0, gradient flows to selected_scores
    selected_scores = selected_scores + jax.lax.stop_gradient(1.0 - selected_scores)
    # has_route_dim is False (single routing token, keep_one_route_dim False)
    routed_tokens = jnp.take_along_axis(x, selected_indices[..., None], axis=1)
    # RouterReturn(indices, scores, routed_tokens, routed_mask=None)
    return selected_indices, selected_scores, routed_tokens

if __name__ == "__main__":
    import jax
    _d = setup_inputs()
    print(jax.jit(kernel)(*tuple(_d.values())))

</pallas_src>

<mosaic_0001>
#map = affine_map<(d0, d1) -> (0, 0)>
module attributes {stable_mosaic.version = 14 : i64} {
  func.func @gk(%arg0: i32, %arg1: i32, %arg2: memref<4x1024xi32, #tpu.memory_space<hbm>>, %arg3: memref<32768x1024xf32, #tpu.memory_space<hbm>>, %arg4: memref<4096x1024xf32, #tpu.memory_space<hbm>>, %arg5: memref<128xi32, #tpu.memory_space<vmem>>, %arg6: memref<32x1024xf32, #tpu.memory_space<vmem>>, %arg7: memref<32x1024xf32, #tpu.memory_space<vmem>>, %arg8: memref<!tpu.dma_semaphore, #tpu.memory_space<semaphore_mem>>, %arg9: memref<!tpu.dma_semaphore, #tpu.memory_space<semaphore_mem>>) attributes {dimension_semantics = [#tpu.dimension_semantics<core_parallel>, #tpu.dimension_semantics<subcore_parallel>], iteration_bounds = array<i64: 2, 16>, scalar_prefetch = 0 : i64, scratch_operands = 5 : i64, tpu.core_type = #tpu.core_type<sc_vector_subcore>, window_params = [{transform_indices = #map}, {transform_indices = #map}, {transform_indices = #map}]} {
    %mul3A = arith.constant 2 : i32
    %mul3A_0 = arith.muli %arg1, %mul3A : i32
    %add3A = arith.addi %mul3A_0, %arg0 : i32
    %mul3A_1 = arith.constant 128 : i32
    %mul3A_2 = arith.muli %add3A, %mul3A_1 : i32
    %jit3A = arith.constant 8 : i32
    %div3A = arith.divsi %add3A, %jit3A : i32
    %sign3A = arith.constant 0 : i32
    %sign3A_3 = arith.cmpi sgt, %add3A, %sign3A : i32
    %sign3A_4 = arith.extui %sign3A_3 : i1 to i32
    %sign3A_5 = arith.constant 0 : i32
    %sign3A_6 = arith.cmpi slt, %add3A, %sign3A_5 : i32
    %sign3A_7 = arith.extui %sign3A_6 : i1 to i32
    %sign3A_8 = arith.subi %sign3A_4, %sign3A_7 : i32
    %sign3A_9 = arith.constant 0 : i32
    %sign3A_10 = arith.cmpi sgt, %jit3A, %sign3A_9 : i32
    %sign3A_11 = arith.extui %sign3A_10 : i1 to i32
    %sign3A_12 = arith.constant 0 : i32
    %sign3A_13 = arith.cmpi slt, %jit3A, %sign3A_12 : i32
    %sign3A_14 = arith.extui %sign3A_13 : i1 to i32
    %sign3A_15 = arith.subi %sign3A_11, %sign3A_14 : i32
    %ne3A = arith.cmpi ne, %sign3A_8, %sign3A_15 : i32
    %rem3A = arith.remsi %add3A, %jit3A : i32
    %ne3A_16 = arith.constant 0 : i32
    %ne3A_17 = arith.cmpi ne, %rem3A, %ne3A_16 : i32
    %and3A = arith.andi %ne3A, %ne3A_17 : i1
    %sub3A = arith.constant 1 : i32
    %sub3A_18 = arith.subi %div3A, %sub3A : i32
    %select_n3A = arith.select %and3A, %sub3A_18, %div3A : i32
    %jit3A_19 = arith.constant 8 : i32
    %eq3A = arith.constant 0 : i32
    %eq3A_20 = arith.cmpi eq, %jit3A_19, %eq3A : i32
    %jit3A_21 = arith.constant 1 : i32
    %select_n3A_22 = arith.select %eq3A_20, %jit3A_21, %jit3A_19 : i32
    %rem3A_23 = arith.remsi %add3A, %select_n3A_22 : i32
    %ne3A_24 = arith.constant 0 : i32
    %ne3A_25 = arith.cmpi ne, %rem3A_23, %ne3A_24 : i32
    %lt3A = arith.constant 0 : i32
    %lt3A_26 = arith.cmpi slt, %rem3A_23, %lt3A : i32
    %lt3A_27 = arith.constant 0 : i32
    %lt3A_28 = arith.cmpi slt, %select_n3A_22, %lt3A_27 : i32
    %ne3A_29 = arith.xori %lt3A_26, %lt3A_28 : i1
    %and3A_30 = arith.andi %ne3A_29, %ne3A_25 : i1
    %add3A_31 = arith.addi %rem3A_23, %select_n3A_22 : i32
    %select_n3A_32 = arith.select %and3A_30, %add3A_31, %rem3A_23 : i32
    %mul3A_33 = arith.constant 128 : i32
    %mul3A_34 = arith.muli %select_n3A_32, %mul3A_33 : i32
    "tpu.region"() ({
      %run_scoped3A = tpu.sem_alloc : memref<!tpu.dma_semaphore, #tpu.memory_space<semaphore_mem>>
      %dma_start3A_81 = tpu.memref_slice %arg2[%select_n3A, %mul3A_34] : memref<4x1024xi32, #tpu.memory_space<hbm>> -> memref<1x128xi32, #tpu.memory_space<hbm>>
      %dma_start3A_82 = tpu.memref_squeeze %dma_start3A_81 : memref<1x128xi32, #tpu.memory_space<hbm>> -> memref<128xi32, #tpu.memory_space<hbm>>
      %dma_start3A_83 = tpu.memref_slice %arg2[%select_n3A, %mul3A_34] : memref<4x1024xi32, #tpu.memory_space<hbm>> -> memref<1x128xi32, #tpu.memory_space<hbm>>
      %dma_start3A_84 = tpu.memref_squeeze %dma_start3A_83 : memref<1x128xi32, #tpu.memory_space<hbm>> -> memref<128xi32, #tpu.memory_space<hbm>>
      tpu.enqueue_dma source(%dma_start3A_84 : memref<128xi32, #tpu.memory_space<hbm>>) target(%arg5 : memref<128xi32, #tpu.memory_space<vmem>>) target_semaphore(%run_scoped3A : memref<!tpu.dma_semaphore, #tpu.memory_space<semaphore_mem>>)
      %dma_wait3A_85 = tpu.memref_slice %arg2[%select_n3A, %mul3A_34] : memref<4x1024xi32, #tpu.memory_space<hbm>> -> memref<1x128xi32, #tpu.memory_space<hbm>>
      %dma_wait3A_86 = tpu.memref_squeeze %dma_wait3A_85 : memref<1x128xi32, #tpu.memory_space<hbm>> -> memref<128xi32, #tpu.memory_space<hbm>>
      %dma_wait3A_87 = tpu.memref_slice %arg2[%select_n3A, %mul3A_34] : memref<4x1024xi32, #tpu.memory_space<hbm>> -> memref<1x128xi32, #tpu.memory_space<hbm>>
      %dma_wait3A_88 = tpu.memref_squeeze %dma_wait3A_87 : memref<1x128xi32, #tpu.memory_space<hbm>> -> memref<128xi32, #tpu.memory_space<hbm>>
      tpu.wait_dma2 semaphore(%run_scoped3A : memref<!tpu.dma_semaphore, #tpu.memory_space<semaphore_mem>>) src(%dma_wait3A_88 : memref<128xi32, #tpu.memory_space<hbm>>) dst(%arg5 : memref<128xi32, #tpu.memory_space<vmem>>)
      tpu.yield
    }) : () -> ()
    %dma_start3A = arith.constant 0 : i32
    %dma_start3A_35 = tpu.memref_slice %arg5[%dma_start3A] : memref<128xi32, #tpu.memory_space<vmem>> -> memref<32xi32, #tpu.memory_space<vmem>>
    %dma_start3A_36 = arith.constant 0 : i32
    %dma_start3A_37 = arith.constant 0 : i32
    %dma_start3A_38 = tpu.memref_slice %arg3[%dma_start3A_36, %dma_start3A_37] : memref<32768x1024xf32, #tpu.memory_space<hbm>> -> memref<32768x1024xf32, #tpu.memory_space<hbm>>
    tpu.enqueue_indirect_dma source(%dma_start3A_38 : memref<32768x1024xf32, #tpu.memory_space<hbm>>) target(%arg6 : memref<32x1024xf32, #tpu.memory_space<vmem>>) offsets(%dma_start3A_35 : memref<32xi32, #tpu.memory_space<vmem>>) semaphore(%arg8 : memref<!tpu.dma_semaphore, #tpu.memory_space<semaphore_mem>>)
    %dma_start3A_39 = arith.constant 32 : i32
    %dma_start3A_40 = tpu.memref_slice %arg5[%dma_start3A_39] : memref<128xi32, #tpu.memory_space<vmem>> -> memref<32xi32, #tpu.memory_space<vmem>>
    %dma_start3A_41 = arith.constant 0 : i32
    %dma_start3A_42 = arith.constant 0 : i32
    %dma_start3A_43 = tpu.memref_slice %arg3[%dma_start3A_41, %dma_start3A_42] : memref<32768x1024xf32, #tpu.memory_space<hbm>> -> memref<32768x1024xf32, #tpu.memory_space<hbm>>
    tpu.enqueue_indirect_dma source(%dma_start3A_43 : memref<32768x1024xf32, #tpu.memory_space<hbm>>) target(%arg7 : memref<32x1024xf32, #tpu.memory_space<vmem>>) offsets(%dma_start3A_40 : memref<32xi32, #tpu.memory_space<vmem>>) semaphore(%arg9 : memref<!tpu.dma_semaphore, #tpu.memory_space<semaphore_mem>>)
    %dma_wait3A = arith.constant 0 : i32
    %dma_wait3A_44 = tpu.memref_slice %arg5[%dma_wait3A] : memref<128xi32, #tpu.memory_space<vmem>> -> memref<32xi32, #tpu.memory_space<vmem>>
    %dma_wait3A_45 = arith.constant 0 : i32
    %dma_wait3A_46 = arith.constant 0 : i32
    %dma_wait3A_47 = tpu.memref_slice %arg3[%dma_wait3A_45, %dma_wait3A_46] : memref<32768x1024xf32, #tpu.memory_space<hbm>> -> memref<32768x1024xf32, #tpu.memory_space<hbm>>
    tpu.wait_indirect_dma semaphore(%arg8 : memref<!tpu.dma_semaphore, #tpu.memory_space<semaphore_mem>>) src(%dma_wait3A_47 : memref<32768x1024xf32, #tpu.memory_space<hbm>>) dst(%arg6 : memref<32x1024xf32, #tpu.memory_space<vmem>>)
    %add3A_48 = arith.constant 0 : i32
    %add3A_49 = arith.addi %mul3A_2, %add3A_48 : i32
    "tpu.region"() ({
      %run_scoped3A = tpu.sem_alloc : memref<!tpu.dma_semaphore, #tpu.memory_space<semaphore_mem>>
      %dma_start3A_81 = arith.constant 0 : i32
      %dma_start3A_82 = tpu.memref_slice %arg4[%add3A_49, %dma_start3A_81] : memref<4096x1024xf32, #tpu.memory_space<hbm>> -> memref<32x1024xf32, #tpu.memory_space<hbm>>
      %dma_start3A_83 = arith.constant 0 : i32
      %dma_start3A_84 = tpu.memref_slice %arg4[%add3A_49, %dma_start3A_83] : memref<4096x1024xf32, #tpu.memory_space<hbm>> -> memref<32x1024xf32, #tpu.memory_space<hbm>>
      tpu.enqueue_dma source(%arg6 : memref<32x1024xf32, #tpu.memory_space<vmem>>) target(%dma_start3A_84 : memref<32x1024xf32, #tpu.memory_space<hbm>>) target_semaphore(%run_scoped3A : memref<!tpu.dma_semaphore, #tpu.memory_space<semaphore_mem>>)
      %dma_wait3A_85 = arith.constant 0 : i32
      %dma_wait3A_86 = tpu.memref_slice %arg4[%add3A_49, %dma_wait3A_85] : memref<4096x1024xf32, #tpu.memory_space<hbm>> -> memref<32x1024xf32, #tpu.memory_space<hbm>>
      %dma_wait3A_87 = arith.constant 0 : i32
      %dma_wait3A_88 = tpu.memref_slice %arg4[%add3A_49, %dma_wait3A_87] : memref<4096x1024xf32, #tpu.memory_space<hbm>> -> memref<32x1024xf32, #tpu.memory_space<hbm>>
      tpu.wait_dma2 semaphore(%run_scoped3A : memref<!tpu.dma_semaphore, #tpu.memory_space<semaphore_mem>>) src(%arg6 : memref<32x1024xf32, #tpu.memory_space<vmem>>) dst(%dma_wait3A_88 : memref<32x1024xf32, #tpu.memory_space<hbm>>)
      tpu.yield
    }) : () -> ()
    %dma_start3A_50 = arith.constant 64 : i32
    %dma_start3A_51 = tpu.memref_slice %arg5[%dma_start3A_50] : memref<128xi32, #tpu.memory_space<vmem>> -> memref<32xi32, #tpu.memory_space<vmem>>
    %dma_start3A_52 = arith.constant 0 : i32
    %dma_start3A_53 = arith.constant 0 : i32
    %dma_start3A_54 = tpu.memref_slice %arg3[%dma_start3A_52, %dma_start3A_53] : memref<32768x1024xf32, #tpu.memory_space<hbm>> -> memref<32768x1024xf32, #tpu.memory_space<hbm>>
    tpu.enqueue_indirect_dma source(%dma_start3A_54 : memref<32768x1024xf32, #tpu.memory_space<hbm>>) target(%arg6 : memref<32x1024xf32, #tpu.memory_space<vmem>>) offsets(%dma_start3A_51 : memref<32xi32, #tpu.memory_space<vmem>>) semaphore(%arg8 : memref<!tpu.dma_semaphore, #tpu.memory_space<semaphore_mem>>)
    %dma_wait3A_55 = arith.constant 32 : i32
    %dma_wait3A_56 = tpu.memref_slice %arg5[%dma_wait3A_55] : memref<128xi32, #tpu.memory_space<vmem>> -> memref<32xi32, #tpu.memory_space<vmem>>
    %dma_wait3A_57 = arith.constant 0 : i32
    %dma_wait3A_58 = arith.constant 0 : i32
    %dma_wait3A_59 = tpu.memref_slice %arg3[%dma_wait3A_57, %dma_wait3A_58] : memref<32768x1024xf32, #tpu.memory_space<hbm>> -> memref<32768x1024xf32, #tpu.memory_space<hbm>>
    tpu.wait_indirect_dma semaphore(%arg9 : memref<!tpu.dma_semaphore, #tpu.memory_space<semaphore_mem>>) src(%dma_wait3A_59 : memref<32768x1024xf32, #tpu.memory_space<hbm>>) dst(%arg7 : memref<32x1024xf32, #tpu.memory_space<vmem>>)
    %add3A_60 = arith.constant 32 : i32
    %add3A_61 = arith.addi %mul3A_2, %add3A_60 : i32
    "tpu.region"() ({
      %run_scoped3A = tpu.sem_alloc : memref<!tpu.dma_semaphore, #tpu.memory_space<semaphore_mem>>
      %dma_start3A_81 = arith.constant 0 : i32
      %dma_start3A_82 = tpu.memref_slice %arg4[%add3A_61, %dma_start3A_81] : memref<4096x1024xf32, #tpu.memory_space<hbm>> -> memref<32x1024xf32, #tpu.memory_space<hbm>>
      %dma_start3A_83 = arith.constant 0 : i32
      %dma_start3A_84 = tpu.memref_slice %arg4[%add3A_61, %dma_start3A_83] : memref<4096x1024xf32, #tpu.memory_space<hbm>> -> memref<32x1024xf32, #tpu.memory_space<hbm>>
      tpu.enqueue_dma source(%arg7 : memref<32x1024xf32, #tpu.memory_space<vmem>>) target(%dma_start3A_84 : memref<32x1024xf32, #tpu.memory_space<hbm>>) target_semaphore(%run_scoped3A : memref<!tpu.dma_semaphore, #tpu.memory_space<semaphore_mem>>)
      %dma_wait3A_85 = arith.constant 0 : i32
      %dma_wait3A_86 = tpu.memref_slice %arg4[%add3A_61, %dma_wait3A_85] : memref<4096x1024xf32, #tpu.memory_space<hbm>> -> memref<32x1024xf32, #tpu.memory_space<hbm>>
      %dma_wait3A_87 = arith.constant 0 : i32
      %dma_wait3A_88 = tpu.memref_slice %arg4[%add3A_61, %dma_wait3A_87] : memref<4096x1024xf32, #tpu.memory_space<hbm>> -> memref<32x1024xf32, #tpu.memory_space<hbm>>
      tpu.wait_dma2 semaphore(%run_scoped3A : memref<!tpu.dma_semaphore, #tpu.memory_space<semaphore_mem>>) src(%arg7 : memref<32x1024xf32, #tpu.memory_space<vmem>>) dst(%dma_wait3A_88 : memref<32x1024xf32, #tpu.memory_space<hbm>>)
      tpu.yield
    }) : () -> ()
    %dma_start3A_62 = arith.constant 96 : i32
    %dma_start3A_63 = tpu.memref_slice %arg5[%dma_start3A_62] : memref<128xi32, #tpu.memory_space<vmem>> -> memref<32xi32, #tpu.memory_space<vmem>>
    %dma_start3A_64 = arith.constant 0 : i32
    %dma_start3A_65 = arith.constant 0 : i32
    %dma_start3A_66 = tpu.memref_slice %arg3[%dma_start3A_64, %dma_start3A_65] : memref<32768x1024xf32, #tpu.memory_space<hbm>> -> memref<32768x1024xf32, #tpu.memory_space<hbm>>
    tpu.enqueue_indirect_dma source(%dma_start3A_66 : memref<32768x1024xf32, #tpu.memory_space<hbm>>) target(%arg7 : memref<32x1024xf32, #tpu.memory_space<vmem>>) offsets(%dma_start3A_63 : memref<32xi32, #tpu.memory_space<vmem>>) semaphore(%arg9 : memref<!tpu.dma_semaphore, #tpu.memory_space<semaphore_mem>>)
    %dma_wait3A_67 = arith.constant 64 : i32
    %dma_wait3A_68 = tpu.memref_slice %arg5[%dma_wait3A_67] : memref<128xi32, #tpu.memory_space<vmem>> -> memref<32xi32, #tpu.memory_space<vmem>>
    %dma_wait3A_69 = arith.constant 0 : i32
    %dma_wait3A_70 = arith.constant 0 : i32
    %dma_wait3A_71 = tpu.memref_slice %arg3[%dma_wait3A_69, %dma_wait3A_70] : memref<32768x1024xf32, #tpu.memory_space<hbm>> -> memref<32768x1024xf32, #tpu.memory_space<hbm>>
    tpu.wait_indirect_dma semaphore(%arg8 : memref<!tpu.dma_semaphore, #tpu.memory_space<semaphore_mem>>) src(%dma_wait3A_71 : memref<32768x1024xf32, #tpu.memory_space<hbm>>) dst(%arg6 : memref<32x1024xf32, #tpu.memory_space<vmem>>)
    %add3A_72 = arith.constant 64 : i32
    %add3A_73 = arith.addi %mul3A_2, %add3A_72 : i32
    "tpu.region"() ({
      %run_scoped3A = tpu.sem_alloc : memref<!tpu.dma_semaphore, #tpu.memory_space<semaphore_mem>>
      %dma_start3A_81 = arith.constant 0 : i32
      %dma_start3A_82 = tpu.memref_slice %arg4[%add3A_73, %dma_start3A_81] : memref<4096x1024xf32, #tpu.memory_space<hbm>> -> memref<32x1024xf32, #tpu.memory_space<hbm>>
      %dma_start3A_83 = arith.constant 0 : i32
      %dma_start3A_84 = tpu.memref_slice %arg4[%add3A_73, %dma_start3A_83] : memref<4096x1024xf32, #tpu.memory_space<hbm>> -> memref<32x1024xf32, #tpu.memory_space<hbm>>
      tpu.enqueue_dma source(%arg6 : memref<32x1024xf32, #tpu.memory_space<vmem>>) target(%dma_start3A_84 : memref<32x1024xf32, #tpu.memory_space<hbm>>) target_semaphore(%run_scoped3A : memref<!tpu.dma_semaphore, #tpu.memory_space<semaphore_mem>>)
      %dma_wait3A_85 = arith.constant 0 : i32
      %dma_wait3A_86 = tpu.memref_slice %arg4[%add3A_73, %dma_wait3A_85] : memref<4096x1024xf32, #tpu.memory_space<hbm>> -> memref<32x1024xf32, #tpu.memory_space<hbm>>
      %dma_wait3A_87 = arith.constant 0 : i32
      %dma_wait3A_88 = tpu.memref_slice %arg4[%add3A_73, %dma_wait3A_87] : memref<4096x1024xf32, #tpu.memory_space<hbm>> -> memref<32x1024xf32, #tpu.memory_space<hbm>>
      tpu.wait_dma2 semaphore(%run_scoped3A : memref<!tpu.dma_semaphore, #tpu.memory_space<semaphore_mem>>) src(%arg6 : memref<32x1024xf32, #tpu.memory_space<vmem>>) dst(%dma_wait3A_88 : memref<32x1024xf32, #tpu.memory_space<hbm>>)
      tpu.yield
    }) : () -> ()
    %dma_wait3A_74 = arith.constant 96 : i32
    %dma_wait3A_75 = tpu.memref_slice %arg5[%dma_wait3A_74] : memref<128xi32, #tpu.memory_space<vmem>> -> memref<32xi32, #tpu.memory_space<vmem>>
    %dma_wait3A_76 = arith.constant 0 : i32
    %dma_wait3A_77 = arith.constant 0 : i32
    %dma_wait3A_78 = tpu.memref_slice %arg3[%dma_wait3A_76, %dma_wait3A_77] : memref<32768x1024xf32, #tpu.memory_space<hbm>> -> memref<32768x1024xf32, #tpu.memory_space<hbm>>
    tpu.wait_indirect_dma semaphore(%arg9 : memref<!tpu.dma_semaphore, #tpu.memory_space<semaphore_mem>>) src(%dma_wait3A_78 : memref<32768x1024xf32, #tpu.memory_space<hbm>>) dst(%arg7 : memref<32x1024xf32, #tpu.memory_space<vmem>>)
    %add3A_79 = arith.constant 96 : i32
    %add3A_80 = arith.addi %mul3A_2, %add3A_79 : i32
    "tpu.region"() ({
      %run_scoped3A = tpu.sem_alloc : memref<!tpu.dma_semaphore, #tpu.memory_space<semaphore_mem>>
      %dma_start3A_81 = arith.constant 0 : i32
      %dma_start3A_82 = tpu.memref_slice %arg4[%add3A_80, %dma_start3A_81] : memref<4096x1024xf32, #tpu.memory_space<hbm>> -> memref<32x1024xf32, #tpu.memory_space<hbm>>
      %dma_start3A_83 = arith.constant 0 : i32
      %dma_start3A_84 = tpu.memref_slice %arg4[%add3A_80, %dma_start3A_83] : memref<4096x1024xf32, #tpu.memory_space<hbm>> -> memref<32x1024xf32, #tpu.memory_space<hbm>>
      tpu.enqueue_dma source(%arg7 : memref<32x1024xf32, #tpu.memory_space<vmem>>) target(%dma_start3A_84 : memref<32x1024xf32, #tpu.memory_space<hbm>>) target_semaphore(%run_scoped3A : memref<!tpu.dma_semaphore, #tpu.memory_space<semaphore_mem>>)
      %dma_wait3A_85 = arith.constant 0 : i32
      %dma_wait3A_86 = tpu.memref_slice %arg4[%add3A_80, %dma_wait3A_85] : memref<4096x1024xf32, #tpu.memory_space<hbm>> -> memref<32x1024xf32, #tpu.memory_space<hbm>>
      %dma_wait3A_87 = arith.constant 0 : i32
      %dma_wait3A_88 = tpu.memref_slice %arg4[%add3A_80, %dma_wait3A_87] : memref<4096x1024xf32, #tpu.memory_space<hbm>> -> memref<32x1024xf32, #tpu.memory_space<hbm>>
      tpu.wait_dma2 semaphore(%run_scoped3A : memref<!tpu.dma_semaphore, #tpu.memory_space<semaphore_mem>>) src(%arg7 : memref<32x1024xf32, #tpu.memory_space<vmem>>) dst(%dma_wait3A_88 : memref<32x1024xf32, #tpu.memory_space<hbm>>)
      tpu.yield
    }) : () -> ()
    return
  }
}

module attributes {stable_mosaic.version = 14 : i64} {
  func.func @_mv_body(%arg0: i32, %arg1: memref<2048x1024xf32, #tpu.memory_space<vmem>>, %arg2: memref<1x1024xf32, #tpu.memory_space<vmem>>, %arg3: memref<1x1x2048xf32, #tpu.memory_space<vmem>>) attributes {dimension_semantics = [#tpu.dimension_semantics<arbitrary>], iteration_bounds = array<i64: 16>, scalar_prefetch = 0 : i64, scratch_operands = 0 : i64, tpu.core_type = #tpu.core_type<tc>, window_params = [{transform_indices = @transform_0, window_bounds = array<i64: 2048, 1024>}, {pipeline_mode = #tpu.pipeline_mode<synchronous>, transform_indices = @transform_1, window_bounds = array<i64: 1, 1024>}, {transform_indices = @transform_2, window_bounds = array<i64: 1, 1, 2048>}]} {
    %get3A = arith.constant 0 : index
    %get3A_0 = arith.constant 0 : index
    %get3A_1 = vector.load %arg2[%get3A, %get3A_0] : memref<1x1024xf32, #tpu.memory_space<vmem>>, vector<1x1024xf32>
    %get3A_2 = arith.constant 0 : index
    %get3A_3 = arith.constant 0 : index
    %get3A_4 = vector.load %arg1[%get3A_2, %get3A_3] : memref<2048x1024xf32, #tpu.memory_space<vmem>>, vector<2048x1024xf32>
    %dot_general3A = arith.constant dense<0.000000e+00> : vector<1x2048xf32>
    %dot_general3A_5 = tpu.matmul %get3A_1, %get3A_4, %dot_general3A {dimension_numbers = #tpu.dot_dimension_numbers<[1], [1], [0], [0], [0, 0, 1, 0], [], []>, transpose_lhs_hint = false} : vector<1x1024xf32>, vector<2048x1024xf32>, vector<1x2048xf32> -> vector<1x2048xf32>
    %swap3A = arith.constant 0 : index
    %swap3A_6 = arith.constant 0 : index
    %swap3A_7 = arith.constant 0 : index
    %swap3A_8 = vector.load %arg3[%swap3A, %swap3A_6, %swap3A_7] : memref<1x1x2048xf32, #tpu.memory_space<vmem>>, vector<1x1x2048xf32>
    %swap3A_9 = vector.shape_cast %swap3A_8 : vector<1x1x2048xf32> to vector<1x2048xf32>
    %swap3A_10 = vector.shape_cast %dot_general3A_5 : vector<1x2048xf32> to vector<1x1x2048xf32>
    tpu.vector_store %arg3[%swap3A, %swap3A_6, %swap3A_7], %swap3A_10 {strides = array<i32>} : memref<1x1x2048xf32, #tpu.memory_space<vmem>>, vector<1x1x2048xf32>,
    return
  }
  func.func @transform_0(%arg0: i32) -> (i32, i32) {
    %c0_i32 = arith.constant 0 : i32
    %c0_i32_0 = arith.constant 0 : i32
    return %arg0, %c0_i32 : i32, i32
  }
  func.func @transform_1(%arg0: i32) -> (i32, i32) {
    %c0_i32 = arith.constant 0 : i32
    %c0_i32_0 = arith.constant 0 : i32
    %c0_i32_1 = arith.constant 0 : i32
    return %c0_i32, %c0_i32_0 : i32, i32
  }
  func.func @transform_2(%arg0: i32) -> (i32, i32, i32) {
    %c0_i32 = arith.constant 0 : i32
    %c0_i32_0 = arith.constant 0 : i32
    %c0_i32_1 = arith.constant 0 : i32
    return %arg0, %c0_i32, %c0_i32_0 : i32, i32, i32
  }
}

module attributes {stable_mosaic.version = 14 : i64} {
  func.func @_router_body(%arg0: memref<4x8x1024xf32, #tpu.memory_space<vmem>>, %arg1: memref<1x1xi32, #tpu.memory_space<smem>>, %arg2: memref<4x1024xi32, #tpu.memory_space<vmem>>, %arg3: memref<4x1024xf32, #tpu.memory_space<vmem>>, %arg4: memref<4x1024xi32, #tpu.memory_space<vmem>>) attributes {dimension_semantics = [], scalar_prefetch = 0 : i64, scratch_operands = 0 : i64, tpu.core_type = #tpu.core_type<tc>} {
    %get3A = arith.constant 0 : index
    %get3A_0 = arith.constant 0 : index
    %get3A_1 = arith.constant 0 : index
    %get3A_2 = vector.load %arg0[%get3A, %get3A_0, %get3A_1] : memref<4x8x1024xf32, #tpu.memory_space<vmem>>, vector<4x8x1024xf32>
    %get3A_3 = arith.constant 0 : index
    %get3A_4 = arith.constant 0 : index
    %get3A_5 = memref.load %arg1[%get3A_3, %get3A_4] : memref<1x1xi32, #tpu.memory_space<smem>>
    %convert_element_type3A = arith.sitofp %get3A_5 : i32 to f32
    %mul3A = arith.constant 1.125000e+00 : f32
    %mul3A_6 = arith.mulf %convert_element_type3A, %mul3A : f32
    %min3A = arith.constant 8.192000e+03 : f32
    %min3A_7 = arith.minimumf %mul3A_6, %min3A : f32
    %max3A = arith.constant 9.99999968E-21 : f32
    %max3A_8 = arith.maximumf %min3A_7, %max3A : f32
    %log3A = math.log %max3A_8 : f32
    %log3A_9 = arith.constant 8.192000e+03 : f32
    %log3A_10 = math.log %log3A_9 : f32
    %sub3A = arith.subf %log3A, %log3A_10 : f32
    %mul3A_11 = arith.constant 4.000000e+00 : f32
    %mul3A_12 = arith.mulf %mul3A_11, %sub3A : f32
    %add3A = vector.broadcast %mul3A_12 : f32 to vector<4x8x1024xf32>
    %add3A_13 = arith.addf %get3A_2, %add3A : vector<4x8x1024xf32>
    %max3A_14 = arith.constant 0.000000e+00 : f32
    %max3A_15 = vector.broadcast %max3A_14 : f32 to vector<4x8x1024xf32>
    %max3A_16 = arith.maximumf %add3A_13, %max3A_15 : vector<4x8x1024xf32>
    %neg3A = arith.constant 0.000000e+00 : f32
    %neg3A_17 = vector.broadcast %neg3A : f32 to vector<4x8x1024xf32>
    %neg3A_18 = arith.subf %neg3A_17, %max3A_16 : vector<4x8x1024xf32>
    %add3A_19 = arith.addf %get3A_2, %neg3A_18 : vector<4x8x1024xf32>
    %div3A = arith.constant 2.800000e+00 : f32
    %div3A_20 = vector.broadcast %div3A : f32 to vector<4x8x1024xf32>
    %div3A_21 = arith.divf %add3A_19, %div3A_20 : vector<4x8x1024xf32>
    %reduce_max3A = arith.constant dense<0xFF800000> : vector<4xf32>
    %reduce_max3A_22 = vector.multi_reduction <maximumf>, %div3A_21, %reduce_max3A [1, 2] : vector<4x8x1024xf32> to vector<4xf32>
    %broadcast_in_dim3A = vector.shape_cast %reduce_max3A_22 : vector<4xf32> to vector<4x1x1xf32>
    %sub3A_23 = vector.broadcast %broadcast_in_dim3A : vector<4x1x1xf32> to vector<4x8x1024xf32>
    %sub3A_24 = arith.subf %div3A_21, %sub3A_23 : vector<4x8x1024xf32>
    %exp3A = math.exp %sub3A_24 : vector<4x8x1024xf32>
    %reduce_sum3A = arith.constant dense<0.000000e+00> : vector<4xf32>
    %reduce_sum3A_25 = vector.multi_reduction <add>, %exp3A, %reduce_sum3A [1, 2] : vector<4x8x1024xf32> to vector<4xf32>
    %broadcast_in_dim3A_26 = vector.shape_cast %reduce_sum3A_25 : vector<4xf32> to vector<4x1x1xf32>
    %log3A_27 = math.log %broadcast_in_dim3A_26 : vector<4x1x1xf32>
    %add3A_28 = arith.addf %log3A_27, %broadcast_in_dim3A : vector<4x1x1xf32>
    %sub3A_29 = vector.broadcast %log3A : f32 to vector<4x1x1xf32>
    %sub3A_30 = arith.subf %sub3A_29, %add3A_28 : vector<4x1x1xf32>
    %mul3A_31 = arith.constant 2.800000e+00 : f32
    %mul3A_32 = vector.broadcast %mul3A_31 : f32 to vector<4x1x1xf32>
    %mul3A_33 = arith.mulf %mul3A_32, %sub3A_30 : vector<4x1x1xf32>
    %add3A_34 = vector.broadcast %mul3A_33 : vector<4x1x1xf32> to vector<4x8x1024xf32>
    %add3A_35 = arith.addf %get3A_2, %add3A_34 : vector<4x8x1024xf32>
    %max3A_36 = arith.constant 0.000000e+00 : f32
    %max3A_37 = vector.broadcast %max3A_36 : f32 to vector<4x8x1024xf32>
    %max3A_38 = arith.maximumf %add3A_35, %max3A_37 : vector<4x8x1024xf32>
    %neg3A_39 = arith.constant 0.000000e+00 : f32
    %neg3A_40 = vector.broadcast %neg3A_39 : f32 to vector<4x8x1024xf32>
    %neg3A_41 = arith.subf %neg3A_40, %max3A_38 : vector<4x8x1024xf32>
    %add3A_42 = arith.addf %get3A_2, %neg3A_41 : vector<4x8x1024xf32>
    %div3A_43 = arith.constant 1.960000e+00 : f32
    %div3A_44 = vector.broadcast %div3A_43 : f32 to vector<4x8x1024xf32>
    %div3A_45 = arith.divf %add3A_42, %div3A_44 : vector<4x8x1024xf32>
    %reduce_max3A_46 = arith.constant dense<0xFF800000> : vector<4xf32>
    %reduce_max3A_47 = vector.multi_reduction <maximumf>, %div3A_45, %reduce_max3A_46 [1, 2] : vector<4x8x1024xf32> to vector<4xf32>
    %broadcast_in_dim3A_48 = vector.shape_cast %reduce_max3A_47 : vector<4xf32> to vector<4x1x1xf32>
    %sub3A_49 = vector.broadcast %broadcast_in_dim3A_48 : vector<4x1x1xf32> to vector<4x8x1024xf32>
    %sub3A_50 = arith.subf %div3A_45, %sub3A_49 : vector<4x8x1024xf32>
    %exp3A_51 = math.exp %sub3A_50 : vector<4x8x1024xf32>
    %reduce_sum3A_52 = arith.constant dense<0.000000e+00> : vector<4xf32>
    %reduce_sum3A_53 = vector.multi_reduction <add>, %exp3A_51, %reduce_sum3A_52 [1, 2] : vector<4x8x1024xf32> to vector<4xf32>
    %broadcast_in_dim3A_54 = vector.shape_cast %reduce_sum3A_53 : vector<4xf32> to vector<4x1x1xf32>
    %log3A_55 = math.log %broadcast_in_dim3A_54 : vector<4x1x1xf32>
    %add3A_56 = arith.addf %log3A_55, %broadcast_in_dim3A_48 : vector<4x1x1xf32>
    %sub3A_57 = vector.broadcast %log3A : f32 to vector<4x1x1xf32>
    %sub3A_58 = arith.subf %sub3A_57, %add3A_56 : vector<4x1x1xf32>
    %mul3A_59 = arith.constant 1.960000e+00 : f32
    %mul3A_60 = vector.broadcast %mul3A_59 : f32 to vector<4x1x1xf32>
    %mul3A_61 = arith.mulf %mul3A_60, %sub3A_58 : vector<4x1x1xf32>
    %add3A_62 = vector.broadcast %mul3A_61 : vector<4x1x1xf32> to vector<4x8x1024xf32>
    %add3A_63 = arith.addf %get3A_2, %add3A_62 : vector<4x8x1024xf32>
    %max3A_64 = arith.constant 0.000000e+00 : f32
    %max3A_65 = vector.broadcast %max3A_64 : f32 to vector<4x8x1024xf32>
    %max3A_66 = arith.maximumf %add3A_63, %max3A_65 : vector<4x8x1024xf32>
    %neg3A_67 = arith.constant 0.000000e+00 : f32
    %neg3A_68 = vector.broadcast %neg3A_67 : f32 to vector<4x8x1024xf32>
    %neg3A_69 = arith.subf %neg3A_68, %max3A_66 : vector<4x8x1024xf32>
    %add3A_70 = arith.addf %get3A_2, %neg3A_69 : vector<4x8x1024xf32>
    %div3A_71 = arith.constant 1.372000e+00 : f32
    %div3A_72 = vector.broadcast %div3A_71 : f32 to vector<4x8x1024xf32>
    %div3A_73 = arith.divf %add3A_70, %div3A_72 : vector<4x8x1024xf32>
    %reduce_max3A_74 = arith.constant dense<0xFF800000> : vector<4xf32>
    %reduce_max3A_75 = vector.multi_reduction <maximumf>, %div3A_73, %reduce_max3A_74 [1, 2] : vector<4x8x1024xf32> to vector<4xf32>
    %broadcast_in_dim3A_76 = vector.shape_cast %reduce_max3A_75 : vector<4xf32> to vector<4x1x1xf32>
    %sub3A_77 = vector.broadcast %broadcast_in_dim3A_76 : vector<4x1x1xf32> to vector<4x8x1024xf32>
    %sub3A_78 = arith.subf %div3A_73, %sub3A_77 : vector<4x8x1024xf32>
    %exp3A_79 = math.exp %sub3A_78 : vector<4x8x1024xf32>
    %reduce_sum3A_80 = arith.constant dense<0.000000e+00> : vector<4xf32>
    %reduce_sum3A_81 = vector.multi_reduction <add>, %exp3A_79, %reduce_sum3A_80 [1, 2] : vector<4x8x1024xf32> to vector<4xf32>
    %broadcast_in_dim3A_82 = vector.shape_cast %reduce_sum3A_81 : vector<4xf32> to vector<4x1x1xf32>
    %log3A_83 = math.log %broadcast_in_dim3A_82 : vector<4x1x1xf32>
    %add3A_84 = arith.addf %log3A_83, %broadcast_in_dim3A_76 : vector<4x1x1xf32>
    %sub3A_85 = vector.broadcast %log3A : f32 to vector<4x1x1xf32>
    %sub3A_86 = arith.subf %sub3A_85, %add3A_84 : vector<4x1x1xf32>
    %mul3A_87 = arith.constant 1.372000e+00 : f32
    %mul3A_88 = vector.broadcast %mul3A_87 : f32 to vector<4x1x1xf32>
    %mul3A_89 = arith.mulf %mul3A_88, %sub3A_86 : vector<4x1x1xf32>
    %add3A_90 = vector.broadcast %mul3A_89 : vector<4x1x1xf32> to vector<4x8x1024xf32>
    %add3A_91 = arith.addf %get3A_2, %add3A_90 : vector<4x8x1024xf32>
    %max3A_92 = arith.constant 0.000000e+00 : f32
    %max3A_93 = vector.broadcast %max3A_92 : f32 to vector<4x8x1024xf32>
    %max3A_94 = arith.maximumf %add3A_91, %max3A_93 : vector<4x8x1024xf32>
    %neg3A_95 = arith.constant 0.000000e+00 : f32
    %neg3A_96 = vector.broadcast %neg3A_95 : f32 to vector<4x8x1024xf32>
    %neg3A_97 = arith.subf %neg3A_96, %max3A_94 : vector<4x8x1024xf32>
    %add3A_98 = arith.addf %get3A_2, %neg3A_97 : vector<4x8x1024xf32>
    %div3A_99 = arith.constant 0.960399985 : f32
    %div3A_100 = vector.broadcast %div3A_99 : f32 to vector<4x8x1024xf32>
    %div3A_101 = arith.divf %add3A_98, %div3A_100 : vector<4x8x1024xf32>
    %reduce_max3A_102 = arith.constant dense<0xFF800000> : vector<4xf32>
    %reduce_max3A_103 = vector.multi_reduction <maximumf>, %div3A_101, %reduce_max3A_102 [1, 2] : vector<4x8x1024xf32> to vector<4xf32>
    %broadcast_in_dim3A_104 = vector.shape_cast %reduce_max3A_103 : vector<4xf32> to vector<4x1x1xf32>
    %sub3A_105 = vector.broadcast %broadcast_in_dim3A_104 : vector<4x1x1xf32> to vector<4x8x1024xf32>
    %sub3A_106 = arith.subf %div3A_101, %sub3A_105 : vector<4x8x1024xf32>
    %exp3A_107 = math.exp %sub3A_106 : vector<4x8x1024xf32>
    %reduce_sum3A_108 = arith.constant dense<0.000000e+00> : vector<4xf32>
    %reduce_sum3A_109 = vector.multi_reduction <add>, %exp3A_107, %reduce_sum3A_108 [1, 2] : vector<4x8x1024xf32> to vector<4xf32>
    %broadcast_in_dim3A_110 = vector.shape_cast %reduce_sum3A_109 : vector<4xf32> to vector<4x1x1xf32>
    %log3A_111 = math.log %broadcast_in_dim3A_110 : vector<4x1x1xf32>
    %add3A_112 = arith.addf %log3A_111, %broadcast_in_dim3A_104 : vector<4x1x1xf32>
    %sub3A_113 = vector.broadcast %log3A : f32 to vector<4x1x1xf32>
    %sub3A_114 = arith.subf %sub3A_113, %add3A_112 : vector<4x1x1xf32>
    %mul3A_115 = arith.constant 0.960399985 : f32
    %mul3A_116 = vector.broadcast %mul3A_115 : f32 to vector<4x1x1xf32>
    %mul3A_117 = arith.mulf %mul3A_116, %sub3A_114 : vector<4x1x1xf32>
    %add3A_118 = vector.broadcast %mul3A_117 : vector<4x1x1xf32> to vector<4x8x1024xf32>
    %add3A_119 = arith.addf %get3A_2, %add3A_118 : vector<4x8x1024xf32>
    %max3A_120 = arith.constant 0.000000e+00 : f32
    %max3A_121 = vector.broadcast %max3A_120 : f32 to vector<4x8x1024xf32>
    %max3A_122 = arith.maximumf %add3A_119, %max3A_121 : vector<4x8x1024xf32>
    %neg3A_123 = arith.constant 0.000000e+00 : f32
    %neg3A_124 = vector.broadcast %neg3A_123 : f32 to vector<4x8x1024xf32>
    %neg3A_125 = arith.subf %neg3A_124, %max3A_122 : vector<4x8x1024xf32>
    %add3A_126 = arith.addf %get3A_2, %neg3A_125 : vector<4x8x1024xf32>
    %div3A_127 = arith.constant 6.722800e-01 : f32
    %div3A_128 = vector.broadcast %div3A_127 : f32 to vector<4x8x1024xf32>
    %div3A_129 = arith.divf %add3A_126, %div3A_128 : vector<4x8x1024xf32>
    %reduce_max3A_130 = arith.constant dense<0xFF800000> : vector<4xf32>
    %reduce_max3A_131 = vector.multi_reduction <maximumf>, %div3A_129, %reduce_max3A_130 [1, 2] : vector<4x8x1024xf32> to vector<4xf32>
    %broadcast_in_dim3A_132 = vector.shape_cast %reduce_max3A_131 : vector<4xf32> to vector<4x1x1xf32>
    %sub3A_133 = vector.broadcast %broadcast_in_dim3A_132 : vector<4x1x1xf32> to vector<4x8x1024xf32>
    %sub3A_134 = arith.subf %div3A_129, %sub3A_133 : vector<4x8x1024xf32>
    %exp3A_135 = math.exp %sub3A_134 : vector<4x8x1024xf32>
    %reduce_sum3A_136 = arith.constant dense<0.000000e+00> : vector<4xf32>
    %reduce_sum3A_137 = vector.multi_reduction <add>, %exp3A_135, %reduce_sum3A_136 [1, 2] : vector<4x8x1024xf32> to vector<4xf32>
    %broadcast_in_dim3A_138 = vector.shape_cast %reduce_sum3A_137 : vector<4xf32> to vector<4x1x1xf32>
    %log3A_139 = math.log %broadcast_in_dim3A_138 : vector<4x1x1xf32>
    %add3A_140 = arith.addf %log3A_139, %broadcast_in_dim3A_132 : vector<4x1x1xf32>
    %sub3A_141 = vector.broadcast %log3A : f32 to vector<4x1x1xf32>
    %sub3A_142 = arith.subf %sub3A_141, %add3A_140 : vector<4x1x1xf32>
    %mul3A_143 = arith.constant 6.722800e-01 : f32
    %mul3A_144 = vector.broadcast %mul3A_143 : f32 to vector<4x1x1xf32>
    %mul3A_145 = arith.mulf %mul3A_144, %sub3A_142 : vector<4x1x1xf32>
    %add3A_146 = vector.broadcast %mul3A_145 : vector<4x1x1xf32> to vector<4x8x1024xf32>
    %add3A_147 = arith.addf %get3A_2, %add3A_146 : vector<4x8x1024xf32>
    %max3A_148 = arith.constant 0.000000e+00 : f32
    %max3A_149 = vector.broadcast %max3A_148 : f32 to vector<4x8x1024xf32>
    %max3A_150 = arith.maximumf %add3A_147, %max3A_149 : vector<4x8x1024xf32>
    %neg3A_151 = arith.constant 0.000000e+00 : f32
    %neg3A_152 = vector.broadcast %neg3A_151 : f32 to vector<4x8x1024xf32>
    %neg3A_153 = arith.subf %neg3A_152, %max3A_150 : vector<4x8x1024xf32>
    %add3A_154 = arith.addf %get3A_2, %neg3A_153 : vector<4x8x1024xf32>
    %div3A_155 = arith.constant 4.705960e-01 : f32
    %div3A_156 = vector.broadcast %div3A_155 : f32 to vector<4x8x1024xf32>
    %div3A_157 = arith.divf %add3A_154, %div3A_156 : vector<4x8x1024xf32>
    %reduce_max3A_158 = arith.constant dense<0xFF800000> : vector<4xf32>
    %reduce_max3A_159 = vector.multi_reduction <maximumf>, %div3A_157, %reduce_max3A_158 [1, 2] : vector<4x8x1024xf32> to vector<4xf32>
    %broadcast_in_dim3A_160 = vector.shape_cast %reduce_max3A_159 : vector<4xf32> to vector<4x1x1xf32>
    %sub3A_161 = vector.broadcast %broadcast_in_dim3A_160 : vector<4x1x1xf32> to vector<4x8x1024xf32>
    %sub3A_162 = arith.subf %div3A_157, %sub3A_161 : vector<4x8x1024xf32>
    %exp3A_163 = math.exp %sub3A_162 : vector<4x8x1024xf32>
    %reduce_sum3A_164 = arith.constant dense<0.000000e+00> : vector<4xf32>
    %reduce_sum3A_165 = vector.multi_reduction <add>, %exp3A_163, %reduce_sum3A_164 [1, 2] : vector<4x8x1024xf32> to vector<4xf32>
    %broadcast_in_dim3A_166 = vector.shape_cast %reduce_sum3A_165 : vector<4xf32> to vector<4x1x1xf32>
    %log3A_167 = math.log %broadcast_in_dim3A_166 : vector<4x1x1xf32>
    %add3A_168 = arith.addf %log3A_167, %broadcast_in_dim3A_160 : vector<4x1x1xf32>
    %sub3A_169 = vector.broadcast %log3A : f32 to vector<4x1x1xf32>
    %sub3A_170 = arith.subf %sub3A_169, %add3A_168 : vector<4x1x1xf32>
    %mul3A_171 = arith.constant 4.705960e-01 : f32
    %mul3A_172 = vector.broadcast %mul3A_171 : f32 to vector<4x1x1xf32>
    %mul3A_173 = arith.mulf %mul3A_172, %sub3A_170 : vector<4x1x1xf32>
    %add3A_174 = vector.broadcast %mul3A_173 : vector<4x1x1xf32> to vector<4x8x1024xf32>
    %add3A_175 = arith.addf %get3A_2, %add3A_174 : vector<4x8x1024xf32>
    %max3A_176 = arith.constant 0.000000e+00 : f32
    %max3A_177 = vector.broadcast %max3A_176 : f32 to vector<4x8x1024xf32>
    %max3A_178 = arith.maximumf %add3A_175, %max3A_177 : vector<4x8x1024xf32>
    %neg3A_179 = arith.constant 0.000000e+00 : f32
    %neg3A_180 = vector.broadcast %neg3A_179 : f32 to vector<4x8x1024xf32>
    %neg3A_181 = arith.subf %neg3A_180, %max3A_178 : vector<4x8x1024xf32>
    %add3A_182 = arith.addf %get3A_2, %neg3A_181 : vector<4x8x1024xf32>
    %div3A_183 = arith.constant 0.329417199 : f32
    %div3A_184 = vector.broadcast %div3A_183 : f32 to vector<4x8x1024xf32>
    %div3A_185 = arith.divf %add3A_182, %div3A_184 : vector<4x8x1024xf32>
    %reduce_max3A_186 = arith.constant dense<0xFF800000> : vector<4xf32>
    %reduce_max3A_187 = vector.multi_reduction <maximumf>, %div3A_185, %reduce_max3A_186 [1, 2] : vector<4x8x1024xf32> to vector<4xf32>
    %broadcast_in_dim3A_188 = vector.shape_cast %reduce_max3A_187 : vector<4xf32> to vector<4x1x1xf32>
    %sub3A_189 = vector.broadcast %broadcast_in_dim3A_188 : vector<4x1x1xf32> to vector<4x8x1024xf32>
    %sub3A_190 = arith.subf %div3A_185, %sub3A_189 : vector<4x8x1024xf32>
    %exp3A_191 = math.exp %sub3A_190 : vector<4x8x1024xf32>
    %reduce_sum3A_192 = arith.constant dense<0.000000e+00> : vector<4xf32>
    %reduce_sum3A_193 = vector.multi_reduction <add>, %exp3A_191, %reduce_sum3A_192 [1, 2] : vector<4x8x1024xf32> to vector<4xf32>
    %broadcast_in_dim3A_194 = vector.shape_cast %reduce_sum3A_193 : vector<4xf32> to vector<4x1x1xf32>
    %log3A_195 = math.log %broadcast_in_dim3A_194 : vector<4x1x1xf32>
    %add3A_196 = arith.addf %log3A_195, %broadcast_in_dim3A_188 : vector<4x1x1xf32>
    %sub3A_197 = vector.broadcast %log3A : f32 to vector<4x1x1xf32>
    %sub3A_198 = arith.subf %sub3A_197, %add3A_196 : vector<4x1x1xf32>
    %mul3A_199 = arith.constant 0.329417199 : f32
    %mul3A_200 = vector.broadcast %mul3A_199 : f32 to vector<4x1x1xf32>
    %mul3A_201 = arith.mulf %mul3A_200, %sub3A_198 : vector<4x1x1xf32>
    %add3A_202 = vector.broadcast %mul3A_201 : vector<4x1x1xf32> to vector<4x8x1024xf32>
    %add3A_203 = arith.addf %get3A_2, %add3A_202 : vector<4x8x1024xf32>
    %max3A_204 = arith.constant 0.000000e+00 : f32
    %max3A_205 = vector.broadcast %max3A_204 : f32 to vector<4x8x1024xf32>
    %max3A_206 = arith.maximumf %add3A_203, %max3A_205 : vector<4x8x1024xf32>
    %neg3A_207 = arith.constant 0.000000e+00 : f32
    %neg3A_208 = vector.broadcast %neg3A_207 : f32 to vector<4x8x1024xf32>
    %neg3A_209 = arith.subf %neg3A_208, %max3A_206 : vector<4x8x1024xf32>
    %add3A_210 = arith.addf %get3A_2, %neg3A_209 : vector<4x8x1024xf32>
    %div3A_211 = arith.constant 0.230592042 : f32
    %div3A_212 = vector.broadcast %div3A_211 : f32 to vector<4x8x1024xf32>
    %div3A_213 = arith.divf %add3A_210, %div3A_212 : vector<4x8x1024xf32>
    %reduce_max3A_214 = arith.constant dense<0xFF800000> : vector<4xf32>
    %reduce_max3A_215 = vector.multi_reduction <maximumf>, %div3A_213, %reduce_max3A_214 [1, 2] : vector<4x8x1024xf32> to vector<4xf32>
    %broadcast_in_dim3A_216 = vector.shape_cast %reduce_max3A_215 : vector<4xf32> to vector<4x1x1xf32>
    %sub3A_217 = vector.broadcast %broadcast_in_dim3A_216 : vector<4x1x1xf32> to vector<4x8x1024xf32>
    %sub3A_218 = arith.subf %div3A_213, %sub3A_217 : vector<4x8x1024xf32>
    %exp3A_219 = math.exp %sub3A_218 : vector<4x8x1024xf32>
    %reduce_sum3A_220 = arith.constant dense<0.000000e+00> : vector<4xf32>
    %reduce_sum3A_221 = vector.multi_reduction <add>, %exp3A_219, %reduce_sum3A_220 [1, 2] : vector<4x8x1024xf32> to vector<4xf32>
    %broadcast_in_dim3A_222 = vector.shape_cast %reduce_sum3A_221 : vector<4xf32> to vector<4x1x1xf32>
    %log3A_223 = math.log %broadcast_in_dim3A_222 : vector<4x1x1xf32>
    %add3A_224 = arith.addf %log3A_223, %broadcast_in_dim3A_216 : vector<4x1x1xf32>
    %sub3A_225 = vector.broadcast %log3A : f32 to vector<4x1x1xf32>
    %sub3A_226 = arith.subf %sub3A_225, %add3A_224 : vector<4x1x1xf32>
    %mul3A_227 = arith.constant 0.230592042 : f32
    %mul3A_228 = vector.broadcast %mul3A_227 : f32 to vector<4x1x1xf32>
    %mul3A_229 = arith.mulf %mul3A_228, %sub3A_226 : vector<4x1x1xf32>
    %add3A_230 = vector.broadcast %mul3A_229 : vector<4x1x1xf32> to vector<4x8x1024xf32>
    %add3A_231 = arith.addf %get3A_2, %add3A_230 : vector<4x8x1024xf32>
    %max3A_232 = arith.constant 0.000000e+00 : f32
    %max3A_233 = vector.broadcast %max3A_232 : f32 to vector<4x8x1024xf32>
    %max3A_234 = arith.maximumf %add3A_231, %max3A_233 : vector<4x8x1024xf32>
    %neg3A_235 = arith.constant 0.000000e+00 : f32
    %neg3A_236 = vector.broadcast %neg3A_235 : f32 to vector<4x8x1024xf32>
    %neg3A_237 = arith.subf %neg3A_236, %max3A_234 : vector<4x8x1024xf32>
    %add3A_238 = arith.addf %get3A_2, %neg3A_237 : vector<4x8x1024xf32>
    %div3A_239 = arith.constant 0.16141443 : f32
    %div3A_240 = vector.broadcast %div3A_239 : f32 to vector<4x8x1024xf32>
    %div3A_241 = arith.divf %add3A_238, %div3A_240 : vector<4x8x1024xf32>
    %reduce_max3A_242 = arith.constant dense<0xFF800000> : vector<4xf32>
    %reduce_max3A_243 = vector.multi_reduction <maximumf>, %div3A_241, %reduce_max3A_242 [1, 2] : vector<4x8x1024xf32> to vector<4xf32>
    %broadcast_in_dim3A_244 = vector.shape_cast %reduce_max3A_243 : vector<4xf32> to vector<4x1x1xf32>
    %sub3A_245 = vector.broadcast %broadcast_in_dim3A_244 : vector<4x1x1xf32> to vector<4x8x1024xf32>
    %sub3A_246 = arith.subf %div3A_241, %sub3A_245 : vector<4x8x1024xf32>
    %exp3A_247 = math.exp %sub3A_246 : vector<4x8x1024xf32>
    %reduce_sum3A_248 = arith.constant dense<0.000000e+00> : vector<4xf32>
    %reduce_sum3A_249 = vector.multi_reduction <add>, %exp3A_247, %reduce_sum3A_248 [1, 2] : vector<4x8x1024xf32> to vector<4xf32>
    %broadcast_in_dim3A_250 = vector.shape_cast %reduce_sum3A_249 : vector<4xf32> to vector<4x1x1xf32>
    %log3A_251 = math.log %broadcast_in_dim3A_250 : vector<4x1x1xf32>
    %add3A_252 = arith.addf %log3A_251, %broadcast_in_dim3A_244 : vector<4x1x1xf32>
    %sub3A_253 = vector.broadcast %log3A : f32 to vector<4x1x1xf32>
    %sub3A_254 = arith.subf %sub3A_253, %add3A_252 : vector<4x1x1xf32>
    %mul3A_255 = arith.constant 0.16141443 : f32
    %mul3A_256 = vector.broadcast %mul3A_255 : f32 to vector<4x1x1xf32>
    %mul3A_257 = arith.mulf %mul3A_256, %sub3A_254 : vector<4x1x1xf32>
    %add3A_258 = vector.broadcast %mul3A_257 : vector<4x1x1xf32> to vector<4x8x1024xf32>
    %add3A_259 = arith.addf %get3A_2, %add3A_258 : vector<4x8x1024xf32>
    %max3A_260 = arith.constant 0.000000e+00 : f32
    %max3A_261 = vector.broadcast %max3A_260 : f32 to vector<4x8x1024xf32>
    %max3A_262 = arith.maximumf %add3A_259, %max3A_261 : vector<4x8x1024xf32>
    %neg3A_263 = arith.constant 0.000000e+00 : f32
    %neg3A_264 = vector.broadcast %neg3A_263 : f32 to vector<4x8x1024xf32>
    %neg3A_265 = arith.subf %neg3A_264, %max3A_262 : vector<4x8x1024xf32>
    %add3A_266 = arith.addf %get3A_2, %neg3A_265 : vector<4x8x1024xf32>
    %div3A_267 = arith.constant 0.112990096 : f32
    %div3A_268 = vector.broadcast %div3A_267 : f32 to vector<4x8x1024xf32>
    %div3A_269 = arith.divf %add3A_266, %div3A_268 : vector<4x8x1024xf32>
    %reduce_max3A_270 = arith.constant dense<0xFF800000> : vector<4xf32>
    %reduce_max3A_271 = vector.multi_reduction <maximumf>, %div3A_269, %reduce_max3A_270 [1, 2] : vector<4x8x1024xf32> to vector<4xf32>
    %broadcast_in_dim3A_272 = vector.shape_cast %reduce_max3A_271 : vector<4xf32> to vector<4x1x1xf32>
    %sub3A_273 = vector.broadcast %broadcast_in_dim3A_272 : vector<4x1x1xf32> to vector<4x8x1024xf32>
    %sub3A_274 = arith.subf %div3A_269, %sub3A_273 : vector<4x8x1024xf32>
    %exp3A_275 = math.exp %sub3A_274 : vector<4x8x1024xf32>
    %reduce_sum3A_276 = arith.constant dense<0.000000e+00> : vector<4xf32>
    %reduce_sum3A_277 = vector.multi_reduction <add>, %exp3A_275, %reduce_sum3A_276 [1, 2] : vector<4x8x1024xf32> to vector<4xf32>
    %broadcast_in_dim3A_278 = vector.shape_cast %reduce_sum3A_277 : vector<4xf32> to vector<4x1x1xf32>
    %log3A_279 = math.log %broadcast_in_dim3A_278 : vector<4x1x1xf32>
    %add3A_280 = arith.addf %log3A_279, %broadcast_in_dim3A_272 : vector<4x1x1xf32>
    %sub3A_281 = vector.broadcast %log3A : f32 to vector<4x1x1xf32>
    %sub3A_282 = arith.subf %sub3A_281, %add3A_280 : vector<4x1x1xf32>
    %mul3A_283 = arith.constant 0.112990096 : f32
    %mul3A_284 = vector.broadcast %mul3A_283 : f32 to vector<4x1x1xf32>
    %mul3A_285 = arith.mulf %mul3A_284, %sub3A_282 : vector<4x1x1xf32>
    %add3A_286 = vector.broadcast %mul3A_285 : vector<4x1x1xf32> to vector<4x8x1024xf32>
    %add3A_287 = arith.addf %get3A_2, %add3A_286 : vector<4x8x1024xf32>
    %max3A_288 = arith.constant 0.000000e+00 : f32
    %max3A_289 = vector.broadcast %max3A_288 : f32 to vector<4x8x1024xf32>
    %max3A_290 = arith.maximumf %add3A_287, %max3A_289 : vector<4x8x1024xf32>
    %neg3A_291 = arith.constant 0.000000e+00 : f32
    %neg3A_292 = vector.broadcast %neg3A_291 : f32 to vector<4x8x1024xf32>
    %neg3A_293 = arith.subf %neg3A_292, %max3A_290 : vector<4x8x1024xf32>
    %add3A_294 = arith.addf %get3A_2, %neg3A_293 : vector<4x8x1024xf32>
    %div3A_295 = arith.constant 0.0790930688 : f32
    %div3A_296 = vector.broadcast %div3A_295 : f32 to vector<4x8x1024xf32>
    %div3A_297 = arith.divf %add3A_294, %div3A_296 : vector<4x8x1024xf32>
    %reduce_max3A_298 = arith.constant dense<0xFF800000> : vector<4xf32>
    %reduce_max3A_299 = vector.multi_reduction <maximumf>, %div3A_297, %reduce_max3A_298 [1, 2] : vector<4x8x1024xf32> to vector<4xf32>
    %broadcast_in_dim3A_300 = vector.shape_cast %reduce_max3A_299 : vector<4xf32> to vector<4x1x1xf32>
    %sub3A_301 = vector.broadcast %broadcast_in_dim3A_300 : vector<4x1x1xf32> to vector<4x8x1024xf32>
    %sub3A_302 = arith.subf %div3A_297, %sub3A_301 : vector<4x8x1024xf32>
    %exp3A_303 = math.exp %sub3A_302 : vector<4x8x1024xf32>
    %reduce_sum3A_304 = arith.constant dense<0.000000e+00> : vector<4xf32>
    %reduce_sum3A_305 = vector.multi_reduction <add>, %exp3A_303, %reduce_sum3A_304 [1, 2] : vector<4x8x1024xf32> to vector<4xf32>
    %broadcast_in_dim3A_306 = vector.shape_cast %reduce_sum3A_305 : vector<4xf32> to vector<4x1x1xf32>
    %log3A_307 = math.log %broadcast_in_dim3A_306 : vector<4x1x1xf32>
    %add3A_308 = arith.addf %log3A_307, %broadcast_in_dim3A_300 : vector<4x1x1xf32>
    %sub3A_309 = vector.broadcast %log3A : f32 to vector<4x1x1xf32>
    %sub3A_310 = arith.subf %sub3A_309, %add3A_308 : vector<4x1x1xf32>
    %mul3A_311 = arith.constant 0.0790930688 : f32
    %mul3A_312 = vector.broadcast %mul3A_311 : f32 to vector<4x1x1xf32>
    %mul3A_313 = arith.mulf %mul3A_312, %sub3A_310 : vector<4x1x1xf32>
    %add3A_314 = vector.broadcast %mul3A_313 : vector<4x1x1xf32> to vector<4x8x1024xf32>
    %add3A_315 = arith.addf %get3A_2, %add3A_314 : vector<4x8x1024xf32>
    %max3A_316 = arith.constant 0.000000e+00 : f32
    %max3A_317 = vector.broadcast %max3A_316 : f32 to vector<4x8x1024xf32>
    %max3A_318 = arith.maximumf %add3A_315, %max3A_317 : vector<4x8x1024xf32>
    %neg3A_319 = arith.constant 0.000000e+00 : f32
    %neg3A_320 = vector.broadcast %neg3A_319 : f32 to vector<4x8x1024xf32>
    %neg3A_321 = arith.subf %neg3A_320, %max3A_318 : vector<4x8x1024xf32>
    %add3A_322 = arith.addf %get3A_2, %neg3A_321 : vector<4x8x1024xf32>
    %div3A_323 = arith.constant 0.0553651489 : f32
    %div3A_324 = vector.broadcast %div3A_323 : f32 to vector<4x8x1024xf32>
    %div3A_325 = arith.divf %add3A_322, %div3A_324 : vector<4x8x1024xf32>
    %reduce_max3A_326 = arith.constant dense<0xFF800000> : vector<4xf32>
    %reduce_max3A_327 = vector.multi_reduction <maximumf>, %div3A_325, %reduce_max3A_326 [1, 2] : vector<4x8x1024xf32> to vector<4xf32>
    %broadcast_in_dim3A_328 = vector.shape_cast %reduce_max3A_327 : vector<4xf32> to vector<4x1x1xf32>
    %sub3A_329 = vector.broadcast %broadcast_in_dim3A_328 : vector<4x1x1xf32> to vector<4x8x1024xf32>
    %sub3A_330 = arith.subf %div3A_325, %sub3A_329 : vector<4x8x1024xf32>
    %exp3A_331 = math.exp %sub3A_330 : vector<4x8x1024xf32>
    %reduce_sum3A_332 = arith.constant dense<0.000000e+00> : vector<4xf32>
    %reduce_sum3A_333 = vector.multi_reduction <add>, %exp3A_331, %reduce_sum3A_332 [1, 2] : vector<4x8x1024xf32> to vector<4xf32>
    %broadcast_in_dim3A_334 = vector.shape_cast %reduce_sum3A_333 : vector<4xf32> to vector<4x1x1xf32>
    %log3A_335 = math.log %broadcast_in_dim3A_334 : vector<4x1x1xf32>
    %add3A_336 = arith.addf %log3A_335, %broadcast_in_dim3A_328 : vector<4x1x1xf32>
    %sub3A_337 = vector.broadcast %log3A : f32 to vector<4x1x1xf32>
    %sub3A_338 = arith.subf %sub3A_337, %add3A_336 : vector<4x1x1xf32>
    %mul3A_339 = arith.constant 0.0553651489 : f32
    %mul3A_340 = vector.broadcast %mul3A_339 : f32 to vector<4x1x1xf32>
    %mul3A_341 = arith.mulf %mul3A_340, %sub3A_338 : vector<4x1x1xf32>
    %add3A_342 = vector.broadcast %mul3A_341 : vector<4x1x1xf32> to vector<4x8x1024xf32>
    %add3A_343 = arith.addf %get3A_2, %add3A_342 : vector<4x8x1024xf32>
    %max3A_344 = arith.constant 0.000000e+00 : f32
    %max3A_345 = vector.broadcast %max3A_344 : f32 to vector<4x8x1024xf32>
    %max3A_346 = arith.maximumf %add3A_343, %max3A_345 : vector<4x8x1024xf32>
    %neg3A_347 = arith.constant 0.000000e+00 : f32
    %neg3A_348 = vector.broadcast %neg3A_347 : f32 to vector<4x8x1024xf32>
    %neg3A_349 = arith.subf %neg3A_348, %max3A_346 : vector<4x8x1024xf32>
    %add3A_350 = arith.addf %get3A_2, %neg3A_349 : vector<4x8x1024xf32>
    %div3A_351 = arith.constant 0.0387556031 : f32
    %div3A_352 = vector.broadcast %div3A_351 : f32 to vector<4x8x1024xf32>
    %div3A_353 = arith.divf %add3A_350, %div3A_352 : vector<4x8x1024xf32>
    %reduce_max3A_354 = arith.constant dense<0xFF800000> : vector<4xf32>
    %reduce_max3A_355 = vector.multi_reduction <maximumf>, %div3A_353, %reduce_max3A_354 [1, 2] : vector<4x8x1024xf32> to vector<4xf32>
    %broadcast_in_dim3A_356 = vector.shape_cast %reduce_max3A_355 : vector<4xf32> to vector<4x1x1xf32>
    %sub3A_357 = vector.broadcast %broadcast_in_dim3A_356 : vector<4x1x1xf32> to vector<4x8x1024xf32>
    %sub3A_358 = arith.subf %div3A_353, %sub3A_357 : vector<4x8x1024xf32>
    %exp3A_359 = math.exp %sub3A_358 : vector<4x8x1024xf32>
    %reduce_sum3A_360 = arith.constant dense<0.000000e+00> : vector<4xf32>
    %reduce_sum3A_361 = vector.multi_reduction <add>, %exp3A_359, %reduce_sum3A_360 [1, 2] : vector<4x8x1024xf32> to vector<4xf32>
    %broadcast_in_dim3A_362 = vector.shape_cast %reduce_sum3A_361 : vector<4xf32> to vector<4x1x1xf32>
    %log3A_363 = math.log %broadcast_in_dim3A_362 : vector<4x1x1xf32>
    %add3A_364 = arith.addf %log3A_363, %broadcast_in_dim3A_356 : vector<4x1x1xf32>
    %sub3A_365 = vector.broadcast %log3A : f32 to vector<4x1x1xf32>
    %sub3A_366 = arith.subf %sub3A_365, %add3A_364 : vector<4x1x1xf32>
    %mul3A_367 = arith.constant 0.0387556031 : f32
    %mul3A_368 = vector.broadcast %mul3A_367 : f32 to vector<4x1x1xf32>
    %mul3A_369 = arith.mulf %mul3A_368, %sub3A_366 : vector<4x1x1xf32>
    %add3A_370 = vector.broadcast %mul3A_369 : vector<4x1x1xf32> to vector<4x8x1024xf32>
    %add3A_371 = arith.addf %get3A_2, %add3A_370 : vector<4x8x1024xf32>
    %max3A_372 = arith.constant 0.000000e+00 : f32
    %max3A_373 = vector.broadcast %max3A_372 : f32 to vector<4x8x1024xf32>
    %max3A_374 = arith.maximumf %add3A_371, %max3A_373 : vector<4x8x1024xf32>
    %neg3A_375 = arith.constant 0.000000e+00 : f32
    %neg3A_376 = vector.broadcast %neg3A_375 : f32 to vector<4x8x1024xf32>
    %neg3A_377 = arith.subf %neg3A_376, %max3A_374 : vector<4x8x1024xf32>
    %add3A_378 = arith.addf %get3A_2, %neg3A_377 : vector<4x8x1024xf32>
    %div3A_379 = arith.constant 3.000000e-02 : f32
    %div3A_380 = vector.broadcast %div3A_379 : f32 to vector<4x8x1024xf32>
    %div3A_381 = arith.divf %add3A_378, %div3A_380 : vector<4x8x1024xf32>
    %reduce_max3A_382 = arith.constant dense<0xFF800000> : vector<4xf32>
    %reduce_max3A_383 = vector.multi_reduction <maximumf>, %div3A_381, %reduce_max3A_382 [1, 2] : vector<4x8x1024xf32> to vector<4xf32>
    %broadcast_in_dim3A_384 = vector.shape_cast %reduce_max3A_383 : vector<4xf32> to vector<4x1x1xf32>
    %sub3A_385 = vector.broadcast %broadcast_in_dim3A_384 : vector<4x1x1xf32> to vector<4x8x1024xf32>
    %sub3A_386 = arith.subf %div3A_381, %sub3A_385 : vector<4x8x1024xf32>
    %exp3A_387 = math.exp %sub3A_386 : vector<4x8x1024xf32>
    %reduce_sum3A_388 = arith.constant dense<0.000000e+00> : vector<4xf32>
    %reduce_sum3A_389 = vector.multi_reduction <add>, %exp3A_387, %reduce_sum3A_388 [1, 2] : vector<4x8x1024xf32> to vector<4xf32>
    %broadcast_in_dim3A_390 = vector.shape_cast %reduce_sum3A_389 : vector<4xf32> to vector<4x1x1xf32>
    %log3A_391 = math.log %broadcast_in_dim3A_390 : vector<4x1x1xf32>
    %add3A_392 = arith.addf %log3A_391, %broadcast_in_dim3A_384 : vector<4x1x1xf32>
    %sub3A_393 = vector.broadcast %log3A : f32 to vector<4x1x1xf32>
    %sub3A_394 = arith.subf %sub3A_393, %add3A_392 : vector<4x1x1xf32>
    %mul3A_395 = arith.constant 3.000000e-02 : f32
    %mul3A_396 = vector.broadcast %mul3A_395 : f32 to vector<4x1x1xf32>
    %mul3A_397 = arith.mulf %mul3A_396, %sub3A_394 : vector<4x1x1xf32>
    %add3A_398 = vector.broadcast %mul3A_397 : vector<4x1x1xf32> to vector<4x8x1024xf32>
    %add3A_399 = arith.addf %get3A_2, %add3A_398 : vector<4x8x1024xf32>
    %max3A_400 = arith.constant 0.000000e+00 : f32
    %max3A_401 = vector.broadcast %max3A_400 : f32 to vector<4x8x1024xf32>
    %max3A_402 = arith.maximumf %add3A_399, %max3A_401 : vector<4x8x1024xf32>
    %neg3A_403 = arith.constant 0.000000e+00 : f32
    %neg3A_404 = vector.broadcast %neg3A_403 : f32 to vector<4x8x1024xf32>
    %neg3A_405 = arith.subf %neg3A_404, %max3A_402 : vector<4x8x1024xf32>
    %add3A_406 = arith.addf %get3A_2, %neg3A_405 : vector<4x8x1024xf32>
    %div3A_407 = arith.constant 3.000000e-02 : f32
    %div3A_408 = vector.broadcast %div3A_407 : f32 to vector<4x8x1024xf32>
    %div3A_409 = arith.divf %add3A_406, %div3A_408 : vector<4x8x1024xf32>
    %reduce_max3A_410 = arith.constant dense<0xFF800000> : vector<4xf32>
    %reduce_max3A_411 = vector.multi_reduction <maximumf>, %div3A_409, %reduce_max3A_410 [1, 2] : vector<4x8x1024xf32> to vector<4xf32>
    %broadcast_in_dim3A_412 = vector.shape_cast %reduce_max3A_411 : vector<4xf32> to vector<4x1x1xf32>
    %sub3A_413 = vector.broadcast %broadcast_in_dim3A_412 : vector<4x1x1xf32> to vector<4x8x1024xf32>
    %sub3A_414 = arith.subf %div3A_409, %sub3A_413 : vector<4x8x1024xf32>
    %exp3A_415 = math.exp %sub3A_414 : vector<4x8x1024xf32>
    %reduce_sum3A_416 = arith.constant dense<0.000000e+00> : vector<4xf32>
    %reduce_sum3A_417 = vector.multi_reduction <add>, %exp3A_415, %reduce_sum3A_416 [1, 2] : vector<4x8x1024xf32> to vector<4xf32>
    %broadcast_in_dim3A_418 = vector.shape_cast %reduce_sum3A_417 : vector<4xf32> to vector<4x1x1xf32>
    %log3A_419 = math.log %broadcast_in_dim3A_418 : vector<4x1x1xf32>
    %add3A_420 = arith.addf %log3A_419, %broadcast_in_dim3A_412 : vector<4x1x1xf32>
    %sub3A_421 = vector.broadcast %log3A : f32 to vector<4x1x1xf32>
    %sub3A_422 = arith.subf %sub3A_421, %add3A_420 : vector<4x1x1xf32>
    %mul3A_423 = arith.constant 3.000000e-02 : f32
    %mul3A_424 = vector.broadcast %mul3A_423 : f32 to vector<4x1x1xf32>
    %mul3A_425 = arith.mulf %mul3A_424, %sub3A_422 : vector<4x1x1xf32>
    %add3A_426 = vector.broadcast %mul3A_425 : vector<4x1x1xf32> to vector<4x8x1024xf32>
    %add3A_427 = arith.addf %get3A_2, %add3A_426 : vector<4x8x1024xf32>
    %max3A_428 = arith.constant 0.000000e+00 : f32
    %max3A_429 = vector.broadcast %max3A_428 : f32 to vector<4x8x1024xf32>
    %max3A_430 = arith.maximumf %add3A_427, %max3A_429 : vector<4x8x1024xf32>
    %neg3A_431 = arith.constant 0.000000e+00 : f32
    %neg3A_432 = vector.broadcast %neg3A_431 : f32 to vector<4x8x1024xf32>
    %neg3A_433 = arith.subf %neg3A_432, %max3A_430 : vector<4x8x1024xf32>
    %add3A_434 = arith.addf %get3A_2, %neg3A_433 : vector<4x8x1024xf32>
    %div3A_435 = arith.constant 3.000000e-02 : f32
    %div3A_436 = vector.broadcast %div3A_435 : f32 to vector<4x8x1024xf32>
    %div3A_437 = arith.divf %add3A_434, %div3A_436 : vector<4x8x1024xf32>
    %reduce_max3A_438 = arith.constant dense<0xFF800000> : vector<4xf32>
    %reduce_max3A_439 = vector.multi_reduction <maximumf>, %div3A_437, %reduce_max3A_438 [1, 2] : vector<4x8x1024xf32> to vector<4xf32>
    %broadcast_in_dim3A_440 = vector.shape_cast %reduce_max3A_439 : vector<4xf32> to vector<4x1x1xf32>
    %sub3A_441 = vector.broadcast %broadcast_in_dim3A_440 : vector<4x1x1xf32> to vector<4x8x1024xf32>
    %sub3A_442 = arith.subf %div3A_437, %sub3A_441 : vector<4x8x1024xf32>
    %exp3A_443 = math.exp %sub3A_442 : vector<4x8x1024xf32>
    %reduce_sum3A_444 = arith.constant dense<0.000000e+00> : vector<4xf32>
    %reduce_sum3A_445 = vector.multi_reduction <add>, %exp3A_443, %reduce_sum3A_444 [1, 2] : vector<4x8x1024xf32> to vector<4xf32>
    %broadcast_in_dim3A_446 = vector.shape_cast %reduce_sum3A_445 : vector<4xf32> to vector<4x1x1xf32>
    %log3A_447 = math.log %broadcast_in_dim3A_446 : vector<4x1x1xf32>
    %add3A_448 = arith.addf %log3A_447, %broadcast_in_dim3A_440 : vector<4x1x1xf32>
    %sub3A_449 = vector.broadcast %log3A : f32 to vector<4x1x1xf32>
    %sub3A_450 = arith.subf %sub3A_449, %add3A_448 : vector<4x1x1xf32>
    %mul3A_451 = arith.constant 3.000000e-02 : f32
    %mul3A_452 = vector.broadcast %mul3A_451 : f32 to vector<4x1x1xf32>
    %mul3A_453 = arith.mulf %mul3A_452, %sub3A_450 : vector<4x1x1xf32>
    %add3A_454 = vector.broadcast %mul3A_453 : vector<4x1x1xf32> to vector<4x8x1024xf32>
    %add3A_455 = arith.addf %get3A_2, %add3A_454 : vector<4x8x1024xf32>
    %max3A_456 = arith.constant 0.000000e+00 : f32
    %max3A_457 = vector.broadcast %max3A_456 : f32 to vector<4x8x1024xf32>
    %max3A_458 = arith.maximumf %add3A_455, %max3A_457 : vector<4x8x1024xf32>
    %neg3A_459 = arith.constant 0.000000e+00 : f32
    %neg3A_460 = vector.broadcast %neg3A_459 : f32 to vector<4x8x1024xf32>
    %neg3A_461 = arith.subf %neg3A_460, %max3A_458 : vector<4x8x1024xf32>
    %add3A_462 = arith.addf %get3A_2, %neg3A_461 : vector<4x8x1024xf32>
    %div3A_463 = arith.constant 3.000000e-02 : f32
    %div3A_464 = vector.broadcast %div3A_463 : f32 to vector<4x8x1024xf32>
    %div3A_465 = arith.divf %add3A_462, %div3A_464 : vector<4x8x1024xf32>
    %reduce_max3A_466 = arith.constant dense<0xFF800000> : vector<4xf32>
    %reduce_max3A_467 = vector.multi_reduction <maximumf>, %div3A_465, %reduce_max3A_466 [1, 2] : vector<4x8x1024xf32> to vector<4xf32>
    %broadcast_in_dim3A_468 = vector.shape_cast %reduce_max3A_467 : vector<4xf32> to vector<4x1x1xf32>
    %sub3A_469 = vector.broadcast %broadcast_in_dim3A_468 : vector<4x1x1xf32> to vector<4x8x1024xf32>
    %sub3A_470 = arith.subf %div3A_465, %sub3A_469 : vector<4x8x1024xf32>
    %exp3A_471 = math.exp %sub3A_470 : vector<4x8x1024xf32>
    %reduce_sum3A_472 = arith.constant dense<0.000000e+00> : vector<4xf32>
    %reduce_sum3A_473 = vector.multi_reduction <add>, %exp3A_471, %reduce_sum3A_472 [1, 2] : vector<4x8x1024xf32> to vector<4xf32>
    %broadcast_in_dim3A_474 = vector.shape_cast %reduce_sum3A_473 : vector<4xf32> to vector<4x1x1xf32>
    %log3A_475 = math.log %broadcast_in_dim3A_474 : vector<4x1x1xf32>
    %add3A_476 = arith.addf %log3A_475, %broadcast_in_dim3A_468 : vector<4x1x1xf32>
    %sub3A_477 = vector.broadcast %log3A : f32 to vector<4x1x1xf32>
    %sub3A_478 = arith.subf %sub3A_477, %add3A_476 : vector<4x1x1xf32>
    %mul3A_479 = arith.constant 3.000000e-02 : f32
    %mul3A_480 = vector.broadcast %mul3A_479 : f32 to vector<4x1x1xf32>
    %mul3A_481 = arith.mulf %mul3A_480, %sub3A_478 : vector<4x1x1xf32>
    %add3A_482 = vector.broadcast %mul3A_481 : vector<4x1x1xf32> to vector<4x8x1024xf32>
    %add3A_483 = arith.addf %get3A_2, %add3A_482 : vector<4x8x1024xf32>
    %max3A_484 = arith.constant 0.000000e+00 : f32
    %max3A_485 = vector.broadcast %max3A_484 : f32 to vector<4x8x1024xf32>
    %max3A_486 = arith.maximumf %add3A_483, %max3A_485 : vector<4x8x1024xf32>
    %neg3A_487 = arith.constant 0.000000e+00 : f32
    %neg3A_488 = vector.broadcast %neg3A_487 : f32 to vector<4x8x1024xf32>
    %neg3A_489 = arith.subf %neg3A_488, %max3A_486 : vector<4x8x1024xf32>
    %add3A_490 = arith.addf %get3A_2, %neg3A_489 : vector<4x8x1024xf32>
    %div3A_491 = arith.constant 3.000000e-02 : f32
    %div3A_492 = vector.broadcast %div3A_491 : f32 to vector<4x8x1024xf32>
    %div3A_493 = arith.divf %add3A_490, %div3A_492 : vector<4x8x1024xf32>
    %reduce_max3A_494 = arith.constant dense<0xFF800000> : vector<4xf32>
    %reduce_max3A_495 = vector.multi_reduction <maximumf>, %div3A_493, %reduce_max3A_494 [1, 2] : vector<4x8x1024xf32> to vector<4xf32>
    %broadcast_in_dim3A_496 = vector.shape_cast %reduce_max3A_495 : vector<4xf32> to vector<4x1x1xf32>
    %sub3A_497 = vector.broadcast %broadcast_in_dim3A_496 : vector<4x1x1xf32> to vector<4x8x1024xf32>
    %sub3A_498 = arith.subf %div3A_493, %sub3A_497 : vector<4x8x1024xf32>
    %exp3A_499 = math.exp %sub3A_498 : vector<4x8x1024xf32>
    %reduce_sum3A_500 = arith.constant dense<0.000000e+00> : vector<4xf32>
    %reduce_sum3A_501 = vector.multi_reduction <add>, %exp3A_499, %reduce_sum3A_500 [1, 2] : vector<4x8x1024xf32> to vector<4xf32>
    %broadcast_in_dim3A_502 = vector.shape_cast %reduce_sum3A_501 : vector<4xf32> to vector<4x1x1xf32>
    %log3A_503 = math.log %broadcast_in_dim3A_502 : vector<4x1x1xf32>
    %add3A_504 = arith.addf %log3A_503, %broadcast_in_dim3A_496 : vector<4x1x1xf32>
    %sub3A_505 = vector.broadcast %log3A : f32 to vector<4x1x1xf32>
    %sub3A_506 = arith.subf %sub3A_505, %add3A_504 : vector<4x1x1xf32>
    %mul3A_507 = arith.constant 3.000000e-02 : f32
    %mul3A_508 = vector.broadcast %mul3A_507 : f32 to vector<4x1x1xf32>
    %mul3A_509 = arith.mulf %mul3A_508, %sub3A_506 : vector<4x1x1xf32>
    %add3A_510 = vector.broadcast %mul3A_509 : vector<4x1x1xf32> to vector<4x8x1024xf32>
    %add3A_511 = arith.addf %get3A_2, %add3A_510 : vector<4x8x1024xf32>
    %max3A_512 = arith.constant 0.000000e+00 : f32
    %max3A_513 = vector.broadcast %max3A_512 : f32 to vector<4x8x1024xf32>
    %max3A_514 = arith.maximumf %add3A_511, %max3A_513 : vector<4x8x1024xf32>
    %neg3A_515 = arith.constant 0.000000e+00 : f32
    %neg3A_516 = vector.broadcast %neg3A_515 : f32 to vector<4x8x1024xf32>
    %neg3A_517 = arith.subf %neg3A_516, %max3A_514 : vector<4x8x1024xf32>
    %add3A_518 = arith.addf %get3A_2, %neg3A_517 : vector<4x8x1024xf32>
    %div3A_519 = arith.constant 3.000000e-02 : f32
    %div3A_520 = vector.broadcast %div3A_519 : f32 to vector<4x8x1024xf32>
    %div3A_521 = arith.divf %add3A_518, %div3A_520 : vector<4x8x1024xf32>
    %reduce_max3A_522 = arith.constant dense<0xFF800000> : vector<4xf32>
    %reduce_max3A_523 = vector.multi_reduction <maximumf>, %div3A_521, %reduce_max3A_522 [1, 2] : vector<4x8x1024xf32> to vector<4xf32>
    %broadcast_in_dim3A_524 = vector.shape_cast %reduce_max3A_523 : vector<4xf32> to vector<4x1x1xf32>
    %sub3A_525 = vector.broadcast %broadcast_in_dim3A_524 : vector<4x1x1xf32> to vector<4x8x1024xf32>
    %sub3A_526 = arith.subf %div3A_521, %sub3A_525 : vector<4x8x1024xf32>
    %exp3A_527 = math.exp %sub3A_526 : vector<4x8x1024xf32>
    %reduce_sum3A_528 = arith.constant dense<0.000000e+00> : vector<4xf32>
    %reduce_sum3A_529 = vector.multi_reduction <add>, %exp3A_527, %reduce_sum3A_528 [1, 2] : vector<4x8x1024xf32> to vector<4xf32>
    %broadcast_in_dim3A_530 = vector.shape_cast %reduce_sum3A_529 : vector<4xf32> to vector<4x1x1xf32>
    %log3A_531 = math.log %broadcast_in_dim3A_530 : vector<4x1x1xf32>
    %add3A_532 = arith.addf %log3A_531, %broadcast_in_dim3A_524 : vector<4x1x1xf32>
    %sub3A_533 = vector.broadcast %log3A : f32 to vector<4x1x1xf32>
    %sub3A_534 = arith.subf %sub3A_533, %add3A_532 : vector<4x1x1xf32>
    %mul3A_535 = arith.constant 3.000000e-02 : f32
    %mul3A_536 = vector.broadcast %mul3A_535 : f32 to vector<4x1x1xf32>
    %mul3A_537 = arith.mulf %mul3A_536, %sub3A_534 : vector<4x1x1xf32>
    %add3A_538 = vector.broadcast %mul3A_537 : vector<4x1x1xf32> to vector<4x8x1024xf32>
    %add3A_539 = arith.addf %get3A_2, %add3A_538 : vector<4x8x1024xf32>
    %max3A_540 = arith.constant 0.000000e+00 : f32
    %max3A_541 = vector.broadcast %max3A_540 : f32 to vector<4x8x1024xf32>
    %max3A_542 = arith.maximumf %add3A_539, %max3A_541 : vector<4x8x1024xf32>
    %neg3A_543 = arith.constant 0.000000e+00 : f32
    %neg3A_544 = vector.broadcast %neg3A_543 : f32 to vector<4x8x1024xf32>
    %neg3A_545 = arith.subf %neg3A_544, %max3A_542 : vector<4x8x1024xf32>
    %add3A_546 = vector.broadcast %mul3A_537 : vector<4x1x1xf32> to vector<4x8x1024xf32>
    %add3A_547 = arith.addf %get3A_2, %add3A_546 : vector<4x8x1024xf32>
    %add3A_548 = arith.addf %add3A_547, %neg3A_545 : vector<4x8x1024xf32>
    %div3A_549 = arith.constant 3.000000e-02 : f32
    %div3A_550 = vector.broadcast %div3A_549 : f32 to vector<4x8x1024xf32>
    %div3A_551 = arith.divf %add3A_548, %div3A_550 : vector<4x8x1024xf32>
    %exp3A_552 = math.exp %div3A_551 : vector<4x8x1024xf32>
    %reshape3A = vector.shape_cast %exp3A_552 : vector<4x8x1024xf32> to vector<32x1024xf32>
    %iota3A = tpu.iota {dimensions = array<i32: 0>} : vector<32x1024xi32>
    %iota3A_553 = tpu.iota {dimensions = array<i32: 1>} : vector<32x1024xi32>
    %and3A = arith.constant 7 : i32
    %and3A_554 = vector.broadcast %and3A : i32 to vector<32x1024xi32>
    %and3A_555 = arith.andi %iota3A, %and3A_554 : vector<32x1024xi32>
    %mul3A_556 = arith.constant 1024 : i32
    %mul3A_557 = vector.broadcast %mul3A_556 : i32 to vector<32x1024xi32>
    %mul3A_558 = arith.muli %and3A_555, %mul3A_557 : vector<32x1024xi32>
    %add3A_559 = arith.addi %mul3A_558, %iota3A_553 : vector<32x1024xi32>
    %and3A_560 = arith.constant 1 : i32
    %and3A_561 = vector.broadcast %and3A_560 : i32 to vector<32x1024xi32>
    %and3A_562 = arith.andi %iota3A, %and3A_561 : vector<32x1024xi32>
    %ne3A = arith.constant 0 : i32
    %ne3A_563 = vector.broadcast %ne3A : i32 to vector<32x1024xi32>
    %ne3A_564 = arith.cmpi ne, %and3A_562, %ne3A_563 : vector<32x1024xi32>
    %and3A_565 = arith.constant 2 : i32
    %and3A_566 = vector.broadcast %and3A_565 : i32 to vector<32x1024xi32>
    %and3A_567 = arith.andi %iota3A_553, %and3A_566 : vector<32x1024xi32>
    %eq3A = arith.constant 0 : i32
    %eq3A_568 = vector.broadcast %eq3A : i32 to vector<32x1024xi32>
    %eq3A_569 = arith.cmpi eq, %and3A_567, %eq3A_568 : vector<32x1024xi32>
    %ne3A_570 = arith.xori %eq3A_569, %ne3A_564 : vector<32x1024xi1>
    %iota3A_571 = tpu.iota {dimensions = array<i32: 1>} : vector<32x1024xi32>
    %and3A_572 = arith.constant 1 : i32
    %and3A_573 = vector.broadcast %and3A_572 : i32 to vector<32x1024xi32>
    %and3A_574 = arith.andi %iota3A_571, %and3A_573 : vector<32x1024xi32>
    %ne3A_575 = arith.constant 0 : i32
    %ne3A_576 = vector.broadcast %ne3A_575 : i32 to vector<32x1024xi32>
    %ne3A_577 = arith.cmpi ne, %and3A_574, %ne3A_576 : vector<32x1024xi32>
    %slice3A = vector.extract_strided_slice %reshape3A {offsets = [0, 1023], sizes = [32, 1], strides = [1, 1]} : vector<32x1024xf32> to vector<32x1xf32>
    %slice3A_578 = vector.extract_strided_slice %reshape3A {offsets = [0, 0], sizes = [32, 1023], strides = [1, 1]} : vector<32x1024xf32> to vector<32x1023xf32>
    %concatenate3A = tpu.concatenate %slice3A, %slice3A_578 in 1 : vector<32x1xf32>, vector<32x1023xf32> -> vector<32x1024xf32>
    %slice3A_579 = vector.extract_strided_slice %reshape3A {offsets = [0, 1], sizes = [32, 1023], strides = [1, 1]} : vector<32x1024xf32> to vector<32x1023xf32>
    %slice3A_580 = vector.extract_strided_slice %reshape3A {offsets = [0, 0], sizes = [32, 1], strides = [1, 1]} : vector<32x1024xf32> to vector<32x1xf32>
    %concatenate3A_581 = tpu.concatenate %slice3A_579, %slice3A_580 in 1 : vector<32x1023xf32>, vector<32x1xf32> -> vector<32x1024xf32>
    %select_n3A = arith.select %ne3A_577, %concatenate3A, %concatenate3A_581 : vector<32x1024xi1>, vector<32x1024xf32>
    %slice3A_582 = vector.extract_strided_slice %add3A_559 {offsets = [0, 1023], sizes = [32, 1], strides = [1, 1]} : vector<32x1024xi32> to vector<32x1xi32>
    %slice3A_583 = vector.extract_strided_slice %add3A_559 {offsets = [0, 0], sizes = [32, 1023], strides = [1, 1]} : vector<32x1024xi32> to vector<32x1023xi32>
    %concatenate3A_584 = tpu.concatenate %slice3A_582, %slice3A_583 in 1 : vector<32x1xi32>, vector<32x1023xi32> -> vector<32x1024xi32>
    %slice3A_585 = vector.extract_strided_slice %add3A_559 {offsets = [0, 1], sizes = [32, 1023], strides = [1, 1]} : vector<32x1024xi32> to vector<32x1023xi32>
    %slice3A_586 = vector.extract_strided_slice %add3A_559 {offsets = [0, 0], sizes = [32, 1], strides = [1, 1]} : vector<32x1024xi32> to vector<32x1xi32>
    %concatenate3A_587 = tpu.concatenate %slice3A_585, %slice3A_586 in 1 : vector<32x1023xi32>, vector<32x1xi32> -> vector<32x1024xi32>
    %select_n3A_588 = arith.select %ne3A_577, %concatenate3A_584, %concatenate3A_587 : vector<32x1024xi1>, vector<32x1024xi32>
    %not3A = arith.constant dense<true> : vector<32x1024xi1>
    %not3A_589 = arith.xori %ne3A_577, %not3A : vector<32x1024xi1>
    %gt3A = arith.cmpf ogt, %reshape3A, %select_n3A : vector<32x1024xf32>
    %eq3A_590 = arith.cmpf oeq, %reshape3A, %select_n3A : vector<32x1024xf32>
    %lt3A = arith.cmpi slt, %add3A_559, %select_n3A_588 : vector<32x1024xi32>
    %and3A_591 = arith.andi %eq3A_590, %lt3A : vector<32x1024xi1>
    %or3A = arith.ori %gt3A, %and3A_591 : vector<32x1024xi1>
    %eq3A_592 = arith.xori %or3A, %not3A_589 : vector<32x1024xi1>
    %eq3A_593 = arith.constant dense<true> : vector<32x1024xi1>
    %eq3A_594 = arith.xori %eq3A_592, %eq3A_593 : vector<32x1024xi1>
    %eq3A_595 = arith.xori %eq3A_594, %ne3A_570 : vector<32x1024xi1>
    %eq3A_596 = arith.constant dense<true> : vector<32x1024xi1>
    %eq3A_597 = arith.xori %eq3A_595, %eq3A_596 : vector<32x1024xi1>
    %select_n3A_598 = arith.select %eq3A_597, %reshape3A, %select_n3A : vector<32x1024xi1>, vector<32x1024xf32>
    %select_n3A_599 = arith.select %eq3A_597, %add3A_559, %select_n3A_588 : vector<32x1024xi1>, vector<32x1024xi32>
    %and3A_600 = arith.constant 4 : i32
    %and3A_601 = vector.broadcast %and3A_600 : i32 to vector<32x1024xi32>
    %and3A_602 = arith.andi %iota3A_553, %and3A_601 : vector<32x1024xi32>
    %eq3A_603 = arith.constant 0 : i32
    %eq3A_604 = vector.broadcast %eq3A_603 : i32 to vector<32x1024xi32>
    %eq3A_605 = arith.cmpi eq, %and3A_602, %eq3A_604 : vector<32x1024xi32>
    %ne3A_606 = arith.xori %eq3A_605, %ne3A_564 : vector<32x1024xi1>
    %iota3A_607 = tpu.iota {dimensions = array<i32: 1>} : vector<32x1024xi32>
    %and3A_608 = arith.constant 2 : i32
    %and3A_609 = vector.broadcast %and3A_608 : i32 to vector<32x1024xi32>
    %and3A_610 = arith.andi %iota3A_607, %and3A_609 : vector<32x1024xi32>
    %ne3A_611 = arith.constant 0 : i32
    %ne3A_612 = vector.broadcast %ne3A_611 : i32 to vector<32x1024xi32>
    %ne3A_613 = arith.cmpi ne, %and3A_610, %ne3A_612 : vector<32x1024xi32>
    %slice3A_614 = vector.extract_strided_slice %select_n3A_598 {offsets = [0, 1022], sizes = [32, 2], strides = [1, 1]} : vector<32x1024xf32> to vector<32x2xf32>
    %slice3A_615 = vector.extract_strided_slice %select_n3A_598 {offsets = [0, 0], sizes = [32, 1022], strides = [1, 1]} : vector<32x1024xf32> to vector<32x1022xf32>
    %concatenate3A_616 = tpu.concatenate %slice3A_614, %slice3A_615 in 1 : vector<32x2xf32>, vector<32x1022xf32> -> vector<32x1024xf32>
    %slice3A_617 = vector.extract_strided_slice %select_n3A_598 {offsets = [0, 2], sizes = [32, 1022], strides = [1, 1]} : vector<32x1024xf32> to vector<32x1022xf32>
    %slice3A_618 = vector.extract_strided_slice %select_n3A_598 {offsets = [0, 0], sizes = [32, 2], strides = [1, 1]} : vector<32x1024xf32> to vector<32x2xf32>
    %concatenate3A_619 = tpu.concatenate %slice3A_617, %slice3A_618 in 1 : vector<32x1022xf32>, vector<32x2xf32> -> vector<32x1024xf32>
    %select_n3A_620 = arith.select %ne3A_613, %concatenate3A_616, %concatenate3A_619 : vector<32x1024xi1>, vector<32x1024xf32>
    %slice3A_621 = vector.extract_strided_slice %select_n3A_599 {offsets = [0, 1022], sizes = [32, 2], strides = [1, 1]} : vector<32x1024xi32> to vector<32x2xi32>
    %slice3A_622 = vector.extract_strided_slice %select_n3A_599 {offsets = [0, 0], sizes = [32, 1022], strides = [1, 1]} : vector<32x1024xi32> to vector<32x1022xi32>
    %concatenate3A_623 = tpu.concatenate %slice3A_621, %slice3A_622 in 1 : vector<32x2xi32>, vector<32x1022xi32> -> vector<32x1024xi32>
    %slice3A_624 = vector.extract_strided_slice %select_n3A_599 {offsets = [0, 2], sizes = [32, 1022], strides = [1, 1]} : vector<32x1024xi32> to vector<32x1022xi32>
    %slice3A_625 = vector.extract_strided_slice %select_n3A_599 {offsets = [0, 0], sizes = [32, 2], strides = [1, 1]} : vector<32x1024xi32> to vector<32x2xi32>
    %concatenate3A_626 = tpu.concatenate %slice3A_624, %slice3A_625 in 1 : vector<32x1022xi32>, vector<32x2xi32> -> vector<32x1024xi32>
    %select_n3A_627 = arith.select %ne3A_613, %concatenate3A_623, %concatenate3A_626 : vector<32x1024xi1>, vector<32x1024xi32>
    %not3A_628 = arith.constant dense<true> : vector<32x1024xi1>
    %not3A_629 = arith.xori %ne3A_613, %not3A_628 : vector<32x1024xi1>
    %gt3A_630 = arith.cmpf ogt, %select_n3A_598, %select_n3A_620 : vector<32x1024xf32>
    %eq3A_631 = arith.cmpf oeq, %select_n3A_598, %select_n3A_620 : vector<32x1024xf32>
    %lt3A_632 = arith.cmpi slt, %select_n3A_599, %select_n3A_627 : vector<32x1024xi32>
    %and3A_633 = arith.andi %eq3A_631, %lt3A_632 : vector<32x1024xi1>
    %or3A_634 = arith.ori %gt3A_630, %and3A_633 : vector<32x1024xi1>
    %eq3A_635 = arith.xori %or3A_634, %not3A_629 : vector<32x1024xi1>
    %eq3A_636 = arith.constant dense<true> : vector<32x1024xi1>
    %eq3A_637 = arith.xori %eq3A_635, %eq3A_636 : vector<32x1024xi1>
    %eq3A_638 = arith.xori %eq3A_637, %ne3A_606 : vector<32x1024xi1>
    %eq3A_639 = arith.constant dense<true> : vector<32x1024xi1>
    %eq3A_640 = arith.xori %eq3A_638, %eq3A_639 : vector<32x1024xi1>
    %select_n3A_641 = arith.select %eq3A_640, %select_n3A_598, %select_n3A_620 : vector<32x1024xi1>, vector<32x1024xf32>
    %select_n3A_642 = arith.select %eq3A_640, %select_n3A_599, %select_n3A_627 : vector<32x1024xi1>, vector<32x1024xi32>
    %and3A_643 = arith.constant 4 : i32
    %and3A_644 = vector.broadcast %and3A_643 : i32 to vector<32x1024xi32>
    %and3A_645 = arith.andi %iota3A_553, %and3A_644 : vector<32x1024xi32>
    %eq3A_646 = arith.constant 0 : i32
    %eq3A_647 = vector.broadcast %eq3A_646 : i32 to vector<32x1024xi32>
    %eq3A_648 = arith.cmpi eq, %and3A_645, %eq3A_647 : vector<32x1024xi32>
    %ne3A_649 = arith.xori %eq3A_648, %ne3A_564 : vector<32x1024xi1>
    %iota3A_650 = tpu.iota {dimensions = array<i32: 1>} : vector<32x1024xi32>
    %and3A_651 = arith.constant 1 : i32
    %and3A_652 = vector.broadcast %and3A_651 : i32 to vector<32x1024xi32>
    %and3A_653 = arith.andi %iota3A_650, %and3A_652 : vector<32x1024xi32>
    %ne3A_654 = arith.constant 0 : i32
    %ne3A_655 = vector.broadcast %ne3A_654 : i32 to vector<32x1024xi32>
    %ne3A_656 = arith.cmpi ne, %and3A_653, %ne3A_655 : vector<32x1024xi32>
    %slice3A_657 = vector.extract_strided_slice %select_n3A_641 {offsets = [0, 1023], sizes = [32, 1], strides = [1, 1]} : vector<32x1024xf32> to vector<32x1xf32>
    %slice3A_658 = vector.extract_strided_slice %select_n3A_641 {offsets = [0, 0], sizes = [32, 1023], strides = [1, 1]} : vector<32x1024xf32> to vector<32x1023xf32>
    %concatenate3A_659 = tpu.concatenate %slice3A_657, %slice3A_658 in 1 : vector<32x1xf32>, vector<32x1023xf32> -> vector<32x1024xf32>
    %slice3A_660 = vector.extract_strided_slice %select_n3A_641 {offsets = [0, 1], sizes = [32, 1023], strides = [1, 1]} : vector<32x1024xf32> to vector<32x1023xf32>
    %slice3A_661 = vector.extract_strided_slice %select_n3A_641 {offsets = [0, 0], sizes = [32, 1], strides = [1, 1]} : vector<32x1024xf32> to vector<32x1xf32>
    %concatenate3A_662 = tpu.concatenate %slice3A_660, %slice3A_661 in 1 : vector<32x1023xf32>, vector<32x1xf32> -> vector<32x1024xf32>
    %select_n3A_663 = arith.select %ne3A_656, %concatenate3A_659, %concatenate3A_662 : vector<32x1024xi1>, vector<32x1024xf32>
    %slice3A_664 = vector.extract_strided_slice %select_n3A_642 {offsets = [0, 1023], sizes = [32, 1], strides = [1, 1]} : vector<32x1024xi32> to vector<32x1xi32>
    %slice3A_665 = vector.extract_strided_slice %select_n3A_642 {offsets = [0, 0], sizes = [32, 1023], strides = [1, 1]} : vector<32x1024xi32> to vector<32x1023xi32>
    %concatenate3A_666 = tpu.concatenate %slice3A_664, %slice3A_665 in 1 : vector<32x1xi32>, vector<32x1023xi32> -> vector<32x1024xi32>
    %slice3A_667 = vector.extract_strided_slice %select_n3A_642 {offsets = [0, 1], sizes = [32, 1023], strides = [1, 1]} : vector<32x1024xi32> to vector<32x1023xi32>
    %slice3A_668 = vector.extract_strided_slice %select_n3A_642 {offsets = [0, 0], sizes = [32, 1], strides = [1, 1]} : vector<32x1024xi32> to vector<32x1xi32>
    %concatenate3A_669 = tpu.concatenate %slice3A_667, %slice3A_668 in 1 : vector<32x1023xi32>, vector<32x1xi32> -> vector<32x1024xi32>
    %select_n3A_670 = arith.select %ne3A_656, %concatenate3A_666, %concatenate3A_669 : vector<32x1024xi1>, vector<32x1024xi32>
    %not3A_671 = arith.constant dense<true> : vector<32x1024xi1>
    %not3A_672 = arith.xori %ne3A_656, %not3A_671 : vector<32x1024xi1>
    %gt3A_673 = arith.cmpf ogt, %select_n3A_641, %select_n3A_663 : vector<32x1024xf32>
    %eq3A_674 = arith.cmpf oeq, %select_n3A_641, %select_n3A_663 : vector<32x1024xf32>
    %lt3A_675 = arith.cmpi slt, %select_n3A_642, %select_n3A_670 : vector<32x1024xi32>
    %and3A_676 = arith.andi %eq3A_674, %lt3A_675 : vector<32x1024xi1>
    %or3A_677 = arith.ori %gt3A_673, %and3A_676 : vector<32x1024xi1>
    %eq3A_678 = arith.xori %or3A_677, %not3A_672 : vector<32x1024xi1>
    %eq3A_679 = arith.constant dense<true> : vector<32x1024xi1>
    %eq3A_680 = arith.xori %eq3A_678, %eq3A_679 : vector<32x1024xi1>
    %eq3A_681 = arith.xori %eq3A_680, %ne3A_649 : vector<32x1024xi1>
    %eq3A_682 = arith.constant dense<true> : vector<32x1024xi1>
    %eq3A_683 = arith.xori %eq3A_681, %eq3A_682 : vector<32x1024xi1>
    %select_n3A_684 = arith.select %eq3A_683, %select_n3A_641, %select_n3A_663 : vector<32x1024xi1>, vector<32x1024xf32>
    %select_n3A_685 = arith.select %eq3A_683, %select_n3A_642, %select_n3A_670 : vector<32x1024xi1>, vector<32x1024xi32>
    %and3A_686 = arith.constant 8 : i32
    %and3A_687 = vector.broadcast %and3A_686 : i32 to vector<32x1024xi32>
    %and3A_688 = arith.andi %iota3A_553, %and3A_687 : vector<32x1024xi32>
    %eq3A_689 = arith.constant 0 : i32
    %eq3A_690 = vector.broadcast %eq3A_689 : i32 to vector<32x1024xi32>
    %eq3A_691 = arith.cmpi eq, %and3A_688, %eq3A_690 : vector<32x1024xi32>
    %ne3A_692 = arith.xori %eq3A_691, %ne3A_564 : vector<32x1024xi1>
    %iota3A_693 = tpu.iota {dimensions = array<i32: 1>} : vector<32x1024xi32>
    %and3A_694 = arith.constant 4 : i32
    %and3A_695 = vector.broadcast %and3A_694 : i32 to vector<32x1024xi32>
    %and3A_696 = arith.andi %iota3A_693, %and3A_695 : vector<32x1024xi32>
    %ne3A_697 = arith.constant 0 : i32
    %ne3A_698 = vector.broadcast %ne3A_697 : i32 to vector<32x1024xi32>
    %ne3A_699 = arith.cmpi ne, %and3A_696, %ne3A_698 : vector<32x1024xi32>
    %slice3A_700 = vector.extract_strided_slice %select_n3A_684 {offsets = [0, 1020], sizes = [32, 4], strides = [1, 1]} : vector<32x1024xf32> to vector<32x4xf32>
    %slice3A_701 = vector.extract_strided_slice %select_n3A_684 {offsets = [0, 0], sizes = [32, 1020], strides = [1, 1]} : vector<32x1024xf32> to vector<32x1020xf32>
    %concatenate3A_702 = tpu.concatenate %slice3A_700, %slice3A_701 in 1 : vector<32x4xf32>, vector<32x1020xf32> -> vector<32x1024xf32>
    %slice3A_703 = vector.extract_strided_slice %select_n3A_684 {offsets = [0, 4], sizes = [32, 1020], strides = [1, 1]} : vector<32x1024xf32> to vector<32x1020xf32>
    %slice3A_704 = vector.extract_strided_slice %select_n3A_684 {offsets = [0, 0], sizes = [32, 4], strides = [1, 1]} : vector<32x1024xf32> to vector<32x4xf32>
    %concatenate3A_705 = tpu.concatenate %slice3A_703, %slice3A_704 in 1 : vector<32x1020xf32>, vector<32x4xf32> -> vector<32x1024xf32>
    %select_n3A_706 = arith.select %ne3A_699, %concatenate3A_702, %concatenate3A_705 : vector<32x1024xi1>, vector<32x1024xf32>
    %slice3A_707 = vector.extract_strided_slice %select_n3A_685 {offsets = [0, 1020], sizes = [32, 4], strides = [1, 1]} : vector<32x1024xi32> to vector<32x4xi32>
    %slice3A_708 = vector.extract_strided_slice %select_n3A_685 {offsets = [0, 0], sizes = [32, 1020], strides = [1, 1]} : vector<32x1024xi32> to vector<32x1020xi32>
    %concatenate3A_709 = tpu.concatenate %slice3A_707, %slice3A_708 in 1 : vector<32x4xi32>, vector<32x1020xi32> -> vector<32x1024xi32>
    %slice3A_710 = vector.extract_strided_slice %select_n3A_685 {offsets = [0, 4], sizes = [32, 1020], strides = [1, 1]} : vector<32x1024xi32> to vector<32x1020xi32>
    %slice3A_711 = vector.extract_strided_slice %select_n3A_685 {offsets = [0, 0], sizes = [32, 4], strides = [1, 1]} : vector<32x1024xi32> to vector<32x4xi32>
    %concatenate3A_712 = tpu.concatenate %slice3A_710, %slice3A_711 in 1 : vector<32x1020xi32>, vector<32x4xi32> -> vector<32x1024xi32>
    %select_n3A_713 = arith.select %ne3A_699, %concatenate3A_709, %concatenate3A_712 : vector<32x1024xi1>, vector<32x1024xi32>
    %not3A_714 = arith.constant dense<true> : vector<32x1024xi1>
    %not3A_715 = arith.xori %ne3A_699, %not3A_714 : vector<32x1024xi1>
    %gt3A_716 = arith.cmpf ogt, %select_n3A_684, %select_n3A_706 : vector<32x1024xf32>
    %eq3A_717 = arith.cmpf oeq, %select_n3A_684, %select_n3A_706 : vector<32x1024xf32>
    %lt3A_718 = arith.cmpi slt, %select_n3A_685, %select_n3A_713 : vector<32x1024xi32>
    %and3A_719 = arith.andi %eq3A_717, %lt3A_718 : vector<32x1024xi1>
    %or3A_720 = arith.ori %gt3A_716, %and3A_719 : vector<32x1024xi1>
    %eq3A_721 = arith.xori %or3A_720, %not3A_715 : vector<32x1024xi1>
    %eq3A_722 = arith.constant dense<true> : vector<32x1024xi1>
    %eq3A_723 = arith.xori %eq3A_721, %eq3A_722 : vector<32x1024xi1>
    %eq3A_724 = arith.xori %eq3A_723, %ne3A_692 : vector<32x1024xi1>
    %eq3A_725 = arith.constant dense<true> : vector<32x1024xi1>
    %eq3A_726 = arith.xori %eq3A_724, %eq3A_725 : vector<32x1024xi1>
    %select_n3A_727 = arith.select %eq3A_726, %select_n3A_684, %select_n3A_706 : vector<32x1024xi1>, vector<32x1024xf32>
    %select_n3A_728 = arith.select %eq3A_726, %select_n3A_685, %select_n3A_713 : vector<32x1024xi1>, vector<32x1024xi32>
    %and3A_729 = arith.constant 8 : i32
    %and3A_730 = vector.broadcast %and3A_729 : i32 to vector<32x1024xi32>
    %and3A_731 = arith.andi %iota3A_553, %and3A_730 : vector<32x1024xi32>
    %eq3A_732 = arith.constant 0 : i32
    %eq3A_733 = vector.broadcast %eq3A_732 : i32 to vector<32x1024xi32>
    %eq3A_734 = arith.cmpi eq, %and3A_731, %eq3A_733 : vector<32x1024xi32>
    %ne3A_735 = arith.xori %eq3A_734, %ne3A_564 : vector<32x1024xi1>
    %iota3A_736 = tpu.iota {dimensions = array<i32: 1>} : vector<32x1024xi32>
    %and3A_737 = arith.constant 2 : i32
    %and3A_738 = vector.broadcast %and3A_737 : i32 to vector<32x1024xi32>
    %and3A_739 = arith.andi %iota3A_736, %and3A_738 : vector<32x1024xi32>
    %ne3A_740 = arith.constant 0 : i32
    %ne3A_741 = vector.broadcast %ne3A_740 : i32 to vector<32x1024xi32>
    %ne3A_742 = arith.cmpi ne, %and3A_739, %ne3A_741 : vector<32x1024xi32>
    %slice3A_743 = vector.extract_strided_slice %select_n3A_727 {offsets = [0, 1022], sizes = [32, 2], strides = [1, 1]} : vector<32x1024xf32> to vector<32x2xf32>
    %slice3A_744 = vector.extract_strided_slice %select_n3A_727 {offsets = [0, 0], sizes = [32, 1022], strides = [1, 1]} : vector<32x1024xf32> to vector<32x1022xf32>
    %concatenate3A_745 = tpu.concatenate %slice3A_743, %slice3A_744 in 1 : vector<32x2xf32>, vector<32x1022xf32> -> vector<32x1024xf32>
    %slice3A_746 = vector.extract_strided_slice %select_n3A_727 {offsets = [0, 2], sizes = [32, 1022], strides = [1, 1]} : vector<32x1024xf32> to vector<32x1022xf32>
    %slice3A_747 = vector.extract_strided_slice %select_n3A_727 {offsets = [0, 0], sizes = [32, 2], strides = [1, 1]} : vector<32x1024xf32> to vector<32x2xf32>
    %concatenate3A_748 = tpu.concatenate %slice3A_746, %slice3A_747 in 1 : vector<32x1022xf32>, vector<32x2xf32> -> vector<32x1024xf32>
    %select_n3A_749 = arith.select %ne3A_742, %concatenate3A_745, %concatenate3A_748 : vector<32x1024xi1>, vector<32x1024xf32>
    %slice3A_750 = vector.extract_strided_slice %select_n3A_728 {offsets = [0, 1022], sizes = [32, 2], strides = [1, 1]} : vector<32x1024xi32> to vector<32x2xi32>
    %slice3A_751 = vector.extract_strided_slice %select_n3A_728 {offsets = [0, 0], sizes = [32, 1022], strides = [1, 1]} : vector<32x1024xi32> to vector<32x1022xi32>
    %concatenate3A_752 = tpu.concatenate %slice3A_750, %slice3A_751 in 1 : vector<32x2xi32>, vector<32x1022xi32> -> vector<32x1024xi32>
    %slice3A_753 = vector.extract_strided_slice %select_n3A_728 {offsets = [0, 2], sizes = [32, 1022], strides = [1, 1]} : vector<32x1024xi32> to vector<32x1022xi32>
    %slice3A_754 = vector.extract_strided_slice %select_n3A_728 {offsets = [0, 0], sizes = [32, 2], strides = [1, 1]} : vector<32x1024xi32> to vector<32x2xi32>
    %concatenate3A_755 = tpu.concatenate %slice3A_753, %slice3A_754 in 1 : vector<32x1022xi32>, vector<32x2xi32> -> vector<32x1024xi32>
    %select_n3A_756 = arith.select %ne3A_742, %concatenate3A_752, %concatenate3A_755 : vector<32x1024xi1>, vector<32x1024xi32>
    %not3A_757 = arith.constant dense<true> : vector<32x1024xi1>
    %not3A_758 = arith.xori %ne3A_742, %not3A_757 : vector<32x1024xi1>
    %gt3A_759 = arith.cmpf ogt, %select_n3A_727, %select_n3A_749 : vector<32x1024xf32>
    %eq3A_760 = arith.cmpf oeq, %select_n3A_727, %select_n3A_749 : vector<32x1024xf32>
    %lt3A_761 = arith.cmpi slt, %select_n3A_728, %select_n3A_756 : vector<32x1024xi32>
    %and3A_762 = arith.andi %eq3A_760, %lt3A_761 : vector<32x1024xi1>
    %or3A_763 = arith.ori %gt3A_759, %and3A_762 : vector<32x1024xi1>
    %eq3A_764 = arith.xori %or3A_763, %not3A_758 : vector<32x1024xi1>
    %eq3A_765 = arith.constant dense<true> : vector<32x1024xi1>
    %eq3A_766 = arith.xori %eq3A_764, %eq3A_765 : vector<32x1024xi1>
    %eq3A_767 = arith.xori %eq3A_766, %ne3A_735 : vector<32x1024xi1>
    %eq3A_768 = arith.constant dense<true> : vector<32x1024xi1>
    %eq3A_769 = arith.xori %eq3A_767, %eq3A_768 : vector<32x1024xi1>
    %select_n3A_770 = arith.select %eq3A_769, %select_n3A_727, %select_n3A_749 : vector<32x1024xi1>, vector<32x1024xf32>
    %select_n3A_771 = arith.select %eq3A_769, %select_n3A_728, %select_n3A_756 : vector<32x1024xi1>, vector<32x1024xi32>
    %and3A_772 = arith.constant 8 : i32
    %and3A_773 = vector.broadcast %and3A_772 : i32 to vector<32x1024xi32>
    %and3A_774 = arith.andi %iota3A_553, %and3A_773 : vector<32x1024xi32>
    %eq3A_775 = arith.constant 0 : i32
    %eq3A_776 = vector.broadcast %eq3A_775 : i32 to vector<32x1024xi32>
    %eq3A_777 = arith.cmpi eq, %and3A_774, %eq3A_776 : vector<32x1024xi32>
    %ne3A_778 = arith.xori %eq3A_777, %ne3A_564 : vector<32x1024xi1>
    %iota3A_779 = tpu.iota {dimensions = array<i32: 1>} : vector<32x1024xi32>
    %and3A_780 = arith.constant 1 : i32
    %and3A_781 = vector.broadcast %and3A_780 : i32 to vector<32x1024xi32>
    %and3A_782 = arith.andi %iota3A_779, %and3A_781 : vector<32x1024xi32>
    %ne3A_783 = arith.constant 0 : i32
    %ne3A_784 = vector.broadcast %ne3A_783 : i32 to vector<32x1024xi32>
    %ne3A_785 = arith.cmpi ne, %and3A_782, %ne3A_784 : vector<32x1024xi32>
    %slice3A_786 = vector.extract_strided_slice %select_n3A_770 {offsets = [0, 1023], sizes = [32, 1], strides = [1, 1]} : vector<32x1024xf32> to vector<32x1xf32>
    %slice3A_787 = vector.extract_strided_slice %select_n3A_770 {offsets = [0, 0], sizes = [32, 1023], strides = [1, 1]} : vector<32x1024xf32> to vector<32x1023xf32>
    %concatenate3A_788 = tpu.concatenate %slice3A_786, %slice3A_787 in 1 : vector<32x1xf32>, vector<32x1023xf32> -> vector<32x1024xf32>
    %slice3A_789 = vector.extract_strided_slice %select_n3A_770 {offsets = [0, 1], sizes = [32, 1023], strides = [1, 1]} : vector<32x1024xf32> to vector<32x1023xf32>
    %slice3A_790 = vector.extract_strided_slice %select_n3A_770 {offsets = [0, 0], sizes = [32, 1], strides = [1, 1]} : vector<32x1024xf32> to vector<32x1xf32>
    %concatenate3A_791 = tpu.concatenate %slice3A_789, %slice3A_790 in 1 : vector<32x1023xf32>, vector<32x1xf32> -> vector<32x1024xf32>
    %select_n3A_792 = arith.select %ne3A_785, %concatenate3A_788, %concatenate3A_791 : vector<32x1024xi1>, vector<32x1024xf32>
    %slice3A_793 = vector.extract_strided_slice %select_n3A_771 {offsets = [0, 1023], sizes = [32, 1], strides = [1, 1]} : vector<32x1024xi32> to vector<32x1xi32>
    %slice3A_794 = vector.extract_strided_slice %select_n3A_771 {offsets = [0, 0], sizes = [32, 1023], strides = [1, 1]} : vector<32x1024xi32> to vector<32x1023xi32>
    %concatenate3A_795 = tpu.concatenate %slice3A_793, %slice3A_794 in 1 : vector<32x1xi32>, vector<32x1023xi32> -> vector<32x1024xi32>
    %slice3A_796 = vector.extract_strided_slice %select_n3A_771 {offsets = [0, 1], sizes = [32, 1023], strides = [1, 1]} : vector<32x1024xi32> to vector<32x1023xi32>
    %slice3A_797 = vector.extract_strided_slice %select_n3A_771 {offsets = [0, 0], sizes = [32, 1], strides = [1, 1]} : vector<32x1024xi32> to vector<32x1xi32>
    %concatenate3A_798 = tpu.concatenate %slice3A_796, %slice3A_797 in 1 : vector<32x1023xi32>, vector<32x1xi32> -> vector<32x1024xi32>
    %select_n3A_799 = arith.select %ne3A_785, %concatenate3A_795, %concatenate3A_798 : vector<32x1024xi1>, vector<32x1024xi32>
    %not3A_800 = arith.constant dense<true> : vector<32x1024xi1>
    %not3A_801 = arith.xori %ne3A_785, %not3A_800 : vector<32x1024xi1>
    %gt3A_802 = arith.cmpf ogt, %select_n3A_770, %select_n3A_792 : vector<32x1024xf32>
    %eq3A_803 = arith.cmpf oeq, %select_n3A_770, %select_n3A_792 : vector<32x1024xf32>
    %lt3A_804 = arith.cmpi slt, %select_n3A_771, %select_n3A_799 : vector<32x1024xi32>
    %and3A_805 = arith.andi %eq3A_803, %lt3A_804 : vector<32x1024xi1>
    %or3A_806 = arith.ori %gt3A_802, %and3A_805 : vector<32x1024xi1>
    %eq3A_807 = arith.xori %or3A_806, %not3A_801 : vector<32x1024xi1>
    %eq3A_808 = arith.constant dense<true> : vector<32x1024xi1>
    %eq3A_809 = arith.xori %eq3A_807, %eq3A_808 : vector<32x1024xi1>
    %eq3A_810 = arith.xori %eq3A_809, %ne3A_778 : vector<32x1024xi1>
    %eq3A_811 = arith.constant dense<true> : vector<32x1024xi1>
    %eq3A_812 = arith.xori %eq3A_810, %eq3A_811 : vector<32x1024xi1>
    %select_n3A_813 = arith.select %eq3A_812, %select_n3A_770, %select_n3A_792 : vector<32x1024xi1>, vector<32x1024xf32>
    %select_n3A_814 = arith.select %eq3A_812, %select_n3A_771, %select_n3A_799 : vector<32x1024xi1>, vector<32x1024xi32>
    %and3A_815 = arith.constant 16 : i32
    %and3A_816 = vector.broadcast %and3A_815 : i32 to vector<32x1024xi32>
    %and3A_817 = arith.andi %iota3A_553, %and3A_816 : vector<32x1024xi32>
    %eq3A_818 = arith.constant 0 : i32
    %eq3A_819 = vector.broadcast %eq3A_818 : i32 to vector<32x1024xi32>
    %eq3A_820 = arith.cmpi eq, %and3A_817, %eq3A_819 : vector<32x1024xi32>
    %ne3A_821 = arith.xori %eq3A_820, %ne3A_564 : vector<32x1024xi1>
    %iota3A_822 = tpu.iota {dimensions = array<i32: 1>} : vector<32x1024xi32>
    %and3A_823 = arith.constant 8 : i32
    %and3A_824 = vector.broadcast %and3A_823 : i32 to vector<32x1024xi32>
    %and3A_825 = arith.andi %iota3A_822, %and3A_824 : vector<32x1024xi32>
    %ne3A_826 = arith.constant 0 : i32
    %ne3A_827 = vector.broadcast %ne3A_826 : i32 to vector<32x1024xi32>
    %ne3A_828 = arith.cmpi ne, %and3A_825, %ne3A_827 : vector<32x1024xi32>
    %slice3A_829 = vector.extract_strided_slice %select_n3A_813 {offsets = [0, 1016], sizes = [32, 8], strides = [1, 1]} : vector<32x1024xf32> to vector<32x8xf32>
    %slice3A_830 = vector.extract_strided_slice %select_n3A_813 {offsets = [0, 0], sizes = [32, 1016], strides = [1, 1]} : vector<32x1024xf32> to vector<32x1016xf32>
    %concatenate3A_831 = tpu.concatenate %slice3A_829, %slice3A_830 in 1 : vector<32x8xf32>, vector<32x1016xf32> -> vector<32x1024xf32>
    %slice3A_832 = vector.extract_strided_slice %select_n3A_813 {offsets = [0, 8], sizes = [32, 1016], strides = [1, 1]} : vector<32x1024xf32> to vector<32x1016xf32>
    %slice3A_833 = vector.extract_strided_slice %select_n3A_813 {offsets = [0, 0], sizes = [32, 8], strides = [1, 1]} : vector<32x1024xf32> to vector<32x8xf32>
    %concatenate3A_834 = tpu.concatenate %slice3A_832, %slice3A_833 in 1 : vector<32x1016xf32>, vector<32x8xf32> -> vector<32x1024xf32>
    %select_n3A_835 = arith.select %ne3A_828, %concatenate3A_831, %concatenate3A_834 : vector<32x1024xi1>, vector<32x1024xf32>
    %slice3A_836 = vector.extract_strided_slice %select_n3A_814 {offsets = [0, 1016], sizes = [32, 8], strides = [1, 1]} : vector<32x1024xi32> to vector<32x8xi32>
    %slice3A_837 = vector.extract_strided_slice %select_n3A_814 {offsets = [0, 0], sizes = [32, 1016], strides = [1, 1]} : vector<32x1024xi32> to vector<32x1016xi32>
    %concatenate3A_838 = tpu.concatenate %slice3A_836, %slice3A_837 in 1 : vector<32x8xi32>, vector<32x1016xi32> -> vector<32x1024xi32>
    %slice3A_839 = vector.extract_strided_slice %select_n3A_814 {offsets = [0, 8], sizes = [32, 1016], strides = [1, 1]} : vector<32x1024xi32> to vector<32x1016xi32>
    %slice3A_840 = vector.extract_strided_slice %select_n3A_814 {offsets = [0, 0], sizes = [32, 8], strides = [1, 1]} : vector<32x1024xi32> to vector<32x8xi32>
    %concatenate3A_841 = tpu.concatenate %slice3A_839, %slice3A_840 in 1 : vector<32x1016xi32>, vector<32x8xi32> -> vector<32x1024xi32>
    %select_n3A_842 = arith.select %ne3A_828, %concatenate3A_838, %concatenate3A_841 : vector<32x1024xi1>, vector<32x1024xi32>
    %not3A_843 = arith.constant dense<true> : vector<32x1024xi1>
    %not3A_844 = arith.xori %ne3A_828, %not3A_843 : vector<32x1024xi1>
    %gt3A_845 = arith.cmpf ogt, %select_n3A_813, %select_n3A_835 : vector<32x1024xf32>
    %eq3A_846 = arith.cmpf oeq, %select_n3A_813, %select_n3A_835 : vector<32x1024xf32>
    %lt3A_847 = arith.cmpi slt, %select_n3A_814, %select_n3A_842 : vector<32x1024xi32>
    %and3A_848 = arith.andi %eq3A_846, %lt3A_847 : vector<32x1024xi1>
    %or3A_849 = arith.ori %gt3A_845, %and3A_848 : vector<32x1024xi1>
    %eq3A_850 = arith.xori %or3A_849, %not3A_844 : vector<32x1024xi1>
    %eq3A_851 = arith.constant dense<true> : vector<32x1024xi1>
    %eq3A_852 = arith.xori %eq3A_850, %eq3A_851 : vector<32x1024xi1>
    %eq3A_853 = arith.xori %eq3A_852, %ne3A_821 : vector<32x1024xi1>
    %eq3A_854 = arith.constant dense<true> : vector<32x1024xi1>
    %eq3A_855 = arith.xori %eq3A_853, %eq3A_854 : vector<32x1024xi1>
    %select_n3A_856 = arith.select %eq3A_855, %select_n3A_813, %select_n3A_835 : vector<32x1024xi1>, vector<32x1024xf32>
    %select_n3A_857 = arith.select %eq3A_855, %select_n3A_814, %select_n3A_842 : vector<32x1024xi1>, vector<32x1024xi32>
    %and3A_858 = arith.constant 16 : i32
    %and3A_859 = vector.broadcast %and3A_858 : i32 to vector<32x1024xi32>
    %and3A_860 = arith.andi %iota3A_553, %and3A_859 : vector<32x1024xi32>
    %eq3A_861 = arith.constant 0 : i32
    %eq3A_862 = vector.broadcast %eq3A_861 : i32 to vector<32x1024xi32>
    %eq3A_863 = arith.cmpi eq, %and3A_860, %eq3A_862 : vector<32x1024xi32>
    %ne3A_864 = arith.xori %eq3A_863, %ne3A_564 : vector<32x1024xi1>
    %iota3A_865 = tpu.iota {dimensions = array<i32: 1>} : vector<32x1024xi32>
    %and3A_866 = arith.constant 4 : i32
    %and3A_867 = vector.broadcast %and3A_866 : i32 to vector<32x1024xi32>
    %and3A_868 = arith.andi %iota3A_865, %and3A_867 : vector<32x1024xi32>
    %ne3A_869 = arith.constant 0 : i32
    %ne3A_870 = vector.broadcast %ne3A_869 : i32 to vector<32x1024xi32>
    %ne3A_871 = arith.cmpi ne, %and3A_868, %ne3A_870 : vector<32x1024xi32>
    %slice3A_872 = vector.extract_strided_slice %select_n3A_856 {offsets = [0, 1020], sizes = [32, 4], strides = [1, 1]} : vector<32x1024xf32> to vector<32x4xf32>
    %slice3A_873 = vector.extract_strided_slice %select_n3A_856 {offsets = [0, 0], sizes = [32, 1020], strides = [1, 1]} : vector<32x1024xf32> to vector<32x1020xf32>
    %concatenate3A_874 = tpu.concatenate %slice3A_872, %slice3A_873 in 1 : vector<32x4xf32>, vector<32x1020xf32> -> vector<32x1024xf32>
    %slice3A_875 = vector.extract_strided_slice %select_n3A_856 {offsets = [0, 4], sizes = [32, 1020], strides = [1, 1]} : vector<32x1024xf32> to vector<32x1020xf32>
    %slice3A_876 = vector.extract_strided_slice %select_n3A_856 {offsets = [0, 0], sizes = [32, 4], strides = [1, 1]} : vector<32x1024xf32> to vector<32x4xf32>
    %concatenate3A_877 = tpu.concatenate %slice3A_875, %slice3A_876 in 1 : vector<32x1020xf32>, vector<32x4xf32> -> vector<32x1024xf32>
    %select_n3A_878 = arith.select %ne3A_871, %concatenate3A_874, %concatenate3A_877 : vector<32x1024xi1>, vector<32x1024xf32>
    %slice3A_879 = vector.extract_strided_slice %select_n3A_857 {offsets = [0, 1020], sizes = [32, 4], strides = [1, 1]} : vector<32x1024xi32> to vector<32x4xi32>
    %slice3A_880 = vector.extract_strided_slice %select_n3A_857 {offsets = [0, 0], sizes = [32, 1020], strides = [1, 1]} : vector<32x1024xi32> to vector<32x1020xi32>
    %concatenate3A_881 = tpu.concatenate %slice3A_879, %slice3A_880 in 1 : vector<32x4xi32>, vector<32x1020xi32> -> vector<32x1024xi32>
    %slice3A_882 = vector.extract_strided_slice %select_n3A_857 {offsets = [0, 4], sizes = [32, 1020], strides = [1, 1]} : vector<32x1024xi32> to vector<32x1020xi32>
    %slice3A_883 = vector.extract_strided_slice %select_n3A_857 {offsets = [0, 0], sizes = [32, 4], strides = [1, 1]} : vector<32x1024xi32> to vector<32x4xi32>
    %concatenate3A_884 = tpu.concatenate %slice3A_882, %slice3A_883 in 1 : vector<32x1020xi32>, vector<32x4xi32> -> vector<32x1024xi32>
    %select_n3A_885 = arith.select %ne3A_871, %concatenate3A_881, %concatenate3A_884 : vector<32x1024xi1>, vector<32x1024xi32>
    %not3A_886 = arith.constant dense<true> : vector<32x1024xi1>
    %not3A_887 = arith.xori %ne3A_871, %not3A_886 : vector<32x1024xi1>
    %gt3A_888 = arith.cmpf ogt, %select_n3A_856, %select_n3A_878 : vector<32x1024xf32>
    %eq3A_889 = arith.cmpf oeq, %select_n3A_856, %select_n3A_878 : vector<32x1024xf32>
    %lt3A_890 = arith.cmpi slt, %select_n3A_857, %select_n3A_885 : vector<32x1024xi32>
    %and3A_891 = arith.andi %eq3A_889, %lt3A_890 : vector<32x1024xi1>
    %or3A_892 = arith.ori %gt3A_888, %and3A_891 : vector<32x1024xi1>
    %eq3A_893 = arith.xori %or3A_892, %not3A_887 : vector<32x1024xi1>
    %eq3A_894 = arith.constant dense<true> : vector<32x1024xi1>
    %eq3A_895 = arith.xori %eq3A_893, %eq3A_894 : vector<32x1024xi1>
    %eq3A_896 = arith.xori %eq3A_895, %ne3A_864 : vector<32x1024xi1>
    %eq3A_897 = arith.constant dense<true> : vector<32x1024xi1>
    %eq3A_898 = arith.xori %eq3A_896, %eq3A_897 : vector<32x1024xi1>
    %select_n3A_899 = arith.select %eq3A_898, %select_n3A_856, %select_n3A_878 : vector<32x1024xi1>, vector<32x1024xf32>
    %select_n3A_900 = arith.select %eq3A_898, %select_n3A_857, %select_n3A_885 : vector<32x1024xi1>, vector<32x1024xi32>
    %and3A_901 = arith.constant 16 : i32
    %and3A_902 = vector.broadcast %and3A_901 : i32 to vector<32x1024xi32>
    %and3A_903 = arith.andi %iota3A_553, %and3A_902 : vector<32x1024xi32>
    %eq3A_904 = arith.constant 0 : i32
    %eq3A_905 = vector.broadcast %eq3A_904 : i32 to vector<32x1024xi32>
    %eq3A_906 = arith.cmpi eq, %and3A_903, %eq3A_905 : vector<32x1024xi32>
    %ne3A_907 = arith.xori %eq3A_906, %ne3A_564 : vector<32x1024xi1>
    %iota3A_908 = tpu.iota {dimensions = array<i32: 1>} : vector<32x1024xi32>
    %and3A_909 = arith.constant 2 : i32
    %and3A_910 = vector.broadcast %and3A_909 : i32 to vector<32x1024xi32>
    %and3A_911 = arith.andi %iota3A_908, %and3A_910 : vector<32x1024xi32>
    %ne3A_912 = arith.constant 0 : i32
    %ne3A_913 = vector.broadcast %ne3A_912 : i32 to vector<32x1024xi32>
    %ne3A_914 = arith.cmpi ne, %and3A_911, %ne3A_913 : vector<32x1024xi32>
    %slice3A_915 = vector.extract_strided_slice %select_n3A_899 {offsets = [0, 1022], sizes = [32, 2], strides = [1, 1]} : vector<32x1024xf32> to vector<32x2xf32>
    %slice3A_916 = vector.extract_strided_slice %select_n3A_899 {offsets = [0, 0], sizes = [32, 1022], strides = [1, 1]} : vector<32x1024xf32> to vector<32x1022xf32>
    %concatenate3A_917 = tpu.concatenate %slice3A_915, %slice3A_916 in 1 : vector<32x2xf32>, vector<32x1022xf32> -> vector<32x1024xf32>
    %slice3A_918 = vector.extract_strided_slice %select_n3A_899 {offsets = [0, 2], sizes = [32, 1022], strides = [1, 1]} : vector<32x1024xf32> to vector<32x1022xf32>
    %slice3A_919 = vector.extract_strided_slice %select_n3A_899 {offsets = [0, 0], sizes = [32, 2], strides = [1, 1]} : vector<32x1024xf32> to vector<32x2xf32>
    %concatenate3A_920 = tpu.concatenate %slice3A_918, %slice3A_919 in 1 : vector<32x1022xf32>, vector<32x2xf32> -> vector<32x1024xf32>
    %select_n3A_921 = arith.select %ne3A_914, %concatenate3A_917, %concatenate3A_920 : vector<32x1024xi1>, vector<32x1024xf32>
    %slice3A_922 = vector.extract_strided_slice %select_n3A_900 {offsets = [0, 1022], sizes = [32, 2], strides = [1, 1]} : vector<32x1024xi32> to vector<32x2xi32>
    %slice3A_923 = vector.extract_strided_slice %select_n3A_900 {offsets = [0, 0], sizes = [32, 1022], strides = [1, 1]} : vector<32x1024xi32> to vector<32x1022xi32>
    %concatenate3A_924 = tpu.concatenate %slice3A_922, %slice3A_923 in 1 : vector<32x2xi32>, vector<32x1022xi32> -> vector<32x1024xi32>
    %slice3A_925 = vector.extract_strided_slice %select_n3A_900 {offsets = [0, 2], sizes = [32, 1022], strides = [1, 1]} : vector<32x1024xi32> to vector<32x1022xi32>
    %slice3A_926 = vector.extract_strided_slice %select_n3A_900 {offsets = [0, 0], sizes = [32, 2], strides = [1, 1]} : vector<32x1024xi32> to vector<32x2xi32>
    %concatenate3A_927 = tpu.concatenate %slice3A_925, %slice3A_926 in 1 : vector<32x1022xi32>, vector<32x2xi32> -> vector<32x1024xi32>
    %select_n3A_928 = arith.select %ne3A_914, %concatenate3A_924, %concatenate3A_927 : vector<32x1024xi1>, vector<32x1024xi32>
    %not3A_929 = arith.constant dense<true> : vector<32x1024xi1>
    %not3A_930 = arith.xori %ne3A_914, %not3A_929 : vector<32x1024xi1>
    %gt3A_931 = arith.cmpf ogt, %select_n3A_899, %select_n3A_921 : vector<32x1024xf32>
    %eq3A_932 = arith.cmpf oeq, %select_n3A_899, %select_n3A_921 : vector<32x1024xf32>
    %lt3A_933 = arith.cmpi slt, %select_n3A_900, %select_n3A_928 : vector<32x1024xi32>
    %and3A_934 = arith.andi %eq3A_932, %lt3A_933 : vector<32x1024xi1>
    %or3A_935 = arith.ori %gt3A_931, %and3A_934 : vector<32x1024xi1>
    %eq3A_936 = arith.xori %or3A_935, %not3A_930 : vector<32x1024xi1>
    %eq3A_937 = arith.constant dense<true> : vector<32x1024xi1>
    %eq3A_938 = arith.xori %eq3A_936, %eq3A_937 : vector<32x1024xi1>
    %eq3A_939 = arith.xori %eq3A_938, %ne3A_907 : vector<32x1024xi1>
    %eq3A_940 = arith.constant dense<true> : vector<32x1024xi1>
    %eq3A_941 = arith.xori %eq3A_939, %eq3A_940 : vector<32x1024xi1>
    %select_n3A_942 = arith.select %eq3A_941, %select_n3A_899, %select_n3A_921 : vector<32x1024xi1>, vector<32x1024xf32>
    %select_n3A_943 = arith.select %eq3A_941, %select_n3A_900, %select_n3A_928 : vector<32x1024xi1>, vector<32x1024xi32>
    %and3A_944 = arith.constant 16 : i32
    %and3A_945 = vector.broadcast %and3A_944 : i32 to vector<32x1024xi32>
    %and3A_946 = arith.andi %iota3A_553, %and3A_945 : vector<32x1024xi32>
    %eq3A_947 = arith.constant 0 : i32
    %eq3A_948 = vector.broadcast %eq3A_947 : i32 to vector<32x1024xi32>
    %eq3A_949 = arith.cmpi eq, %and3A_946, %eq3A_948 : vector<32x1024xi32>
    %ne3A_950 = arith.xori %eq3A_949, %ne3A_564 : vector<32x1024xi1>
    %iota3A_951 = tpu.iota {dimensions = array<i32: 1>} : vector<32x1024xi32>
    %and3A_952 = arith.constant 1 : i32
    %and3A_953 = vector.broadcast %and3A_952 : i32 to vector<32x1024xi32>
    %and3A_954 = arith.andi %iota3A_951, %and3A_953 : vector<32x1024xi32>
    %ne3A_955 = arith.constant 0 : i32
    %ne3A_956 = vector.broadcast %ne3A_955 : i32 to vector<32x1024xi32>
    %ne3A_957 = arith.cmpi ne, %and3A_954, %ne3A_956 : vector<32x1024xi32>
    %slice3A_958 = vector.extract_strided_slice %select_n3A_942 {offsets = [0, 1023], sizes = [32, 1], strides = [1, 1]} : vector<32x1024xf32> to vector<32x1xf32>
    %slice3A_959 = vector.extract_strided_slice %select_n3A_942 {offsets = [0, 0], sizes = [32, 1023], strides = [1, 1]} : vector<32x1024xf32> to vector<32x1023xf32>
    %concatenate3A_960 = tpu.concatenate %slice3A_958, %slice3A_959 in 1 : vector<32x1xf32>, vector<32x1023xf32> -> vector<32x1024xf32>
    %slice3A_961 = vector.extract_strided_slice %select_n3A_942 {offsets = [0, 1], sizes = [32, 1023], strides = [1, 1]} : vector<32x1024xf32> to vector<32x1023xf32>
    %slice3A_962 = vector.extract_strided_slice %select_n3A_942 {offsets = [0, 0], sizes = [32, 1], strides = [1, 1]} : vector<32x1024xf32> to vector<32x1xf32>
    %concatenate3A_963 = tpu.concatenate %slice3A_961, %slice3A_962 in 1 : vector<32x1023xf32>, vector<32x1xf32> -> vector<32x1024xf32>
    %select_n3A_964 = arith.select %ne3A_957, %concatenate3A_960, %concatenate3A_963 : vector<32x1024xi1>, vector<32x1024xf32>
    %slice3A_965 = vector.extract_strided_slice %select_n3A_943 {offsets = [0, 1023], sizes = [32, 1], strides = [1, 1]} : vector<32x1024xi32> to vector<32x1xi32>
    %slice3A_966 = vector.extract_strided_slice %select_n3A_943 {offsets = [0, 0], sizes = [32, 1023], strides = [1, 1]} : vector<32x1024xi32> to vector<32x1023xi32>
    %concatenate3A_967 = tpu.concatenate %slice3A_965, %slice3A_966 in 1 : vector<32x1xi32>, vector<32x1023xi32> -> vector<32x1024xi32>
    %slice3A_968 = vector.extract_strided_slice %select_n3A_943 {offsets = [0, 1], sizes = [32, 1023], strides = [1, 1]} : vector<32x1024xi32> to vector<32x1023xi32>
    %slice3A_969 = vector.extract_strided_slice %select_n3A_943 {offsets = [0, 0], sizes = [32, 1], strides = [1, 1]} : vector<32x1024xi32> to vector<32x1xi32>
    %concatenate3A_970 = tpu.concatenate %slice3A_968, %slice3A_969 in 1 : vector<32x1023xi32>, vector<32x1xi32> -> vector<32x1024xi32>
    %select_n3A_971 = arith.select %ne3A_957, %concatenate3A_967, %concatenate3A_970 : vector<32x1024xi1>, vector<32x1024xi32>
    %not3A_972 = arith.constant dense<true> : vector<32x1024xi1>
    %not3A_973 = arith.xori %ne3A_957, %not3A_972 : vector<32x1024xi1>
    %gt3A_974 = arith.cmpf ogt, %select_n3A_942, %select_n3A_964 : vector<32x1024xf32>
    %eq3A_975 = arith.cmpf oeq, %select_n3A_942, %select_n3A_964 : vector<32x1024xf32>
    %lt3A_976 = arith.cmpi slt, %select_n3A_943, %select_n3A_971 : vector<32x1024xi32>
    %and3A_977 = arith.andi %eq3A_975, %lt3A_976 : vector<32x1024xi1>
    %or3A_978 = arith.ori %gt3A_974, %and3A_977 : vector<32x1024xi1>
    %eq3A_979 = arith.xori %or3A_978, %not3A_973 : vector<32x1024xi1>
    %eq3A_980 = arith.constant dense<true> : vector<32x1024xi1>
    %eq3A_981 = arith.xori %eq3A_979, %eq3A_980 : vector<32x1024xi1>
    %eq3A_982 = arith.xori %eq3A_981, %ne3A_950 : vector<32x1024xi1>
    %eq3A_983 = arith.constant dense<true> : vector<32x1024xi1>
    %eq3A_984 = arith.xori %eq3A_982, %eq3A_983 : vector<32x1024xi1>
    %select_n3A_985 = arith.select %eq3A_984, %select_n3A_942, %select_n3A_964 : vector<32x1024xi1>, vector<32x1024xf32>
    %select_n3A_986 = arith.select %eq3A_984, %select_n3A_943, %select_n3A_971 : vector<32x1024xi1>, vector<32x1024xi32>
    %and3A_987 = arith.constant 32 : i32
    %and3A_988 = vector.broadcast %and3A_987 : i32 to vector<32x1024xi32>
    %and3A_989 = arith.andi %iota3A_553, %and3A_988 : vector<32x1024xi32>
    %eq3A_990 = arith.constant 0 : i32
    %eq3A_991 = vector.broadcast %eq3A_990 : i32 to vector<32x1024xi32>
    %eq3A_992 = arith.cmpi eq, %and3A_989, %eq3A_991 : vector<32x1024xi32>
    %ne3A_993 = arith.xori %eq3A_992, %ne3A_564 : vector<32x1024xi1>
    %iota3A_994 = tpu.iota {dimensions = array<i32: 1>} : vector<32x1024xi32>
    %and3A_995 = arith.constant 16 : i32
    %and3A_996 = vector.broadcast %and3A_995 : i32 to vector<32x1024xi32>
    %and3A_997 = arith.andi %iota3A_994, %and3A_996 : vector<32x1024xi32>
    %ne3A_998 = arith.constant 0 : i32
    %ne3A_999 = vector.broadcast %ne3A_998 : i32 to vector<32x1024xi32>
    %ne3A_1000 = arith.cmpi ne, %and3A_997, %ne3A_999 : vector<32x1024xi32>
    %slice3A_1001 = vector.extract_strided_slice %select_n3A_985 {offsets = [0, 1008], sizes = [32, 16], strides = [1, 1]} : vector<32x1024xf32> to vector<32x16xf32>
    %slice3A_1002 = vector.extract_strided_slice %select_n3A_985 {offsets = [0, 0], sizes = [32, 1008], strides = [1, 1]} : vector<32x1024xf32> to vector<32x1008xf32>
    %concatenate3A_1003 = tpu.concatenate %slice3A_1001, %slice3A_1002 in 1 : vector<32x16xf32>, vector<32x1008xf32> -> vector<32x1024xf32>
    %slice3A_1004 = vector.extract_strided_slice %select_n3A_985 {offsets = [0, 16], sizes = [32, 1008], strides = [1, 1]} : vector<32x1024xf32> to vector<32x1008xf32>
    %slice3A_1005 = vector.extract_strided_slice %select_n3A_985 {offsets = [0, 0], sizes = [32, 16], strides = [1, 1]} : vector<32x1024xf32> to vector<32x16xf32>
    %concatenate3A_1006 = tpu.concatenate %slice3A_1004, %slice3A_1005 in 1 : vector<32x1008xf32>, vector<32x16xf32> -> vector<32x1024xf32>
    %select_n3A_1007 = arith.select %ne3A_1000, %concatenate3A_1003, %concatenate3A_1006 : vector<32x1024xi1>, vector<32x1024xf32>
    %slice3A_1008 = vector.extract_strided_slice %select_n3A_986 {offsets = [0, 1008], sizes = [32, 16], strides = [1, 1]} : vector<32x1024xi32> to vector<32x16xi32>
    %slice3A_1009 = vector.extract_strided_slice %select_n3A_986 {offsets = [0, 0], sizes = [32, 1008], strides = [1, 1]} : vector<32x1024xi32> to vector<32x1008xi32>
    %concatenate3A_1010 = tpu.concatenate %slice3A_1008, %slice3A_1009 in 1 : vector<32x16xi32>, vector<32x1008xi32> -> vector<32x1024xi32>
    %slice3A_1011 = vector.extract_strided_slice %select_n3A_986 {offsets = [0, 16], sizes = [32, 1008], strides = [1, 1]} : vector<32x1024xi32> to vector<32x1008xi32>
    %slice3A_1012 = vector.extract_strided_slice %select_n3A_986 {offsets = [0, 0], sizes = [32, 16], strides = [1, 1]} : vector<32x1024xi32> to vector<32x16xi32>
    %concatenate3A_1013 = tpu.concatenate %slice3A_1011, %slice3A_1012 in 1 : vector<32x1008xi32>, vector<32x16xi32> -> vector<32x1024xi32>
    %select_n3A_1014 = arith.select %ne3A_1000, %concatenate3A_1010, %concatenate3A_1013 : vector<32x1024xi1>, vector<32x1024xi32>
    %not3A_1015 = arith.constant dense<true> : vector<32x1024xi1>
    %not3A_1016 = arith.xori %ne3A_1000, %not3A_1015 : vector<32x1024xi1>
    %gt3A_1017 = arith.cmpf ogt, %select_n3A_985, %select_n3A_1007 : vector<32x1024xf32>
    %eq3A_1018 = arith.cmpf oeq, %select_n3A_985, %select_n3A_1007 : vector<32x1024xf32>
    %lt3A_1019 = arith.cmpi slt, %select_n3A_986, %select_n3A_1014 : vector<32x1024xi32>
    %and3A_1020 = arith.andi %eq3A_1018, %lt3A_1019 : vector<32x1024xi1>
    %or3A_1021 = arith.ori %gt3A_1017, %and3A_1020 : vector<32x1024xi1>
    %eq3A_1022 = arith.xori %or3A_1021, %not3A_1016 : vector<32x1024xi1>
    %eq3A_1023 = arith.constant dense<true> : vector<32x1024xi1>
    %eq3A_1024 = arith.xori %eq3A_1022, %eq3A_1023 : vector<32x1024xi1>
    %eq3A_1025 = arith.xori %eq3A_1024, %ne3A_993 : vector<32x1024xi1>
    %eq3A_1026 = arith.constant dense<true> : vector<32x1024xi1>
    %eq3A_1027 = arith.xori %eq3A_1025, %eq3A_1026 : vector<32x1024xi1>
    %select_n3A_1028 = arith.select %eq3A_1027, %select_n3A_985, %select_n3A_1007 : vector<32x1024xi1>, vector<32x1024xf32>
    %select_n3A_1029 = arith.select %eq3A_1027, %select_n3A_986, %select_n3A_1014 : vector<32x1024xi1>, vector<32x1024xi32>
    %and3A_1030 = arith.constant 32 : i32
    %and3A_1031 = vector.broadcast %and3A_1030 : i32 to vector<32x1024xi32>
    %and3A_1032 = arith.andi %iota3A_553, %and3A_1031 : vector<32x1024xi32>
    %eq3A_1033 = arith.constant 0 : i32
    %eq3A_1034 = vector.broadcast %eq3A_1033 : i32 to vector<32x1024xi32>
    %eq3A_1035 = arith.cmpi eq, %and3A_1032, %eq3A_1034 : vector<32x1024xi32>
    %ne3A_1036 = arith.xori %eq3A_1035, %ne3A_564 : vector<32x1024xi1>
    %iota3A_1037 = tpu.iota {dimensions = array<i32: 1>} : vector<32x1024xi32>
    %and3A_1038 = arith.constant 8 : i32
    %and3A_1039 = vector.broadcast %and3A_1038 : i32 to vector<32x1024xi32>
    %and3A_1040 = arith.andi %iota3A_1037, %and3A_1039 : vector<32x1024xi32>
    %ne3A_1041 = arith.constant 0 : i32
    %ne3A_1042 = vector.broadcast %ne3A_1041 : i32 to vector<32x1024xi32>
    %ne3A_1043 = arith.cmpi ne, %and3A_1040, %ne3A_1042 : vector<32x1024xi32>
    %slice3A_1044 = vector.extract_strided_slice %select_n3A_1028 {offsets = [0, 1016], sizes = [32, 8], strides = [1, 1]} : vector<32x1024xf32> to vector<32x8xf32>
    %slice3A_1045 = vector.extract_strided_slice %select_n3A_1028 {offsets = [0, 0], sizes = [32, 1016], strides = [1, 1]} : vector<32x1024xf32> to vector<32x1016xf32>
    %concatenate3A_1046 = tpu.concatenate %slice3A_1044, %slice3A_1045 in 1 : vector<32x8xf32>, vector<32x1016xf32> -> vector<32x1024xf32>
    %slice3A_1047 = vector.extract_strided_slice %select_n3A_1028 {offsets = [0, 8], sizes = [32, 1016], strides = [1, 1]} : vector<32x1024xf32> to vector<32x1016xf32>
    %slice3A_1048 = vector.extract_strided_slice %select_n3A_1028 {offsets = [0, 0], sizes = [32, 8], strides = [1, 1]} : vector<32x1024xf32> to vector<32x8xf32>
    %concatenate3A_1049 = tpu.concatenate %slice3A_1047, %slice3A_1048 in 1 : vector<32x1016xf32>, vector<32x8xf32> -> vector<32x1024xf32>
    %select_n3A_1050 = arith.select %ne3A_1043, %concatenate3A_1046, %concatenate3A_1049 : vector<32x1024xi1>, vector<32x1024xf32>
    %slice3A_1051 = vector.extract_strided_slice %select_n3A_1029 {offsets = [0, 1016], sizes = [32, 8], strides = [1, 1]} : vector<32x1024xi32> to vector<32x8xi32>
    %slice3A_1052 = vector.extract_strided_slice %select_n3A_1029 {offsets = [0, 0], sizes = [32, 1016], strides = [1, 1]} : vector<32x1024xi32> to vector<32x1016xi32>
    %concatenate3A_1053 = tpu.concatenate %slice3A_1051, %slice3A_1052 in 1 : vector<32x8xi32>, vector<32x1016xi32> -> vector<32x1024xi32>
    %slice3A_1054 = vector.extract_strided_slice %select_n3A_1029 {offsets = [0, 8], sizes = [32, 1016], strides = [1, 1]} : vector<32x1024xi32> to vector<32x1016xi32>
    %slice3A_1055 = vector.extract_strided_slice %select_n3A_1029 {offsets = [0, 0], sizes = [32, 8], strides = [1, 1]} : vector<32x1024xi32> to vector<32x8xi32>
    %concatenate3A_1056 = tpu.concatenate %slice3A_1054, %slice3A_1055 in 1 : vector<32x1016xi32>, vector<32x8xi32> -> vector<32x1024xi32>
    %select_n3A_1057 = arith.select %ne3A_1043, %concatenate3A_1053, %concatenate3A_1056 : vector<32x1024xi1>, vector<32x1024xi32>
    %not3A_1058 = arith.constant dense<true> : vector<32x1024xi1>
    %not3A_1059 = arith.xori %ne3A_1043, %not3A_1058 : vector<32x1024xi1>
    %gt3A_1060 = arith.cmpf ogt, %select_n3A_1028, %select_n3A_1050 : vector<32x1024xf32>
    %eq3A_1061 = arith.cmpf oeq, %select_n3A_1028, %select_n3A_1050 : vector<32x1024xf32>
    %lt3A_1062 = arith.cmpi slt, %select_n3A_1029, %select_n3A_1057 : vector<32x1024xi32>
    %and3A_1063 = arith.andi %eq3A_1061, %lt3A_1062 : vector<32x1024xi1>
    %or3A_1064 = arith.ori %gt3A_1060, %and3A_1063 : vector<32x1024xi1>
    %eq3A_1065 = arith.xori %or3A_1064, %not3A_1059 : vector<32x1024xi1>
    %eq3A_1066 = arith.constant dense<true> : vector<32x1024xi1>
    %eq3A_1067 = arith.xori %eq3A_1065, %eq3A_1066 : vector<32x1024xi1>
    %eq3A_1068 = arith.xori %eq3A_1067, %ne3A_1036 : vector<32x1024xi1>
    %eq3A_1069 = arith.constant dense<true> : vector<32x1024xi1>
    %eq3A_1070 = arith.xori %eq3A_1068, %eq3A_1069 : vector<32x1024xi1>
    %select_n3A_1071 = arith.select %eq3A_1070, %select_n3A_1028, %select_n3A_1050 : vector<32x1024xi1>, vector<32x1024xf32>
    %select_n3A_1072 = arith.select %eq3A_1070, %select_n3A_1029, %select_n3A_1057 : vector<32x1024xi1>, vector<32x1024xi32>
    %and3A_1073 = arith.constant 32 : i32
    %and3A_1074 = vector.broadcast %and3A_1073 : i32 to vector<32x1024xi32>
    %and3A_1075 = arith.andi %iota3A_553, %and3A_1074 : vector<32x1024xi32>
    %eq3A_1076 = arith.constant 0 : i32
    %eq3A_1077 = vector.broadcast %eq3A_1076 : i32 to vector<32x1024xi32>
    %eq3A_1078 = arith.cmpi eq, %and3A_1075, %eq3A_1077 : vector<32x1024xi32>
    %ne3A_1079 = arith.xori %eq3A_1078, %ne3A_564 : vector<32x1024xi1>
    %iota3A_1080 = tpu.iota {dimensions = array<i32: 1>} : vector<32x1024xi32>
    %and3A_1081 = arith.constant 4 : i32
    %and3A_1082 = vector.broadcast %and3A_1081 : i32 to vector<32x1024xi32>
    %and3A_1083 = arith.andi %iota3A_1080, %and3A_1082 : vector<32x1024xi32>
    %ne3A_1084 = arith.constant 0 : i32
    %ne3A_1085 = vector.broadcast %ne3A_1084 : i32 to vector<32x1024xi32>
    %ne3A_1086 = arith.cmpi ne, %and3A_1083, %ne3A_1085 : vector<32x1024xi32>
    %slice3A_1087 = vector.extract_strided_slice %select_n3A_1071 {offsets = [0, 1020], sizes = [32, 4], strides = [1, 1]} : vector<32x1024xf32> to vector<32x4xf32>
    %slice3A_1088 = vector.extract_strided_slice %select_n3A_1071 {offsets = [0, 0], sizes = [32, 1020], strides = [1, 1]} : vector<32x1024xf32> to vector<32x1020xf32>
    %concatenate3A_1089 = tpu.concatenate %slice3A_1087, %slice3A_1088 in 1 : vector<32x4xf32>, vector<32x1020xf32> -> vector<32x1024xf32>
    %slice3A_1090 = vector.extract_strided_slice %select_n3A_1071 {offsets = [0, 4], sizes = [32, 1020], strides = [1, 1]} : vector<32x1024xf32> to vector<32x1020xf32>
    %slice3A_1091 = vector.extract_strided_slice %select_n3A_1071 {offsets = [0, 0], sizes = [32, 4], strides = [1, 1]} : vector<32x1024xf32> to vector<32x4xf32>
    %concatenate3A_1092 = tpu.concatenate %slice3A_1090, %slice3A_1091 in 1 : vector<32x1020xf32>, vector<32x4xf32> -> vector<32x1024xf32>
    %select_n3A_1093 = arith.select %ne3A_1086, %concatenate3A_1089, %concatenate3A_1092 : vector<32x1024xi1>, vector<32x1024xf32>
    %slice3A_1094 = vector.extract_strided_slice %select_n3A_1072 {offsets = [0, 1020], sizes = [32, 4], strides = [1, 1]} : vector<32x1024xi32> to vector<32x4xi32>
    %slice3A_1095 = vector.extract_strided_slice %select_n3A_1072 {offsets = [0, 0], sizes = [32, 1020], strides = [1, 1]} : vector<32x1024xi32> to vector<32x1020xi32>
    %concatenate3A_1096 = tpu.concatenate %slice3A_1094, %slice3A_1095 in 1 : vector<32x4xi32>, vector<32x1020xi32> -> vector<32x1024xi32>
    %slice3A_1097 = vector.extract_strided_slice %select_n3A_1072 {offsets = [0, 4], sizes = [32, 1020], strides = [1, 1]} : vector<32x1024xi32> to vector<32x1020xi32>
    %slice3A_1098 = vector.extract_strided_slice %select_n3A_1072 {offsets = [0, 0], sizes = [32, 4], strides = [1, 1]} : vector<32x1024xi32> to vector<32x4xi32>
    %concatenate3A_1099 = tpu.concatenate %slice3A_1097, %slice3A_1098 in 1 : vector<32x1020xi32>, vector<32x4xi32> -> vector<32x1024xi32>
    %select_n3A_1100 = arith.select %ne3A_1086, %concatenate3A_1096, %concatenate3A_1099 : vector<32x1024xi1>, vector<32x1024xi32>
    %not3A_1101 = arith.constant dense<true> : vector<32x1024xi1>
    %not3A_1102 = arith.xori %ne3A_1086, %not3A_1101 : vector<32x1024xi1>
    %gt3A_1103 = arith.cmpf ogt, %select_n3A_1071, %select_n3A_1093 : vector<32x1024xf32>
    %eq3A_1104 = arith.cmpf oeq, %select_n3A_1071, %select_n3A_1093 : vector<32x1024xf32>
    %lt3A_1105 = arith.cmpi slt, %select_n3A_1072, %select_n3A_1100 : vector<32x1024xi32>
    %and3A_1106 = arith.andi %eq3A_1104, %lt3A_1105 : vector<32x1024xi1>
    %or3A_1107 = arith.ori %gt3A_1103, %and3A_1106 : vector<32x1024xi1>
    %eq3A_1108 = arith.xori %or3A_1107, %not3A_1102 : vector<32x1024xi1>
    %eq3A_1109 = arith.constant dense<true> : vector<32x1024xi1>
    %eq3A_1110 = arith.xori %eq3A_1108, %eq3A_1109 : vector<32x1024xi1>
    %eq3A_1111 = arith.xori %eq3A_1110, %ne3A_1079 : vector<32x1024xi1>
    %eq3A_1112 = arith.constant dense<true> : vector<32x1024xi1>
    %eq3A_1113 = arith.xori %eq3A_1111, %eq3A_1112 : vector<32x1024xi1>
    %select_n3A_1114 = arith.select %eq3A_1113, %select_n3A_1071, %select_n3A_1093 : vector<32x1024xi1>, vector<32x1024xf32>
    %select_n3A_1115 = arith.select %eq3A_1113, %select_n3A_1072, %select_n3A_1100 : vector<32x1024xi1>, vector<32x1024xi32>
    %and3A_1116 = arith.constant 32 : i32
    %and3A_1117 = vector.broadcast %and3A_1116 : i32 to vector<32x1024xi32>
    %and3A_1118 = arith.andi %iota3A_553, %and3A_1117 : vector<32x1024xi32>
    %eq3A_1119 = arith.constant 0 : i32
    %eq3A_1120 = vector.broadcast %eq3A_1119 : i32 to vector<32x1024xi32>
    %eq3A_1121 = arith.cmpi eq, %and3A_1118, %eq3A_1120 : vector<32x1024xi32>
    %ne3A_1122 = arith.xori %eq3A_1121, %ne3A_564 : vector<32x1024xi1>
    %iota3A_1123 = tpu.iota {dimensions = array<i32: 1>} : vector<32x1024xi32>
    %and3A_1124 = arith.constant 2 : i32
    %and3A_1125 = vector.broadcast %and3A_1124 : i32 to vector<32x1024xi32>
    %and3A_1126 = arith.andi %iota3A_1123, %and3A_1125 : vector<32x1024xi32>
    %ne3A_1127 = arith.constant 0 : i32
    %ne3A_1128 = vector.broadcast %ne3A_1127 : i32 to vector<32x1024xi32>
    %ne3A_1129 = arith.cmpi ne, %and3A_1126, %ne3A_1128 : vector<32x1024xi32>
    %slice3A_1130 = vector.extract_strided_slice %select_n3A_1114 {offsets = [0, 1022], sizes = [32, 2], strides = [1, 1]} : vector<32x1024xf32> to vector<32x2xf32>
    %slice3A_1131 = vector.extract_strided_slice %select_n3A_1114 {offsets = [0, 0], sizes = [32, 1022], strides = [1, 1]} : vector<32x1024xf32> to vector<32x1022xf32>
    %concatenate3A_1132 = tpu.concatenate %slice3A_1130, %slice3A_1131 in 1 : vector<32x2xf32>, vector<32x1022xf32> -> vector<32x1024xf32>
    %slice3A_1133 = vector.extract_strided_slice %select_n3A_1114 {offsets = [0, 2], sizes = [32, 1022], strides = [1, 1]} : vector<32x1024xf32> to vector<32x1022xf32>
    %slice3A_1134 = vector.extract_strided_slice %select_n3A_1114 {offsets = [0, 0], sizes = [32, 2], strides = [1, 1]} : vector<32x1024xf32> to vector<32x2xf32>
    %concatenate3A_1135 = tpu.concatenate %slice3A_1133, %slice3A_1134 in 1 : vector<32x1022xf32>, vector<32x2xf32> -> vector<32x1024xf32>
    %select_n3A_1136 = arith.select %ne3A_1129, %concatenate3A_1132, %concatenate3A_1135 : vector<32x1024xi1>, vector<32x1024xf32>
    %slice3A_1137 = vector.extract_strided_slice %select_n3A_1115 {offsets = [0, 1022], sizes = [32, 2], strides = [1, 1]} : vector<32x1024xi32> to vector<32x2xi32>
    %slice3A_1138 = vector.extract_strided_slice %select_n3A_1115 {offsets = [0, 0], sizes = [32, 1022], strides = [1, 1]} : vector<32x1024xi32> to vector<32x1022xi32>
    %concatenate3A_1139 = tpu.concatenate %slice3A_1137, %slice3A_1138 in 1 : vector<32x2xi32>, vector<32x1022xi32> -> vector<32x1024xi32>
    %slice3A_1140 = vector.extract_strided_slice %select_n3A_1115 {offsets = [0, 2], sizes = [32, 1022], strides = [1, 1]} : vector<32x1024xi32> to vector<32x1022xi32>
    %slice3A_1141 = vector.extract_strided_slice %select_n3A_1115 {offsets = [0, 0], sizes = [32, 2], strides = [1, 1]} : vector<32x1024xi32> to vector<32x2xi32>
    %concatenate3A_1142 = tpu.concatenate %slice3A_1140, %slice3A_1141 in 1 : vector<32x1022xi32>, vector<32x2xi32> -> vector<32x1024xi32>
    %select_n3A_1143 = arith.select %ne3A_1129, %concatenate3A_1139, %concatenate3A_1142 : vector<32x1024xi1>, vector<32x1024xi32>
    %not3A_1144 = arith.constant dense<true> : vector<32x1024xi1>
    %not3A_1145 = arith.xori %ne3A_1129, %not3A_1144 : vector<32x1024xi1>
    %gt3A_1146 = arith.cmpf ogt, %select_n3A_1114, %select_n3A_1136 : vector<32x1024xf32>
    %eq3A_1147 = arith.cmpf oeq, %select_n3A_1114, %select_n3A_1136 : vector<32x1024xf32>
    %lt3A_1148 = arith.cmpi slt, %select_n3A_1115, %select_n3A_1143 : vector<32x1024xi32>
    %and3A_1149 = arith.andi %eq3A_1147, %lt3A_1148 : vector<32x1024xi1>
    %or3A_1150 = arith.ori %gt3A_1146, %and3A_1149 : vector<32x1024xi1>
    %eq3A_1151 = arith.xori %or3A_1150, %not3A_1145 : vector<32x1024xi1>
    %eq3A_1152 = arith.constant dense<true> : vector<32x1024xi1>
    %eq3A_1153 = arith.xori %eq3A_1151, %eq3A_1152 : vector<32x1024xi1>
    %eq3A_1154 = arith.xori %eq3A_1153, %ne3A_1122 : vector<32x1024xi1>
    %eq3A_1155 = arith.constant dense<true> : vector<32x1024xi1>
    %eq3A_1156 = arith.xori %eq3A_1154, %eq3A_1155 : vector<32x1024xi1>
    %select_n3A_1157 = arith.select %eq3A_1156, %select_n3A_1114, %select_n3A_1136 : vector<32x1024xi1>, vector<32x1024xf32>
    %select_n3A_1158 = arith.select %eq3A_1156, %select_n3A_1115, %select_n3A_1143 : vector<32x1024xi1>, vector<32x1024xi32>
    %and3A_1159 = arith.constant 32 : i32
    %and3A_1160 = vector.broadcast %and3A_1159 : i32 to vector<32x1024xi32>
    %and3A_1161 = arith.andi %iota3A_553, %and3A_1160 : vector<32x1024xi32>
    %eq3A_1162 = arith.constant 0 : i32
    %eq3A_1163 = vector.broadcast %eq3A_1162 : i32 to vector<32x1024xi32>
    %eq3A_1164 = arith.cmpi eq, %and3A_1161, %eq3A_1163 : vector<32x1024xi32>
    %ne3A_1165 = arith.xori %eq3A_1164, %ne3A_564 : vector<32x1024xi1>
    %iota3A_1166 = tpu.iota {dimensions = array<i32: 1>} : vector<32x1024xi32>
    %and3A_1167 = arith.constant 1 : i32
    %and3A_1168 = vector.broadcast %and3A_1167 : i32 to vector<32x1024xi32>
    %and3A_1169 = arith.andi %iota3A_1166, %and3A_1168 : vector<32x1024xi32>
    %ne3A_1170 = arith.constant 0 : i32
    %ne3A_1171 = vector.broadcast %ne3A_1170 : i32 to vector<32x1024xi32>
    %ne3A_1172 = arith.cmpi ne, %and3A_1169, %ne3A_1171 : vector<32x1024xi32>
    %slice3A_1173 = vector.extract_strided_slice %select_n3A_1157 {offsets = [0, 1023], sizes = [32, 1], strides = [1, 1]} : vector<32x1024xf32> to vector<32x1xf32>
    %slice3A_1174 = vector.extract_strided_slice %select_n3A_1157 {offsets = [0, 0], sizes = [32, 1023], strides = [1, 1]} : vector<32x1024xf32> to vector<32x1023xf32>
    %concatenate3A_1175 = tpu.concatenate %slice3A_1173, %slice3A_1174 in 1 : vector<32x1xf32>, vector<32x1023xf32> -> vector<32x1024xf32>
    %slice3A_1176 = vector.extract_strided_slice %select_n3A_1157 {offsets = [0, 1], sizes = [32, 1023], strides = [1, 1]} : vector<32x1024xf32> to vector<32x1023xf32>
    %slice3A_1177 = vector.extract_strided_slice %select_n3A_1157 {offsets = [0, 0], sizes = [32, 1], strides = [1, 1]} : vector<32x1024xf32> to vector<32x1xf32>
    %concatenate3A_1178 = tpu.concatenate %slice3A_1176, %slice3A_1177 in 1 : vector<32x1023xf32>, vector<32x1xf32> -> vector<32x1024xf32>
    %select_n3A_1179 = arith.select %ne3A_1172, %concatenate3A_1175, %concatenate3A_1178 : vector<32x1024xi1>, vector<32x1024xf32>
    %slice3A_1180 = vector.extract_strided_slice %select_n3A_1158 {offsets = [0, 1023], sizes = [32, 1], strides = [1, 1]} : vector<32x1024xi32> to vector<32x1xi32>
    %slice3A_1181 = vector.extract_strided_slice %select_n3A_1158 {offsets = [0, 0], sizes = [32, 1023], strides = [1, 1]} : vector<32x1024xi32> to vector<32x1023xi32>
    %concatenate3A_1182 = tpu.concatenate %slice3A_1180, %slice3A_1181 in 1 : vector<32x1xi32>, vector<32x1023xi32> -> vector<32x1024xi32>
    %slice3A_1183 = vector.extract_strided_slice %select_n3A_1158 {offsets = [0, 1], sizes = [32, 1023], strides = [1, 1]} : vector<32x1024xi32> to vector<32x1023xi32>
    %slice3A_1184 = vector.extract_strided_slice %select_n3A_1158 {offsets = [0, 0], sizes = [32, 1], strides = [1, 1]} : vector<32x1024xi32> to vector<32x1xi32>
    %concatenate3A_1185 = tpu.concatenate %slice3A_1183, %slice3A_1184 in 1 : vector<32x1023xi32>, vector<32x1xi32> -> vector<32x1024xi32>
    %select_n3A_1186 = arith.select %ne3A_1172, %concatenate3A_1182, %concatenate3A_1185 : vector<32x1024xi1>, vector<32x1024xi32>
    %not3A_1187 = arith.constant dense<true> : vector<32x1024xi1>
    %not3A_1188 = arith.xori %ne3A_1172, %not3A_1187 : vector<32x1024xi1>
    %gt3A_1189 = arith.cmpf ogt, %select_n3A_1157, %select_n3A_1179 : vector<32x1024xf32>
    %eq3A_1190 = arith.cmpf oeq, %select_n3A_1157, %select_n3A_1179 : vector<32x1024xf32>
    %lt3A_1191 = arith.cmpi slt, %select_n3A_1158, %select_n3A_1186 : vector<32x1024xi32>
    %and3A_1192 = arith.andi %eq3A_1190, %lt3A_1191 : vector<32x1024xi1>
    %or3A_1193 = arith.ori %gt3A_1189, %and3A_1192 : vector<32x1024xi1>
    %eq3A_1194 = arith.xori %or3A_1193, %not3A_1188 : vector<32x1024xi1>
    %eq3A_1195 = arith.constant dense<true> : vector<32x1024xi1>
    %eq3A_1196 = arith.xori %eq3A_1194, %eq3A_1195 : vector<32x1024xi1>
    %eq3A_1197 = arith.xori %eq3A_1196, %ne3A_1165 : vector<32x1024xi1>
    %eq3A_1198 = arith.constant dense<true> : vector<32x1024xi1>
    %eq3A_1199 = arith.xori %eq3A_1197, %eq3A_1198 : vector<32x1024xi1>
    %select_n3A_1200 = arith.select %eq3A_1199, %select_n3A_1157, %select_n3A_1179 : vector<32x1024xi1>, vector<32x1024xf32>
    %select_n3A_1201 = arith.select %eq3A_1199, %select_n3A_1158, %select_n3A_1186 : vector<32x1024xi1>, vector<32x1024xi32>
    %and3A_1202 = arith.constant 64 : i32
    %and3A_1203 = vector.broadcast %and3A_1202 : i32 to vector<32x1024xi32>
    %and3A_1204 = arith.andi %iota3A_553, %and3A_1203 : vector<32x1024xi32>
    %eq3A_1205 = arith.constant 0 : i32
    %eq3A_1206 = vector.broadcast %eq3A_1205 : i32 to vector<32x1024xi32>
    %eq3A_1207 = arith.cmpi eq, %and3A_1204, %eq3A_1206 : vector<32x1024xi32>
    %ne3A_1208 = arith.xori %eq3A_1207, %ne3A_564 : vector<32x1024xi1>
    %iota3A_1209 = tpu.iota {dimensions = array<i32: 1>} : vector<32x1024xi32>
    %and3A_1210 = arith.constant 32 : i32
    %and3A_1211 = vector.broadcast %and3A_1210 : i32 to vector<32x1024xi32>
    %and3A_1212 = arith.andi %iota3A_1209, %and3A_1211 : vector<32x1024xi32>
    %ne3A_1213 = arith.constant 0 : i32
    %ne3A_1214 = vector.broadcast %ne3A_1213 : i32 to vector<32x1024xi32>
    %ne3A_1215 = arith.cmpi ne, %and3A_1212, %ne3A_1214 : vector<32x1024xi32>
    %slice3A_1216 = vector.extract_strided_slice %select_n3A_1200 {offsets = [0, 992], sizes = [32, 32], strides = [1, 1]} : vector<32x1024xf32> to vector<32x32xf32>
    %slice3A_1217 = vector.extract_strided_slice %select_n3A_1200 {offsets = [0, 0], sizes = [32, 992], strides = [1, 1]} : vector<32x1024xf32> to vector<32x992xf32>
    %concatenate3A_1218 = tpu.concatenate %slice3A_1216, %slice3A_1217 in 1 : vector<32x32xf32>, vector<32x992xf32> -> vector<32x1024xf32>
    %slice3A_1219 = vector.extract_strided_slice %select_n3A_1200 {offsets = [0, 32], sizes = [32, 992], strides = [1, 1]} : vector<32x1024xf32> to vector<32x992xf32>
    %slice3A_1220 = vector.extract_strided_slice %select_n3A_1200 {offsets = [0, 0], sizes = [32, 32], strides = [1, 1]} : vector<32x1024xf32> to vector<32x32xf32>
    %concatenate3A_1221 = tpu.concatenate %slice3A_1219, %slice3A_1220 in 1 : vector<32x992xf32>, vector<32x32xf32> -> vector<32x1024xf32>
    %select_n3A_1222 = arith.select %ne3A_1215, %concatenate3A_1218, %concatenate3A_1221 : vector<32x1024xi1>, vector<32x1024xf32>
    %slice3A_1223 = vector.extract_strided_slice %select_n3A_1201 {offsets = [0, 992], sizes = [32, 32], strides = [1, 1]} : vector<32x1024xi32> to vector<32x32xi32>
    %slice3A_1224 = vector.extract_strided_slice %select_n3A_1201 {offsets = [0, 0], sizes = [32, 992], strides = [1, 1]} : vector<32x1024xi32> to vector<32x992xi32>
    %concatenate3A_1225 = tpu.concatenate %slice3A_1223, %slice3A_1224 in 1 : vector<32x32xi32>, vector<32x992xi32> -> vector<32x1024xi32>
    %slice3A_1226 = vector.extract_strided_slice %select_n3A_1201 {offsets = [0, 32], sizes = [32, 992], strides = [1, 1]} : vector<32x1024xi32> to vector<32x992xi32>
    %slice3A_1227 = vector.extract_strided_slice %select_n3A_1201 {offsets = [0, 0], sizes = [32, 32], strides = [1, 1]} : vector<32x1024xi32> to vector<32x32xi32>
    %concatenate3A_1228 = tpu.concatenate %slice3A_1226, %slice3A_1227 in 1 : vector<32x992xi32>, vector<32x32xi32> -> vector<32x1024xi32>
    %select_n3A_1229 = arith.select %ne3A_1215, %concatenate3A_1225, %concatenate3A_1228 : vector<32x1024xi1>, vector<32x1024xi32>
    %not3A_1230 = arith.constant dense<true> : vector<32x1024xi1>
    %not3A_1231 = arith.xori %ne3A_1215, %not3A_1230 : vector<32x1024xi1>
    %gt3A_1232 = arith.cmpf ogt, %select_n3A_1200, %select_n3A_1222 : vector<32x1024xf32>
    %eq3A_1233 = arith.cmpf oeq, %select_n3A_1200, %select_n3A_1222 : vector<32x1024xf32>
    %lt3A_1234 = arith.cmpi slt, %select_n3A_1201, %select_n3A_1229 : vector<32x1024xi32>
    %and3A_1235 = arith.andi %eq3A_1233, %lt3A_1234 : vector<32x1024xi1>
    %or3A_1236 = arith.ori %gt3A_1232, %and3A_1235 : vector<32x1024xi1>
    %eq3A_1237 = arith.xori %or3A_1236, %not3A_1231 : vector<32x1024xi1>
    %eq3A_1238 = arith.constant dense<true> : vector<32x1024xi1>
    %eq3A_1239 = arith.xori %eq3A_1237, %eq3A_1238 : vector<32x1024xi1>
    %eq3A_1240 = arith.xori %eq3A_1239, %ne3A_1208 : vector<32x1024xi1>
    %eq3A_1241 = arith.constant dense<true> : vector<32x1024xi1>
    %eq3A_1242 = arith.xori %eq3A_1240, %eq3A_1241 : vector<32x1024xi1>
    %select_n3A_1243 = arith.select %eq3A_1242, %select_n3A_1200, %select_n3A_1222 : vector<32x1024xi1>, vector<32x1024xf32>
    %select_n3A_1244 = arith.select %eq3A_1242, %select_n3A_1201, %select_n3A_1229 : vector<32x1024xi1>, vector<32x1024xi32>
    %and3A_1245 = arith.constant 64 : i32
    %and3A_1246 = vector.broadcast %and3A_1245 : i32 to vector<32x1024xi32>
    %and3A_1247 = arith.andi %iota3A_553, %and3A_1246 : vector<32x1024xi32>
    %eq3A_1248 = arith.constant 0 : i32
    %eq3A_1249 = vector.broadcast %eq3A_1248 : i32 to vector<32x1024xi32>
    %eq3A_1250 = arith.cmpi eq, %and3A_1247, %eq3A_1249 : vector<32x1024xi32>
    %ne3A_1251 = arith.xori %eq3A_1250, %ne3A_564 : vector<32x1024xi1>
    %iota3A_1252 = tpu.iota {dimensions = array<i32: 1>} : vector<32x1024xi32>
    %and3A_1253 = arith.constant 16 : i32
    %and3A_1254 = vector.broadcast %and3A_1253 : i32 to vector<32x1024xi32>
    %and3A_1255 = arith.andi %iota3A_1252, %and3A_1254 : vector<32x1024xi32>
    %ne3A_1256 = arith.constant 0 : i32
    %ne3A_1257 = vector.broadcast %ne3A_1256 : i32 to vector<32x1024xi32>
    %ne3A_1258 = arith.cmpi ne, %and3A_1255, %ne3A_1257 : vector<32x1024xi32>
    %slice3A_1259 = vector.extract_strided_slice %select_n3A_1243 {offsets = [0, 1008], sizes = [32, 16], strides = [1, 1]} : vector<32x1024xf32> to vector<32x16xf32>
    %slice3A_1260 = vector.extract_strided_slice %select_n3A_1243 {offsets = [0, 0], sizes = [32, 1008], strides = [1, 1]} : vector<32x1024xf32> to vector<32x1008xf32>
    %concatenate3A_1261 = tpu.concatenate %slice3A_1259, %slice3A_1260 in 1 : vector<32x16xf32>, vector<32x1008xf32> -> vector<32x1024xf32>
    %slice3A_1262 = vector.extract_strided_slice %select_n3A_1243 {offsets = [0, 16], sizes = [32, 1008], strides = [1, 1]} : vector<32x1024xf32> to vector<32x1008xf32>
    %slice3A_1263 = vector.extract_strided_slice %select_n3A_1243 {offsets = [0, 0], sizes = [32, 16], strides = [1, 1]} : vector<32x1024xf32> to vector<32x16xf32>
    %concatenate3A_1264 = tpu.concatenate %slice3A_1262, %slice3A_1263 in 1 : vector<32x1008xf32>, vector<32x16xf32> -> vector<32x1024xf32>
    %select_n3A_1265 = arith.select %ne3A_1258, %concatenate3A_1261, %concatenate3A_1264 : vector<32x1024xi1>, vector<32x1024xf32>
    %slice3A_1266 = vector.extract_strided_slice %select_n3A_1244 {offsets = [0, 1008], sizes = [32, 16], strides = [1, 1]} : vector<32x1024xi32> to vector<32x16xi32>
    %slice3A_1267 = vector.extract_strided_slice %select_n3A_1244 {offsets = [0, 0], sizes = [32, 1008], strides = [1, 1]} : vector<32x1024xi32> to vector<32x1008xi32>
    %concatenate3A_1268 = tpu.concatenate %slice3A_1266, %slice3A_1267 in 1 : vector<32x16xi32>, vector<32x1008xi32> -> vector<32x1024xi32>
    %slice3A_1269 = vector.extract_strided_slice %select_n3A_1244 {offsets = [0, 16], sizes = [32, 1008], strides = [1, 1]} : vector<32x1024xi32> to vector<32x1008xi32>
    %slice3A_1270 = vector.extract_strided_slice %select_n3A_1244 {offsets = [0, 0], sizes = [32, 16], strides = [1, 1]} : vector<32x1024xi32> to vector<32x16xi32>
    %concatenate3A_1271 = tpu.concatenate %slice3A_1269, %slice3A_1270 in 1 : vector<32x1008xi32>, vector<32x16xi32> -> vector<32x1024xi32>
    %select_n3A_1272 = arith.select %ne3A_1258, %concatenate3A_1268, %concatenate3A_1271 : vector<32x1024xi1>, vector<32x1024xi32>
    %not3A_1273 = arith.constant dense<true> : vector<32x1024xi1>
    %not3A_1274 = arith.xori %ne3A_1258, %not3A_1273 : vector<32x1024xi1>
    %gt3A_1275 = arith.cmpf ogt, %select_n3A_1243, %select_n3A_1265 : vector<32x1024xf32>
    %eq3A_1276 = arith.cmpf oeq, %select_n3A_1243, %select_n3A_1265 : vector<32x1024xf32>
    %lt3A_1277 = arith.cmpi slt, %select_n3A_1244, %select_n3A_1272 : vector<32x1024xi32>
    %and3A_1278 = arith.andi %eq3A_1276, %lt3A_1277 : vector<32x1024xi1>
    %or3A_1279 = arith.ori %gt3A_1275, %and3A_1278 : vector<32x1024xi1>
    %eq3A_1280 = arith.xori %or3A_1279, %not3A_1274 : vector<32x1024xi1>
    %eq3A_1281 = arith.constant dense<true> : vector<32x1024xi1>
    %eq3A_1282 = arith.xori %eq3A_1280, %eq3A_1281 : vector<32x1024xi1>
    %eq3A_1283 = arith.xori %eq3A_1282, %ne3A_1251 : vector<32x1024xi1>
    %eq3A_1284 = arith.constant dense<true> : vector<32x1024xi1>
    %eq3A_1285 = arith.xori %eq3A_1283, %eq3A_1284 : vector<32x1024xi1>
    %select_n3A_1286 = arith.select %eq3A_1285, %select_n3A_1243, %select_n3A_1265 : vector<32x1024xi1>, vector<32x1024xf32>
    %select_n3A_1287 = arith.select %eq3A_1285, %select_n3A_1244, %select_n3A_1272 : vector<32x1024xi1>, vector<32x1024xi32>
    %and3A_1288 = arith.constant 64 : i32
    %and3A_1289 = vector.broadcast %and3A_1288 : i32 to vector<32x1024xi32>
    %and3A_1290 = arith.andi %iota3A_553, %and3A_1289 : vector<32x1024xi32>
    %eq3A_1291 = arith.constant 0 : i32
    %eq3A_1292 = vector.broadcast %eq3A_1291 : i32 to vector<32x1024xi32>
    %eq3A_1293 = arith.cmpi eq, %and3A_1290, %eq3A_1292 : vector<32x1024xi32>
    %ne3A_1294 = arith.xori %eq3A_1293, %ne3A_564 : vector<32x1024xi1>
    %iota3A_1295 = tpu.iota {dimensions = array<i32: 1>} : vector<32x1024xi32>
    %and3A_1296 = arith.constant 8 : i32
    %and3A_1297 = vector.broadcast %and3A_1296 : i32 to vector<32x1024xi32>
    %and3A_1298 = arith.andi %iota3A_1295, %and3A_1297 : vector<32x1024xi32>
    %ne3A_1299 = arith.constant 0 : i32
    %ne3A_1300 = vector.broadcast %ne3A_1299 : i32 to vector<32x1024xi32>
    %ne3A_1301 = arith.cmpi ne, %and3A_1298, %ne3A_1300 : vector<32x1024xi32>
    %slice3A_1302 = vector.extract_strided_slice %select_n3A_1286 {offsets = [0, 1016], sizes = [32, 8], strides = [1, 1]} : vector<32x1024xf32> to vector<32x8xf32>
    %slice3A_1303 = vector.extract_strided_slice %select_n3A_1286 {offsets = [0, 0], sizes = [32, 1016], strides = [1, 1]} : vector<32x1024xf32> to vector<32x1016xf32>
    %concatenate3A_1304 = tpu.concatenate %slice3A_1302, %slice3A_1303 in 1 : vector<32x8xf32>, vector<32x1016xf32> -> vector<32x1024xf32>
    %slice3A_1305 = vector.extract_strided_slice %select_n3A_1286 {offsets = [0, 8], sizes = [32, 1016], strides = [1, 1]} : vector<32x1024xf32> to vector<32x1016xf32>
    %slice3A_1306 = vector.extract_strided_slice %select_n3A_1286 {offsets = [0, 0], sizes = [32, 8], strides = [1, 1]} : vector<32x1024xf32> to vector<32x8xf32>
    %concatenate3A_1307 = tpu.concatenate %slice3A_1305, %slice3A_1306 in 1 : vector<32x1016xf32>, vector<32x8xf32> -> vector<32x1024xf32>
    %select_n3A_1308 = arith.select %ne3A_1301, %concatenate3A_1304, %concatenate3A_1307 : vector<32x1024xi1>, vector<32x1024xf32>
    %slice3A_1309 = vector.extract_strided_slice %select_n3A_1287 {offsets = [0, 1016], sizes = [32, 8], strides = [1, 1]} : vector<32x1024xi32> to vector<32x8xi32>
    %slice3A_1310 = vector.extract_strided_slice %select_n3A_1287 {offsets = [0, 0], sizes = [32, 1016], strides = [1, 1]} : vector<32x1024xi32> to vector<32x1016xi32>
    %concatenate3A_1311 = tpu.concatenate %slice3A_1309, %slice3A_1310 in 1 : vector<32x8xi32>, vector<32x1016xi32> -> vector<32x1024xi32>
    %slice3A_1312 = vector.extract_strided_slice %select_n3A_1287 {offsets = [0, 8], sizes = [32, 1016], strides = [1, 1]} : vector<32x1024xi32> to vector<32x1016xi32>
    %slice3A_1313 = vector.extract_strided_slice %select_n3A_1287 {offsets = [0, 0], sizes = [32, 8], strides = [1, 1]} : vector<32x1024xi32> to vector<32x8xi32>
    %concatenate3A_1314 = tpu.concatenate %slice3A_1312, %slice3A_1313 in 1 : vector<32x1016xi32>, vector<32x8xi32> -> vector<32x1024xi32>
    %select_n3A_1315 = arith.select %ne3A_1301, %concatenate3A_1311, %concatenate3A_1314 : vector<32x1024xi1>, vector<32x1024xi32>
    %not3A_1316 = arith.constant dense<true> : vector<32x1024xi1>
    %not3A_1317 = arith.xori %ne3A_1301, %not3A_1316 : vector<32x1024xi1>
    %gt3A_1318 = arith.cmpf ogt, %select_n3A_1286, %select_n3A_1308 : vector<32x1024xf32>
    %eq3A_1319 = arith.cmpf oeq, %select_n3A_1286, %select_n3A_1308 : vector<32x1024xf32>
    %lt3A_1320 = arith.cmpi slt, %select_n3A_1287, %select_n3A_1315 : vector<32x1024xi32>
    %and3A_1321 = arith.andi %eq3A_1319, %lt3A_1320 : vector<32x1024xi1>
    %or3A_1322 = arith.ori %gt3A_1318, %and3A_1321 : vector<32x1024xi1>
    %eq3A_1323 = arith.xori %or3A_1322, %not3A_1317 : vector<32x1024xi1>
    %eq3A_1324 = arith.constant dense<true> : vector<32x1024xi1>
    %eq3A_1325 = arith.xori %eq3A_1323, %eq3A_1324 : vector<32x1024xi1>
    %eq3A_1326 = arith.xori %eq3A_1325, %ne3A_1294 : vector<32x1024xi1>
    %eq3A_1327 = arith.constant dense<true> : vector<32x1024xi1>
    %eq3A_1328 = arith.xori %eq3A_1326, %eq3A_1327 : vector<32x1024xi1>
    %select_n3A_1329 = arith.select %eq3A_1328, %select_n3A_1286, %select_n3A_1308 : vector<32x1024xi1>, vector<32x1024xf32>
    %select_n3A_1330 = arith.select %eq3A_1328, %select_n3A_1287, %select_n3A_1315 : vector<32x1024xi1>, vector<32x1024xi32>
    %and3A_1331 = arith.constant 64 : i32
    %and3A_1332 = vector.broadcast %and3A_1331 : i32 to vector<32x1024xi32>
    %and3A_1333 = arith.andi %iota3A_553, %and3A_1332 : vector<32x1024xi32>
    %eq3A_1334 = arith.constant 0 : i32
    %eq3A_1335 = vector.broadcast %eq3A_1334 : i32 to vector<32x1024xi32>
    %eq3A_1336 = arith.cmpi eq, %and3A_1333, %eq3A_1335 : vector<32x1024xi32>
    %ne3A_1337 = arith.xori %eq3A_1336, %ne3A_564 : vector<32x1024xi1>
    %iota3A_1338 = tpu.iota {dimensions = array<i32: 1>} : vector<32x1024xi32>
    %and3A_1339 = arith.constant 4 : i32
    %and3A_1340 = vector.broadcast %and3A_1339 : i32 to vector<32x1024xi32>
    %and3A_1341 = arith.andi %iota3A_1338, %and3A_1340 : vector<32x1024xi32>
    %ne3A_1342 = arith.constant 0 : i32
    %ne3A_1343 = vector.broadcast %ne3A_1342 : i32 to vector<32x1024xi32>
    %ne3A_1344 = arith.cmpi ne, %and3A_1341, %ne3A_1343 : vector<32x1024xi32>
    %slice3A_1345 = vector.extract_strided_slice %select_n3A_1329 {offsets = [0, 1020], sizes = [32, 4], strides = [1, 1]} : vector<32x1024xf32> to vector<32x4xf32>
    %slice3A_1346 = vector.extract_strided_slice %select_n3A_1329 {offsets = [0, 0], sizes = [32, 1020], strides = [1, 1]} : vector<32x1024xf32> to vector<32x1020xf32>
    %concatenate3A_1347 = tpu.concatenate %slice3A_1345, %slice3A_1346 in 1 : vector<32x4xf32>, vector<32x1020xf32> -> vector<32x1024xf32>
    %slice3A_1348 = vector.extract_strided_slice %select_n3A_1329 {offsets = [0, 4], sizes = [32, 1020], strides = [1, 1]} : vector<32x1024xf32> to vector<32x1020xf32>
    %slice3A_1349 = vector.extract_strided_slice %select_n3A_1329 {offsets = [0, 0], sizes = [32, 4], strides = [1, 1]} : vector<32x1024xf32> to vector<32x4xf32>
    %concatenate3A_1350 = tpu.concatenate %slice3A_1348, %slice3A_1349 in 1 : vector<32x1020xf32>, vector<32x4xf32> -> vector<32x1024xf32>
    %select_n3A_1351 = arith.select %ne3A_1344, %concatenate3A_1347, %concatenate3A_1350 : vector<32x1024xi1>, vector<32x1024xf32>
    %slice3A_1352 = vector.extract_strided_slice %select_n3A_1330 {offsets = [0, 1020], sizes = [32, 4], strides = [1, 1]} : vector<32x1024xi32> to vector<32x4xi32>
    %slice3A_1353 = vector.extract_strided_slice %select_n3A_1330 {offsets = [0, 0], sizes = [32, 1020], strides = [1, 1]} : vector<32x1024xi32> to vector<32x1020xi32>
    %concatenate3A_1354 = tpu.concatenate %slice3A_1352, %slice3A_1353 in 1 : vector<32x4xi32>, vector<32x1020xi32> -> vector<32x1024xi32>
    %slice3A_1355 = vector.extract_strided_slice %select_n3A_1330 {offsets = [0, 4], sizes = [32, 1020], strides = [1, 1]} : vector<32x1024xi32> to vector<32x1020xi32>
    %slice3A_1356 = vector.extract_strided_slice %select_n3A_1330 {offsets = [0, 0], sizes = [32, 4], strides = [1, 1]} : vector<32x1024xi32> to vector<32x4xi32>
    %concatenate3A_1357 = tpu.concatenate %slice3A_1355, %slice3A_1356 in 1 : vector<32x1020xi32>, vector<32x4xi32> -> vector<32x1024xi32>
    %select_n3A_1358 = arith.select %ne3A_1344, %concatenate3A_1354, %concatenate3A_1357 : vector<32x1024xi1>, vector<32x1024xi32>
    %not3A_1359 = arith.constant dense<true> : vector<32x1024xi1>
    %not3A_1360 = arith.xori %ne3A_1344, %not3A_1359 : vector<32x1024xi1>
    %gt3A_1361 = arith.cmpf ogt, %select_n3A_1329, %select_n3A_1351 : vector<32x1024xf32>
    %eq3A_1362 = arith.cmpf oeq, %select_n3A_1329, %select_n3A_1351 : vector<32x1024xf32>
    %lt3A_1363 = arith.cmpi slt, %select_n3A_1330, %select_n3A_1358 : vector<32x1024xi32>
    %and3A_1364 = arith.andi %eq3A_1362, %lt3A_1363 : vector<32x1024xi1>
    %or3A_1365 = arith.ori %gt3A_1361, %and3A_1364 : vector<32x1024xi1>
    %eq3A_1366 = arith.xori %or3A_1365, %not3A_1360 : vector<32x1024xi1>
    %eq3A_1367 = arith.constant dense<true> : vector<32x1024xi1>
    %eq3A_1368 = arith.xori %eq3A_1366, %eq3A_1367 : vector<32x1024xi1>
    %eq3A_1369 = arith.xori %eq3A_1368, %ne3A_1337 : vector<32x1024xi1>
    %eq3A_1370 = arith.constant dense<true> : vector<32x1024xi1>
    %eq3A_1371 = arith.xori %eq3A_1369, %eq3A_1370 : vector<32x1024xi1>
    %select_n3A_1372 = arith.select %eq3A_1371, %select_n3A_1329, %select_n3A_1351 : vector<32x1024xi1>, vector<32x1024xf32>
    %select_n3A_1373 = arith.select %eq3A_1371, %select_n3A_1330, %select_n3A_1358 : vector<32x1024xi1>, vector<32x1024xi32>
    %and3A_1374 = arith.constant 64 : i32
    %and3A_1375 = vector.broadcast %and3A_1374 : i32 to vector<32x1024xi32>
    %and3A_1376 = arith.andi %iota3A_553, %and3A_1375 : vector<32x1024xi32>
    %eq3A_1377 = arith.constant 0 : i32
    %eq3A_1378 = vector.broadcast %eq3A_1377 : i32 to vector<32x1024xi32>
    %eq3A_1379 = arith.cmpi eq, %and3A_1376, %eq3A_1378 : vector<32x1024xi32>
    %ne3A_1380 = arith.xori %eq3A_1379, %ne3A_564 : vector<32x1024xi1>
    %iota3A_1381 = tpu.iota {dimensions = array<i32: 1>} : vector<32x1024xi32>
    %and3A_1382 = arith.constant 2 : i32
    %and3A_1383 = vector.broadcast %and3A_1382 : i32 to vector<32x1024xi32>
    %and3A_1384 = arith.andi %iota3A_1381, %and3A_1383 : vector<32x1024xi32>
    %ne3A_1385 = arith.constant 0 : i32
    %ne3A_1386 = vector.broadcast %ne3A_1385 : i32 to vector<32x1024xi32>
    %ne3A_1387 = arith.cmpi ne, %and3A_1384, %ne3A_1386 : vector<32x1024xi32>
    %slice3A_1388 = vector.extract_strided_slice %select_n3A_1372 {offsets = [0, 1022], sizes = [32, 2], strides = [1, 1]} : vector<32x1024xf32> to vector<32x2xf32>
    %slice3A_1389 = vector.extract_strided_slice %select_n3A_1372 {offsets = [0, 0], sizes = [32, 1022], strides = [1, 1]} : vector<32x1024xf32> to vector<32x1022xf32>
    %concatenate3A_1390 = tpu.concatenate %slice3A_1388, %slice3A_1389 in 1 : vector<32x2xf32>, vector<32x1022xf32> -> vector<32x1024xf32>
    %slice3A_1391 = vector.extract_strided_slice %select_n3A_1372 {offsets = [0, 2], sizes = [32, 1022], strides = [1, 1]} : vector<32x1024xf32> to vector<32x1022xf32>
    %slice3A_1392 = vector.extract_strided_slice %select_n3A_1372 {offsets = [0, 0], sizes = [32, 2], strides = [1, 1]} : vector<32x1024xf32> to vector<32x2xf32>
    %concatenate3A_1393 = tpu.concatenate %slice3A_1391, %slice3A_1392 in 1 : vector<32x1022xf32>, vector<32x2xf32> -> vector<32x1024xf32>
    %select_n3A_1394 = arith.select %ne3A_1387, %concatenate3A_1390, %concatenate3A_1393 : vector<32x1024xi1>, vector<32x1024xf32>
    %slice3A_1395 = vector.extract_strided_slice %select_n3A_1373 {offsets = [0, 1022], sizes = [32, 2], strides = [1, 1]} : vector<32x1024xi32> to vector<32x2xi32>
    %slice3A_1396 = vector.extract_strided_slice %select_n3A_1373 {offsets = [0, 0], sizes = [32, 1022], strides = [1, 1]} : vector<32x1024xi32> to vector<32x1022xi32>
    %concatenate3A_1397 = tpu.concatenate %slice3A_1395, %slice3A_1396 in 1 : vector<32x2xi32>, vector<32x1022xi32> -> vector<32x1024xi32>
    %slice3A_1398 = vector.extract_strided_slice %select_n3A_1373 {offsets = [0, 2], sizes = [32, 1022], strides = [1, 1]} : vector<32x1024xi32> to vector<32x1022xi32>
    %slice3A_1399 = vector.extract_strided_slice %select_n3A_1373 {offsets = [0, 0], sizes = [32, 2], strides = [1, 1]} : vector<32x1024xi32> to vector<32x2xi32>
    %concatenate3A_1400 = tpu.concatenate %slice3A_1398, %slice3A_1399 in 1 : vector<32x1022xi32>, vector<32x2xi32> -> vector<32x1024xi32>
    %select_n3A_1401 = arith.select %ne3A_1387, %concatenate3A_1397, %concatenate3A_1400 : vector<32x1024xi1>, vector<32x1024xi32>
    %not3A_1402 = arith.constant dense<true> : vector<32x1024xi1>
    %not3A_1403 = arith.xori %ne3A_1387, %not3A_1402 : vector<32x1024xi1>
    %gt3A_1404 = arith.cmpf ogt, %select_n3A_1372, %select_n3A_1394 : vector<32x1024xf32>
    %eq3A_1405 = arith.cmpf oeq, %select_n3A_1372, %select_n3A_1394 : vector<32x1024xf32>
    %lt3A_1406 = arith.cmpi slt, %select_n3A_1373, %select_n3A_1401 : vector<32x1024xi32>
    %and3A_1407 = arith.andi %eq3A_1405, %lt3A_1406 : vector<32x1024xi1>
    %or3A_1408 = arith.ori %gt3A_1404, %and3A_1407 : vector<32x1024xi1>
    %eq3A_1409 = arith.xori %or3A_1408, %not3A_1403 : vector<32x1024xi1>
    %eq3A_1410 = arith.constant dense<true> : vector<32x1024xi1>
    %eq3A_1411 = arith.xori %eq3A_1409, %eq3A_1410 : vector<32x1024xi1>
    %eq3A_1412 = arith.xori %eq3A_1411, %ne3A_1380 : vector<32x1024xi1>
    %eq3A_1413 = arith.constant dense<true> : vector<32x1024xi1>
    %eq3A_1414 = arith.xori %eq3A_1412, %eq3A_1413 : vector<32x1024xi1>
    %select_n3A_1415 = arith.select %eq3A_1414, %select_n3A_1372, %select_n3A_1394 : vector<32x1024xi1>, vector<32x1024xf32>
    %select_n3A_1416 = arith.select %eq3A_1414, %select_n3A_1373, %select_n3A_1401 : vector<32x1024xi1>, vector<32x1024xi32>
    %and3A_1417 = arith.constant 64 : i32
    %and3A_1418 = vector.broadcast %and3A_1417 : i32 to vector<32x1024xi32>
    %and3A_1419 = arith.andi %iota3A_553, %and3A_1418 : vector<32x1024xi32>
    %eq3A_1420 = arith.constant 0 : i32
    %eq3A_1421 = vector.broadcast %eq3A_1420 : i32 to vector<32x1024xi32>
    %eq3A_1422 = arith.cmpi eq, %and3A_1419, %eq3A_1421 : vector<32x1024xi32>
    %ne3A_1423 = arith.xori %eq3A_1422, %ne3A_564 : vector<32x1024xi1>
    %iota3A_1424 = tpu.iota {dimensions = array<i32: 1>} : vector<32x1024xi32>
    %and3A_1425 = arith.constant 1 : i32
    %and3A_1426 = vector.broadcast %and3A_1425 : i32 to vector<32x1024xi32>
    %and3A_1427 = arith.andi %iota3A_1424, %and3A_1426 : vector<32x1024xi32>
    %ne3A_1428 = arith.constant 0 : i32
    %ne3A_1429 = vector.broadcast %ne3A_1428 : i32 to vector<32x1024xi32>
    %ne3A_1430 = arith.cmpi ne, %and3A_1427, %ne3A_1429 : vector<32x1024xi32>
    %slice3A_1431 = vector.extract_strided_slice %select_n3A_1415 {offsets = [0, 1023], sizes = [32, 1], strides = [1, 1]} : vector<32x1024xf32> to vector<32x1xf32>
    %slice3A_1432 = vector.extract_strided_slice %select_n3A_1415 {offsets = [0, 0], sizes = [32, 1023], strides = [1, 1]} : vector<32x1024xf32> to vector<32x1023xf32>
    %concatenate3A_1433 = tpu.concatenate %slice3A_1431, %slice3A_1432 in 1 : vector<32x1xf32>, vector<32x1023xf32> -> vector<32x1024xf32>
    %slice3A_1434 = vector.extract_strided_slice %select_n3A_1415 {offsets = [0, 1], sizes = [32, 1023], strides = [1, 1]} : vector<32x1024xf32> to vector<32x1023xf32>
    %slice3A_1435 = vector.extract_strided_slice %select_n3A_1415 {offsets = [0, 0], sizes = [32, 1], strides = [1, 1]} : vector<32x1024xf32> to vector<32x1xf32>
    %concatenate3A_1436 = tpu.concatenate %slice3A_1434, %slice3A_1435 in 1 : vector<32x1023xf32>, vector<32x1xf32> -> vector<32x1024xf32>
    %select_n3A_1437 = arith.select %ne3A_1430, %concatenate3A_1433, %concatenate3A_1436 : vector<32x1024xi1>, vector<32x1024xf32>
    %slice3A_1438 = vector.extract_strided_slice %select_n3A_1416 {offsets = [0, 1023], sizes = [32, 1], strides = [1, 1]} : vector<32x1024xi32> to vector<32x1xi32>
    %slice3A_1439 = vector.extract_strided_slice %select_n3A_1416 {offsets = [0, 0], sizes = [32, 1023], strides = [1, 1]} : vector<32x1024xi32> to vector<32x1023xi32>
    %concatenate3A_1440 = tpu.concatenate %slice3A_1438, %slice3A_1439 in 1 : vector<32x1xi32>, vector<32x1023xi32> -> vector<32x1024xi32>
    %slice3A_1441 = vector.extract_strided_slice %select_n3A_1416 {offsets = [0, 1], sizes = [32, 1023], strides = [1, 1]} : vector<32x1024xi32> to vector<32x1023xi32>
    %slice3A_1442 = vector.extract_strided_slice %select_n3A_1416 {offsets = [0, 0], sizes = [32, 1], strides = [1, 1]} : vector<32x1024xi32> to vector<32x1xi32>
    %concatenate3A_1443 = tpu.concatenate %slice3A_1441, %slice3A_1442 in 1 : vector<32x1023xi32>, vector<32x1xi32> -> vector<32x1024xi32>
    %select_n3A_1444 = arith.select %ne3A_1430, %concatenate3A_1440, %concatenate3A_1443 : vector<32x1024xi1>, vector<32x1024xi32>
    %not3A_1445 = arith.constant dense<true> : vector<32x1024xi1>
    %not3A_1446 = arith.xori %ne3A_1430, %not3A_1445 : vector<32x1024xi1>
    %gt3A_1447 = arith.cmpf ogt, %select_n3A_1415, %select_n3A_1437 : vector<32x1024xf32>
    %eq3A_1448 = arith.cmpf oeq, %select_n3A_1415, %select_n3A_1437 : vector<32x1024xf32>
    %lt3A_1449 = arith.cmpi slt, %select_n3A_1416, %select_n3A_1444 : vector<32x1024xi32>
    %and3A_1450 = arith.andi %eq3A_1448, %lt3A_1449 : vector<32x1024xi1>
    %or3A_1451 = arith.ori %gt3A_1447, %and3A_1450 : vector<32x1024xi1>
    %eq3A_1452 = arith.xori %or3A_1451, %not3A_1446 : vector<32x1024xi1>
    %eq3A_1453 = arith.constant dense<true> : vector<32x1024xi1>
    %eq3A_1454 = arith.xori %eq3A_1452, %eq3A_1453 : vector<32x1024xi1>
    %eq3A_1455 = arith.xori %eq3A_1454, %ne3A_1423 : vector<32x1024xi1>
    %eq3A_1456 = arith.constant dense<true> : vector<32x1024xi1>
    %eq3A_1457 = arith.xori %eq3A_1455, %eq3A_1456 : vector<32x1024xi1>
    %select_n3A_1458 = arith.select %eq3A_1457, %select_n3A_1415, %select_n3A_1437 : vector<32x1024xi1>, vector<32x1024xf32>
    %select_n3A_1459 = arith.select %eq3A_1457, %select_n3A_1416, %select_n3A_1444 : vector<32x1024xi1>, vector<32x1024xi32>
    %and3A_1460 = arith.constant 128 : i32
    %and3A_1461 = vector.broadcast %and3A_1460 : i32 to vector<32x1024xi32>
    %and3A_1462 = arith.andi %iota3A_553, %and3A_1461 : vector<32x1024xi32>
    %eq3A_1463 = arith.constant 0 : i32
    %eq3A_1464 = vector.broadcast %eq3A_1463 : i32 to vector<32x1024xi32>
    %eq3A_1465 = arith.cmpi eq, %and3A_1462, %eq3A_1464 : vector<32x1024xi32>
    %ne3A_1466 = arith.xori %eq3A_1465, %ne3A_564 : vector<32x1024xi1>
    %iota3A_1467 = tpu.iota {dimensions = array<i32: 1>} : vector<32x1024xi32>
    %and3A_1468 = arith.constant 64 : i32
    %and3A_1469 = vector.broadcast %and3A_1468 : i32 to vector<32x1024xi32>
    %and3A_1470 = arith.andi %iota3A_1467, %and3A_1469 : vector<32x1024xi32>
    %ne3A_1471 = arith.constant 0 : i32
    %ne3A_1472 = vector.broadcast %ne3A_1471 : i32 to vector<32x1024xi32>
    %ne3A_1473 = arith.cmpi ne, %and3A_1470, %ne3A_1472 : vector<32x1024xi32>
    %slice3A_1474 = vector.extract_strided_slice %select_n3A_1458 {offsets = [0, 960], sizes = [32, 64], strides = [1, 1]} : vector<32x1024xf32> to vector<32x64xf32>
    %slice3A_1475 = vector.extract_strided_slice %select_n3A_1458 {offsets = [0, 0], sizes = [32, 960], strides = [1, 1]} : vector<32x1024xf32> to vector<32x960xf32>
    %concatenate3A_1476 = tpu.concatenate %slice3A_1474, %slice3A_1475 in 1 : vector<32x64xf32>, vector<32x960xf32> -> vector<32x1024xf32>
    %slice3A_1477 = vector.extract_strided_slice %select_n3A_1458 {offsets = [0, 64], sizes = [32, 960], strides = [1, 1]} : vector<32x1024xf32> to vector<32x960xf32>
    %slice3A_1478 = vector.extract_strided_slice %select_n3A_1458 {offsets = [0, 0], sizes = [32, 64], strides = [1, 1]} : vector<32x1024xf32> to vector<32x64xf32>
    %concatenate3A_1479 = tpu.concatenate %slice3A_1477, %slice3A_1478 in 1 : vector<32x960xf32>, vector<32x64xf32> -> vector<32x1024xf32>
    %select_n3A_1480 = arith.select %ne3A_1473, %concatenate3A_1476, %concatenate3A_1479 : vector<32x1024xi1>, vector<32x1024xf32>
    %slice3A_1481 = vector.extract_strided_slice %select_n3A_1459 {offsets = [0, 960], sizes = [32, 64], strides = [1, 1]} : vector<32x1024xi32> to vector<32x64xi32>
    %slice3A_1482 = vector.extract_strided_slice %select_n3A_1459 {offsets = [0, 0], sizes = [32, 960], strides = [1, 1]} : vector<32x1024xi32> to vector<32x960xi32>
    %concatenate3A_1483 = tpu.concatenate %slice3A_1481, %slice3A_1482 in 1 : vector<32x64xi32>, vector<32x960xi32> -> vector<32x1024xi32>
    %slice3A_1484 = vector.extract_strided_slice %select_n3A_1459 {offsets = [0, 64], sizes = [32, 960], strides = [1, 1]} : vector<32x1024xi32> to vector<32x960xi32>
    %slice3A_1485 = vector.extract_strided_slice %select_n3A_1459 {offsets = [0, 0], sizes = [32, 64], strides = [1, 1]} : vector<32x1024xi32> to vector<32x64xi32>
    %concatenate3A_1486 = tpu.concatenate %slice3A_1484, %slice3A_1485 in 1 : vector<32x960xi32>, vector<32x64xi32> -> vector<32x1024xi32>
    %select_n3A_1487 = arith.select %ne3A_1473, %concatenate3A_1483, %concatenate3A_1486 : vector<32x1024xi1>, vector<32x1024xi32>
    %not3A_1488 = arith.constant dense<true> : vector<32x1024xi1>
    %not3A_1489 = arith.xori %ne3A_1473, %not3A_1488 : vector<32x1024xi1>
    %gt3A_1490 = arith.cmpf ogt, %select_n3A_1458, %select_n3A_1480 : vector<32x1024xf32>
    %eq3A_1491 = arith.cmpf oeq, %select_n3A_1458, %select_n3A_1480 : vector<32x1024xf32>
    %lt3A_1492 = arith.cmpi slt, %select_n3A_1459, %select_n3A_1487 : vector<32x1024xi32>
    %and3A_1493 = arith.andi %eq3A_1491, %lt3A_1492 : vector<32x1024xi1>
    %or3A_1494 = arith.ori %gt3A_1490, %and3A_1493 : vector<32x1024xi1>
    %eq3A_1495 = arith.xori %or3A_1494, %not3A_1489 : vector<32x1024xi1>
    %eq3A_1496 = arith.constant dense<true> : vector<32x1024xi1>
    %eq3A_1497 = arith.xori %eq3A_1495, %eq3A_1496 : vector<32x1024xi1>
    %eq3A_1498 = arith.xori %eq3A_1497, %ne3A_1466 : vector<32x1024xi1>
    %eq3A_1499 = arith.constant dense<true> : vector<32x1024xi1>
    %eq3A_1500 = arith.xori %eq3A_1498, %eq3A_1499 : vector<32x1024xi1>
    %select_n3A_1501 = arith.select %eq3A_1500, %select_n3A_1458, %select_n3A_1480 : vector<32x1024xi1>, vector<32x1024xf32>
    %select_n3A_1502 = arith.select %eq3A_1500, %select_n3A_1459, %select_n3A_1487 : vector<32x1024xi1>, vector<32x1024xi32>
    %and3A_1503 = arith.constant 128 : i32
    %and3A_1504 = vector.broadcast %and3A_1503 : i32 to vector<32x1024xi32>
    %and3A_1505 = arith.andi %iota3A_553, %and3A_1504 : vector<32x1024xi32>
    %eq3A_1506 = arith.constant 0 : i32
    %eq3A_1507 = vector.broadcast %eq3A_1506 : i32 to vector<32x1024xi32>
    %eq3A_1508 = arith.cmpi eq, %and3A_1505, %eq3A_1507 : vector<32x1024xi32>
    %ne3A_1509 = arith.xori %eq3A_1508, %ne3A_564 : vector<32x1024xi1>
    %iota3A_1510 = tpu.iota {dimensions = array<i32: 1>} : vector<32x1024xi32>
    %and3A_1511 = arith.constant 32 : i32
    %and3A_1512 = vector.broadcast %and3A_1511 : i32 to vector<32x1024xi32>
    %and3A_1513 = arith.andi %iota3A_1510, %and3A_1512 : vector<32x1024xi32>
    %ne3A_1514 = arith.constant 0 : i32
    %ne3A_1515 = vector.broadcast %ne3A_1514 : i32 to vector<32x1024xi32>
    %ne3A_1516 = arith.cmpi ne, %and3A_1513, %ne3A_1515 : vector<32x1024xi32>
    %slice3A_1517 = vector.extract_strided_slice %select_n3A_1501 {offsets = [0, 992], sizes = [32, 32], strides = [1, 1]} : vector<32x1024xf32> to vector<32x32xf32>
    %slice3A_1518 = vector.extract_strided_slice %select_n3A_1501 {offsets = [0, 0], sizes = [32, 992], strides = [1, 1]} : vector<32x1024xf32> to vector<32x992xf32>
    %concatenate3A_1519 = tpu.concatenate %slice3A_1517, %slice3A_1518 in 1 : vector<32x32xf32>, vector<32x992xf32> -> vector<32x1024xf32>
    %slice3A_1520 = vector.extract_strided_slice %select_n3A_1501 {offsets = [0, 32], sizes = [32, 992], strides = [1, 1]} : vector<32x1024xf32> to vector<32x992xf32>
    %slice3A_1521 = vector.extract_strided_slice %select_n3A_1501 {offsets = [0, 0], sizes = [32, 32], strides = [1, 1]} : vector<32x1024xf32> to vector<32x32xf32>
    %concatenate3A_1522 = tpu.concatenate %slice3A_1520, %slice3A_1521 in 1 : vector<32x992xf32>, vector<32x32xf32> -> vector<32x1024xf32>
    %select_n3A_1523 = arith.select %ne3A_1516, %concatenate3A_1519, %concatenate3A_1522 : vector<32x1024xi1>, vector<32x1024xf32>
    %slice3A_1524 = vector.extract_strided_slice %select_n3A_1502 {offsets = [0, 992], sizes = [32, 32], strides = [1, 1]} : vector<32x1024xi32> to vector<32x32xi32>
    %slice3A_1525 = vector.extract_strided_slice %select_n3A_1502 {offsets = [0, 0], sizes = [32, 992], strides = [1, 1]} : vector<32x1024xi32> to vector<32x992xi32>
    %concatenate3A_1526 = tpu.concatenate %slice3A_1524, %slice3A_1525 in 1 : vector<32x32xi32>, vector<32x992xi32> -> vector<32x1024xi32>
    %slice3A_1527 = vector.extract_strided_slice %select_n3A_1502 {offsets = [0, 32], sizes = [32, 992], strides = [1, 1]} : vector<32x1024xi32> to vector<32x992xi32>
    %slice3A_1528 = vector.extract_strided_slice %select_n3A_1502 {offsets = [0, 0], sizes = [32, 32], strides = [1, 1]} : vector<32x1024xi32> to vector<32x32xi32>
    %concatenate3A_1529 = tpu.concatenate %slice3A_1527, %slice3A_1528 in 1 : vector<32x992xi32>, vector<32x32xi32> -> vector<32x1024xi32>
    %select_n3A_1530 = arith.select %ne3A_1516, %concatenate3A_1526, %concatenate3A_1529 : vector<32x1024xi1>, vector<32x1024xi32>
    %not3A_1531 = arith.constant dense<true> : vector<32x1024xi1>
    %not3A_1532 = arith.xori %ne3A_1516, %not3A_1531 : vector<32x1024xi1>
    %gt3A_1533 = arith.cmpf ogt, %select_n3A_1501, %select_n3A_1523 : vector<32x1024xf32>
    %eq3A_1534 = arith.cmpf oeq, %select_n3A_1501, %select_n3A_1523 : vector<32x1024xf32>
    %lt3A_1535 = arith.cmpi slt, %select_n3A_1502, %select_n3A_1530 : vector<32x1024xi32>
    %and3A_1536 = arith.andi %eq3A_1534, %lt3A_1535 : vector<32x1024xi1>
    %or3A_1537 = arith.ori %gt3A_1533, %and3A_1536 : vector<32x1024xi1>
    %eq3A_1538 = arith.xori %or3A_1537, %not3A_1532 : vector<32x1024xi1>
    %eq3A_1539 = arith.constant dense<true> : vector<32x1024xi1>
    %eq3A_1540 = arith.xori %eq3A_1538, %eq3A_1539 : vector<32x1024xi1>
    %eq3A_1541 = arith.xori %eq3A_1540, %ne3A_1509 : vector<32x1024xi1>
    %eq3A_1542 = arith.constant dense<true> : vector<32x1024xi1>
    %eq3A_1543 = arith.xori %eq3A_1541, %eq3A_1542 : vector<32x1024xi1>
    %select_n3A_1544 = arith.select %eq3A_1543, %select_n3A_1501, %select_n3A_1523 : vector<32x1024xi1>, vector<32x1024xf32>
    %select_n3A_1545 = arith.select %eq3A_1543, %select_n3A_1502, %select_n3A_1530 : vector<32x1024xi1>, vector<32x1024xi32>
    %and3A_1546 = arith.constant 128 : i32
    %and3A_1547 = vector.broadcast %and3A_1546 : i32 to vector<32x1024xi32>
    %and3A_1548 = arith.andi %iota3A_553, %and3A_1547 : vector<32x1024xi32>
    %eq3A_1549 = arith.constant 0 : i32
    %eq3A_1550 = vector.broadcast %eq3A_1549 : i32 to vector<32x1024xi32>
    %eq3A_1551 = arith.cmpi eq, %and3A_1548, %eq3A_1550 : vector<32x1024xi32>
    %ne3A_1552 = arith.xori %eq3A_1551, %ne3A_564 : vector<32x1024xi1>
    %iota3A_1553 = tpu.iota {dimensions = array<i32: 1>} : vector<32x1024xi32>
    %and3A_1554 = arith.constant 16 : i32
    %and3A_1555 = vector.broadcast %and3A_1554 : i32 to vector<32x1024xi32>
    %and3A_1556 = arith.andi %iota3A_1553, %and3A_1555 : vector<32x1024xi32>
    %ne3A_1557 = arith.constant 0 : i32
    %ne3A_1558 = vector.broadcast %ne3A_1557 : i32 to vector<32x1024xi32>
    %ne3A_1559 = arith.cmpi ne, %and3A_1556, %ne3A_1558 : vector<32x1024xi32>
    %slice3A_1560 = vector.extract_strided_slice %select_n3A_1544 {offsets = [0, 1008], sizes = [32, 16], strides = [1, 1]} : vector<32x1024xf32> to vector<32x16xf32>
    %slice3A_1561 = vector.extract_strided_slice %select_n3A_1544 {offsets = [0, 0], sizes = [32, 1008], strides = [1, 1]} : vector<32x1024xf32> to vector<32x1008xf32>
    %concatenate3A_1562 = tpu.concatenate %slice3A_1560, %slice3A_1561 in 1 : vector<32x16xf32>, vector<32x1008xf32> -> vector<32x1024xf32>
    %slice3A_1563 = vector.extract_strided_slice %select_n3A_1544 {offsets = [0, 16], sizes = [32, 1008], strides = [1, 1]} : vector<32x1024xf32> to vector<32x1008xf32>
    %slice3A_1564 = vector.extract_strided_slice %select_n3A_1544 {offsets = [0, 0], sizes = [32, 16], strides = [1, 1]} : vector<32x1024xf32> to vector<32x16xf32>
    %concatenate3A_1565 = tpu.concatenate %slice3A_1563, %slice3A_1564 in 1 : vector<32x1008xf32>, vector<32x16xf32> -> vector<32x1024xf32>
    %select_n3A_1566 = arith.select %ne3A_1559, %concatenate3A_1562, %concatenate3A_1565 : vector<32x1024xi1>, vector<32x1024xf32>
    %slice3A_1567 = vector.extract_strided_slice %select_n3A_1545 {offsets = [0, 1008], sizes = [32, 16], strides = [1, 1]} : vector<32x1024xi32> to vector<32x16xi32>
    %slice3A_1568 = vector.extract_strided_slice %select_n3A_1545 {offsets = [0, 0], sizes = [32, 1008], strides = [1, 1]} : vector<32x1024xi32> to vector<32x1008xi32>
    %concatenate3A_1569 = tpu.concatenate %slice3A_1567, %slice3A_1568 in 1 : vector<32x16xi32>, vector<32x1008xi32> -> vector<32x1024xi32>
    %slice3A_1570 = vector.extract_strided_slice %select_n3A_1545 {offsets = [0, 16], sizes = [32, 1008], strides = [1, 1]} : vector<32x1024xi32> to vector<32x1008xi32>
    %slice3A_1571 = vector.extract_strided_slice %select_n3A_1545 {offsets = [0, 0], sizes = [32, 16], strides = [1, 1]} : vector<32x1024xi32> to vector<32x16xi32>
    %concatenate3A_1572 = tpu.concatenate %slice3A_1570, %slice3A_1571 in 1 : vector<32x1008xi32>, vector<32x16xi32> -> vector<32x1024xi32>
    %select_n3A_1573 = arith.select %ne3A_1559, %concatenate3A_1569, %concatenate3A_1572 : vector<32x1024xi1>, vector<32x1024xi32>
    %not3A_1574 = arith.constant dense<true> : vector<32x1024xi1>
    %not3A_1575 = arith.xori %ne3A_1559, %not3A_1574 : vector<32x1024xi1>
    %gt3A_1576 = arith.cmpf ogt, %select_n3A_1544, %select_n3A_1566 : vector<32x1024xf32>
    %eq3A_1577 = arith.cmpf oeq, %select_n3A_1544, %select_n3A_1566 : vector<32x1024xf32>
    %lt3A_1578 = arith.cmpi slt, %select_n3A_1545, %select_n3A_1573 : vector<32x1024xi32>
    %and3A_1579 = arith.andi %eq3A_1577, %lt3A_1578 : vector<32x1024xi1>
    %or3A_1580 = arith.ori %gt3A_1576, %and3A_1579 : vector<32x1024xi1>
    %eq3A_1581 = arith.xori %or3A_1580, %not3A_1575 : vector<32x1024xi1>
    %eq3A_1582 = arith.constant dense<true> : vector<32x1024xi1>
    %eq3A_1583 = arith.xori %eq3A_1581, %eq3A_1582 : vector<32x1024xi1>
    %eq3A_1584 = arith.xori %eq3A_1583, %ne3A_1552 : vector<32x1024xi1>
    %eq3A_1585 = arith.constant dense<true> : vector<32x1024xi1>
    %eq3A_1586 = arith.xori %eq3A_1584, %eq3A_1585 : vector<32x1024xi1>
    %select_n3A_1587 = arith.select %eq3A_1586, %select_n3A_1544, %select_n3A_1566 : vector<32x1024xi1>, vector<32x1024xf32>
    %select_n3A_1588 = arith.select %eq3A_1586, %select_n3A_1545, %select_n3A_1573 : vector<32x1024xi1>, vector<32x1024xi32>
    %and3A_1589 = arith.constant 128 : i32
    %and3A_1590 = vector.broadcast %and3A_1589 : i32 to vector<32x1024xi32>
    %and3A_1591 = arith.andi %iota3A_553, %and3A_1590 : vector<32x1024xi32>
    %eq3A_1592 = arith.constant 0 : i32
    %eq3A_1593 = vector.broadcast %eq3A_1592 : i32 to vector<32x1024xi32>
    %eq3A_1594 = arith.cmpi eq, %and3A_1591, %eq3A_1593 : vector<32x1024xi32>
    %ne3A_1595 = arith.xori %eq3A_1594, %ne3A_564 : vector<32x1024xi1>
    %iota3A_1596 = tpu.iota {dimensions = array<i32: 1>} : vector<32x1024xi32>
    %and3A_1597 = arith.constant 8 : i32
    %and3A_1598 = vector.broadcast %and3A_1597 : i32 to vector<32x1024xi32>
    %and3A_1599 = arith.andi %iota3A_1596, %and3A_1598 : vector<32x1024xi32>
    %ne3A_1600 = arith.constant 0 : i32
    %ne3A_1601 = vector.broadcast %ne3A_1600 : i32 to vector<32x1024xi32>
    %ne3A_1602 = arith.cmpi ne, %and3A_1599, %ne3A_1601 : vector<32x1024xi32>
    %slice3A_1603 = vector.extract_strided_slice %select_n3A_1587 {offsets = [0, 1016], sizes = [32, 8], strides = [1, 1]} : vector<32x1024xf32> to vector<32x8xf32>
    %slice3A_1604 = vector.extract_strided_slice %select_n3A_1587 {offsets = [0, 0], sizes = [32, 1016], strides = [1, 1]} : vector<32x1024xf32> to vector<32x1016xf32>
    %concatenate3A_1605 = tpu.concatenate %slice3A_1603, %slice3A_1604 in 1 : vector<32x8xf32>, vector<32x1016xf32> -> vector<32x1024xf32>
    %slice3A_1606 = vector.extract_strided_slice %select_n3A_1587 {offsets = [0, 8], sizes = [32, 1016], strides = [1, 1]} : vector<32x1024xf32> to vector<32x1016xf32>
    %slice3A_1607 = vector.extract_strided_slice %select_n3A_1587 {offsets = [0, 0], sizes = [32, 8], strides = [1, 1]} : vector<32x1024xf32> to vector<32x8xf32>
    %concatenate3A_1608 = tpu.concatenate %slice3A_1606, %slice3A_1607 in 1 : vector<32x1016xf32>, vector<32x8xf32> -> vector<32x1024xf32>
    %select_n3A_1609 = arith.select %ne3A_1602, %concatenate3A_1605, %concatenate3A_1608 : vector<32x1024xi1>, vector<32x1024xf32>
    %slice3A_1610 = vector.extract_strided_slice %select_n3A_1588 {offsets = [0, 1016], sizes = [32, 8], strides = [1, 1]} : vector<32x1024xi32> to vector<32x8xi32>
    %slice3A_1611 = vector.extract_strided_slice %select_n3A_1588 {offsets = [0, 0], sizes = [32, 1016], strides = [1, 1]} : vector<32x1024xi32> to vector<32x1016xi32>
    %concatenate3A_1612 = tpu.concatenate %slice3A_1610, %slice3A_1611 in 1 : vector<32x8xi32>, vector<32x1016xi32> -> vector<32x1024xi32>
    %slice3A_1613 = vector.extract_strided_slice %select_n3A_1588 {offsets = [0, 8], sizes = [32, 1016], strides = [1, 1]} : vector<32x1024xi32> to vector<32x1016xi32>
    %slice3A_1614 = vector.extract_strided_slice %select_n3A_1588 {offsets = [0, 0], sizes = [32, 8], strides = [1, 1]} : vector<32x1024xi32> to vector<32x8xi32>
    %concatenate3A_1615 = tpu.concatenate %slice3A_1613, %slice3A_1614 in 1 : vector<32x1016xi32>, vector<32x8xi32> -> vector<32x1024xi32>
    %select_n3A_1616 = arith.select %ne3A_1602, %concatenate3A_1612, %concatenate3A_1615 : vector<32x1024xi1>, vector<32x1024xi32>
    %not3A_1617 = arith.constant dense<true> : vector<32x1024xi1>
    %not3A_1618 = arith.xori %ne3A_1602, %not3A_1617 : vector<32x1024xi1>
    %gt3A_1619 = arith.cmpf ogt, %select_n3A_1587, %select_n3A_1609 : vector<32x1024xf32>
    %eq3A_1620 = arith.cmpf oeq, %select_n3A_1587, %select_n3A_1609 : vector<32x1024xf32>
    %lt3A_1621 = arith.cmpi slt, %select_n3A_1588, %select_n3A_1616 : vector<32x1024xi32>
    %and3A_1622 = arith.andi %eq3A_1620, %lt3A_1621 : vector<32x1024xi1>
    %or3A_1623 = arith.ori %gt3A_1619, %and3A_1622 : vector<32x1024xi1>
    %eq3A_1624 = arith.xori %or3A_1623, %not3A_1618 : vector<32x1024xi1>
    %eq3A_1625 = arith.constant dense<true> : vector<32x1024xi1>
    %eq3A_1626 = arith.xori %eq3A_1624, %eq3A_1625 : vector<32x1024xi1>
    %eq3A_1627 = arith.xori %eq3A_1626, %ne3A_1595 : vector<32x1024xi1>
    %eq3A_1628 = arith.constant dense<true> : vector<32x1024xi1>
    %eq3A_1629 = arith.xori %eq3A_1627, %eq3A_1628 : vector<32x1024xi1>
    %select_n3A_1630 = arith.select %eq3A_1629, %select_n3A_1587, %select_n3A_1609 : vector<32x1024xi1>, vector<32x1024xf32>
    %select_n3A_1631 = arith.select %eq3A_1629, %select_n3A_1588, %select_n3A_1616 : vector<32x1024xi1>, vector<32x1024xi32>
    %and3A_1632 = arith.constant 128 : i32
    %and3A_1633 = vector.broadcast %and3A_1632 : i32 to vector<32x1024xi32>
    %and3A_1634 = arith.andi %iota3A_553, %and3A_1633 : vector<32x1024xi32>
    %eq3A_1635 = arith.constant 0 : i32
    %eq3A_1636 = vector.broadcast %eq3A_1635 : i32 to vector<32x1024xi32>
    %eq3A_1637 = arith.cmpi eq, %and3A_1634, %eq3A_1636 : vector<32x1024xi32>
    %ne3A_1638 = arith.xori %eq3A_1637, %ne3A_564 : vector<32x1024xi1>
    %iota3A_1639 = tpu.iota {dimensions = array<i32: 1>} : vector<32x1024xi32>
    %and3A_1640 = arith.constant 4 : i32
    %and3A_1641 = vector.broadcast %and3A_1640 : i32 to vector<32x1024xi32>
    %and3A_1642 = arith.andi %iota3A_1639, %and3A_1641 : vector<32x1024xi32>
    %ne3A_1643 = arith.constant 0 : i32
    %ne3A_1644 = vector.broadcast %ne3A_1643 : i32 to vector<32x1024xi32>
    %ne3A_1645 = arith.cmpi ne, %and3A_1642, %ne3A_1644 : vector<32x1024xi32>
    %slice3A_1646 = vector.extract_strided_slice %select_n3A_1630 {offsets = [0, 1020], sizes = [32, 4], strides = [1, 1]} : vector<32x1024xf32> to vector<32x4xf32>
    %slice3A_1647 = vector.extract_strided_slice %select_n3A_1630 {offsets = [0, 0], sizes = [32, 1020], strides = [1, 1]} : vector<32x1024xf32> to vector<32x1020xf32>
    %concatenate3A_1648 = tpu.concatenate %slice3A_1646, %slice3A_1647 in 1 : vector<32x4xf32>, vector<32x1020xf32> -> vector<32x1024xf32>
    %slice3A_1649 = vector.extract_strided_slice %select_n3A_1630 {offsets = [0, 4], sizes = [32, 1020], strides = [1, 1]} : vector<32x1024xf32> to vector<32x1020xf32>
    %slice3A_1650 = vector.extract_strided_slice %select_n3A_1630 {offsets = [0, 0], sizes = [32, 4], strides = [1, 1]} : vector<32x1024xf32> to vector<32x4xf32>
    %concatenate3A_1651 = tpu.concatenate %slice3A_1649, %slice3A_1650 in 1 : vector<32x1020xf32>, vector<32x4xf32> -> vector<32x1024xf32>
    %select_n3A_1652 = arith.select %ne3A_1645, %concatenate3A_1648, %concatenate3A_1651 : vector<32x1024xi1>, vector<32x1024xf32>
    %slice3A_1653 = vector.extract_strided_slice %select_n3A_1631 {offsets = [0, 1020], sizes = [32, 4], strides = [1, 1]} : vector<32x1024xi32> to vector<32x4xi32>
    %slice3A_1654 = vector.extract_strided_slice %select_n3A_1631 {offsets = [0, 0], sizes = [32, 1020], strides = [1, 1]} : vector<32x1024xi32> to vector<32x1020xi32>
    %concatenate3A_1655 = tpu.concatenate %slice3A_1653, %slice3A_1654 in 1 : vector<32x4xi32>, vector<32x1020xi32> -> vector<32x1024xi32>
    %slice3A_1656 = vector.extract_strided_slice %select_n3A_1631 {offsets = [0, 4], sizes = [32, 1020], strides = [1, 1]} : vector<32x1024xi32> to vector<32x1020xi32>
    %slice3A_1657 = vector.extract_strided_slice %select_n3A_1631 {offsets = [0, 0], sizes = [32, 4], strides = [1, 1]} : vector<32x1024xi32> to vector<32x4xi32>
    %concatenate3A_1658 = tpu.concatenate %slice3A_1656, %slice3A_1657 in 1 : vector<32x1020xi32>, vector<32x4xi32> -> vector<32x1024xi32>
    %select_n3A_1659 = arith.select %ne3A_1645, %concatenate3A_1655, %concatenate3A_1658 : vector<32x1024xi1>, vector<32x1024xi32>
    %not3A_1660 = arith.constant dense<true> : vector<32x1024xi1>
    %not3A_1661 = arith.xori %ne3A_1645, %not3A_1660 : vector<32x1024xi1>
    %gt3A_1662 = arith.cmpf ogt, %select_n3A_1630, %select_n3A_1652 : vector<32x1024xf32>
    %eq3A_1663 = arith.cmpf oeq, %select_n3A_1630, %select_n3A_1652 : vector<32x1024xf32>
    %lt3A_1664 = arith.cmpi slt, %select_n3A_1631, %select_n3A_1659 : vector<32x1024xi32>
    %and3A_1665 = arith.andi %eq3A_1663, %lt3A_1664 : vector<32x1024xi1>
    %or3A_1666 = arith.ori %gt3A_1662, %and3A_1665 : vector<32x1024xi1>
    %eq3A_1667 = arith.xori %or3A_1666, %not3A_1661 : vector<32x1024xi1>
    %eq3A_1668 = arith.constant dense<true> : vector<32x1024xi1>
    %eq3A_1669 = arith.xori %eq3A_1667, %eq3A_1668 : vector<32x1024xi1>
    %eq3A_1670 = arith.xori %eq3A_1669, %ne3A_1638 : vector<32x1024xi1>
    %eq3A_1671 = arith.constant dense<true> : vector<32x1024xi1>
    %eq3A_1672 = arith.xori %eq3A_1670, %eq3A_1671 : vector<32x1024xi1>
    %select_n3A_1673 = arith.select %eq3A_1672, %select_n3A_1630, %select_n3A_1652 : vector<32x1024xi1>, vector<32x1024xf32>
    %select_n3A_1674 = arith.select %eq3A_1672, %select_n3A_1631, %select_n3A_1659 : vector<32x1024xi1>, vector<32x1024xi32>
    %and3A_1675 = arith.constant 128 : i32
    %and3A_1676 = vector.broadcast %and3A_1675 : i32 to vector<32x1024xi32>
    %and3A_1677 = arith.andi %iota3A_553, %and3A_1676 : vector<32x1024xi32>
    %eq3A_1678 = arith.constant 0 : i32
    %eq3A_1679 = vector.broadcast %eq3A_1678 : i32 to vector<32x1024xi32>
    %eq3A_1680 = arith.cmpi eq, %and3A_1677, %eq3A_1679 : vector<32x1024xi32>
    %ne3A_1681 = arith.xori %eq3A_1680, %ne3A_564 : vector<32x1024xi1>
    %iota3A_1682 = tpu.iota {dimensions = array<i32: 1>} : vector<32x1024xi32>
    %and3A_1683 = arith.constant 2 : i32
    %and3A_1684 = vector.broadcast %and3A_1683 : i32 to vector<32x1024xi32>
    %and3A_1685 = arith.andi %iota3A_1682, %and3A_1684 : vector<32x1024xi32>
    %ne3A_1686 = arith.constant 0 : i32
    %ne3A_1687 = vector.broadcast %ne3A_1686 : i32 to vector<32x1024xi32>
    %ne3A_1688 = arith.cmpi ne, %and3A_1685, %ne3A_1687 : vector<32x1024xi32>
    %slice3A_1689 = vector.extract_strided_slice %select_n3A_1673 {offsets = [0, 1022], sizes = [32, 2], strides = [1, 1]} : vector<32x1024xf32> to vector<32x2xf32>
    %slice3A_1690 = vector.extract_strided_slice %select_n3A_1673 {offsets = [0, 0], sizes = [32, 1022], strides = [1, 1]} : vector<32x1024xf32> to vector<32x1022xf32>
    %concatenate3A_1691 = tpu.concatenate %slice3A_1689, %slice3A_1690 in 1 : vector<32x2xf32>, vector<32x1022xf32> -> vector<32x1024xf32>
    %slice3A_1692 = vector.extract_strided_slice %select_n3A_1673 {offsets = [0, 2], sizes = [32, 1022], strides = [1, 1]} : vector<32x1024xf32> to vector<32x1022xf32>
    %slice3A_1693 = vector.extract_strided_slice %select_n3A_1673 {offsets = [0, 0], sizes = [32, 2], strides = [1, 1]} : vector<32x1024xf32> to vector<32x2xf32>
    %concatenate3A_1694 = tpu.concatenate %slice3A_1692, %slice3A_1693 in 1 : vector<32x1022xf32>, vector<32x2xf32> -> vector<32x1024xf32>
    %select_n3A_1695 = arith.select %ne3A_1688, %concatenate3A_1691, %concatenate3A_1694 : vector<32x1024xi1>, vector<32x1024xf32>
    %slice3A_1696 = vector.extract_strided_slice %select_n3A_1674 {offsets = [0, 1022], sizes = [32, 2], strides = [1, 1]} : vector<32x1024xi32> to vector<32x2xi32>
    %slice3A_1697 = vector.extract_strided_slice %select_n3A_1674 {offsets = [0, 0], sizes = [32, 1022], strides = [1, 1]} : vector<32x1024xi32> to vector<32x1022xi32>
    %concatenate3A_1698 = tpu.concatenate %slice3A_1696, %slice3A_1697 in 1 : vector<32x2xi32>, vector<32x1022xi32> -> vector<32x1024xi32>
    %slice3A_1699 = vector.extract_strided_slice %select_n3A_1674 {offsets = [0, 2], sizes = [32, 1022], strides = [1, 1]} : vector<32x1024xi32> to vector<32x1022xi32>
    %slice3A_1700 = vector.extract_strided_slice %select_n3A_1674 {offsets = [0, 0], sizes = [32, 2], strides = [1, 1]} : vector<32x1024xi32> to vector<32x2xi32>
    %concatenate3A_1701 = tpu.concatenate %slice3A_1699, %slice3A_1700 in 1 : vector<32x1022xi32>, vector<32x2xi32> -> vector<32x1024xi32>
    %select_n3A_1702 = arith.select %ne3A_1688, %concatenate3A_1698, %concatenate3A_1701 : vector<32x1024xi1>, vector<32x1024xi32>
    %not3A_1703 = arith.constant dense<true> : vector<32x1024xi1>
    %not3A_1704 = arith.xori %ne3A_1688, %not3A_1703 : vector<32x1024xi1>
    %gt3A_1705 = arith.cmpf ogt, %select_n3A_1673, %select_n3A_1695 : vector<32x1024xf32>
    %eq3A_1706 = arith.cmpf oeq, %select_n3A_1673, %select_n3A_1695 : vector<32x1024xf32>
    %lt3A_1707 = arith.cmpi slt, %select_n3A_1674, %select_n3A_1702 : vector<32x1024xi32>
    %and3A_1708 = arith.andi %eq3A_1706, %lt3A_1707 : vector<32x1024xi1>
    %or3A_1709 = arith.ori %gt3A_1705, %and3A_1708 : vector<32x1024xi1>
    %eq3A_1710 = arith.xori %or3A_1709, %not3A_1704 : vector<32x1024xi1>
    %eq3A_1711 = arith.constant dense<true> : vector<32x1024xi1>
    %eq3A_1712 = arith.xori %eq3A_1710, %eq3A_1711 : vector<32x1024xi1>
    %eq3A_1713 = arith.xori %eq3A_1712, %ne3A_1681 : vector<32x1024xi1>
    %eq3A_1714 = arith.constant dense<true> : vector<32x1024xi1>
    %eq3A_1715 = arith.xori %eq3A_1713, %eq3A_1714 : vector<32x1024xi1>
    %select_n3A_1716 = arith.select %eq3A_1715, %select_n3A_1673, %select_n3A_1695 : vector<32x1024xi1>, vector<32x1024xf32>
    %select_n3A_1717 = arith.select %eq3A_1715, %select_n3A_1674, %select_n3A_1702 : vector<32x1024xi1>, vector<32x1024xi32>
    %and3A_1718 = arith.constant 128 : i32
    %and3A_1719 = vector.broadcast %and3A_1718 : i32 to vector<32x1024xi32>
    %and3A_1720 = arith.andi %iota3A_553, %and3A_1719 : vector<32x1024xi32>
    %eq3A_1721 = arith.constant 0 : i32
    %eq3A_1722 = vector.broadcast %eq3A_1721 : i32 to vector<32x1024xi32>
    %eq3A_1723 = arith.cmpi eq, %and3A_1720, %eq3A_1722 : vector<32x1024xi32>
    %ne3A_1724 = arith.xori %eq3A_1723, %ne3A_564 : vector<32x1024xi1>
    %iota3A_1725 = tpu.iota {dimensions = array<i32: 1>} : vector<32x1024xi32>
    %and3A_1726 = arith.constant 1 : i32
    %and3A_1727 = vector.broadcast %and3A_1726 : i32 to vector<32x1024xi32>
    %and3A_1728 = arith.andi %iota3A_1725, %and3A_1727 : vector<32x1024xi32>
    %ne3A_1729 = arith.constant 0 : i32
    %ne3A_1730 = vector.broadcast %ne3A_1729 : i32 to vector<32x1024xi32>
    %ne3A_1731 = arith.cmpi ne, %and3A_1728, %ne3A_1730 : vector<32x1024xi32>
    %slice3A_1732 = vector.extract_strided_slice %select_n3A_1716 {offsets = [0, 1023], sizes = [32, 1], strides = [1, 1]} : vector<32x1024xf32> to vector<32x1xf32>
    %slice3A_1733 = vector.extract_strided_slice %select_n3A_1716 {offsets = [0, 0], sizes = [32, 1023], strides = [1, 1]} : vector<32x1024xf32> to vector<32x1023xf32>
    %concatenate3A_1734 = tpu.concatenate %slice3A_1732, %slice3A_1733 in 1 : vector<32x1xf32>, vector<32x1023xf32> -> vector<32x1024xf32>
    %slice3A_1735 = vector.extract_strided_slice %select_n3A_1716 {offsets = [0, 1], sizes = [32, 1023], strides = [1, 1]} : vector<32x1024xf32> to vector<32x1023xf32>
    %slice3A_1736 = vector.extract_strided_slice %select_n3A_1716 {offsets = [0, 0], sizes = [32, 1], strides = [1, 1]} : vector<32x1024xf32> to vector<32x1xf32>
    %concatenate3A_1737 = tpu.concatenate %slice3A_1735, %slice3A_1736 in 1 : vector<32x1023xf32>, vector<32x1xf32> -> vector<32x1024xf32>
    %select_n3A_1738 = arith.select %ne3A_1731, %concatenate3A_1734, %concatenate3A_1737 : vector<32x1024xi1>, vector<32x1024xf32>
    %slice3A_1739 = vector.extract_strided_slice %select_n3A_1717 {offsets = [0, 1023], sizes = [32, 1], strides = [1, 1]} : vector<32x1024xi32> to vector<32x1xi32>
    %slice3A_1740 = vector.extract_strided_slice %select_n3A_1717 {offsets = [0, 0], sizes = [32, 1023], strides = [1, 1]} : vector<32x1024xi32> to vector<32x1023xi32>
    %concatenate3A_1741 = tpu.concatenate %slice3A_1739, %slice3A_1740 in 1 : vector<32x1xi32>, vector<32x1023xi32> -> vector<32x1024xi32>
    %slice3A_1742 = vector.extract_strided_slice %select_n3A_1717 {offsets = [0, 1], sizes = [32, 1023], strides = [1, 1]} : vector<32x1024xi32> to vector<32x1023xi32>
    %slice3A_1743 = vector.extract_strided_slice %select_n3A_1717 {offsets = [0, 0], sizes = [32, 1], strides = [1, 1]} : vector<32x1024xi32> to vector<32x1xi32>
    %concatenate3A_1744 = tpu.concatenate %slice3A_1742, %slice3A_1743 in 1 : vector<32x1023xi32>, vector<32x1xi32> -> vector<32x1024xi32>
    %select_n3A_1745 = arith.select %ne3A_1731, %concatenate3A_1741, %concatenate3A_1744 : vector<32x1024xi1>, vector<32x1024xi32>
    %not3A_1746 = arith.constant dense<true> : vector<32x1024xi1>
    %not3A_1747 = arith.xori %ne3A_1731, %not3A_1746 : vector<32x1024xi1>
    %gt3A_1748 = arith.cmpf ogt, %select_n3A_1716, %select_n3A_1738 : vector<32x1024xf32>
    %eq3A_1749 = arith.cmpf oeq, %select_n3A_1716, %select_n3A_1738 : vector<32x1024xf32>
    %lt3A_1750 = arith.cmpi slt, %select_n3A_1717, %select_n3A_1745 : vector<32x1024xi32>
    %and3A_1751 = arith.andi %eq3A_1749, %lt3A_1750 : vector<32x1024xi1>
    %or3A_1752 = arith.ori %gt3A_1748, %and3A_1751 : vector<32x1024xi1>
    %eq3A_1753 = arith.xori %or3A_1752, %not3A_1747 : vector<32x1024xi1>
    %eq3A_1754 = arith.constant dense<true> : vector<32x1024xi1>
    %eq3A_1755 = arith.xori %eq3A_1753, %eq3A_1754 : vector<32x1024xi1>
    %eq3A_1756 = arith.xori %eq3A_1755, %ne3A_1724 : vector<32x1024xi1>
    %eq3A_1757 = arith.constant dense<true> : vector<32x1024xi1>
    %eq3A_1758 = arith.xori %eq3A_1756, %eq3A_1757 : vector<32x1024xi1>
    %select_n3A_1759 = arith.select %eq3A_1758, %select_n3A_1716, %select_n3A_1738 : vector<32x1024xi1>, vector<32x1024xf32>
    %select_n3A_1760 = arith.select %eq3A_1758, %select_n3A_1717, %select_n3A_1745 : vector<32x1024xi1>, vector<32x1024xi32>
    %and3A_1761 = arith.constant 256 : i32
    %and3A_1762 = vector.broadcast %and3A_1761 : i32 to vector<32x1024xi32>
    %and3A_1763 = arith.andi %iota3A_553, %and3A_1762 : vector<32x1024xi32>
    %eq3A_1764 = arith.constant 0 : i32
    %eq3A_1765 = vector.broadcast %eq3A_1764 : i32 to vector<32x1024xi32>
    %eq3A_1766 = arith.cmpi eq, %and3A_1763, %eq3A_1765 : vector<32x1024xi32>
    %ne3A_1767 = arith.xori %eq3A_1766, %ne3A_564 : vector<32x1024xi1>
    %iota3A_1768 = tpu.iota {dimensions = array<i32: 1>} : vector<32x1024xi32>
    %and3A_1769 = arith.constant 128 : i32
    %and3A_1770 = vector.broadcast %and3A_1769 : i32 to vector<32x1024xi32>
    %and3A_1771 = arith.andi %iota3A_1768, %and3A_1770 : vector<32x1024xi32>
    %ne3A_1772 = arith.constant 0 : i32
    %ne3A_1773 = vector.broadcast %ne3A_1772 : i32 to vector<32x1024xi32>
    %ne3A_1774 = arith.cmpi ne, %and3A_1771, %ne3A_1773 : vector<32x1024xi32>
    %slice3A_1775 = vector.extract_strided_slice %select_n3A_1759 {offsets = [0, 896], sizes = [32, 128], strides = [1, 1]} : vector<32x1024xf32> to vector<32x128xf32>
    %slice3A_1776 = vector.extract_strided_slice %select_n3A_1759 {offsets = [0, 0], sizes = [32, 896], strides = [1, 1]} : vector<32x1024xf32> to vector<32x896xf32>
    %concatenate3A_1777 = tpu.concatenate %slice3A_1775, %slice3A_1776 in 1 : vector<32x128xf32>, vector<32x896xf32> -> vector<32x1024xf32>
    %slice3A_1778 = vector.extract_strided_slice %select_n3A_1759 {offsets = [0, 128], sizes = [32, 896], strides = [1, 1]} : vector<32x1024xf32> to vector<32x896xf32>
    %slice3A_1779 = vector.extract_strided_slice %select_n3A_1759 {offsets = [0, 0], sizes = [32, 128], strides = [1, 1]} : vector<32x1024xf32> to vector<32x128xf32>
    %concatenate3A_1780 = tpu.concatenate %slice3A_1778, %slice3A_1779 in 1 : vector<32x896xf32>, vector<32x128xf32> -> vector<32x1024xf32>
    %select_n3A_1781 = arith.select %ne3A_1774, %concatenate3A_1777, %concatenate3A_1780 : vector<32x1024xi1>, vector<32x1024xf32>
    %slice3A_1782 = vector.extract_strided_slice %select_n3A_1760 {offsets = [0, 896], sizes = [32, 128], strides = [1, 1]} : vector<32x1024xi32> to vector<32x128xi32>
    %slice3A_1783 = vector.extract_strided_slice %select_n3A_1760 {offsets = [0, 0], sizes = [32, 896], strides = [1, 1]} : vector<32x1024xi32> to vector<32x896xi32>
    %concatenate3A_1784 = tpu.concatenate %slice3A_1782, %slice3A_1783 in 1 : vector<32x128xi32>, vector<32x896xi32> -> vector<32x1024xi32>
    %slice3A_1785 = vector.extract_strided_slice %select_n3A_1760 {offsets = [0, 128], sizes = [32, 896], strides = [1, 1]} : vector<32x1024xi32> to vector<32x896xi32>
    %slice3A_1786 = vector.extract_strided_slice %select_n3A_1760 {offsets = [0, 0], sizes = [32, 128], strides = [1, 1]} : vector<32x1024xi32> to vector<32x128xi32>
    %concatenate3A_1787 = tpu.concatenate %slice3A_1785, %slice3A_1786 in 1 : vector<32x896xi32>, vector<32x128xi32> -> vector<32x1024xi32>
    %select_n3A_1788 = arith.select %ne3A_1774, %concatenate3A_1784, %concatenate3A_1787 : vector<32x1024xi1>, vector<32x1024xi32>
    %not3A_1789 = arith.constant dense<true> : vector<32x1024xi1>
    %not3A_1790 = arith.xori %ne3A_1774, %not3A_1789 : vector<32x1024xi1>
    %gt3A_1791 = arith.cmpf ogt, %select_n3A_1759, %select_n3A_1781 : vector<32x1024xf32>
    %eq3A_1792 = arith.cmpf oeq, %select_n3A_1759, %select_n3A_1781 : vector<32x1024xf32>
    %lt3A_1793 = arith.cmpi slt, %select_n3A_1760, %select_n3A_1788 : vector<32x1024xi32>
    %and3A_1794 = arith.andi %eq3A_1792, %lt3A_1793 : vector<32x1024xi1>
    %or3A_1795 = arith.ori %gt3A_1791, %and3A_1794 : vector<32x1024xi1>
    %eq3A_1796 = arith.xori %or3A_1795, %not3A_1790 : vector<32x1024xi1>
    %eq3A_1797 = arith.constant dense<true> : vector<32x1024xi1>
    %eq3A_1798 = arith.xori %eq3A_1796, %eq3A_1797 : vector<32x1024xi1>
    %eq3A_1799 = arith.xori %eq3A_1798, %ne3A_1767 : vector<32x1024xi1>
    %eq3A_1800 = arith.constant dense<true> : vector<32x1024xi1>
    %eq3A_1801 = arith.xori %eq3A_1799, %eq3A_1800 : vector<32x1024xi1>
    %select_n3A_1802 = arith.select %eq3A_1801, %select_n3A_1759, %select_n3A_1781 : vector<32x1024xi1>, vector<32x1024xf32>
    %select_n3A_1803 = arith.select %eq3A_1801, %select_n3A_1760, %select_n3A_1788 : vector<32x1024xi1>, vector<32x1024xi32>
    %and3A_1804 = arith.constant 256 : i32
    %and3A_1805 = vector.broadcast %and3A_1804 : i32 to vector<32x1024xi32>
    %and3A_1806 = arith.andi %iota3A_553, %and3A_1805 : vector<32x1024xi32>
    %eq3A_1807 = arith.constant 0 : i32
    %eq3A_1808 = vector.broadcast %eq3A_1807 : i32 to vector<32x1024xi32>
    %eq3A_1809 = arith.cmpi eq, %and3A_1806, %eq3A_1808 : vector<32x1024xi32>
    %ne3A_1810 = arith.xori %eq3A_1809, %ne3A_564 : vector<32x1024xi1>
    %iota3A_1811 = tpu.iota {dimensions = array<i32: 1>} : vector<32x1024xi32>
    %and3A_1812 = arith.constant 64 : i32
    %and3A_1813 = vector.broadcast %and3A_1812 : i32 to vector<32x1024xi32>
    %and3A_1814 = arith.andi %iota3A_1811, %and3A_1813 : vector<32x1024xi32>
    %ne3A_1815 = arith.constant 0 : i32
    %ne3A_1816 = vector.broadcast %ne3A_1815 : i32 to vector<32x1024xi32>
    %ne3A_1817 = arith.cmpi ne, %and3A_1814, %ne3A_1816 : vector<32x1024xi32>
    %slice3A_1818 = vector.extract_strided_slice %select_n3A_1802 {offsets = [0, 960], sizes = [32, 64], strides = [1, 1]} : vector<32x1024xf32> to vector<32x64xf32>
    %slice3A_1819 = vector.extract_strided_slice %select_n3A_1802 {offsets = [0, 0], sizes = [32, 960], strides = [1, 1]} : vector<32x1024xf32> to vector<32x960xf32>
    %concatenate3A_1820 = tpu.concatenate %slice3A_1818, %slice3A_1819 in 1 : vector<32x64xf32>, vector<32x960xf32> -> vector<32x1024xf32>
    %slice3A_1821 = vector.extract_strided_slice %select_n3A_1802 {offsets = [0, 64], sizes = [32, 960], strides = [1, 1]} : vector<32x1024xf32> to vector<32x960xf32>
    %slice3A_1822 = vector.extract_strided_slice %select_n3A_1802 {offsets = [0, 0], sizes = [32, 64], strides = [1, 1]} : vector<32x1024xf32> to vector<32x64xf32>
    %concatenate3A_1823 = tpu.concatenate %slice3A_1821, %slice3A_1822 in 1 : vector<32x960xf32>, vector<32x64xf32> -> vector<32x1024xf32>
    %select_n3A_1824 = arith.select %ne3A_1817, %concatenate3A_1820, %concatenate3A_1823 : vector<32x1024xi1>, vector<32x1024xf32>
    %slice3A_1825 = vector.extract_strided_slice %select_n3A_1803 {offsets = [0, 960], sizes = [32, 64], strides = [1, 1]} : vector<32x1024xi32> to vector<32x64xi32>
    %slice3A_1826 = vector.extract_strided_slice %select_n3A_1803 {offsets = [0, 0], sizes = [32, 960], strides = [1, 1]} : vector<32x1024xi32> to vector<32x960xi32>
    %concatenate3A_1827 = tpu.concatenate %slice3A_1825, %slice3A_1826 in 1 : vector<32x64xi32>, vector<32x960xi32> -> vector<32x1024xi32>
    %slice3A_1828 = vector.extract_strided_slice %select_n3A_1803 {offsets = [0, 64], sizes = [32, 960], strides = [1, 1]} : vector<32x1024xi32> to vector<32x960xi32>
    %slice3A_1829 = vector.extract_strided_slice %select_n3A_1803 {offsets = [0, 0], sizes = [32, 64], strides = [1, 1]} : vector<32x1024xi32> to vector<32x64xi32>
    %concatenate3A_1830 = tpu.concatenate %slice3A_1828, %slice3A_1829 in 1 : vector<32x960xi32>, vector<32x64xi32> -> vector<32x1024xi32>
    %select_n3A_1831 = arith.select %ne3A_1817, %concatenate3A_1827, %concatenate3A_1830 : vector<32x1024xi1>, vector<32x1024xi32>
    %not3A_1832 = arith.constant dense<true> : vector<32x1024xi1>
    %not3A_1833 = arith.xori %ne3A_1817, %not3A_1832 : vector<32x1024xi1>
    %gt3A_1834 = arith.cmpf ogt, %select_n3A_1802, %select_n3A_1824 : vector<32x1024xf32>
    %eq3A_1835 = arith.cmpf oeq, %select_n3A_1802, %select_n3A_1824 : vector<32x1024xf32>
    %lt3A_1836 = arith.cmpi slt, %select_n3A_1803, %select_n3A_1831 : vector<32x1024xi32>
    %and3A_1837 = arith.andi %eq3A_1835, %lt3A_1836 : vector<32x1024xi1>
    %or3A_1838 = arith.ori %gt3A_1834, %and3A_1837 : vector<32x1024xi1>
    %eq3A_1839 = arith.xori %or3A_1838, %not3A_1833 : vector<32x1024xi1>
    %eq3A_1840 = arith.constant dense<true> : vector<32x1024xi1>
    %eq3A_1841 = arith.xori %eq3A_1839, %eq3A_1840 : vector<32x1024xi1>
    %eq3A_1842 = arith.xori %eq3A_1841, %ne3A_1810 : vector<32x1024xi1>
    %eq3A_1843 = arith.constant dense<true> : vector<32x1024xi1>
    %eq3A_1844 = arith.xori %eq3A_1842, %eq3A_1843 : vector<32x1024xi1>
    %select_n3A_1845 = arith.select %eq3A_1844, %select_n3A_1802, %select_n3A_1824 : vector<32x1024xi1>, vector<32x1024xf32>
    %select_n3A_1846 = arith.select %eq3A_1844, %select_n3A_1803, %select_n3A_1831 : vector<32x1024xi1>, vector<32x1024xi32>
    %and3A_1847 = arith.constant 256 : i32
    %and3A_1848 = vector.broadcast %and3A_1847 : i32 to vector<32x1024xi32>
    %and3A_1849 = arith.andi %iota3A_553, %and3A_1848 : vector<32x1024xi32>
    %eq3A_1850 = arith.constant 0 : i32
    %eq3A_1851 = vector.broadcast %eq3A_1850 : i32 to vector<32x1024xi32>
    %eq3A_1852 = arith.cmpi eq, %and3A_1849, %eq3A_1851 : vector<32x1024xi32>
    %ne3A_1853 = arith.xori %eq3A_1852, %ne3A_564 : vector<32x1024xi1>
    %iota3A_1854 = tpu.iota {dimensions = array<i32: 1>} : vector<32x1024xi32>
    %and3A_1855 = arith.constant 32 : i32
    %and3A_1856 = vector.broadcast %and3A_1855 : i32 to vector<32x1024xi32>
    %and3A_1857 = arith.andi %iota3A_1854, %and3A_1856 : vector<32x1024xi32>
    %ne3A_1858 = arith.constant 0 : i32
    %ne3A_1859 = vector.broadcast %ne3A_1858 : i32 to vector<32x1024xi32>
    %ne3A_1860 = arith.cmpi ne, %and3A_1857, %ne3A_1859 : vector<32x1024xi32>
    %slice3A_1861 = vector.extract_strided_slice %select_n3A_1845 {offsets = [0, 992], sizes = [32, 32], strides = [1, 1]} : vector<32x1024xf32> to vector<32x32xf32>
    %slice3A_1862 = vector.extract_strided_slice %select_n3A_1845 {offsets = [0, 0], sizes = [32, 992], strides = [1, 1]} : vector<32x1024xf32> to vector<32x992xf32>
    %concatenate3A_1863 = tpu.concatenate %slice3A_1861, %slice3A_1862 in 1 : vector<32x32xf32>, vector<32x992xf32> -> vector<32x1024xf32>
    %slice3A_1864 = vector.extract_strided_slice %select_n3A_1845 {offsets = [0, 32], sizes = [32, 992], strides = [1, 1]} : vector<32x1024xf32> to vector<32x992xf32>
    %slice3A_1865 = vector.extract_strided_slice %select_n3A_1845 {offsets = [0, 0], sizes = [32, 32], strides = [1, 1]} : vector<32x1024xf32> to vector<32x32xf32>
    %concatenate3A_1866 = tpu.concatenate %slice3A_1864, %slice3A_1865 in 1 : vector<32x992xf32>, vector<32x32xf32> -> vector<32x1024xf32>
    %select_n3A_1867 = arith.select %ne3A_1860, %concatenate3A_1863, %concatenate3A_1866 : vector<32x1024xi1>, vector<32x1024xf32>
    %slice3A_1868 = vector.extract_strided_slice %select_n3A_1846 {offsets = [0, 992], sizes = [32, 32], strides = [1, 1]} : vector<32x1024xi32> to vector<32x32xi32>
    %slice3A_1869 = vector.extract_strided_slice %select_n3A_1846 {offsets = [0, 0], sizes = [32, 992], strides = [1, 1]} : vector<32x1024xi32> to vector<32x992xi32>
    %concatenate3A_1870 = tpu.concatenate %slice3A_1868, %slice3A_1869 in 1 : vector<32x32xi32>, vector<32x992xi32> -> vector<32x1024xi32>
    %slice3A_1871 = vector.extract_strided_slice %select_n3A_1846 {offsets = [0, 32], sizes = [32, 992], strides = [1, 1]} : vector<32x1024xi32> to vector<32x992xi32>
    %slice3A_1872 = vector.extract_strided_slice %select_n3A_1846 {offsets = [0, 0], sizes = [32, 32], strides = [1, 1]} : vector<32x1024xi32> to vector<32x32xi32>
    %concatenate3A_1873 = tpu.concatenate %slice3A_1871, %slice3A_1872 in 1 : vector<32x992xi32>, vector<32x32xi32> -> vector<32x1024xi32>
    %select_n3A_1874 = arith.select %ne3A_1860, %concatenate3A_1870, %concatenate3A_1873 : vector<32x1024xi1>, vector<32x1024xi32>
    %not3A_1875 = arith.constant dense<true> : vector<32x1024xi1>
    %not3A_1876 = arith.xori %ne3A_1860, %not3A_1875 : vector<32x1024xi1>
    %gt3A_1877 = arith.cmpf ogt, %select_n3A_1845, %select_n3A_1867 : vector<32x1024xf32>
    %eq3A_1878 = arith.cmpf oeq, %select_n3A_1845, %select_n3A_1867 : vector<32x1024xf32>
    %lt3A_1879 = arith.cmpi slt, %select_n3A_1846, %select_n3A_1874 : vector<32x1024xi32>
    %and3A_1880 = arith.andi %eq3A_1878, %lt3A_1879 : vector<32x1024xi1>
    %or3A_1881 = arith.ori %gt3A_1877, %and3A_1880 : vector<32x1024xi1>
    %eq3A_1882 = arith.xori %or3A_1881, %not3A_1876 : vector<32x1024xi1>
    %eq3A_1883 = arith.constant dense<true> : vector<32x1024xi1>
    %eq3A_1884 = arith.xori %eq3A_1882, %eq3A_1883 : vector<32x1024xi1>
    %eq3A_1885 = arith.xori %eq3A_1884, %ne3A_1853 : vector<32x1024xi1>
    %eq3A_1886 = arith.constant dense<true> : vector<32x1024xi1>
    %eq3A_1887 = arith.xori %eq3A_1885, %eq3A_1886 : vector<32x1024xi1>
    %select_n3A_1888 = arith.select %eq3A_1887, %select_n3A_1845, %select_n3A_1867 : vector<32x1024xi1>, vector<32x1024xf32>
    %select_n3A_1889 = arith.select %eq3A_1887, %select_n3A_1846, %select_n3A_1874 : vector<32x1024xi1>, vector<32x1024xi32>
    %and3A_1890 = arith.constant 256 : i32
    %and3A_1891 = vector.broadcast %and3A_1890 : i32 to vector<32x1024xi32>
    %and3A_1892 = arith.andi %iota3A_553, %and3A_1891 : vector<32x1024xi32>
    %eq3A_1893 = arith.constant 0 : i32
    %eq3A_1894 = vector.broadcast %eq3A_1893 : i32 to vector<32x1024xi32>
    %eq3A_1895 = arith.cmpi eq, %and3A_1892, %eq3A_1894 : vector<32x1024xi32>
    %ne3A_1896 = arith.xori %eq3A_1895, %ne3A_564 : vector<32x1024xi1>
    %iota3A_1897 = tpu.iota {dimensions = array<i32: 1>} : vector<32x1024xi32>
    %and3A_1898 = arith.constant 16 : i32
    %and3A_1899 = vector.broadcast %and3A_1898 : i32 to vector<32x1024xi32>
    %and3A_1900 = arith.andi %iota3A_1897, %and3A_1899 : vector<32x1024xi32>
    %ne3A_1901 = arith.constant 0 : i32
    %ne3A_1902 = vector.broadcast %ne3A_1901 : i32 to vector<32x1024xi32>
    %ne3A_1903 = arith.cmpi ne, %and3A_1900, %ne3A_1902 : vector<32x1024xi32>
    %slice3A_1904 = vector.extract_strided_slice %select_n3A_1888 {offsets = [0, 1008], sizes = [32, 16], strides = [1, 1]} : vector<32x1024xf32> to vector<32x16xf32>
    %slice3A_1905 = vector.extract_strided_slice %select_n3A_1888 {offsets = [0, 0], sizes = [32, 1008], strides = [1, 1]} : vector<32x1024xf32> to vector<32x1008xf32>
    %concatenate3A_1906 = tpu.concatenate %slice3A_1904, %slice3A_1905 in 1 : vector<32x16xf32>, vector<32x1008xf32> -> vector<32x1024xf32>
    %slice3A_1907 = vector.extract_strided_slice %select_n3A_1888 {offsets = [0, 16], sizes = [32, 1008], strides = [1, 1]} : vector<32x1024xf32> to vector<32x1008xf32>
    %slice3A_1908 = vector.extract_strided_slice %select_n3A_1888 {offsets = [0, 0], sizes = [32, 16], strides = [1, 1]} : vector<32x1024xf32> to vector<32x16xf32>
    %concatenate3A_1909 = tpu.concatenate %slice3A_1907, %slice3A_1908 in 1 : vector<32x1008xf32>, vector<32x16xf32> -> vector<32x1024xf32>
    %select_n3A_1910 = arith.select %ne3A_1903, %concatenate3A_1906, %concatenate3A_1909 : vector<32x1024xi1>, vector<32x1024xf32>
    %slice3A_1911 = vector.extract_strided_slice %select_n3A_1889 {offsets = [0, 1008], sizes = [32, 16], strides = [1, 1]} : vector<32x1024xi32> to vector<32x16xi32>
    %slice3A_1912 = vector.extract_strided_slice %select_n3A_1889 {offsets = [0, 0], sizes = [32, 1008], strides = [1, 1]} : vector<32x1024xi32> to vector<32x1008xi32>
    %concatenate3A_1913 = tpu.concatenate %slice3A_1911, %slice3A_1912 in 1 : vector<32x16xi32>, vector<32x1008xi32> -> vector<32x1024xi32>
    %slice3A_1914 = vector.extract_strided_slice %select_n3A_1889 {offsets = [0, 16], sizes = [32, 1008], strides = [1, 1]} : vector<32x1024xi32> to vector<32x1008xi32>
    %slice3A_1915 = vector.extract_strided_slice %select_n3A_1889 {offsets = [0, 0], sizes = [32, 16], strides = [1, 1]} : vector<32x1024xi32> to vector<32x16xi32>
    %concatenate3A_1916 = tpu.concatenate %slice3A_1914, %slice3A_1915 in 1 : vector<32x1008xi32>, vector<32x16xi32> -> vector<32x1024xi32>
    %select_n3A_1917 = arith.select %ne3A_1903, %concatenate3A_1913, %concatenate3A_1916 : vector<32x1024xi1>, vector<32x1024xi32>
    %not3A_1918 = arith.constant dense<true> : vector<32x1024xi1>
    %not3A_1919 = arith.xori %ne3A_1903, %not3A_1918 : vector<32x1024xi1>
    %gt3A_1920 = arith.cmpf ogt, %select_n3A_1888, %select_n3A_1910 : vector<32x1024xf32>
    %eq3A_1921 = arith.cmpf oeq, %select_n3A_1888, %select_n3A_1910 : vector<32x1024xf32>
    %lt3A_1922 = arith.cmpi slt, %select_n3A_1889, %select_n3A_1917 : vector<32x1024xi32>
    %and3A_1923 = arith.andi %eq3A_1921, %lt3A_1922 : vector<32x1024xi1>
    %or3A_1924 = arith.ori %gt3A_1920, %and3A_1923 : vector<32x1024xi1>
    %eq3A_1925 = arith.xori %or3A_1924, %not3A_1919 : vector<32x1024xi1>
    %eq3A_1926 = arith.constant dense<true> : vector<32x1024xi1>
    %eq3A_1927 = arith.xori %eq3A_1925, %eq3A_1926 : vector<32x1024xi1>
    %eq3A_1928 = arith.xori %eq3A_1927, %ne3A_1896 : vector<32x1024xi1>
    %eq3A_1929 = arith.constant dense<true> : vector<32x1024xi1>
    %eq3A_1930 = arith.xori %eq3A_1928, %eq3A_1929 : vector<32x1024xi1>
    %select_n3A_1931 = arith.select %eq3A_1930, %select_n3A_1888, %select_n3A_1910 : vector<32x1024xi1>, vector<32x1024xf32>
    %select_n3A_1932 = arith.select %eq3A_1930, %select_n3A_1889, %select_n3A_1917 : vector<32x1024xi1>, vector<32x1024xi32>
    %and3A_1933 = arith.constant 256 : i32
    %and3A_1934 = vector.broadcast %and3A_1933 : i32 to vector<32x1024xi32>
    %and3A_1935 = arith.andi %iota3A_553, %and3A_1934 : vector<32x1024xi32>
    %eq3A_1936 = arith.constant 0 : i32
    %eq3A_1937 = vector.broadcast %eq3A_1936 : i32 to vector<32x1024xi32>
    %eq3A_1938 = arith.cmpi eq, %and3A_1935, %eq3A_1937 : vector<32x1024xi32>
    %ne3A_1939 = arith.xori %eq3A_1938, %ne3A_564 : vector<32x1024xi1>
    %iota3A_1940 = tpu.iota {dimensions = array<i32: 1>} : vector<32x1024xi32>
    %and3A_1941 = arith.constant 8 : i32
    %and3A_1942 = vector.broadcast %and3A_1941 : i32 to vector<32x1024xi32>
    %and3A_1943 = arith.andi %iota3A_1940, %and3A_1942 : vector<32x1024xi32>
    %ne3A_1944 = arith.constant 0 : i32
    %ne3A_1945 = vector.broadcast %ne3A_1944 : i32 to vector<32x1024xi32>
    %ne3A_1946 = arith.cmpi ne, %and3A_1943, %ne3A_1945 : vector<32x1024xi32>
    %slice3A_1947 = vector.extract_strided_slice %select_n3A_1931 {offsets = [0, 1016], sizes = [32, 8], strides = [1, 1]} : vector<32x1024xf32> to vector<32x8xf32>
    %slice3A_1948 = vector.extract_strided_slice %select_n3A_1931 {offsets = [0, 0], sizes = [32, 1016], strides = [1, 1]} : vector<32x1024xf32> to vector<32x1016xf32>
    %concatenate3A_1949 = tpu.concatenate %slice3A_1947, %slice3A_1948 in 1 : vector<32x8xf32>, vector<32x1016xf32> -> vector<32x1024xf32>
    %slice3A_1950 = vector.extract_strided_slice %select_n3A_1931 {offsets = [0, 8], sizes = [32, 1016], strides = [1, 1]} : vector<32x1024xf32> to vector<32x1016xf32>
    %slice3A_1951 = vector.extract_strided_slice %select_n3A_1931 {offsets = [0, 0], sizes = [32, 8], strides = [1, 1]} : vector<32x1024xf32> to vector<32x8xf32>
    %concatenate3A_1952 = tpu.concatenate %slice3A_1950, %slice3A_1951 in 1 : vector<32x1016xf32>, vector<32x8xf32> -> vector<32x1024xf32>
    %select_n3A_1953 = arith.select %ne3A_1946, %concatenate3A_1949, %concatenate3A_1952 : vector<32x1024xi1>, vector<32x1024xf32>
    %slice3A_1954 = vector.extract_strided_slice %select_n3A_1932 {offsets = [0, 1016], sizes = [32, 8], strides = [1, 1]} : vector<32x1024xi32> to vector<32x8xi32>
    %slice3A_1955 = vector.extract_strided_slice %select_n3A_1932 {offsets = [0, 0], sizes = [32, 1016], strides = [1, 1]} : vector<32x1024xi32> to vector<32x1016xi32>
    %concatenate3A_1956 = tpu.concatenate %slice3A_1954, %slice3A_1955 in 1 : vector<32x8xi32>, vector<32x1016xi32> -> vector<32x1024xi32>
    %slice3A_1957 = vector.extract_strided_slice %select_n3A_1932 {offsets = [0, 8], sizes = [32, 1016], strides = [1, 1]} : vector<32x1024xi32> to vector<32x1016xi32>
    %slice3A_1958 = vector.extract_strided_slice %select_n3A_1932 {offsets = [0, 0], sizes = [32, 8], strides = [1, 1]} : vector<32x1024xi32> to vector<32x8xi32>
    %concatenate3A_1959 = tpu.concatenate %slice3A_1957, %slice3A_1958 in 1 : vector<32x1016xi32>, vector<32x8xi32> -> vector<32x1024xi32>
    %select_n3A_1960 = arith.select %ne3A_1946, %concatenate3A_1956, %concatenate3A_1959 : vector<32x1024xi1>, vector<32x1024xi32>
    %not3A_1961 = arith.constant dense<true> : vector<32x1024xi1>
    %not3A_1962 = arith.xori %ne3A_1946, %not3A_1961 : vector<32x1024xi1>
    %gt3A_1963 = arith.cmpf ogt, %select_n3A_1931, %select_n3A_1953 : vector<32x1024xf32>
    %eq3A_1964 = arith.cmpf oeq, %select_n3A_1931, %select_n3A_1953 : vector<32x1024xf32>
    %lt3A_1965 = arith.cmpi slt, %select_n3A_1932, %select_n3A_1960 : vector<32x1024xi32>
    %and3A_1966 = arith.andi %eq3A_1964, %lt3A_1965 : vector<32x1024xi1>
    %or3A_1967 = arith.ori %gt3A_1963, %and3A_1966 : vector<32x1024xi1>
    %eq3A_1968 = arith.xori %or3A_1967, %not3A_1962 : vector<32x1024xi1>
    %eq3A_1969 = arith.constant dense<true> : vector<32x1024xi1>
    %eq3A_1970 = arith.xori %eq3A_1968, %eq3A_1969 : vector<32x1024xi1>
    %eq3A_1971 = arith.xori %eq3A_1970, %ne3A_1939 : vector<32x1024xi1>
    %eq3A_1972 = arith.constant dense<true> : vector<32x1024xi1>
    %eq3A_1973 = arith.xori %eq3A_1971, %eq3A_1972 : vector<32x1024xi1>
    %select_n3A_1974 = arith.select %eq3A_1973, %select_n3A_1931, %select_n3A_1953 : vector<32x1024xi1>, vector<32x1024xf32>
    %select_n3A_1975 = arith.select %eq3A_1973, %select_n3A_1932, %select_n3A_1960 : vector<32x1024xi1>, vector<32x1024xi32>
    %and3A_1976 = arith.constant 256 : i32
    %and3A_1977 = vector.broadcast %and3A_1976 : i32 to vector<32x1024xi32>
    %and3A_1978 = arith.andi %iota3A_553, %and3A_1977 : vector<32x1024xi32>
    %eq3A_1979 = arith.constant 0 : i32
    %eq3A_1980 = vector.broadcast %eq3A_1979 : i32 to vector<32x1024xi32>
    %eq3A_1981 = arith.cmpi eq, %and3A_1978, %eq3A_1980 : vector<32x1024xi32>
    %ne3A_1982 = arith.xori %eq3A_1981, %ne3A_564 : vector<32x1024xi1>
    %iota3A_1983 = tpu.iota {dimensions = array<i32: 1>} : vector<32x1024xi32>
    %and3A_1984 = arith.constant 4 : i32
    %and3A_1985 = vector.broadcast %and3A_1984 : i32 to vector<32x1024xi32>
    %and3A_1986 = arith.andi %iota3A_1983, %and3A_1985 : vector<32x1024xi32>
    %ne3A_1987 = arith.constant 0 : i32
    %ne3A_1988 = vector.broadcast %ne3A_1987 : i32 to vector<32x1024xi32>
    %ne3A_1989 = arith.cmpi ne, %and3A_1986, %ne3A_1988 : vector<32x1024xi32>
    %slice3A_1990 = vector.extract_strided_slice %select_n3A_1974 {offsets = [0, 1020], sizes = [32, 4], strides = [1, 1]} : vector<32x1024xf32> to vector<32x4xf32>
    %slice3A_1991 = vector.extract_strided_slice %select_n3A_1974 {offsets = [0, 0], sizes = [32, 1020], strides = [1, 1]} : vector<32x1024xf32> to vector<32x1020xf32>
    %concatenate3A_1992 = tpu.concatenate %slice3A_1990, %slice3A_1991 in 1 : vector<32x4xf32>, vector<32x1020xf32> -> vector<32x1024xf32>
    %slice3A_1993 = vector.extract_strided_slice %select_n3A_1974 {offsets = [0, 4], sizes = [32, 1020], strides = [1, 1]} : vector<32x1024xf32> to vector<32x1020xf32>
    %slice3A_1994 = vector.extract_strided_slice %select_n3A_1974 {offsets = [0, 0], sizes = [32, 4], strides = [1, 1]} : vector<32x1024xf32> to vector<32x4xf32>
    %concatenate3A_1995 = tpu.concatenate %slice3A_1993, %slice3A_1994 in 1 : vector<32x1020xf32>, vector<32x4xf32> -> vector<32x1024xf32>
    %select_n3A_1996 = arith.select %ne3A_1989, %concatenate3A_1992, %concatenate3A_1995 : vector<32x1024xi1>, vector<32x1024xf32>
    %slice3A_1997 = vector.extract_strided_slice %select_n3A_1975 {offsets = [0, 1020], sizes = [32, 4], strides = [1, 1]} : vector<32x1024xi32> to vector<32x4xi32>
    %slice3A_1998 = vector.extract_strided_slice %select_n3A_1975 {offsets = [0, 0], sizes = [32, 1020], strides = [1, 1]} : vector<32x1024xi32> to vector<32x1020xi32>
    %concatenate3A_1999 = tpu.concatenate %slice3A_1997, %slice3A_1998 in 1 : vector<32x4xi32>, vector<32x1020xi32> -> vector<32x1024xi32>
    %slice3A_2000 = vector.extract_strided_slice %select_n3A_1975 {offsets = [0, 4], sizes = [32, 1020], strides = [1, 1]} : vector<32x1024xi32> to vector<32x1020xi32>
    %slice3A_2001 = vector.extract_strided_slice %select_n3A_1975 {offsets = [0, 0], sizes = [32, 4], strides = [1, 1]} : vector<32x1024xi32> to vector<32x4xi32>
    %concatenate3A_2002 = tpu.concatenate %slice3A_2000, %slice3A_2001 in 1 : vector<32x1020xi32>, vector<32x4xi32> -> vector<32x1024xi32>
    %select_n3A_2003 = arith.select %ne3A_1989, %concatenate3A_1999, %concatenate3A_2002 : vector<32x1024xi1>, vector<32x1024xi32>
    %not3A_2004 = arith.constant dense<true> : vector<32x1024xi1>
    %not3A_2005 = arith.xori %ne3A_1989, %not3A_2004 : vector<32x1024xi1>
    %gt3A_2006 = arith.cmpf ogt, %select_n3A_1974, %select_n3A_1996 : vector<32x1024xf32>
    %eq3A_2007 = arith.cmpf oeq, %select_n3A_1974, %select_n3A_1996 : vector<32x1024xf32>
    %lt3A_2008 = arith.cmpi slt, %select_n3A_1975, %select_n3A_2003 : vector<32x1024xi32>
    %and3A_2009 = arith.andi %eq3A_2007, %lt3A_2008 : vector<32x1024xi1>
    %or3A_2010 = arith.ori %gt3A_2006, %and3A_2009 : vector<32x1024xi1>
    %eq3A_2011 = arith.xori %or3A_2010, %not3A_2005 : vector<32x1024xi1>
    %eq3A_2012 = arith.constant dense<true> : vector<32x1024xi1>
    %eq3A_2013 = arith.xori %eq3A_2011, %eq3A_2012 : vector<32x1024xi1>
    %eq3A_2014 = arith.xori %eq3A_2013, %ne3A_1982 : vector<32x1024xi1>
    %eq3A_2015 = arith.constant dense<true> : vector<32x1024xi1>
    %eq3A_2016 = arith.xori %eq3A_2014, %eq3A_2015 : vector<32x1024xi1>
    %select_n3A_2017 = arith.select %eq3A_2016, %select_n3A_1974, %select_n3A_1996 : vector<32x1024xi1>, vector<32x1024xf32>
    %select_n3A_2018 = arith.select %eq3A_2016, %select_n3A_1975, %select_n3A_2003 : vector<32x1024xi1>, vector<32x1024xi32>
    %and3A_2019 = arith.constant 256 : i32
    %and3A_2020 = vector.broadcast %and3A_2019 : i32 to vector<32x1024xi32>
    %and3A_2021 = arith.andi %iota3A_553, %and3A_2020 : vector<32x1024xi32>
    %eq3A_2022 = arith.constant 0 : i32
    %eq3A_2023 = vector.broadcast %eq3A_2022 : i32 to vector<32x1024xi32>
    %eq3A_2024 = arith.cmpi eq, %and3A_2021, %eq3A_2023 : vector<32x1024xi32>
    %ne3A_2025 = arith.xori %eq3A_2024, %ne3A_564 : vector<32x1024xi1>
    %iota3A_2026 = tpu.iota {dimensions = array<i32: 1>} : vector<32x1024xi32>
    %and3A_2027 = arith.constant 2 : i32
    %and3A_2028 = vector.broadcast %and3A_2027 : i32 to vector<32x1024xi32>
    %and3A_2029 = arith.andi %iota3A_2026, %and3A_2028 : vector<32x1024xi32>
    %ne3A_2030 = arith.constant 0 : i32
    %ne3A_2031 = vector.broadcast %ne3A_2030 : i32 to vector<32x1024xi32>
    %ne3A_2032 = arith.cmpi ne, %and3A_2029, %ne3A_2031 : vector<32x1024xi32>
    %slice3A_2033 = vector.extract_strided_slice %select_n3A_2017 {offsets = [0, 1022], sizes = [32, 2], strides = [1, 1]} : vector<32x1024xf32> to vector<32x2xf32>
    %slice3A_2034 = vector.extract_strided_slice %select_n3A_2017 {offsets = [0, 0], sizes = [32, 1022], strides = [1, 1]} : vector<32x1024xf32> to vector<32x1022xf32>
    %concatenate3A_2035 = tpu.concatenate %slice3A_2033, %slice3A_2034 in 1 : vector<32x2xf32>, vector<32x1022xf32> -> vector<32x1024xf32>
    %slice3A_2036 = vector.extract_strided_slice %select_n3A_2017 {offsets = [0, 2], sizes = [32, 1022], strides = [1, 1]} : vector<32x1024xf32> to vector<32x1022xf32>
    %slice3A_2037 = vector.extract_strided_slice %select_n3A_2017 {offsets = [0, 0], sizes = [32, 2], strides = [1, 1]} : vector<32x1024xf32> to vector<32x2xf32>
    %concatenate3A_2038 = tpu.concatenate %slice3A_2036, %slice3A_2037 in 1 : vector<32x1022xf32>, vector<32x2xf32> -> vector<32x1024xf32>
    %select_n3A_2039 = arith.select %ne3A_2032, %concatenate3A_2035, %concatenate3A_2038 : vector<32x1024xi1>, vector<32x1024xf32>
    %slice3A_2040 = vector.extract_strided_slice %select_n3A_2018 {offsets = [0, 1022], sizes = [32, 2], strides = [1, 1]} : vector<32x1024xi32> to vector<32x2xi32>
    %slice3A_2041 = vector.extract_strided_slice %select_n3A_2018 {offsets = [0, 0], sizes = [32, 1022], strides = [1, 1]} : vector<32x1024xi32> to vector<32x1022xi32>
    %concatenate3A_2042 = tpu.concatenate %slice3A_2040, %slice3A_2041 in 1 : vector<32x2xi32>, vector<32x1022xi32> -> vector<32x1024xi32>
    %slice3A_2043 = vector.extract_strided_slice %select_n3A_2018 {offsets = [0, 2], sizes = [32, 1022], strides = [1, 1]} : vector<32x1024xi32> to vector<32x1022xi32>
    %slice3A_2044 = vector.extract_strided_slice %select_n3A_2018 {offsets = [0, 0], sizes = [32, 2], strides = [1, 1]} : vector<32x1024xi32> to vector<32x2xi32>
    %concatenate3A_2045 = tpu.concatenate %slice3A_2043, %slice3A_2044 in 1 : vector<32x1022xi32>, vector<32x2xi32> -> vector<32x1024xi32>
    %select_n3A_2046 = arith.select %ne3A_2032, %concatenate3A_2042, %concatenate3A_2045 : vector<32x1024xi1>, vector<32x1024xi32>
    %not3A_2047 = arith.constant dense<true> : vector<32x1024xi1>
    %not3A_2048 = arith.xori %ne3A_2032, %not3A_2047 : vector<32x1024xi1>
    %gt3A_2049 = arith.cmpf ogt, %select_n3A_2017, %select_n3A_2039 : vector<32x1024xf32>
    %eq3A_2050 = arith.cmpf oeq, %select_n3A_2017, %select_n3A_2039 : vector<32x1024xf32>
    %lt3A_2051 = arith.cmpi slt, %select_n3A_2018, %select_n3A_2046 : vector<32x1024xi32>
    %and3A_2052 = arith.andi %eq3A_2050, %lt3A_2051 : vector<32x1024xi1>
    %or3A_2053 = arith.ori %gt3A_2049, %and3A_2052 : vector<32x1024xi1>
    %eq3A_2054 = arith.xori %or3A_2053, %not3A_2048 : vector<32x1024xi1>
    %eq3A_2055 = arith.constant dense<true> : vector<32x1024xi1>
    %eq3A_2056 = arith.xori %eq3A_2054, %eq3A_2055 : vector<32x1024xi1>
    %eq3A_2057 = arith.xori %eq3A_2056, %ne3A_2025 : vector<32x1024xi1>
    %eq3A_2058 = arith.constant dense<true> : vector<32x1024xi1>
    %eq3A_2059 = arith.xori %eq3A_2057, %eq3A_2058 : vector<32x1024xi1>
    %select_n3A_2060 = arith.select %eq3A_2059, %select_n3A_2017, %select_n3A_2039 : vector<32x1024xi1>, vector<32x1024xf32>
    %select_n3A_2061 = arith.select %eq3A_2059, %select_n3A_2018, %select_n3A_2046 : vector<32x1024xi1>, vector<32x1024xi32>
    %and3A_2062 = arith.constant 256 : i32
    %and3A_2063 = vector.broadcast %and3A_2062 : i32 to vector<32x1024xi32>
    %and3A_2064 = arith.andi %iota3A_553, %and3A_2063 : vector<32x1024xi32>
    %eq3A_2065 = arith.constant 0 : i32
    %eq3A_2066 = vector.broadcast %eq3A_2065 : i32 to vector<32x1024xi32>
    %eq3A_2067 = arith.cmpi eq, %and3A_2064, %eq3A_2066 : vector<32x1024xi32>
    %ne3A_2068 = arith.xori %eq3A_2067, %ne3A_564 : vector<32x1024xi1>
    %iota3A_2069 = tpu.iota {dimensions = array<i32: 1>} : vector<32x1024xi32>
    %and3A_2070 = arith.constant 1 : i32
    %and3A_2071 = vector.broadcast %and3A_2070 : i32 to vector<32x1024xi32>
    %and3A_2072 = arith.andi %iota3A_2069, %and3A_2071 : vector<32x1024xi32>
    %ne3A_2073 = arith.constant 0 : i32
    %ne3A_2074 = vector.broadcast %ne3A_2073 : i32 to vector<32x1024xi32>
    %ne3A_2075 = arith.cmpi ne, %and3A_2072, %ne3A_2074 : vector<32x1024xi32>
    %slice3A_2076 = vector.extract_strided_slice %select_n3A_2060 {offsets = [0, 1023], sizes = [32, 1], strides = [1, 1]} : vector<32x1024xf32> to vector<32x1xf32>
    %slice3A_2077 = vector.extract_strided_slice %select_n3A_2060 {offsets = [0, 0], sizes = [32, 1023], strides = [1, 1]} : vector<32x1024xf32> to vector<32x1023xf32>
    %concatenate3A_2078 = tpu.concatenate %slice3A_2076, %slice3A_2077 in 1 : vector<32x1xf32>, vector<32x1023xf32> -> vector<32x1024xf32>
    %slice3A_2079 = vector.extract_strided_slice %select_n3A_2060 {offsets = [0, 1], sizes = [32, 1023], strides = [1, 1]} : vector<32x1024xf32> to vector<32x1023xf32>
    %slice3A_2080 = vector.extract_strided_slice %select_n3A_2060 {offsets = [0, 0], sizes = [32, 1], strides = [1, 1]} : vector<32x1024xf32> to vector<32x1xf32>
    %concatenate3A_2081 = tpu.concatenate %slice3A_2079, %slice3A_2080 in 1 : vector<32x1023xf32>, vector<32x1xf32> -> vector<32x1024xf32>
    %select_n3A_2082 = arith.select %ne3A_2075, %concatenate3A_2078, %concatenate3A_2081 : vector<32x1024xi1>, vector<32x1024xf32>
    %slice3A_2083 = vector.extract_strided_slice %select_n3A_2061 {offsets = [0, 1023], sizes = [32, 1], strides = [1, 1]} : vector<32x1024xi32> to vector<32x1xi32>
    %slice3A_2084 = vector.extract_strided_slice %select_n3A_2061 {offsets = [0, 0], sizes = [32, 1023], strides = [1, 1]} : vector<32x1024xi32> to vector<32x1023xi32>
    %concatenate3A_2085 = tpu.concatenate %slice3A_2083, %slice3A_2084 in 1 : vector<32x1xi32>, vector<32x1023xi32> -> vector<32x1024xi32>
    %slice3A_2086 = vector.extract_strided_slice %select_n3A_2061 {offsets = [0, 1], sizes = [32, 1023], strides = [1, 1]} : vector<32x1024xi32> to vector<32x1023xi32>
    %slice3A_2087 = vector.extract_strided_slice %select_n3A_2061 {offsets = [0, 0], sizes = [32, 1], strides = [1, 1]} : vector<32x1024xi32> to vector<32x1xi32>
    %concatenate3A_2088 = tpu.concatenate %slice3A_2086, %slice3A_2087 in 1 : vector<32x1023xi32>, vector<32x1xi32> -> vector<32x1024xi32>
    %select_n3A_2089 = arith.select %ne3A_2075, %concatenate3A_2085, %concatenate3A_2088 : vector<32x1024xi1>, vector<32x1024xi32>
    %not3A_2090 = arith.constant dense<true> : vector<32x1024xi1>
    %not3A_2091 = arith.xori %ne3A_2075, %not3A_2090 : vector<32x1024xi1>
    %gt3A_2092 = arith.cmpf ogt, %select_n3A_2060, %select_n3A_2082 : vector<32x1024xf32>
    %eq3A_2093 = arith.cmpf oeq, %select_n3A_2060, %select_n3A_2082 : vector<32x1024xf32>
    %lt3A_2094 = arith.cmpi slt, %select_n3A_2061, %select_n3A_2089 : vector<32x1024xi32>
    %and3A_2095 = arith.andi %eq3A_2093, %lt3A_2094 : vector<32x1024xi1>
    %or3A_2096 = arith.ori %gt3A_2092, %and3A_2095 : vector<32x1024xi1>
    %eq3A_2097 = arith.xori %or3A_2096, %not3A_2091 : vector<32x1024xi1>
    %eq3A_2098 = arith.constant dense<true> : vector<32x1024xi1>
    %eq3A_2099 = arith.xori %eq3A_2097, %eq3A_2098 : vector<32x1024xi1>
    %eq3A_2100 = arith.xori %eq3A_2099, %ne3A_2068 : vector<32x1024xi1>
    %eq3A_2101 = arith.constant dense<true> : vector<32x1024xi1>
    %eq3A_2102 = arith.xori %eq3A_2100, %eq3A_2101 : vector<32x1024xi1>
    %select_n3A_2103 = arith.select %eq3A_2102, %select_n3A_2060, %select_n3A_2082 : vector<32x1024xi1>, vector<32x1024xf32>
    %select_n3A_2104 = arith.select %eq3A_2102, %select_n3A_2061, %select_n3A_2089 : vector<32x1024xi1>, vector<32x1024xi32>
    %and3A_2105 = arith.constant 512 : i32
    %and3A_2106 = vector.broadcast %and3A_2105 : i32 to vector<32x1024xi32>
    %and3A_2107 = arith.andi %iota3A_553, %and3A_2106 : vector<32x1024xi32>
    %eq3A_2108 = arith.constant 0 : i32
    %eq3A_2109 = vector.broadcast %eq3A_2108 : i32 to vector<32x1024xi32>
    %eq3A_2110 = arith.cmpi eq, %and3A_2107, %eq3A_2109 : vector<32x1024xi32>
    %ne3A_2111 = arith.xori %eq3A_2110, %ne3A_564 : vector<32x1024xi1>
    %iota3A_2112 = tpu.iota {dimensions = array<i32: 1>} : vector<32x1024xi32>
    %and3A_2113 = arith.constant 256 : i32
    %and3A_2114 = vector.broadcast %and3A_2113 : i32 to vector<32x1024xi32>
    %and3A_2115 = arith.andi %iota3A_2112, %and3A_2114 : vector<32x1024xi32>
    %ne3A_2116 = arith.constant 0 : i32
    %ne3A_2117 = vector.broadcast %ne3A_2116 : i32 to vector<32x1024xi32>
    %ne3A_2118 = arith.cmpi ne, %and3A_2115, %ne3A_2117 : vector<32x1024xi32>
    %slice3A_2119 = vector.extract_strided_slice %select_n3A_2103 {offsets = [0, 768], sizes = [32, 256], strides = [1, 1]} : vector<32x1024xf32> to vector<32x256xf32>
    %slice3A_2120 = vector.extract_strided_slice %select_n3A_2103 {offsets = [0, 0], sizes = [32, 768], strides = [1, 1]} : vector<32x1024xf32> to vector<32x768xf32>
    %concatenate3A_2121 = tpu.concatenate %slice3A_2119, %slice3A_2120 in 1 : vector<32x256xf32>, vector<32x768xf32> -> vector<32x1024xf32>
    %slice3A_2122 = vector.extract_strided_slice %select_n3A_2103 {offsets = [0, 256], sizes = [32, 768], strides = [1, 1]} : vector<32x1024xf32> to vector<32x768xf32>
    %slice3A_2123 = vector.extract_strided_slice %select_n3A_2103 {offsets = [0, 0], sizes = [32, 256], strides = [1, 1]} : vector<32x1024xf32> to vector<32x256xf32>
    %concatenate3A_2124 = tpu.concatenate %slice3A_2122, %slice3A_2123 in 1 : vector<32x768xf32>, vector<32x256xf32> -> vector<32x1024xf32>
    %select_n3A_2125 = arith.select %ne3A_2118, %concatenate3A_2121, %concatenate3A_2124 : vector<32x1024xi1>, vector<32x1024xf32>
    %slice3A_2126 = vector.extract_strided_slice %select_n3A_2104 {offsets = [0, 768], sizes = [32, 256], strides = [1, 1]} : vector<32x1024xi32> to vector<32x256xi32>
    %slice3A_2127 = vector.extract_strided_slice %select_n3A_2104 {offsets = [0, 0], sizes = [32, 768], strides = [1, 1]} : vector<32x1024xi32> to vector<32x768xi32>
    %concatenate3A_2128 = tpu.concatenate %slice3A_2126, %slice3A_2127 in 1 : vector<32x256xi32>, vector<32x768xi32> -> vector<32x1024xi32>
    %slice3A_2129 = vector.extract_strided_slice %select_n3A_2104 {offsets = [0, 256], sizes = [32, 768], strides = [1, 1]} : vector<32x1024xi32> to vector<32x768xi32>
    %slice3A_2130 = vector.extract_strided_slice %select_n3A_2104 {offsets = [0, 0], sizes = [32, 256], strides = [1, 1]} : vector<32x1024xi32> to vector<32x256xi32>
    %concatenate3A_2131 = tpu.concatenate %slice3A_2129, %slice3A_2130 in 1 : vector<32x768xi32>, vector<32x256xi32> -> vector<32x1024xi32>
    %select_n3A_2132 = arith.select %ne3A_2118, %concatenate3A_2128, %concatenate3A_2131 : vector<32x1024xi1>, vector<32x1024xi32>
    %not3A_2133 = arith.constant dense<true> : vector<32x1024xi1>
    %not3A_2134 = arith.xori %ne3A_2118, %not3A_2133 : vector<32x1024xi1>
    %gt3A_2135 = arith.cmpf ogt, %select_n3A_2103, %select_n3A_2125 : vector<32x1024xf32>
    %eq3A_2136 = arith.cmpf oeq, %select_n3A_2103, %select_n3A_2125 : vector<32x1024xf32>
    %lt3A_2137 = arith.cmpi slt, %select_n3A_2104, %select_n3A_2132 : vector<32x1024xi32>
    %and3A_2138 = arith.andi %eq3A_2136, %lt3A_2137 : vector<32x1024xi1>
    %or3A_2139 = arith.ori %gt3A_2135, %and3A_2138 : vector<32x1024xi1>
    %eq3A_2140 = arith.xori %or3A_2139, %not3A_2134 : vector<32x1024xi1>
    %eq3A_2141 = arith.constant dense<true> : vector<32x1024xi1>
    %eq3A_2142 = arith.xori %eq3A_2140, %eq3A_2141 : vector<32x1024xi1>
    %eq3A_2143 = arith.xori %eq3A_2142, %ne3A_2111 : vector<32x1024xi1>
    %eq3A_2144 = arith.constant dense<true> : vector<32x1024xi1>
    %eq3A_2145 = arith.xori %eq3A_2143, %eq3A_2144 : vector<32x1024xi1>
    %select_n3A_2146 = arith.select %eq3A_2145, %select_n3A_2103, %select_n3A_2125 : vector<32x1024xi1>, vector<32x1024xf32>
    %select_n3A_2147 = arith.select %eq3A_2145, %select_n3A_2104, %select_n3A_2132 : vector<32x1024xi1>, vector<32x1024xi32>
    %and3A_2148 = arith.constant 512 : i32
    %and3A_2149 = vector.broadcast %and3A_2148 : i32 to vector<32x1024xi32>
    %and3A_2150 = arith.andi %iota3A_553, %and3A_2149 : vector<32x1024xi32>
    %eq3A_2151 = arith.constant 0 : i32
    %eq3A_2152 = vector.broadcast %eq3A_2151 : i32 to vector<32x1024xi32>
    %eq3A_2153 = arith.cmpi eq, %and3A_2150, %eq3A_2152 : vector<32x1024xi32>
    %ne3A_2154 = arith.xori %eq3A_2153, %ne3A_564 : vector<32x1024xi1>
    %iota3A_2155 = tpu.iota {dimensions = array<i32: 1>} : vector<32x1024xi32>
    %and3A_2156 = arith.constant 128 : i32
    %and3A_2157 = vector.broadcast %and3A_2156 : i32 to vector<32x1024xi32>
    %and3A_2158 = arith.andi %iota3A_2155, %and3A_2157 : vector<32x1024xi32>
    %ne3A_2159 = arith.constant 0 : i32
    %ne3A_2160 = vector.broadcast %ne3A_2159 : i32 to vector<32x1024xi32>
    %ne3A_2161 = arith.cmpi ne, %and3A_2158, %ne3A_2160 : vector<32x1024xi32>
    %slice3A_2162 = vector.extract_strided_slice %select_n3A_2146 {offsets = [0, 896], sizes = [32, 128], strides = [1, 1]} : vector<32x1024xf32> to vector<32x128xf32>
    %slice3A_2163 = vector.extract_strided_slice %select_n3A_2146 {offsets = [0, 0], sizes = [32, 896], strides = [1, 1]} : vector<32x1024xf32> to vector<32x896xf32>
    %concatenate3A_2164 = tpu.concatenate %slice3A_2162, %slice3A_2163 in 1 : vector<32x128xf32>, vector<32x896xf32> -> vector<32x1024xf32>
    %slice3A_2165 = vector.extract_strided_slice %select_n3A_2146 {offsets = [0, 128], sizes = [32, 896], strides = [1, 1]} : vector<32x1024xf32> to vector<32x896xf32>
    %slice3A_2166 = vector.extract_strided_slice %select_n3A_2146 {offsets = [0, 0], sizes = [32, 128], strides = [1, 1]} : vector<32x1024xf32> to vector<32x128xf32>
    %concatenate3A_2167 = tpu.concatenate %slice3A_2165, %slice3A_2166 in 1 : vector<32x896xf32>, vector<32x128xf32> -> vector<32x1024xf32>
    %select_n3A_2168 = arith.select %ne3A_2161, %concatenate3A_2164, %concatenate3A_2167 : vector<32x1024xi1>, vector<32x1024xf32>
    %slice3A_2169 = vector.extract_strided_slice %select_n3A_2147 {offsets = [0, 896], sizes = [32, 128], strides = [1, 1]} : vector<32x1024xi32> to vector<32x128xi32>
    %slice3A_2170 = vector.extract_strided_slice %select_n3A_2147 {offsets = [0, 0], sizes = [32, 896], strides = [1, 1]} : vector<32x1024xi32> to vector<32x896xi32>
    %concatenate3A_2171 = tpu.concatenate %slice3A_2169, %slice3A_2170 in 1 : vector<32x128xi32>, vector<32x896xi32> -> vector<32x1024xi32>
    %slice3A_2172 = vector.extract_strided_slice %select_n3A_2147 {offsets = [0, 128], sizes = [32, 896], strides = [1, 1]} : vector<32x1024xi32> to vector<32x896xi32>
    %slice3A_2173 = vector.extract_strided_slice %select_n3A_2147 {offsets = [0, 0], sizes = [32, 128], strides = [1, 1]} : vector<32x1024xi32> to vector<32x128xi32>
    %concatenate3A_2174 = tpu.concatenate %slice3A_2172, %slice3A_2173 in 1 : vector<32x896xi32>, vector<32x128xi32> -> vector<32x1024xi32>
    %select_n3A_2175 = arith.select %ne3A_2161, %concatenate3A_2171, %concatenate3A_2174 : vector<32x1024xi1>, vector<32x1024xi32>
    %not3A_2176 = arith.constant dense<true> : vector<32x1024xi1>
    %not3A_2177 = arith.xori %ne3A_2161, %not3A_2176 : vector<32x1024xi1>
    %gt3A_2178 = arith.cmpf ogt, %select_n3A_2146, %select_n3A_2168 : vector<32x1024xf32>
    %eq3A_2179 = arith.cmpf oeq, %select_n3A_2146, %select_n3A_2168 : vector<32x1024xf32>
    %lt3A_2180 = arith.cmpi slt, %select_n3A_2147, %select_n3A_2175 : vector<32x1024xi32>
    %and3A_2181 = arith.andi %eq3A_2179, %lt3A_2180 : vector<32x1024xi1>
    %or3A_2182 = arith.ori %gt3A_2178, %and3A_2181 : vector<32x1024xi1>
    %eq3A_2183 = arith.xori %or3A_2182, %not3A_2177 : vector<32x1024xi1>
    %eq3A_2184 = arith.constant dense<true> : vector<32x1024xi1>
    %eq3A_2185 = arith.xori %eq3A_2183, %eq3A_2184 : vector<32x1024xi1>
    %eq3A_2186 = arith.xori %eq3A_2185, %ne3A_2154 : vector<32x1024xi1>
    %eq3A_2187 = arith.constant dense<true> : vector<32x1024xi1>
    %eq3A_2188 = arith.xori %eq3A_2186, %eq3A_2187 : vector<32x1024xi1>
    %select_n3A_2189 = arith.select %eq3A_2188, %select_n3A_2146, %select_n3A_2168 : vector<32x1024xi1>, vector<32x1024xf32>
    %select_n3A_2190 = arith.select %eq3A_2188, %select_n3A_2147, %select_n3A_2175 : vector<32x1024xi1>, vector<32x1024xi32>
    %and3A_2191 = arith.constant 512 : i32
    %and3A_2192 = vector.broadcast %and3A_2191 : i32 to vector<32x1024xi32>
    %and3A_2193 = arith.andi %iota3A_553, %and3A_2192 : vector<32x1024xi32>
    %eq3A_2194 = arith.constant 0 : i32
    %eq3A_2195 = vector.broadcast %eq3A_2194 : i32 to vector<32x1024xi32>
    %eq3A_2196 = arith.cmpi eq, %and3A_2193, %eq3A_2195 : vector<32x1024xi32>
    %ne3A_2197 = arith.xori %eq3A_2196, %ne3A_564 : vector<32x1024xi1>
    %iota3A_2198 = tpu.iota {dimensions = array<i32: 1>} : vector<32x1024xi32>
    %and3A_2199 = arith.constant 64 : i32
    %and3A_2200 = vector.broadcast %and3A_2199 : i32 to vector<32x1024xi32>
    %and3A_2201 = arith.andi %iota3A_2198, %and3A_2200 : vector<32x1024xi32>
    %ne3A_2202 = arith.constant 0 : i32
    %ne3A_2203 = vector.broadcast %ne3A_2202 : i32 to vector<32x1024xi32>
    %ne3A_2204 = arith.cmpi ne, %and3A_2201, %ne3A_2203 : vector<32x1024xi32>
    %slice3A_2205 = vector.extract_strided_slice %select_n3A_2189 {offsets = [0, 960], sizes = [32, 64], strides = [1, 1]} : vector<32x1024xf32> to vector<32x64xf32>
    %slice3A_2206 = vector.extract_strided_slice %select_n3A_2189 {offsets = [0, 0], sizes = [32, 960], strides = [1, 1]} : vector<32x1024xf32> to vector<32x960xf32>
    %concatenate3A_2207 = tpu.concatenate %slice3A_2205, %slice3A_2206 in 1 : vector<32x64xf32>, vector<32x960xf32> -> vector<32x1024xf32>
    %slice3A_2208 = vector.extract_strided_slice %select_n3A_2189 {offsets = [0, 64], sizes = [32, 960], strides = [1, 1]} : vector<32x1024xf32> to vector<32x960xf32>
    %slice3A_2209 = vector.extract_strided_slice %select_n3A_2189 {offsets = [0, 0], sizes = [32, 64], strides = [1, 1]} : vector<32x1024xf32> to vector<32x64xf32>
    %concatenate3A_2210 = tpu.concatenate %slice3A_2208, %slice3A_2209 in 1 : vector<32x960xf32>, vector<32x64xf32> -> vector<32x1024xf32>
    %select_n3A_2211 = arith.select %ne3A_2204, %concatenate3A_2207, %concatenate3A_2210 : vector<32x1024xi1>, vector<32x1024xf32>
    %slice3A_2212 = vector.extract_strided_slice %select_n3A_2190 {offsets = [0, 960], sizes = [32, 64], strides = [1, 1]} : vector<32x1024xi32> to vector<32x64xi32>
    %slice3A_2213 = vector.extract_strided_slice %select_n3A_2190 {offsets = [0, 0], sizes = [32, 960], strides = [1, 1]} : vector<32x1024xi32> to vector<32x960xi32>
    %concatenate3A_2214 = tpu.concatenate %slice3A_2212, %slice3A_2213 in 1 : vector<32x64xi32>, vector<32x960xi32> -> vector<32x1024xi32>
    %slice3A_2215 = vector.extract_strided_slice %select_n3A_2190 {offsets = [0, 64], sizes = [32, 960], strides = [1, 1]} : vector<32x1024xi32> to vector<32x960xi32>
    %slice3A_2216 = vector.extract_strided_slice %select_n3A_2190 {offsets = [0, 0], sizes = [32, 64], strides = [1, 1]} : vector<32x1024xi32> to vector<32x64xi32>
    %concatenate3A_2217 = tpu.concatenate %slice3A_2215, %slice3A_2216 in 1 : vector<32x960xi32>, vector<32x64xi32> -> vector<32x1024xi32>
    %select_n3A_2218 = arith.select %ne3A_2204, %concatenate3A_2214, %concatenate3A_2217 : vector<32x1024xi1>, vector<32x1024xi32>
    %not3A_2219 = arith.constant dense<true> : vector<32x1024xi1>
    %not3A_2220 = arith.xori %ne3A_2204, %not3A_2219 : vector<32x1024xi1>
    %gt3A_2221 = arith.cmpf ogt, %select_n3A_2189, %select_n3A_2211 : vector<32x1024xf32>
    %eq3A_2222 = arith.cmpf oeq, %select_n3A_2189, %select_n3A_2211 : vector<32x1024xf32>
    %lt3A_2223 = arith.cmpi slt, %select_n3A_2190, %select_n3A_2218 : vector<32x1024xi32>
    %and3A_2224 = arith.andi %eq3A_2222, %lt3A_2223 : vector<32x1024xi1>
    %or3A_2225 = arith.ori %gt3A_2221, %and3A_2224 : vector<32x1024xi1>
    %eq3A_2226 = arith.xori %or3A_2225, %not3A_2220 : vector<32x1024xi1>
    %eq3A_2227 = arith.constant dense<true> : vector<32x1024xi1>
    %eq3A_2228 = arith.xori %eq3A_2226, %eq3A_2227 : vector<32x1024xi1>
    %eq3A_2229 = arith.xori %eq3A_2228, %ne3A_2197 : vector<32x1024xi1>
    %eq3A_2230 = arith.constant dense<true> : vector<32x1024xi1>
    %eq3A_2231 = arith.xori %eq3A_2229, %eq3A_2230 : vector<32x1024xi1>
    %select_n3A_2232 = arith.select %eq3A_2231, %select_n3A_2189, %select_n3A_2211 : vector<32x1024xi1>, vector<32x1024xf32>
    %select_n3A_2233 = arith.select %eq3A_2231, %select_n3A_2190, %select_n3A_2218 : vector<32x1024xi1>, vector<32x1024xi32>
    %and3A_2234 = arith.constant 512 : i32
    %and3A_2235 = vector.broadcast %and3A_2234 : i32 to vector<32x1024xi32>
    %and3A_2236 = arith.andi %iota3A_553, %and3A_2235 : vector<32x1024xi32>
    %eq3A_2237 = arith.constant 0 : i32
    %eq3A_2238 = vector.broadcast %eq3A_2237 : i32 to vector<32x1024xi32>
    %eq3A_2239 = arith.cmpi eq, %and3A_2236, %eq3A_2238 : vector<32x1024xi32>
    %ne3A_2240 = arith.xori %eq3A_2239, %ne3A_564 : vector<32x1024xi1>
    %iota3A_2241 = tpu.iota {dimensions = array<i32: 1>} : vector<32x1024xi32>
    %and3A_2242 = arith.constant 32 : i32
    %and3A_2243 = vector.broadcast %and3A_2242 : i32 to vector<32x1024xi32>
    %and3A_2244 = arith.andi %iota3A_2241, %and3A_2243 : vector<32x1024xi32>
    %ne3A_2245 = arith.constant 0 : i32
    %ne3A_2246 = vector.broadcast %ne3A_2245 : i32 to vector<32x1024xi32>
    %ne3A_2247 = arith.cmpi ne, %and3A_2244, %ne3A_2246 : vector<32x1024xi32>
    %slice3A_2248 = vector.extract_strided_slice %select_n3A_2232 {offsets = [0, 992], sizes = [32, 32], strides = [1, 1]} : vector<32x1024xf32> to vector<32x32xf32>
    %slice3A_2249 = vector.extract_strided_slice %select_n3A_2232 {offsets = [0, 0], sizes = [32, 992], strides = [1, 1]} : vector<32x1024xf32> to vector<32x992xf32>
    %concatenate3A_2250 = tpu.concatenate %slice3A_2248, %slice3A_2249 in 1 : vector<32x32xf32>, vector<32x992xf32> -> vector<32x1024xf32>
    %slice3A_2251 = vector.extract_strided_slice %select_n3A_2232 {offsets = [0, 32], sizes = [32, 992], strides = [1, 1]} : vector<32x1024xf32> to vector<32x992xf32>
    %slice3A_2252 = vector.extract_strided_slice %select_n3A_2232 {offsets = [0, 0], sizes = [32, 32], strides = [1, 1]} : vector<32x1024xf32> to vector<32x32xf32>
    %concatenate3A_2253 = tpu.concatenate %slice3A_2251, %slice3A_2252 in 1 : vector<32x992xf32>, vector<32x32xf32> -> vector<32x1024xf32>
    %select_n3A_2254 = arith.select %ne3A_2247, %concatenate3A_2250, %concatenate3A_2253 : vector<32x1024xi1>, vector<32x1024xf32>
    %slice3A_2255 = vector.extract_strided_slice %select_n3A_2233 {offsets = [0, 992], sizes = [32, 32], strides = [1, 1]} : vector<32x1024xi32> to vector<32x32xi32>
    %slice3A_2256 = vector.extract_strided_slice %select_n3A_2233 {offsets = [0, 0], sizes = [32, 992], strides = [1, 1]} : vector<32x1024xi32> to vector<32x992xi32>
    %concatenate3A_2257 = tpu.concatenate %slice3A_2255, %slice3A_2256 in 1 : vector<32x32xi32>, vector<32x992xi32> -> vector<32x1024xi32>
    %slice3A_2258 = vector.extract_strided_slice %select_n3A_2233 {offsets = [0, 32], sizes = [32, 992], strides = [1, 1]} : vector<32x1024xi32> to vector<32x992xi32>
    %slice3A_2259 = vector.extract_strided_slice %select_n3A_2233 {offsets = [0, 0], sizes = [32, 32], strides = [1, 1]} : vector<32x1024xi32> to vector<32x32xi32>
    %concatenate3A_2260 = tpu.concatenate %slice3A_2258, %slice3A_2259 in 1 : vector<32x992xi32>, vector<32x32xi32> -> vector<32x1024xi32>
    %select_n3A_2261 = arith.select %ne3A_2247, %concatenate3A_2257, %concatenate3A_2260 : vector<32x1024xi1>, vector<32x1024xi32>
    %not3A_2262 = arith.constant dense<true> : vector<32x1024xi1>
    %not3A_2263 = arith.xori %ne3A_2247, %not3A_2262 : vector<32x1024xi1>
    %gt3A_2264 = arith.cmpf ogt, %select_n3A_2232, %select_n3A_2254 : vector<32x1024xf32>
    %eq3A_2265 = arith.cmpf oeq, %select_n3A_2232, %select_n3A_2254 : vector<32x1024xf32>
    %lt3A_2266 = arith.cmpi slt, %select_n3A_2233, %select_n3A_2261 : vector<32x1024xi32>
    %and3A_2267 = arith.andi %eq3A_2265, %lt3A_2266 : vector<32x1024xi1>
    %or3A_2268 = arith.ori %gt3A_2264, %and3A_2267 : vector<32x1024xi1>
    %eq3A_2269 = arith.xori %or3A_2268, %not3A_2263 : vector<32x1024xi1>
    %eq3A_2270 = arith.constant dense<true> : vector<32x1024xi1>
    %eq3A_2271 = arith.xori %eq3A_2269, %eq3A_2270 : vector<32x1024xi1>
    %eq3A_2272 = arith.xori %eq3A_2271, %ne3A_2240 : vector<32x1024xi1>
    %eq3A_2273 = arith.constant dense<true> : vector<32x1024xi1>
    %eq3A_2274 = arith.xori %eq3A_2272, %eq3A_2273 : vector<32x1024xi1>
    %select_n3A_2275 = arith.select %eq3A_2274, %select_n3A_2232, %select_n3A_2254 : vector<32x1024xi1>, vector<32x1024xf32>
    %select_n3A_2276 = arith.select %eq3A_2274, %select_n3A_2233, %select_n3A_2261 : vector<32x1024xi1>, vector<32x1024xi32>
    %and3A_2277 = arith.constant 512 : i32
    %and3A_2278 = vector.broadcast %and3A_2277 : i32 to vector<32x1024xi32>
    %and3A_2279 = arith.andi %iota3A_553, %and3A_2278 : vector<32x1024xi32>
    %eq3A_2280 = arith.constant 0 : i32
    %eq3A_2281 = vector.broadcast %eq3A_2280 : i32 to vector<32x1024xi32>
    %eq3A_2282 = arith.cmpi eq, %and3A_2279, %eq3A_2281 : vector<32x1024xi32>
    %ne3A_2283 = arith.xori %eq3A_2282, %ne3A_564 : vector<32x1024xi1>
    %iota3A_2284 = tpu.iota {dimensions = array<i32: 1>} : vector<32x1024xi32>
    %and3A_2285 = arith.constant 16 : i32
    %and3A_2286 = vector.broadcast %and3A_2285 : i32 to vector<32x1024xi32>
    %and3A_2287 = arith.andi %iota3A_2284, %and3A_2286 : vector<32x1024xi32>
    %ne3A_2288 = arith.constant 0 : i32
    %ne3A_2289 = vector.broadcast %ne3A_2288 : i32 to vector<32x1024xi32>
    %ne3A_2290 = arith.cmpi ne, %and3A_2287, %ne3A_2289 : vector<32x1024xi32>
    %slice3A_2291 = vector.extract_strided_slice %select_n3A_2275 {offsets = [0, 1008], sizes = [32, 16], strides = [1, 1]} : vector<32x1024xf32> to vector<32x16xf32>
    %slice3A_2292 = vector.extract_strided_slice %select_n3A_2275 {offsets = [0, 0], sizes = [32, 1008], strides = [1, 1]} : vector<32x1024xf32> to vector<32x1008xf32>
    %concatenate3A_2293 = tpu.concatenate %slice3A_2291, %slice3A_2292 in 1 : vector<32x16xf32>, vector<32x1008xf32> -> vector<32x1024xf32>
    %slice3A_2294 = vector.extract_strided_slice %select_n3A_2275 {offsets = [0, 16], sizes = [32, 1008], strides = [1, 1]} : vector<32x1024xf32> to vector<32x1008xf32>
    %slice3A_2295 = vector.extract_strided_slice %select_n3A_2275 {offsets = [0, 0], sizes = [32, 16], strides = [1, 1]} : vector<32x1024xf32> to vector<32x16xf32>
    %concatenate3A_2296 = tpu.concatenate %slice3A_2294, %slice3A_2295 in 1 : vector<32x1008xf32>, vector<32x16xf32> -> vector<32x1024xf32>
    %select_n3A_2297 = arith.select %ne3A_2290, %concatenate3A_2293, %concatenate3A_2296 : vector<32x1024xi1>, vector<32x1024xf32>
    %slice3A_2298 = vector.extract_strided_slice %select_n3A_2276 {offsets = [0, 1008], sizes = [32, 16], strides = [1, 1]} : vector<32x1024xi32> to vector<32x16xi32>
    %slice3A_2299 = vector.extract_strided_slice %select_n3A_2276 {offsets = [0, 0], sizes = [32, 1008], strides = [1, 1]} : vector<32x1024xi32> to vector<32x1008xi32>
    %concatenate3A_2300 = tpu.concatenate %slice3A_2298, %slice3A_2299 in 1 : vector<32x16xi32>, vector<32x1008xi32> -> vector<32x1024xi32>
    %slice3A_2301 = vector.extract_strided_slice %select_n3A_2276 {offsets = [0, 16], sizes = [32, 1008], strides = [1, 1]} : vector<32x1024xi32> to vector<32x1008xi32>
    %slice3A_2302 = vector.extract_strided_slice %select_n3A_2276 {offsets = [0, 0], sizes = [32, 16], strides = [1, 1]} : vector<32x1024xi32> to vector<32x16xi32>
    %concatenate3A_2303 = tpu.concatenate %slice3A_2301, %slice3A_2302 in 1 : vector<32x1008xi32>, vector<32x16xi32> -> vector<32x1024xi32>
    %select_n3A_2304 = arith.select %ne3A_2290, %concatenate3A_2300, %concatenate3A_2303 : vector<32x1024xi1>, vector<32x1024xi32>
    %not3A_2305 = arith.constant dense<true> : vector<32x1024xi1>
    %not3A_2306 = arith.xori %ne3A_2290, %not3A_2305 : vector<32x1024xi1>
    %gt3A_2307 = arith.cmpf ogt, %select_n3A_2275, %select_n3A_2297 : vector<32x1024xf32>
    %eq3A_2308 = arith.cmpf oeq, %select_n3A_2275, %select_n3A_2297 : vector<32x1024xf32>
    %lt3A_2309 = arith.cmpi slt, %select_n3A_2276, %select_n3A_2304 : vector<32x1024xi32>
    %and3A_2310 = arith.andi %eq3A_2308, %lt3A_2309 : vector<32x1024xi1>
    %or3A_2311 = arith.ori %gt3A_2307, %and3A_2310 : vector<32x1024xi1>
    %eq3A_2312 = arith.xori %or3A_2311, %not3A_2306 : vector<32x1024xi1>
    %eq3A_2313 = arith.constant dense<true> : vector<32x1024xi1>
    %eq3A_2314 = arith.xori %eq3A_2312, %eq3A_2313 : vector<32x1024xi1>
    %eq3A_2315 = arith.xori %eq3A_2314, %ne3A_2283 : vector<32x1024xi1>
    %eq3A_2316 = arith.constant dense<true> : vector<32x1024xi1>
    %eq3A_2317 = arith.xori %eq3A_2315, %eq3A_2316 : vector<32x1024xi1>
    %select_n3A_2318 = arith.select %eq3A_2317, %select_n3A_2275, %select_n3A_2297 : vector<32x1024xi1>, vector<32x1024xf32>
    %select_n3A_2319 = arith.select %eq3A_2317, %select_n3A_2276, %select_n3A_2304 : vector<32x1024xi1>, vector<32x1024xi32>
    %and3A_2320 = arith.constant 512 : i32
    %and3A_2321 = vector.broadcast %and3A_2320 : i32 to vector<32x1024xi32>
    %and3A_2322 = arith.andi %iota3A_553, %and3A_2321 : vector<32x1024xi32>
    %eq3A_2323 = arith.constant 0 : i32
    %eq3A_2324 = vector.broadcast %eq3A_2323 : i32 to vector<32x1024xi32>
    %eq3A_2325 = arith.cmpi eq, %and3A_2322, %eq3A_2324 : vector<32x1024xi32>
    %ne3A_2326 = arith.xori %eq3A_2325, %ne3A_564 : vector<32x1024xi1>
    %iota3A_2327 = tpu.iota {dimensions = array<i32: 1>} : vector<32x1024xi32>
    %and3A_2328 = arith.constant 8 : i32
    %and3A_2329 = vector.broadcast %and3A_2328 : i32 to vector<32x1024xi32>
    %and3A_2330 = arith.andi %iota3A_2327, %and3A_2329 : vector<32x1024xi32>
    %ne3A_2331 = arith.constant 0 : i32
    %ne3A_2332 = vector.broadcast %ne3A_2331 : i32 to vector<32x1024xi32>
    %ne3A_2333 = arith.cmpi ne, %and3A_2330, %ne3A_2332 : vector<32x1024xi32>
    %slice3A_2334 = vector.extract_strided_slice %select_n3A_2318 {offsets = [0, 1016], sizes = [32, 8], strides = [1, 1]} : vector<32x1024xf32> to vector<32x8xf32>
    %slice3A_2335 = vector.extract_strided_slice %select_n3A_2318 {offsets = [0, 0], sizes = [32, 1016], strides = [1, 1]} : vector<32x1024xf32> to vector<32x1016xf32>
    %concatenate3A_2336 = tpu.concatenate %slice3A_2334, %slice3A_2335 in 1 : vector<32x8xf32>, vector<32x1016xf32> -> vector<32x1024xf32>
    %slice3A_2337 = vector.extract_strided_slice %select_n3A_2318 {offsets = [0, 8], sizes = [32, 1016], strides = [1, 1]} : vector<32x1024xf32> to vector<32x1016xf32>
    %slice3A_2338 = vector.extract_strided_slice %select_n3A_2318 {offsets = [0, 0], sizes = [32, 8], strides = [1, 1]} : vector<32x1024xf32> to vector<32x8xf32>
    %concatenate3A_2339 = tpu.concatenate %slice3A_2337, %slice3A_2338 in 1 : vector<32x1016xf32>, vector<32x8xf32> -> vector<32x1024xf32>
    %select_n3A_2340 = arith.select %ne3A_2333, %concatenate3A_2336, %concatenate3A_2339 : vector<32x1024xi1>, vector<32x1024xf32>
    %slice3A_2341 = vector.extract_strided_slice %select_n3A_2319 {offsets = [0, 1016], sizes = [32, 8], strides = [1, 1]} : vector<32x1024xi32> to vector<32x8xi32>
    %slice3A_2342 = vector.extract_strided_slice %select_n3A_2319 {offsets = [0, 0], sizes = [32, 1016], strides = [1, 1]} : vector<32x1024xi32> to vector<32x1016xi32>
    %concatenate3A_2343 = tpu.concatenate %slice3A_2341, %slice3A_2342 in 1 : vector<32x8xi32>, vector<32x1016xi32> -> vector<32x1024xi32>
    %slice3A_2344 = vector.extract_strided_slice %select_n3A_2319 {offsets = [0, 8], sizes = [32, 1016], strides = [1, 1]} : vector<32x1024xi32> to vector<32x1016xi32>
    %slice3A_2345 = vector.extract_strided_slice %select_n3A_2319 {offsets = [0, 0], sizes = [32, 8], strides = [1, 1]} : vector<32x1024xi32> to vector<32x8xi32>
    %concatenate3A_2346 = tpu.concatenate %slice3A_2344, %slice3A_2345 in 1 : vector<32x1016xi32>, vector<32x8xi32> -> vector<32x1024xi32>
    %select_n3A_2347 = arith.select %ne3A_2333, %concatenate3A_2343, %concatenate3A_2346 : vector<32x1024xi1>, vector<32x1024xi32>
    %not3A_2348 = arith.constant dense<true> : vector<32x1024xi1>
    %not3A_2349 = arith.xori %ne3A_2333, %not3A_2348 : vector<32x1024xi1>
    %gt3A_2350 = arith.cmpf ogt, %select_n3A_2318, %select_n3A_2340 : vector<32x1024xf32>
    %eq3A_2351 = arith.cmpf oeq, %select_n3A_2318, %select_n3A_2340 : vector<32x1024xf32>
    %lt3A_2352 = arith.cmpi slt, %select_n3A_2319, %select_n3A_2347 : vector<32x1024xi32>
    %and3A_2353 = arith.andi %eq3A_2351, %lt3A_2352 : vector<32x1024xi1>
    %or3A_2354 = arith.ori %gt3A_2350, %and3A_2353 : vector<32x1024xi1>
    %eq3A_2355 = arith.xori %or3A_2354, %not3A_2349 : vector<32x1024xi1>
    %eq3A_2356 = arith.constant dense<true> : vector<32x1024xi1>
    %eq3A_2357 = arith.xori %eq3A_2355, %eq3A_2356 : vector<32x1024xi1>
    %eq3A_2358 = arith.xori %eq3A_2357, %ne3A_2326 : vector<32x1024xi1>
    %eq3A_2359 = arith.constant dense<true> : vector<32x1024xi1>
    %eq3A_2360 = arith.xori %eq3A_2358, %eq3A_2359 : vector<32x1024xi1>
    %select_n3A_2361 = arith.select %eq3A_2360, %select_n3A_2318, %select_n3A_2340 : vector<32x1024xi1>, vector<32x1024xf32>
    %select_n3A_2362 = arith.select %eq3A_2360, %select_n3A_2319, %select_n3A_2347 : vector<32x1024xi1>, vector<32x1024xi32>
    %and3A_2363 = arith.constant 512 : i32
    %and3A_2364 = vector.broadcast %and3A_2363 : i32 to vector<32x1024xi32>
    %and3A_2365 = arith.andi %iota3A_553, %and3A_2364 : vector<32x1024xi32>
    %eq3A_2366 = arith.constant 0 : i32
    %eq3A_2367 = vector.broadcast %eq3A_2366 : i32 to vector<32x1024xi32>
    %eq3A_2368 = arith.cmpi eq, %and3A_2365, %eq3A_2367 : vector<32x1024xi32>
    %ne3A_2369 = arith.xori %eq3A_2368, %ne3A_564 : vector<32x1024xi1>
    %iota3A_2370 = tpu.iota {dimensions = array<i32: 1>} : vector<32x1024xi32>
    %and3A_2371 = arith.constant 4 : i32
    %and3A_2372 = vector.broadcast %and3A_2371 : i32 to vector<32x1024xi32>
    %and3A_2373 = arith.andi %iota3A_2370, %and3A_2372 : vector<32x1024xi32>
    %ne3A_2374 = arith.constant 0 : i32
    %ne3A_2375 = vector.broadcast %ne3A_2374 : i32 to vector<32x1024xi32>
    %ne3A_2376 = arith.cmpi ne, %and3A_2373, %ne3A_2375 : vector<32x1024xi32>
    %slice3A_2377 = vector.extract_strided_slice %select_n3A_2361 {offsets = [0, 1020], sizes = [32, 4], strides = [1, 1]} : vector<32x1024xf32> to vector<32x4xf32>
    %slice3A_2378 = vector.extract_strided_slice %select_n3A_2361 {offsets = [0, 0], sizes = [32, 1020], strides = [1, 1]} : vector<32x1024xf32> to vector<32x1020xf32>
    %concatenate3A_2379 = tpu.concatenate %slice3A_2377, %slice3A_2378 in 1 : vector<32x4xf32>, vector<32x1020xf32> -> vector<32x1024xf32>
    %slice3A_2380 = vector.extract_strided_slice %select_n3A_2361 {offsets = [0, 4], sizes = [32, 1020], strides = [1, 1]} : vector<32x1024xf32> to vector<32x1020xf32>
    %slice3A_2381 = vector.extract_strided_slice %select_n3A_2361 {offsets = [0, 0], sizes = [32, 4], strides = [1, 1]} : vector<32x1024xf32> to vector<32x4xf32>
    %concatenate3A_2382 = tpu.concatenate %slice3A_2380, %slice3A_2381 in 1 : vector<32x1020xf32>, vector<32x4xf32> -> vector<32x1024xf32>
    %select_n3A_2383 = arith.select %ne3A_2376, %concatenate3A_2379, %concatenate3A_2382 : vector<32x1024xi1>, vector<32x1024xf32>
    %slice3A_2384 = vector.extract_strided_slice %select_n3A_2362 {offsets = [0, 1020], sizes = [32, 4], strides = [1, 1]} : vector<32x1024xi32> to vector<32x4xi32>
    %slice3A_2385 = vector.extract_strided_slice %select_n3A_2362 {offsets = [0, 0], sizes = [32, 1020], strides = [1, 1]} : vector<32x1024xi32> to vector<32x1020xi32>
    %concatenate3A_2386 = tpu.concatenate %slice3A_2384, %slice3A_2385 in 1 : vector<32x4xi32>, vector<32x1020xi32> -> vector<32x1024xi32>
    %slice3A_2387 = vector.extract_strided_slice %select_n3A_2362 {offsets = [0, 4], sizes = [32, 1020], strides = [1, 1]} : vector<32x1024xi32> to vector<32x1020xi32>
    %slice3A_2388 = vector.extract_strided_slice %select_n3A_2362 {offsets = [0, 0], sizes = [32, 4], strides = [1, 1]} : vector<32x1024xi32> to vector<32x4xi32>
    %concatenate3A_2389 = tpu.concatenate %slice3A_2387, %slice3A_2388 in 1 : vector<32x1020xi32>, vector<32x4xi32> -> vector<32x1024xi32>
    %select_n3A_2390 = arith.select %ne3A_2376, %concatenate3A_2386, %concatenate3A_2389 : vector<32x1024xi1>, vector<32x1024xi32>
    %not3A_2391 = arith.constant dense<true> : vector<32x1024xi1>
    %not3A_2392 = arith.xori %ne3A_2376, %not3A_2391 : vector<32x1024xi1>
    %gt3A_2393 = arith.cmpf ogt, %select_n3A_2361, %select_n3A_2383 : vector<32x1024xf32>
    %eq3A_2394 = arith.cmpf oeq, %select_n3A_2361, %select_n3A_2383 : vector<32x1024xf32>
    %lt3A_2395 = arith.cmpi slt, %select_n3A_2362, %select_n3A_2390 : vector<32x1024xi32>
    %and3A_2396 = arith.andi %eq3A_2394, %lt3A_2395 : vector<32x1024xi1>
    %or3A_2397 = arith.ori %gt3A_2393, %and3A_2396 : vector<32x1024xi1>
    %eq3A_2398 = arith.xori %or3A_2397, %not3A_2392 : vector<32x1024xi1>
    %eq3A_2399 = arith.constant dense<true> : vector<32x1024xi1>
    %eq3A_2400 = arith.xori %eq3A_2398, %eq3A_2399 : vector<32x1024xi1>
    %eq3A_2401 = arith.xori %eq3A_2400, %ne3A_2369 : vector<32x1024xi1>
    %eq3A_2402 = arith.constant dense<true> : vector<32x1024xi1>
    %eq3A_2403 = arith.xori %eq3A_2401, %eq3A_2402 : vector<32x1024xi1>
    %select_n3A_2404 = arith.select %eq3A_2403, %select_n3A_2361, %select_n3A_2383 : vector<32x1024xi1>, vector<32x1024xf32>
    %select_n3A_2405 = arith.select %eq3A_2403, %select_n3A_2362, %select_n3A_2390 : vector<32x1024xi1>, vector<32x1024xi32>
    %and3A_2406 = arith.constant 512 : i32
    %and3A_2407 = vector.broadcast %and3A_2406 : i32 to vector<32x1024xi32>
    %and3A_2408 = arith.andi %iota3A_553, %and3A_2407 : vector<32x1024xi32>
    %eq3A_2409 = arith.constant 0 : i32
    %eq3A_2410 = vector.broadcast %eq3A_2409 : i32 to vector<32x1024xi32>
    %eq3A_2411 = arith.cmpi eq, %and3A_2408, %eq3A_2410 : vector<32x1024xi32>
    %ne3A_2412 = arith.xori %eq3A_2411, %ne3A_564 : vector<32x1024xi1>
    %iota3A_2413 = tpu.iota {dimensions = array<i32: 1>} : vector<32x1024xi32>
    %and3A_2414 = arith.constant 2 : i32
    %and3A_2415 = vector.broadcast %and3A_2414 : i32 to vector<32x1024xi32>
    %and3A_2416 = arith.andi %iota3A_2413, %and3A_2415 : vector<32x1024xi32>
    %ne3A_2417 = arith.constant 0 : i32
    %ne3A_2418 = vector.broadcast %ne3A_2417 : i32 to vector<32x1024xi32>
    %ne3A_2419 = arith.cmpi ne, %and3A_2416, %ne3A_2418 : vector<32x1024xi32>
    %slice3A_2420 = vector.extract_strided_slice %select_n3A_2404 {offsets = [0, 1022], sizes = [32, 2], strides = [1, 1]} : vector<32x1024xf32> to vector<32x2xf32>
    %slice3A_2421 = vector.extract_strided_slice %select_n3A_2404 {offsets = [0, 0], sizes = [32, 1022], strides = [1, 1]} : vector<32x1024xf32> to vector<32x1022xf32>
    %concatenate3A_2422 = tpu.concatenate %slice3A_2420, %slice3A_2421 in 1 : vector<32x2xf32>, vector<32x1022xf32> -> vector<32x1024xf32>
    %slice3A_2423 = vector.extract_strided_slice %select_n3A_2404 {offsets = [0, 2], sizes = [32, 1022], strides = [1, 1]} : vector<32x1024xf32> to vector<32x1022xf32>
    %slice3A_2424 = vector.extract_strided_slice %select_n3A_2404 {offsets = [0, 0], sizes = [32, 2], strides = [1, 1]} : vector<32x1024xf32> to vector<32x2xf32>
    %concatenate3A_2425 = tpu.concatenate %slice3A_2423, %slice3A_2424 in 1 : vector<32x1022xf32>, vector<32x2xf32> -> vector<32x1024xf32>
    %select_n3A_2426 = arith.select %ne3A_2419, %concatenate3A_2422, %concatenate3A_2425 : vector<32x1024xi1>, vector<32x1024xf32>
    %slice3A_2427 = vector.extract_strided_slice %select_n3A_2405 {offsets = [0, 1022], sizes = [32, 2], strides = [1, 1]} : vector<32x1024xi32> to vector<32x2xi32>
    %slice3A_2428 = vector.extract_strided_slice %select_n3A_2405 {offsets = [0, 0], sizes = [32, 1022], strides = [1, 1]} : vector<32x1024xi32> to vector<32x1022xi32>
    %concatenate3A_2429 = tpu.concatenate %slice3A_2427, %slice3A_2428 in 1 : vector<32x2xi32>, vector<32x1022xi32> -> vector<32x1024xi32>
    %slice3A_2430 = vector.extract_strided_slice %select_n3A_2405 {offsets = [0, 2], sizes = [32, 1022], strides = [1, 1]} : vector<32x1024xi32> to vector<32x1022xi32>
    %slice3A_2431 = vector.extract_strided_slice %select_n3A_2405 {offsets = [0, 0], sizes = [32, 2], strides = [1, 1]} : vector<32x1024xi32> to vector<32x2xi32>
    %concatenate3A_2432 = tpu.concatenate %slice3A_2430, %slice3A_2431 in 1 : vector<32x1022xi32>, vector<32x2xi32> -> vector<32x1024xi32>
    %select_n3A_2433 = arith.select %ne3A_2419, %concatenate3A_2429, %concatenate3A_2432 : vector<32x1024xi1>, vector<32x1024xi32>
    %not3A_2434 = arith.constant dense<true> : vector<32x1024xi1>
    %not3A_2435 = arith.xori %ne3A_2419, %not3A_2434 : vector<32x1024xi1>
    %gt3A_2436 = arith.cmpf ogt, %select_n3A_2404, %select_n3A_2426 : vector<32x1024xf32>
    %eq3A_2437 = arith.cmpf oeq, %select_n3A_2404, %select_n3A_2426 : vector<32x1024xf32>
    %lt3A_2438 = arith.cmpi slt, %select_n3A_2405, %select_n3A_2433 : vector<32x1024xi32>
    %and3A_2439 = arith.andi %eq3A_2437, %lt3A_2438 : vector<32x1024xi1>
    %or3A_2440 = arith.ori %gt3A_2436, %and3A_2439 : vector<32x1024xi1>
    %eq3A_2441 = arith.xori %or3A_2440, %not3A_2435 : vector<32x1024xi1>
    %eq3A_2442 = arith.constant dense<true> : vector<32x1024xi1>
    %eq3A_2443 = arith.xori %eq3A_2441, %eq3A_2442 : vector<32x1024xi1>
    %eq3A_2444 = arith.xori %eq3A_2443, %ne3A_2412 : vector<32x1024xi1>
    %eq3A_2445 = arith.constant dense<true> : vector<32x1024xi1>
    %eq3A_2446 = arith.xori %eq3A_2444, %eq3A_2445 : vector<32x1024xi1>
    %select_n3A_2447 = arith.select %eq3A_2446, %select_n3A_2404, %select_n3A_2426 : vector<32x1024xi1>, vector<32x1024xf32>
    %select_n3A_2448 = arith.select %eq3A_2446, %select_n3A_2405, %select_n3A_2433 : vector<32x1024xi1>, vector<32x1024xi32>
    %and3A_2449 = arith.constant 512 : i32
    %and3A_2450 = vector.broadcast %and3A_2449 : i32 to vector<32x1024xi32>
    %and3A_2451 = arith.andi %iota3A_553, %and3A_2450 : vector<32x1024xi32>
    %eq3A_2452 = arith.constant 0 : i32
    %eq3A_2453 = vector.broadcast %eq3A_2452 : i32 to vector<32x1024xi32>
    %eq3A_2454 = arith.cmpi eq, %and3A_2451, %eq3A_2453 : vector<32x1024xi32>
    %ne3A_2455 = arith.xori %eq3A_2454, %ne3A_564 : vector<32x1024xi1>
    %iota3A_2456 = tpu.iota {dimensions = array<i32: 1>} : vector<32x1024xi32>
    %and3A_2457 = arith.constant 1 : i32
    %and3A_2458 = vector.broadcast %and3A_2457 : i32 to vector<32x1024xi32>
    %and3A_2459 = arith.andi %iota3A_2456, %and3A_2458 : vector<32x1024xi32>
    %ne3A_2460 = arith.constant 0 : i32
    %ne3A_2461 = vector.broadcast %ne3A_2460 : i32 to vector<32x1024xi32>
    %ne3A_2462 = arith.cmpi ne, %and3A_2459, %ne3A_2461 : vector<32x1024xi32>
    %slice3A_2463 = vector.extract_strided_slice %select_n3A_2447 {offsets = [0, 1023], sizes = [32, 1], strides = [1, 1]} : vector<32x1024xf32> to vector<32x1xf32>
    %slice3A_2464 = vector.extract_strided_slice %select_n3A_2447 {offsets = [0, 0], sizes = [32, 1023], strides = [1, 1]} : vector<32x1024xf32> to vector<32x1023xf32>
    %concatenate3A_2465 = tpu.concatenate %slice3A_2463, %slice3A_2464 in 1 : vector<32x1xf32>, vector<32x1023xf32> -> vector<32x1024xf32>
    %slice3A_2466 = vector.extract_strided_slice %select_n3A_2447 {offsets = [0, 1], sizes = [32, 1023], strides = [1, 1]} : vector<32x1024xf32> to vector<32x1023xf32>
    %slice3A_2467 = vector.extract_strided_slice %select_n3A_2447 {offsets = [0, 0], sizes = [32, 1], strides = [1, 1]} : vector<32x1024xf32> to vector<32x1xf32>
    %concatenate3A_2468 = tpu.concatenate %slice3A_2466, %slice3A_2467 in 1 : vector<32x1023xf32>, vector<32x1xf32> -> vector<32x1024xf32>
    %select_n3A_2469 = arith.select %ne3A_2462, %concatenate3A_2465, %concatenate3A_2468 : vector<32x1024xi1>, vector<32x1024xf32>
    %slice3A_2470 = vector.extract_strided_slice %select_n3A_2448 {offsets = [0, 1023], sizes = [32, 1], strides = [1, 1]} : vector<32x1024xi32> to vector<32x1xi32>
    %slice3A_2471 = vector.extract_strided_slice %select_n3A_2448 {offsets = [0, 0], sizes = [32, 1023], strides = [1, 1]} : vector<32x1024xi32> to vector<32x1023xi32>
    %concatenate3A_2472 = tpu.concatenate %slice3A_2470, %slice3A_2471 in 1 : vector<32x1xi32>, vector<32x1023xi32> -> vector<32x1024xi32>
    %slice3A_2473 = vector.extract_strided_slice %select_n3A_2448 {offsets = [0, 1], sizes = [32, 1023], strides = [1, 1]} : vector<32x1024xi32> to vector<32x1023xi32>
    %slice3A_2474 = vector.extract_strided_slice %select_n3A_2448 {offsets = [0, 0], sizes = [32, 1], strides = [1, 1]} : vector<32x1024xi32> to vector<32x1xi32>
    %concatenate3A_2475 = tpu.concatenate %slice3A_2473, %slice3A_2474 in 1 : vector<32x1023xi32>, vector<32x1xi32> -> vector<32x1024xi32>
    %select_n3A_2476 = arith.select %ne3A_2462, %concatenate3A_2472, %concatenate3A_2475 : vector<32x1024xi1>, vector<32x1024xi32>
    %not3A_2477 = arith.constant dense<true> : vector<32x1024xi1>
    %not3A_2478 = arith.xori %ne3A_2462, %not3A_2477 : vector<32x1024xi1>
    %gt3A_2479 = arith.cmpf ogt, %select_n3A_2447, %select_n3A_2469 : vector<32x1024xf32>
    %eq3A_2480 = arith.cmpf oeq, %select_n3A_2447, %select_n3A_2469 : vector<32x1024xf32>
    %lt3A_2481 = arith.cmpi slt, %select_n3A_2448, %select_n3A_2476 : vector<32x1024xi32>
    %and3A_2482 = arith.andi %eq3A_2480, %lt3A_2481 : vector<32x1024xi1>
    %or3A_2483 = arith.ori %gt3A_2479, %and3A_2482 : vector<32x1024xi1>
    %eq3A_2484 = arith.xori %or3A_2483, %not3A_2478 : vector<32x1024xi1>
    %eq3A_2485 = arith.constant dense<true> : vector<32x1024xi1>
    %eq3A_2486 = arith.xori %eq3A_2484, %eq3A_2485 : vector<32x1024xi1>
    %eq3A_2487 = arith.xori %eq3A_2486, %ne3A_2455 : vector<32x1024xi1>
    %eq3A_2488 = arith.constant dense<true> : vector<32x1024xi1>
    %eq3A_2489 = arith.xori %eq3A_2487, %eq3A_2488 : vector<32x1024xi1>
    %select_n3A_2490 = arith.select %eq3A_2489, %select_n3A_2447, %select_n3A_2469 : vector<32x1024xi1>, vector<32x1024xf32>
    %select_n3A_2491 = arith.select %eq3A_2489, %select_n3A_2448, %select_n3A_2476 : vector<32x1024xi1>, vector<32x1024xi32>
    %and3A_2492 = arith.constant 1024 : i32
    %and3A_2493 = vector.broadcast %and3A_2492 : i32 to vector<32x1024xi32>
    %and3A_2494 = arith.andi %iota3A_553, %and3A_2493 : vector<32x1024xi32>
    %eq3A_2495 = arith.constant 0 : i32
    %eq3A_2496 = vector.broadcast %eq3A_2495 : i32 to vector<32x1024xi32>
    %eq3A_2497 = arith.cmpi eq, %and3A_2494, %eq3A_2496 : vector<32x1024xi32>
    %ne3A_2498 = arith.xori %eq3A_2497, %ne3A_564 : vector<32x1024xi1>
    %iota3A_2499 = tpu.iota {dimensions = array<i32: 1>} : vector<32x1024xi32>
    %and3A_2500 = arith.constant 512 : i32
    %and3A_2501 = vector.broadcast %and3A_2500 : i32 to vector<32x1024xi32>
    %and3A_2502 = arith.andi %iota3A_2499, %and3A_2501 : vector<32x1024xi32>
    %ne3A_2503 = arith.constant 0 : i32
    %ne3A_2504 = vector.broadcast %ne3A_2503 : i32 to vector<32x1024xi32>
    %ne3A_2505 = arith.cmpi ne, %and3A_2502, %ne3A_2504 : vector<32x1024xi32>
    %slice3A_2506 = vector.extract_strided_slice %select_n3A_2490 {offsets = [0, 512], sizes = [32, 512], strides = [1, 1]} : vector<32x1024xf32> to vector<32x512xf32>
    %slice3A_2507 = vector.extract_strided_slice %select_n3A_2490 {offsets = [0, 0], sizes = [32, 512], strides = [1, 1]} : vector<32x1024xf32> to vector<32x512xf32>
    %concatenate3A_2508 = tpu.concatenate %slice3A_2506, %slice3A_2507 in 1 : vector<32x512xf32>, vector<32x512xf32> -> vector<32x1024xf32>
    %slice3A_2509 = vector.extract_strided_slice %select_n3A_2490 {offsets = [0, 512], sizes = [32, 512], strides = [1, 1]} : vector<32x1024xf32> to vector<32x512xf32>
    %slice3A_2510 = vector.extract_strided_slice %select_n3A_2490 {offsets = [0, 0], sizes = [32, 512], strides = [1, 1]} : vector<32x1024xf32> to vector<32x512xf32>
    %concatenate3A_2511 = tpu.concatenate %slice3A_2509, %slice3A_2510 in 1 : vector<32x512xf32>, vector<32x512xf32> -> vector<32x1024xf32>
    %select_n3A_2512 = arith.select %ne3A_2505, %concatenate3A_2508, %concatenate3A_2511 : vector<32x1024xi1>, vector<32x1024xf32>
    %slice3A_2513 = vector.extract_strided_slice %select_n3A_2491 {offsets = [0, 512], sizes = [32, 512], strides = [1, 1]} : vector<32x1024xi32> to vector<32x512xi32>
    %slice3A_2514 = vector.extract_strided_slice %select_n3A_2491 {offsets = [0, 0], sizes = [32, 512], strides = [1, 1]} : vector<32x1024xi32> to vector<32x512xi32>
    %concatenate3A_2515 = tpu.concatenate %slice3A_2513, %slice3A_2514 in 1 : vector<32x512xi32>, vector<32x512xi32> -> vector<32x1024xi32>
    %slice3A_2516 = vector.extract_strided_slice %select_n3A_2491 {offsets = [0, 512], sizes = [32, 512], strides = [1, 1]} : vector<32x1024xi32> to vector<32x512xi32>
    %slice3A_2517 = vector.extract_strided_slice %select_n3A_2491 {offsets = [0, 0], sizes = [32, 512], strides = [1, 1]} : vector<32x1024xi32> to vector<32x512xi32>
    %concatenate3A_2518 = tpu.concatenate %slice3A_2516, %slice3A_2517 in 1 : vector<32x512xi32>, vector<32x512xi32> -> vector<32x1024xi32>
    %select_n3A_2519 = arith.select %ne3A_2505, %concatenate3A_2515, %concatenate3A_2518 : vector<32x1024xi1>, vector<32x1024xi32>
    %not3A_2520 = arith.constant dense<true> : vector<32x1024xi1>
    %not3A_2521 = arith.xori %ne3A_2505, %not3A_2520 : vector<32x1024xi1>
    %gt3A_2522 = arith.cmpf ogt, %select_n3A_2490, %select_n3A_2512 : vector<32x1024xf32>
    %eq3A_2523 = arith.cmpf oeq, %select_n3A_2490, %select_n3A_2512 : vector<32x1024xf32>
    %lt3A_2524 = arith.cmpi slt, %select_n3A_2491, %select_n3A_2519 : vector<32x1024xi32>
    %and3A_2525 = arith.andi %eq3A_2523, %lt3A_2524 : vector<32x1024xi1>
    %or3A_2526 = arith.ori %gt3A_2522, %and3A_2525 : vector<32x1024xi1>
    %eq3A_2527 = arith.xori %or3A_2526, %not3A_2521 : vector<32x1024xi1>
    %eq3A_2528 = arith.constant dense<true> : vector<32x1024xi1>
    %eq3A_2529 = arith.xori %eq3A_2527, %eq3A_2528 : vector<32x1024xi1>
    %eq3A_2530 = arith.xori %eq3A_2529, %ne3A_2498 : vector<32x1024xi1>
    %eq3A_2531 = arith.constant dense<true> : vector<32x1024xi1>
    %eq3A_2532 = arith.xori %eq3A_2530, %eq3A_2531 : vector<32x1024xi1>
    %select_n3A_2533 = arith.select %eq3A_2532, %select_n3A_2490, %select_n3A_2512 : vector<32x1024xi1>, vector<32x1024xf32>
    %select_n3A_2534 = arith.select %eq3A_2532, %select_n3A_2491, %select_n3A_2519 : vector<32x1024xi1>, vector<32x1024xi32>
    %and3A_2535 = arith.constant 1024 : i32
    %and3A_2536 = vector.broadcast %and3A_2535 : i32 to vector<32x1024xi32>
    %and3A_2537 = arith.andi %iota3A_553, %and3A_2536 : vector<32x1024xi32>
    %eq3A_2538 = arith.constant 0 : i32
    %eq3A_2539 = vector.broadcast %eq3A_2538 : i32 to vector<32x1024xi32>
    %eq3A_2540 = arith.cmpi eq, %and3A_2537, %eq3A_2539 : vector<32x1024xi32>
    %ne3A_2541 = arith.xori %eq3A_2540, %ne3A_564 : vector<32x1024xi1>
    %iota3A_2542 = tpu.iota {dimensions = array<i32: 1>} : vector<32x1024xi32>
    %and3A_2543 = arith.constant 256 : i32
    %and3A_2544 = vector.broadcast %and3A_2543 : i32 to vector<32x1024xi32>
    %and3A_2545 = arith.andi %iota3A_2542, %and3A_2544 : vector<32x1024xi32>
    %ne3A_2546 = arith.constant 0 : i32
    %ne3A_2547 = vector.broadcast %ne3A_2546 : i32 to vector<32x1024xi32>
    %ne3A_2548 = arith.cmpi ne, %and3A_2545, %ne3A_2547 : vector<32x1024xi32>
    %slice3A_2549 = vector.extract_strided_slice %select_n3A_2533 {offsets = [0, 768], sizes = [32, 256], strides = [1, 1]} : vector<32x1024xf32> to vector<32x256xf32>
    %slice3A_2550 = vector.extract_strided_slice %select_n3A_2533 {offsets = [0, 0], sizes = [32, 768], strides = [1, 1]} : vector<32x1024xf32> to vector<32x768xf32>
    %concatenate3A_2551 = tpu.concatenate %slice3A_2549, %slice3A_2550 in 1 : vector<32x256xf32>, vector<32x768xf32> -> vector<32x1024xf32>
    %slice3A_2552 = vector.extract_strided_slice %select_n3A_2533 {offsets = [0, 256], sizes = [32, 768], strides = [1, 1]} : vector<32x1024xf32> to vector<32x768xf32>
    %slice3A_2553 = vector.extract_strided_slice %select_n3A_2533 {offsets = [0, 0], sizes = [32, 256], strides = [1, 1]} : vector<32x1024xf32> to vector<32x256xf32>
    %concatenate3A_2554 = tpu.concatenate %slice3A_2552, %slice3A_2553 in 1 : vector<32x768xf32>, vector<32x256xf32> -> vector<32x1024xf32>
    %select_n3A_2555 = arith.select %ne3A_2548, %concatenate3A_2551, %concatenate3A_2554 : vector<32x1024xi1>, vector<32x1024xf32>
    %slice3A_2556 = vector.extract_strided_slice %select_n3A_2534 {offsets = [0, 768], sizes = [32, 256], strides = [1, 1]} : vector<32x1024xi32> to vector<32x256xi32>
    %slice3A_2557 = vector.extract_strided_slice %select_n3A_2534 {offsets = [0, 0], sizes = [32, 768], strides = [1, 1]} : vector<32x1024xi32> to vector<32x768xi32>
    %concatenate3A_2558 = tpu.concatenate %slice3A_2556, %slice3A_2557 in 1 : vector<32x256xi32>, vector<32x768xi32> -> vector<32x1024xi32>
    %slice3A_2559 = vector.extract_strided_slice %select_n3A_2534 {offsets = [0, 256], sizes = [32, 768], strides = [1, 1]} : vector<32x1024xi32> to vector<32x768xi32>
    %slice3A_2560 = vector.extract_strided_slice %select_n3A_2534 {offsets = [0, 0], sizes = [32, 256], strides = [1, 1]} : vector<32x1024xi32> to vector<32x256xi32>
    %concatenate3A_2561 = tpu.concatenate %slice3A_2559, %slice3A_2560 in 1 : vector<32x768xi32>, vector<32x256xi32> -> vector<32x1024xi32>
    %select_n3A_2562 = arith.select %ne3A_2548, %concatenate3A_2558, %concatenate3A_2561 : vector<32x1024xi1>, vector<32x1024xi32>
    %not3A_2563 = arith.constant dense<true> : vector<32x1024xi1>
    %not3A_2564 = arith.xori %ne3A_2548, %not3A_2563 : vector<32x1024xi1>
    %gt3A_2565 = arith.cmpf ogt, %select_n3A_2533, %select_n3A_2555 : vector<32x1024xf32>
    %eq3A_2566 = arith.cmpf oeq, %select_n3A_2533, %select_n3A_2555 : vector<32x1024xf32>
    %lt3A_2567 = arith.cmpi slt, %select_n3A_2534, %select_n3A_2562 : vector<32x1024xi32>
    %and3A_2568 = arith.andi %eq3A_2566, %lt3A_2567 : vector<32x1024xi1>
    %or3A_2569 = arith.ori %gt3A_2565, %and3A_2568 : vector<32x1024xi1>
    %eq3A_2570 = arith.xori %or3A_2569, %not3A_2564 : vector<32x1024xi1>
    %eq3A_2571 = arith.constant dense<true> : vector<32x1024xi1>
    %eq3A_2572 = arith.xori %eq3A_2570, %eq3A_2571 : vector<32x1024xi1>
    %eq3A_2573 = arith.xori %eq3A_2572, %ne3A_2541 : vector<32x1024xi1>
    %eq3A_2574 = arith.constant dense<true> : vector<32x1024xi1>
    %eq3A_2575 = arith.xori %eq3A_2573, %eq3A_2574 : vector<32x1024xi1>
    %select_n3A_2576 = arith.select %eq3A_2575, %select_n3A_2533, %select_n3A_2555 : vector<32x1024xi1>, vector<32x1024xf32>
    %select_n3A_2577 = arith.select %eq3A_2575, %select_n3A_2534, %select_n3A_2562 : vector<32x1024xi1>, vector<32x1024xi32>
    %and3A_2578 = arith.constant 1024 : i32
    %and3A_2579 = vector.broadcast %and3A_2578 : i32 to vector<32x1024xi32>
    %and3A_2580 = arith.andi %iota3A_553, %and3A_2579 : vector<32x1024xi32>
    %eq3A_2581 = arith.constant 0 : i32
    %eq3A_2582 = vector.broadcast %eq3A_2581 : i32 to vector<32x1024xi32>
    %eq3A_2583 = arith.cmpi eq, %and3A_2580, %eq3A_2582 : vector<32x1024xi32>
    %ne3A_2584 = arith.xori %eq3A_2583, %ne3A_564 : vector<32x1024xi1>
    %iota3A_2585 = tpu.iota {dimensions = array<i32: 1>} : vector<32x1024xi32>
    %and3A_2586 = arith.constant 128 : i32
    %and3A_2587 = vector.broadcast %and3A_2586 : i32 to vector<32x1024xi32>
    %and3A_2588 = arith.andi %iota3A_2585, %and3A_2587 : vector<32x1024xi32>
    %ne3A_2589 = arith.constant 0 : i32
    %ne3A_2590 = vector.broadcast %ne3A_2589 : i32 to vector<32x1024xi32>
    %ne3A_2591 = arith.cmpi ne, %and3A_2588, %ne3A_2590 : vector<32x1024xi32>
    %slice3A_2592 = vector.extract_strided_slice %select_n3A_2576 {offsets = [0, 896], sizes = [32, 128], strides = [1, 1]} : vector<32x1024xf32> to vector<32x128xf32>
    %slice3A_2593 = vector.extract_strided_slice %select_n3A_2576 {offsets = [0, 0], sizes = [32, 896], strides = [1, 1]} : vector<32x1024xf32> to vector<32x896xf32>
    %concatenate3A_2594 = tpu.concatenate %slice3A_2592, %slice3A_2593 in 1 : vector<32x128xf32>, vector<32x896xf32> -> vector<32x1024xf32>
    %slice3A_2595 = vector.extract_strided_slice %select_n3A_2576 {offsets = [0, 128], sizes = [32, 896], strides = [1, 1]} : vector<32x1024xf32> to vector<32x896xf32>
    %slice3A_2596 = vector.extract_strided_slice %select_n3A_2576 {offsets = [0, 0], sizes = [32, 128], strides = [1, 1]} : vector<32x1024xf32> to vector<32x128xf32>
    %concatenate3A_2597 = tpu.concatenate %slice3A_2595, %slice3A_2596 in 1 : vector<32x896xf32>, vector<32x128xf32> -> vector<32x1024xf32>
    %select_n3A_2598 = arith.select %ne3A_2591, %concatenate3A_2594, %concatenate3A_2597 : vector<32x1024xi1>, vector<32x1024xf32>
    %slice3A_2599 = vector.extract_strided_slice %select_n3A_2577 {offsets = [0, 896], sizes = [32, 128], strides = [1, 1]} : vector<32x1024xi32> to vector<32x128xi32>
    %slice3A_2600 = vector.extract_strided_slice %select_n3A_2577 {offsets = [0, 0], sizes = [32, 896], strides = [1, 1]} : vector<32x1024xi32> to vector<32x896xi32>
    %concatenate3A_2601 = tpu.concatenate %slice3A_2599, %slice3A_2600 in 1 : vector<32x128xi32>, vector<32x896xi32> -> vector<32x1024xi32>
    %slice3A_2602 = vector.extract_strided_slice %select_n3A_2577 {offsets = [0, 128], sizes = [32, 896], strides = [1, 1]} : vector<32x1024xi32> to vector<32x896xi32>
    %slice3A_2603 = vector.extract_strided_slice %select_n3A_2577 {offsets = [0, 0], sizes = [32, 128], strides = [1, 1]} : vector<32x1024xi32> to vector<32x128xi32>
    %concatenate3A_2604 = tpu.concatenate %slice3A_2602, %slice3A_2603 in 1 : vector<32x896xi32>, vector<32x128xi32> -> vector<32x1024xi32>
    %select_n3A_2605 = arith.select %ne3A_2591, %concatenate3A_2601, %concatenate3A_2604 : vector<32x1024xi1>, vector<32x1024xi32>
    %not3A_2606 = arith.constant dense<true> : vector<32x1024xi1>
    %not3A_2607 = arith.xori %ne3A_2591, %not3A_2606 : vector<32x1024xi1>
    %gt3A_2608 = arith.cmpf ogt, %select_n3A_2576, %select_n3A_2598 : vector<32x1024xf32>
    %eq3A_2609 = arith.cmpf oeq, %select_n3A_2576, %select_n3A_2598 : vector<32x1024xf32>
    %lt3A_2610 = arith.cmpi slt, %select_n3A_2577, %select_n3A_2605 : vector<32x1024xi32>
    %and3A_2611 = arith.andi %eq3A_2609, %lt3A_2610 : vector<32x1024xi1>
    %or3A_2612 = arith.ori %gt3A_2608, %and3A_2611 : vector<32x1024xi1>
    %eq3A_2613 = arith.xori %or3A_2612, %not3A_2607 : vector<32x1024xi1>
    %eq3A_2614 = arith.constant dense<true> : vector<32x1024xi1>
    %eq3A_2615 = arith.xori %eq3A_2613, %eq3A_2614 : vector<32x1024xi1>
    %eq3A_2616 = arith.xori %eq3A_2615, %ne3A_2584 : vector<32x1024xi1>
    %eq3A_2617 = arith.constant dense<true> : vector<32x1024xi1>
    %eq3A_2618 = arith.xori %eq3A_2616, %eq3A_2617 : vector<32x1024xi1>
    %select_n3A_2619 = arith.select %eq3A_2618, %select_n3A_2576, %select_n3A_2598 : vector<32x1024xi1>, vector<32x1024xf32>
    %select_n3A_2620 = arith.select %eq3A_2618, %select_n3A_2577, %select_n3A_2605 : vector<32x1024xi1>, vector<32x1024xi32>
    %and3A_2621 = arith.constant 1024 : i32
    %and3A_2622 = vector.broadcast %and3A_2621 : i32 to vector<32x1024xi32>
    %and3A_2623 = arith.andi %iota3A_553, %and3A_2622 : vector<32x1024xi32>
    %eq3A_2624 = arith.constant 0 : i32
    %eq3A_2625 = vector.broadcast %eq3A_2624 : i32 to vector<32x1024xi32>
    %eq3A_2626 = arith.cmpi eq, %and3A_2623, %eq3A_2625 : vector<32x1024xi32>
    %ne3A_2627 = arith.xori %eq3A_2626, %ne3A_564 : vector<32x1024xi1>
    %iota3A_2628 = tpu.iota {dimensions = array<i32: 1>} : vector<32x1024xi32>
    %and3A_2629 = arith.constant 64 : i32
    %and3A_2630 = vector.broadcast %and3A_2629 : i32 to vector<32x1024xi32>
    %and3A_2631 = arith.andi %iota3A_2628, %and3A_2630 : vector<32x1024xi32>
    %ne3A_2632 = arith.constant 0 : i32
    %ne3A_2633 = vector.broadcast %ne3A_2632 : i32 to vector<32x1024xi32>
    %ne3A_2634 = arith.cmpi ne, %and3A_2631, %ne3A_2633 : vector<32x1024xi32>
    %slice3A_2635 = vector.extract_strided_slice %select_n3A_2619 {offsets = [0, 960], sizes = [32, 64], strides = [1, 1]} : vector<32x1024xf32> to vector<32x64xf32>
    %slice3A_2636 = vector.extract_strided_slice %select_n3A_2619 {offsets = [0, 0], sizes = [32, 960], strides = [1, 1]} : vector<32x1024xf32> to vector<32x960xf32>
    %concatenate3A_2637 = tpu.concatenate %slice3A_2635, %slice3A_2636 in 1 : vector<32x64xf32>, vector<32x960xf32> -> vector<32x1024xf32>
    %slice3A_2638 = vector.extract_strided_slice %select_n3A_2619 {offsets = [0, 64], sizes = [32, 960], strides = [1, 1]} : vector<32x1024xf32> to vector<32x960xf32>
    %slice3A_2639 = vector.extract_strided_slice %select_n3A_2619 {offsets = [0, 0], sizes = [32, 64], strides = [1, 1]} : vector<32x1024xf32> to vector<32x64xf32>
    %concatenate3A_2640 = tpu.concatenate %slice3A_2638, %slice3A_2639 in 1 : vector<32x960xf32>, vector<32x64xf32> -> vector<32x1024xf32>
    %select_n3A_2641 = arith.select %ne3A_2634, %concatenate3A_2637, %concatenate3A_2640 : vector<32x1024xi1>, vector<32x1024xf32>
    %slice3A_2642 = vector.extract_strided_slice %select_n3A_2620 {offsets = [0, 960], sizes = [32, 64], strides = [1, 1]} : vector<32x1024xi32> to vector<32x64xi32>
    %slice3A_2643 = vector.extract_strided_slice %select_n3A_2620 {offsets = [0, 0], sizes = [32, 960], strides = [1, 1]} : vector<32x1024xi32> to vector<32x960xi32>
    %concatenate3A_2644 = tpu.concatenate %slice3A_2642, %slice3A_2643 in 1 : vector<32x64xi32>, vector<32x960xi32> -> vector<32x1024xi32>
    %slice3A_2645 = vector.extract_strided_slice %select_n3A_2620 {offsets = [0, 64], sizes = [32, 960], strides = [1, 1]} : vector<32x1024xi32> to vector<32x960xi32>
    %slice3A_2646 = vector.extract_strided_slice %select_n3A_2620 {offsets = [0, 0], sizes = [32, 64], strides = [1, 1]} : vector<32x1024xi32> to vector<32x64xi32>
    %concatenate3A_2647 = tpu.concatenate %slice3A_2645, %slice3A_2646 in 1 : vector<32x960xi32>, vector<32x64xi32> -> vector<32x1024xi32>
    %select_n3A_2648 = arith.select %ne3A_2634, %concatenate3A_2644, %concatenate3A_2647 : vector<32x1024xi1>, vector<32x1024xi32>
    %not3A_2649 = arith.constant dense<true> : vector<32x1024xi1>
    %not3A_2650 = arith.xori %ne3A_2634, %not3A_2649 : vector<32x1024xi1>
    %gt3A_2651 = arith.cmpf ogt, %select_n3A_2619, %select_n3A_2641 : vector<32x1024xf32>
    %eq3A_2652 = arith.cmpf oeq, %select_n3A_2619, %select_n3A_2641 : vector<32x1024xf32>
    %lt3A_2653 = arith.cmpi slt, %select_n3A_2620, %select_n3A_2648 : vector<32x1024xi32>
    %and3A_2654 = arith.andi %eq3A_2652, %lt3A_2653 : vector<32x1024xi1>
    %or3A_2655 = arith.ori %gt3A_2651, %and3A_2654 : vector<32x1024xi1>
    %eq3A_2656 = arith.xori %or3A_2655, %not3A_2650 : vector<32x1024xi1>
    %eq3A_2657 = arith.constant dense<true> : vector<32x1024xi1>
    %eq3A_2658 = arith.xori %eq3A_2656, %eq3A_2657 : vector<32x1024xi1>
    %eq3A_2659 = arith.xori %eq3A_2658, %ne3A_2627 : vector<32x1024xi1>
    %eq3A_2660 = arith.constant dense<true> : vector<32x1024xi1>
    %eq3A_2661 = arith.xori %eq3A_2659, %eq3A_2660 : vector<32x1024xi1>
    %select_n3A_2662 = arith.select %eq3A_2661, %select_n3A_2619, %select_n3A_2641 : vector<32x1024xi1>, vector<32x1024xf32>
    %select_n3A_2663 = arith.select %eq3A_2661, %select_n3A_2620, %select_n3A_2648 : vector<32x1024xi1>, vector<32x1024xi32>
    %and3A_2664 = arith.constant 1024 : i32
    %and3A_2665 = vector.broadcast %and3A_2664 : i32 to vector<32x1024xi32>
    %and3A_2666 = arith.andi %iota3A_553, %and3A_2665 : vector<32x1024xi32>
    %eq3A_2667 = arith.constant 0 : i32
    %eq3A_2668 = vector.broadcast %eq3A_2667 : i32 to vector<32x1024xi32>
    %eq3A_2669 = arith.cmpi eq, %and3A_2666, %eq3A_2668 : vector<32x1024xi32>
    %ne3A_2670 = arith.xori %eq3A_2669, %ne3A_564 : vector<32x1024xi1>
    %iota3A_2671 = tpu.iota {dimensions = array<i32: 1>} : vector<32x1024xi32>
    %and3A_2672 = arith.constant 32 : i32
    %and3A_2673 = vector.broadcast %and3A_2672 : i32 to vector<32x1024xi32>
    %and3A_2674 = arith.andi %iota3A_2671, %and3A_2673 : vector<32x1024xi32>
    %ne3A_2675 = arith.constant 0 : i32
    %ne3A_2676 = vector.broadcast %ne3A_2675 : i32 to vector<32x1024xi32>
    %ne3A_2677 = arith.cmpi ne, %and3A_2674, %ne3A_2676 : vector<32x1024xi32>
    %slice3A_2678 = vector.extract_strided_slice %select_n3A_2662 {offsets = [0, 992], sizes = [32, 32], strides = [1, 1]} : vector<32x1024xf32> to vector<32x32xf32>
    %slice3A_2679 = vector.extract_strided_slice %select_n3A_2662 {offsets = [0, 0], sizes = [32, 992], strides = [1, 1]} : vector<32x1024xf32> to vector<32x992xf32>
    %concatenate3A_2680 = tpu.concatenate %slice3A_2678, %slice3A_2679 in 1 : vector<32x32xf32>, vector<32x992xf32> -> vector<32x1024xf32>
    %slice3A_2681 = vector.extract_strided_slice %select_n3A_2662 {offsets = [0, 32], sizes = [32, 992], strides = [1, 1]} : vector<32x1024xf32> to vector<32x992xf32>
    %slice3A_2682 = vector.extract_strided_slice %select_n3A_2662 {offsets = [0, 0], sizes = [32, 32], strides = [1, 1]} : vector<32x1024xf32> to vector<32x32xf32>
    %concatenate3A_2683 = tpu.concatenate %slice3A_2681, %slice3A_2682 in 1 : vector<32x992xf32>, vector<32x32xf32> -> vector<32x1024xf32>
    %select_n3A_2684 = arith.select %ne3A_2677, %concatenate3A_2680, %concatenate3A_2683 : vector<32x1024xi1>, vector<32x1024xf32>
    %slice3A_2685 = vector.extract_strided_slice %select_n3A_2663 {offsets = [0, 992], sizes = [32, 32], strides = [1, 1]} : vector<32x1024xi32> to vector<32x32xi32>
    %slice3A_2686 = vector.extract_strided_slice %select_n3A_2663 {offsets = [0, 0], sizes = [32, 992], strides = [1, 1]} : vector<32x1024xi32> to vector<32x992xi32>
    %concatenate3A_2687 = tpu.concatenate %slice3A_2685, %slice3A_2686 in 1 : vector<32x32xi32>, vector<32x992xi32> -> vector<32x1024xi32>
    %slice3A_2688 = vector.extract_strided_slice %select_n3A_2663 {offsets = [0, 32], sizes = [32, 992], strides = [1, 1]} : vector<32x1024xi32> to vector<32x992xi32>
    %slice3A_2689 = vector.extract_strided_slice %select_n3A_2663 {offsets = [0, 0], sizes = [32, 32], strides = [1, 1]} : vector<32x1024xi32> to vector<32x32xi32>
    %concatenate3A_2690 = tpu.concatenate %slice3A_2688, %slice3A_2689 in 1 : vector<32x992xi32>, vector<32x32xi32> -> vector<32x1024xi32>
    %select_n3A_2691 = arith.select %ne3A_2677, %concatenate3A_2687, %concatenate3A_2690 : vector<32x1024xi1>, vector<32x1024xi32>
    %not3A_2692 = arith.constant dense<true> : vector<32x1024xi1>
    %not3A_2693 = arith.xori %ne3A_2677, %not3A_2692 : vector<32x1024xi1>
    %gt3A_2694 = arith.cmpf ogt, %select_n3A_2662, %select_n3A_2684 : vector<32x1024xf32>
    %eq3A_2695 = arith.cmpf oeq, %select_n3A_2662, %select_n3A_2684 : vector<32x1024xf32>
    %lt3A_2696 = arith.cmpi slt, %select_n3A_2663, %select_n3A_2691 : vector<32x1024xi32>
    %and3A_2697 = arith.andi %eq3A_2695, %lt3A_2696 : vector<32x1024xi1>
    %or3A_2698 = arith.ori %gt3A_2694, %and3A_2697 : vector<32x1024xi1>
    %eq3A_2699 = arith.xori %or3A_2698, %not3A_2693 : vector<32x1024xi1>
    %eq3A_2700 = arith.constant dense<true> : vector<32x1024xi1>
    %eq3A_2701 = arith.xori %eq3A_2699, %eq3A_2700 : vector<32x1024xi1>
    %eq3A_2702 = arith.xori %eq3A_2701, %ne3A_2670 : vector<32x1024xi1>
    %eq3A_2703 = arith.constant dense<true> : vector<32x1024xi1>
    %eq3A_2704 = arith.xori %eq3A_2702, %eq3A_2703 : vector<32x1024xi1>
    %select_n3A_2705 = arith.select %eq3A_2704, %select_n3A_2662, %select_n3A_2684 : vector<32x1024xi1>, vector<32x1024xf32>
    %select_n3A_2706 = arith.select %eq3A_2704, %select_n3A_2663, %select_n3A_2691 : vector<32x1024xi1>, vector<32x1024xi32>
    %and3A_2707 = arith.constant 1024 : i32
    %and3A_2708 = vector.broadcast %and3A_2707 : i32 to vector<32x1024xi32>
    %and3A_2709 = arith.andi %iota3A_553, %and3A_2708 : vector<32x1024xi32>
    %eq3A_2710 = arith.constant 0 : i32
    %eq3A_2711 = vector.broadcast %eq3A_2710 : i32 to vector<32x1024xi32>
    %eq3A_2712 = arith.cmpi eq, %and3A_2709, %eq3A_2711 : vector<32x1024xi32>
    %ne3A_2713 = arith.xori %eq3A_2712, %ne3A_564 : vector<32x1024xi1>
    %iota3A_2714 = tpu.iota {dimensions = array<i32: 1>} : vector<32x1024xi32>
    %and3A_2715 = arith.constant 16 : i32
    %and3A_2716 = vector.broadcast %and3A_2715 : i32 to vector<32x1024xi32>
    %and3A_2717 = arith.andi %iota3A_2714, %and3A_2716 : vector<32x1024xi32>
    %ne3A_2718 = arith.constant 0 : i32
    %ne3A_2719 = vector.broadcast %ne3A_2718 : i32 to vector<32x1024xi32>
    %ne3A_2720 = arith.cmpi ne, %and3A_2717, %ne3A_2719 : vector<32x1024xi32>
    %slice3A_2721 = vector.extract_strided_slice %select_n3A_2705 {offsets = [0, 1008], sizes = [32, 16], strides = [1, 1]} : vector<32x1024xf32> to vector<32x16xf32>
    %slice3A_2722 = vector.extract_strided_slice %select_n3A_2705 {offsets = [0, 0], sizes = [32, 1008], strides = [1, 1]} : vector<32x1024xf32> to vector<32x1008xf32>
    %concatenate3A_2723 = tpu.concatenate %slice3A_2721, %slice3A_2722 in 1 : vector<32x16xf32>, vector<32x1008xf32> -> vector<32x1024xf32>
    %slice3A_2724 = vector.extract_strided_slice %select_n3A_2705 {offsets = [0, 16], sizes = [32, 1008], strides = [1, 1]} : vector<32x1024xf32> to vector<32x1008xf32>
    %slice3A_2725 = vector.extract_strided_slice %select_n3A_2705 {offsets = [0, 0], sizes = [32, 16], strides = [1, 1]} : vector<32x1024xf32> to vector<32x16xf32>
    %concatenate3A_2726 = tpu.concatenate %slice3A_2724, %slice3A_2725 in 1 : vector<32x1008xf32>, vector<32x16xf32> -> vector<32x1024xf32>
    %select_n3A_2727 = arith.select %ne3A_2720, %concatenate3A_2723, %concatenate3A_2726 : vector<32x1024xi1>, vector<32x1024xf32>
    %slice3A_2728 = vector.extract_strided_slice %select_n3A_2706 {offsets = [0, 1008], sizes = [32, 16], strides = [1, 1]} : vector<32x1024xi32> to vector<32x16xi32>
    %slice3A_2729 = vector.extract_strided_slice %select_n3A_2706 {offsets = [0, 0], sizes = [32, 1008], strides = [1, 1]} : vector<32x1024xi32> to vector<32x1008xi32>
    %concatenate3A_2730 = tpu.concatenate %slice3A_2728, %slice3A_2729 in 1 : vector<32x16xi32>, vector<32x1008xi32> -> vector<32x1024xi32>
    %slice3A_2731 = vector.extract_strided_slice %select_n3A_2706 {offsets = [0, 16], sizes = [32, 1008], strides = [1, 1]} : vector<32x1024xi32> to vector<32x1008xi32>
    %slice3A_2732 = vector.extract_strided_slice %select_n3A_2706 {offsets = [0, 0], sizes = [32, 16], strides = [1, 1]} : vector<32x1024xi32> to vector<32x16xi32>
    %concatenate3A_2733 = tpu.concatenate %slice3A_2731, %slice3A_2732 in 1 : vector<32x1008xi32>, vector<32x16xi32> -> vector<32x1024xi32>
    %select_n3A_2734 = arith.select %ne3A_2720, %concatenate3A_2730, %concatenate3A_2733 : vector<32x1024xi1>, vector<32x1024xi32>
    %not3A_2735 = arith.constant dense<true> : vector<32x1024xi1>
    %not3A_2736 = arith.xori %ne3A_2720, %not3A_2735 : vector<32x1024xi1>
    %gt3A_2737 = arith.cmpf ogt, %select_n3A_2705, %select_n3A_2727 : vector<32x1024xf32>
    %eq3A_2738 = arith.cmpf oeq, %select_n3A_2705, %select_n3A_2727 : vector<32x1024xf32>
    %lt3A_2739 = arith.cmpi slt, %select_n3A_2706, %select_n3A_2734 : vector<32x1024xi32>
    %and3A_2740 = arith.andi %eq3A_2738, %lt3A_2739 : vector<32x1024xi1>
    %or3A_2741 = arith.ori %gt3A_2737, %and3A_2740 : vector<32x1024xi1>
    %eq3A_2742 = arith.xori %or3A_2741, %not3A_2736 : vector<32x1024xi1>
    %eq3A_2743 = arith.constant dense<true> : vector<32x1024xi1>
    %eq3A_2744 = arith.xori %eq3A_2742, %eq3A_2743 : vector<32x1024xi1>
    %eq3A_2745 = arith.xori %eq3A_2744, %ne3A_2713 : vector<32x1024xi1>
    %eq3A_2746 = arith.constant dense<true> : vector<32x1024xi1>
    %eq3A_2747 = arith.xori %eq3A_2745, %eq3A_2746 : vector<32x1024xi1>
    %select_n3A_2748 = arith.select %eq3A_2747, %select_n3A_2705, %select_n3A_2727 : vector<32x1024xi1>, vector<32x1024xf32>
    %select_n3A_2749 = arith.select %eq3A_2747, %select_n3A_2706, %select_n3A_2734 : vector<32x1024xi1>, vector<32x1024xi32>
    %and3A_2750 = arith.constant 1024 : i32
    %and3A_2751 = vector.broadcast %and3A_2750 : i32 to vector<32x1024xi32>
    %and3A_2752 = arith.andi %iota3A_553, %and3A_2751 : vector<32x1024xi32>
    %eq3A_2753 = arith.constant 0 : i32
    %eq3A_2754 = vector.broadcast %eq3A_2753 : i32 to vector<32x1024xi32>
    %eq3A_2755 = arith.cmpi eq, %and3A_2752, %eq3A_2754 : vector<32x1024xi32>
    %ne3A_2756 = arith.xori %eq3A_2755, %ne3A_564 : vector<32x1024xi1>
    %iota3A_2757 = tpu.iota {dimensions = array<i32: 1>} : vector<32x1024xi32>
    %and3A_2758 = arith.constant 8 : i32
    %and3A_2759 = vector.broadcast %and3A_2758 : i32 to vector<32x1024xi32>
    %and3A_2760 = arith.andi %iota3A_2757, %and3A_2759 : vector<32x1024xi32>
    %ne3A_2761 = arith.constant 0 : i32
    %ne3A_2762 = vector.broadcast %ne3A_2761 : i32 to vector<32x1024xi32>
    %ne3A_2763 = arith.cmpi ne, %and3A_2760, %ne3A_2762 : vector<32x1024xi32>
    %slice3A_2764 = vector.extract_strided_slice %select_n3A_2748 {offsets = [0, 1016], sizes = [32, 8], strides = [1, 1]} : vector<32x1024xf32> to vector<32x8xf32>
    %slice3A_2765 = vector.extract_strided_slice %select_n3A_2748 {offsets = [0, 0], sizes = [32, 1016], strides = [1, 1]} : vector<32x1024xf32> to vector<32x1016xf32>
    %concatenate3A_2766 = tpu.concatenate %slice3A_2764, %slice3A_2765 in 1 : vector<32x8xf32>, vector<32x1016xf32> -> vector<32x1024xf32>
    %slice3A_2767 = vector.extract_strided_slice %select_n3A_2748 {offsets = [0, 8], sizes = [32, 1016], strides = [1, 1]} : vector<32x1024xf32> to vector<32x1016xf32>
    %slice3A_2768 = vector.extract_strided_slice %select_n3A_2748 {offsets = [0, 0], sizes = [32, 8], strides = [1, 1]} : vector<32x1024xf32> to vector<32x8xf32>
    %concatenate3A_2769 = tpu.concatenate %slice3A_2767, %slice3A_2768 in 1 : vector<32x1016xf32>, vector<32x8xf32> -> vector<32x1024xf32>
    %select_n3A_2770 = arith.select %ne3A_2763, %concatenate3A_2766, %concatenate3A_2769 : vector<32x1024xi1>, vector<32x1024xf32>
    %slice3A_2771 = vector.extract_strided_slice %select_n3A_2749 {offsets = [0, 1016], sizes = [32, 8], strides = [1, 1]} : vector<32x1024xi32> to vector<32x8xi32>
    %slice3A_2772 = vector.extract_strided_slice %select_n3A_2749 {offsets = [0, 0], sizes = [32, 1016], strides = [1, 1]} : vector<32x1024xi32> to vector<32x1016xi32>
    %concatenate3A_2773 = tpu.concatenate %slice3A_2771, %slice3A_2772 in 1 : vector<32x8xi32>, vector<32x1016xi32> -> vector<32x1024xi32>
    %slice3A_2774 = vector.extract_strided_slice %select_n3A_2749 {offsets = [0, 8], sizes = [32, 1016], strides = [1, 1]} : vector<32x1024xi32> to vector<32x1016xi32>
    %slice3A_2775 = vector.extract_strided_slice %select_n3A_2749 {offsets = [0, 0], sizes = [32, 8], strides = [1, 1]} : vector<32x1024xi32> to vector<32x8xi32>
    %concatenate3A_2776 = tpu.concatenate %slice3A_2774, %slice3A_2775 in 1 : vector<32x1016xi32>, vector<32x8xi32> -> vector<32x1024xi32>
    %select_n3A_2777 = arith.select %ne3A_2763, %concatenate3A_2773, %concatenate3A_2776 : vector<32x1024xi1>, vector<32x1024xi32>
    %not3A_2778 = arith.constant dense<true> : vector<32x1024xi1>
    %not3A_2779 = arith.xori %ne3A_2763, %not3A_2778 : vector<32x1024xi1>
    %gt3A_2780 = arith.cmpf ogt, %select_n3A_2748, %select_n3A_2770 : vector<32x1024xf32>
    %eq3A_2781 = arith.cmpf oeq, %select_n3A_2748, %select_n3A_2770 : vector<32x1024xf32>
    %lt3A_2782 = arith.cmpi slt, %select_n3A_2749, %select_n3A_2777 : vector<32x1024xi32>
    %and3A_2783 = arith.andi %eq3A_2781, %lt3A_2782 : vector<32x1024xi1>
    %or3A_2784 = arith.ori %gt3A_2780, %and3A_2783 : vector<32x1024xi1>
    %eq3A_2785 = arith.xori %or3A_2784, %not3A_2779 : vector<32x1024xi1>
    %eq3A_2786 = arith.constant dense<true> : vector<32x1024xi1>
    %eq3A_2787 = arith.xori %eq3A_2785, %eq3A_2786 : vector<32x1024xi1>
    %eq3A_2788 = arith.xori %eq3A_2787, %ne3A_2756 : vector<32x1024xi1>
    %eq3A_2789 = arith.constant dense<true> : vector<32x1024xi1>
    %eq3A_2790 = arith.xori %eq3A_2788, %eq3A_2789 : vector<32x1024xi1>
    %select_n3A_2791 = arith.select %eq3A_2790, %select_n3A_2748, %select_n3A_2770 : vector<32x1024xi1>, vector<32x1024xf32>
    %select_n3A_2792 = arith.select %eq3A_2790, %select_n3A_2749, %select_n3A_2777 : vector<32x1024xi1>, vector<32x1024xi32>
    %and3A_2793 = arith.constant 1024 : i32
    %and3A_2794 = vector.broadcast %and3A_2793 : i32 to vector<32x1024xi32>
    %and3A_2795 = arith.andi %iota3A_553, %and3A_2794 : vector<32x1024xi32>
    %eq3A_2796 = arith.constant 0 : i32
    %eq3A_2797 = vector.broadcast %eq3A_2796 : i32 to vector<32x1024xi32>
    %eq3A_2798 = arith.cmpi eq, %and3A_2795, %eq3A_2797 : vector<32x1024xi32>
    %ne3A_2799 = arith.xori %eq3A_2798, %ne3A_564 : vector<32x1024xi1>
    %iota3A_2800 = tpu.iota {dimensions = array<i32: 1>} : vector<32x1024xi32>
    %and3A_2801 = arith.constant 4 : i32
    %and3A_2802 = vector.broadcast %and3A_2801 : i32 to vector<32x1024xi32>
    %and3A_2803 = arith.andi %iota3A_2800, %and3A_2802 : vector<32x1024xi32>
    %ne3A_2804 = arith.constant 0 : i32
    %ne3A_2805 = vector.broadcast %ne3A_2804 : i32 to vector<32x1024xi32>
    %ne3A_2806 = arith.cmpi ne, %and3A_2803, %ne3A_2805 : vector<32x1024xi32>
    %slice3A_2807 = vector.extract_strided_slice %select_n3A_2791 {offsets = [0, 1020], sizes = [32, 4], strides = [1, 1]} : vector<32x1024xf32> to vector<32x4xf32>
    %slice3A_2808 = vector.extract_strided_slice %select_n3A_2791 {offsets = [0, 0], sizes = [32, 1020], strides = [1, 1]} : vector<32x1024xf32> to vector<32x1020xf32>
    %concatenate3A_2809 = tpu.concatenate %slice3A_2807, %slice3A_2808 in 1 : vector<32x4xf32>, vector<32x1020xf32> -> vector<32x1024xf32>
    %slice3A_2810 = vector.extract_strided_slice %select_n3A_2791 {offsets = [0, 4], sizes = [32, 1020], strides = [1, 1]} : vector<32x1024xf32> to vector<32x1020xf32>
    %slice3A_2811 = vector.extract_strided_slice %select_n3A_2791 {offsets = [0, 0], sizes = [32, 4], strides = [1, 1]} : vector<32x1024xf32> to vector<32x4xf32>
    %concatenate3A_2812 = tpu.concatenate %slice3A_2810, %slice3A_2811 in 1 : vector<32x1020xf32>, vector<32x4xf32> -> vector<32x1024xf32>
    %select_n3A_2813 = arith.select %ne3A_2806, %concatenate3A_2809, %concatenate3A_2812 : vector<32x1024xi1>, vector<32x1024xf32>
    %slice3A_2814 = vector.extract_strided_slice %select_n3A_2792 {offsets = [0, 1020], sizes = [32, 4], strides = [1, 1]} : vector<32x1024xi32> to vector<32x4xi32>
    %slice3A_2815 = vector.extract_strided_slice %select_n3A_2792 {offsets = [0, 0], sizes = [32, 1020], strides = [1, 1]} : vector<32x1024xi32> to vector<32x1020xi32>
    %concatenate3A_2816 = tpu.concatenate %slice3A_2814, %slice3A_2815 in 1 : vector<32x4xi32>, vector<32x1020xi32> -> vector<32x1024xi32>
    %slice3A_2817 = vector.extract_strided_slice %select_n3A_2792 {offsets = [0, 4], sizes = [32, 1020], strides = [1, 1]} : vector<32x1024xi32> to vector<32x1020xi32>
    %slice3A_2818 = vector.extract_strided_slice %select_n3A_2792 {offsets = [0, 0], sizes = [32, 4], strides = [1, 1]} : vector<32x1024xi32> to vector<32x4xi32>
    %concatenate3A_2819 = tpu.concatenate %slice3A_2817, %slice3A_2818 in 1 : vector<32x1020xi32>, vector<32x4xi32> -> vector<32x1024xi32>
    %select_n3A_2820 = arith.select %ne3A_2806, %concatenate3A_2816, %concatenate3A_2819 : vector<32x1024xi1>, vector<32x1024xi32>
    %not3A_2821 = arith.constant dense<true> : vector<32x1024xi1>
    %not3A_2822 = arith.xori %ne3A_2806, %not3A_2821 : vector<32x1024xi1>
    %gt3A_2823 = arith.cmpf ogt, %select_n3A_2791, %select_n3A_2813 : vector<32x1024xf32>
    %eq3A_2824 = arith.cmpf oeq, %select_n3A_2791, %select_n3A_2813 : vector<32x1024xf32>
    %lt3A_2825 = arith.cmpi slt, %select_n3A_2792, %select_n3A_2820 : vector<32x1024xi32>
    %and3A_2826 = arith.andi %eq3A_2824, %lt3A_2825 : vector<32x1024xi1>
    %or3A_2827 = arith.ori %gt3A_2823, %and3A_2826 : vector<32x1024xi1>
    %eq3A_2828 = arith.xori %or3A_2827, %not3A_2822 : vector<32x1024xi1>
    %eq3A_2829 = arith.constant dense<true> : vector<32x1024xi1>
    %eq3A_2830 = arith.xori %eq3A_2828, %eq3A_2829 : vector<32x1024xi1>
    %eq3A_2831 = arith.xori %eq3A_2830, %ne3A_2799 : vector<32x1024xi1>
    %eq3A_2832 = arith.constant dense<true> : vector<32x1024xi1>
    %eq3A_2833 = arith.xori %eq3A_2831, %eq3A_2832 : vector<32x1024xi1>
    %select_n3A_2834 = arith.select %eq3A_2833, %select_n3A_2791, %select_n3A_2813 : vector<32x1024xi1>, vector<32x1024xf32>
    %select_n3A_2835 = arith.select %eq3A_2833, %select_n3A_2792, %select_n3A_2820 : vector<32x1024xi1>, vector<32x1024xi32>
    %and3A_2836 = arith.constant 1024 : i32
    %and3A_2837 = vector.broadcast %and3A_2836 : i32 to vector<32x1024xi32>
    %and3A_2838 = arith.andi %iota3A_553, %and3A_2837 : vector<32x1024xi32>
    %eq3A_2839 = arith.constant 0 : i32
    %eq3A_2840 = vector.broadcast %eq3A_2839 : i32 to vector<32x1024xi32>
    %eq3A_2841 = arith.cmpi eq, %and3A_2838, %eq3A_2840 : vector<32x1024xi32>
    %ne3A_2842 = arith.xori %eq3A_2841, %ne3A_564 : vector<32x1024xi1>
    %iota3A_2843 = tpu.iota {dimensions = array<i32: 1>} : vector<32x1024xi32>
    %and3A_2844 = arith.constant 2 : i32
    %and3A_2845 = vector.broadcast %and3A_2844 : i32 to vector<32x1024xi32>
    %and3A_2846 = arith.andi %iota3A_2843, %and3A_2845 : vector<32x1024xi32>
    %ne3A_2847 = arith.constant 0 : i32
    %ne3A_2848 = vector.broadcast %ne3A_2847 : i32 to vector<32x1024xi32>
    %ne3A_2849 = arith.cmpi ne, %and3A_2846, %ne3A_2848 : vector<32x1024xi32>
    %slice3A_2850 = vector.extract_strided_slice %select_n3A_2834 {offsets = [0, 1022], sizes = [32, 2], strides = [1, 1]} : vector<32x1024xf32> to vector<32x2xf32>
    %slice3A_2851 = vector.extract_strided_slice %select_n3A_2834 {offsets = [0, 0], sizes = [32, 1022], strides = [1, 1]} : vector<32x1024xf32> to vector<32x1022xf32>
    %concatenate3A_2852 = tpu.concatenate %slice3A_2850, %slice3A_2851 in 1 : vector<32x2xf32>, vector<32x1022xf32> -> vector<32x1024xf32>
    %slice3A_2853 = vector.extract_strided_slice %select_n3A_2834 {offsets = [0, 2], sizes = [32, 1022], strides = [1, 1]} : vector<32x1024xf32> to vector<32x1022xf32>
    %slice3A_2854 = vector.extract_strided_slice %select_n3A_2834 {offsets = [0, 0], sizes = [32, 2], strides = [1, 1]} : vector<32x1024xf32> to vector<32x2xf32>
    %concatenate3A_2855 = tpu.concatenate %slice3A_2853, %slice3A_2854 in 1 : vector<32x1022xf32>, vector<32x2xf32> -> vector<32x1024xf32>
    %select_n3A_2856 = arith.select %ne3A_2849, %concatenate3A_2852, %concatenate3A_2855 : vector<32x1024xi1>, vector<32x1024xf32>
    %slice3A_2857 = vector.extract_strided_slice %select_n3A_2835 {offsets = [0, 1022], sizes = [32, 2], strides = [1, 1]} : vector<32x1024xi32> to vector<32x2xi32>
    %slice3A_2858 = vector.extract_strided_slice %select_n3A_2835 {offsets = [0, 0], sizes = [32, 1022], strides = [1, 1]} : vector<32x1024xi32> to vector<32x1022xi32>
    %concatenate3A_2859 = tpu.concatenate %slice3A_2857, %slice3A_2858 in 1 : vector<32x2xi32>, vector<32x1022xi32> -> vector<32x1024xi32>
    %slice3A_2860 = vector.extract_strided_slice %select_n3A_2835 {offsets = [0, 2], sizes = [32, 1022], strides = [1, 1]} : vector<32x1024xi32> to vector<32x1022xi32>
    %slice3A_2861 = vector.extract_strided_slice %select_n3A_2835 {offsets = [0, 0], sizes = [32, 2], strides = [1, 1]} : vector<32x1024xi32> to vector<32x2xi32>
    %concatenate3A_2862 = tpu.concatenate %slice3A_2860, %slice3A_2861 in 1 : vector<32x1022xi32>, vector<32x2xi32> -> vector<32x1024xi32>
    %select_n3A_2863 = arith.select %ne3A_2849, %concatenate3A_2859, %concatenate3A_2862 : vector<32x1024xi1>, vector<32x1024xi32>
    %not3A_2864 = arith.constant dense<true> : vector<32x1024xi1>
    %not3A_2865 = arith.xori %ne3A_2849, %not3A_2864 : vector<32x1024xi1>
    %gt3A_2866 = arith.cmpf ogt, %select_n3A_2834, %select_n3A_2856 : vector<32x1024xf32>
    %eq3A_2867 = arith.cmpf oeq, %select_n3A_2834, %select_n3A_2856 : vector<32x1024xf32>
    %lt3A_2868 = arith.cmpi slt, %select_n3A_2835, %select_n3A_2863 : vector<32x1024xi32>
    %and3A_2869 = arith.andi %eq3A_2867, %lt3A_2868 : vector<32x1024xi1>
    %or3A_2870 = arith.ori %gt3A_2866, %and3A_2869 : vector<32x1024xi1>
    %eq3A_2871 = arith.xori %or3A_2870, %not3A_2865 : vector<32x1024xi1>
    %eq3A_2872 = arith.constant dense<true> : vector<32x1024xi1>
    %eq3A_2873 = arith.xori %eq3A_2871, %eq3A_2872 : vector<32x1024xi1>
    %eq3A_2874 = arith.xori %eq3A_2873, %ne3A_2842 : vector<32x1024xi1>
    %eq3A_2875 = arith.constant dense<true> : vector<32x1024xi1>
    %eq3A_2876 = arith.xori %eq3A_2874, %eq3A_2875 : vector<32x1024xi1>
    %select_n3A_2877 = arith.select %eq3A_2876, %select_n3A_2834, %select_n3A_2856 : vector<32x1024xi1>, vector<32x1024xf32>
    %select_n3A_2878 = arith.select %eq3A_2876, %select_n3A_2835, %select_n3A_2863 : vector<32x1024xi1>, vector<32x1024xi32>
    %and3A_2879 = arith.constant 1024 : i32
    %and3A_2880 = vector.broadcast %and3A_2879 : i32 to vector<32x1024xi32>
    %and3A_2881 = arith.andi %iota3A_553, %and3A_2880 : vector<32x1024xi32>
    %eq3A_2882 = arith.constant 0 : i32
    %eq3A_2883 = vector.broadcast %eq3A_2882 : i32 to vector<32x1024xi32>
    %eq3A_2884 = arith.cmpi eq, %and3A_2881, %eq3A_2883 : vector<32x1024xi32>
    %ne3A_2885 = arith.xori %eq3A_2884, %ne3A_564 : vector<32x1024xi1>
    %iota3A_2886 = tpu.iota {dimensions = array<i32: 1>} : vector<32x1024xi32>
    %and3A_2887 = arith.constant 1 : i32
    %and3A_2888 = vector.broadcast %and3A_2887 : i32 to vector<32x1024xi32>
    %and3A_2889 = arith.andi %iota3A_2886, %and3A_2888 : vector<32x1024xi32>
    %ne3A_2890 = arith.constant 0 : i32
    %ne3A_2891 = vector.broadcast %ne3A_2890 : i32 to vector<32x1024xi32>
    %ne3A_2892 = arith.cmpi ne, %and3A_2889, %ne3A_2891 : vector<32x1024xi32>
    %slice3A_2893 = vector.extract_strided_slice %select_n3A_2877 {offsets = [0, 1023], sizes = [32, 1], strides = [1, 1]} : vector<32x1024xf32> to vector<32x1xf32>
    %slice3A_2894 = vector.extract_strided_slice %select_n3A_2877 {offsets = [0, 0], sizes = [32, 1023], strides = [1, 1]} : vector<32x1024xf32> to vector<32x1023xf32>
    %concatenate3A_2895 = tpu.concatenate %slice3A_2893, %slice3A_2894 in 1 : vector<32x1xf32>, vector<32x1023xf32> -> vector<32x1024xf32>
    %slice3A_2896 = vector.extract_strided_slice %select_n3A_2877 {offsets = [0, 1], sizes = [32, 1023], strides = [1, 1]} : vector<32x1024xf32> to vector<32x1023xf32>
    %slice3A_2897 = vector.extract_strided_slice %select_n3A_2877 {offsets = [0, 0], sizes = [32, 1], strides = [1, 1]} : vector<32x1024xf32> to vector<32x1xf32>
    %concatenate3A_2898 = tpu.concatenate %slice3A_2896, %slice3A_2897 in 1 : vector<32x1023xf32>, vector<32x1xf32> -> vector<32x1024xf32>
    %select_n3A_2899 = arith.select %ne3A_2892, %concatenate3A_2895, %concatenate3A_2898 : vector<32x1024xi1>, vector<32x1024xf32>
    %slice3A_2900 = vector.extract_strided_slice %select_n3A_2878 {offsets = [0, 1023], sizes = [32, 1], strides = [1, 1]} : vector<32x1024xi32> to vector<32x1xi32>
    %slice3A_2901 = vector.extract_strided_slice %select_n3A_2878 {offsets = [0, 0], sizes = [32, 1023], strides = [1, 1]} : vector<32x1024xi32> to vector<32x1023xi32>
    %concatenate3A_2902 = tpu.concatenate %slice3A_2900, %slice3A_2901 in 1 : vector<32x1xi32>, vector<32x1023xi32> -> vector<32x1024xi32>
    %slice3A_2903 = vector.extract_strided_slice %select_n3A_2878 {offsets = [0, 1], sizes = [32, 1023], strides = [1, 1]} : vector<32x1024xi32> to vector<32x1023xi32>
    %slice3A_2904 = vector.extract_strided_slice %select_n3A_2878 {offsets = [0, 0], sizes = [32, 1], strides = [1, 1]} : vector<32x1024xi32> to vector<32x1xi32>
    %concatenate3A_2905 = tpu.concatenate %slice3A_2903, %slice3A_2904 in 1 : vector<32x1023xi32>, vector<32x1xi32> -> vector<32x1024xi32>
    %select_n3A_2906 = arith.select %ne3A_2892, %concatenate3A_2902, %concatenate3A_2905 : vector<32x1024xi1>, vector<32x1024xi32>
    %not3A_2907 = arith.constant dense<true> : vector<32x1024xi1>
    %not3A_2908 = arith.xori %ne3A_2892, %not3A_2907 : vector<32x1024xi1>
    %gt3A_2909 = arith.cmpf ogt, %select_n3A_2877, %select_n3A_2899 : vector<32x1024xf32>
    %eq3A_2910 = arith.cmpf oeq, %select_n3A_2877, %select_n3A_2899 : vector<32x1024xf32>
    %lt3A_2911 = arith.cmpi slt, %select_n3A_2878, %select_n3A_2906 : vector<32x1024xi32>
    %and3A_2912 = arith.andi %eq3A_2910, %lt3A_2911 : vector<32x1024xi1>
    %or3A_2913 = arith.ori %gt3A_2909, %and3A_2912 : vector<32x1024xi1>
    %eq3A_2914 = arith.xori %or3A_2913, %not3A_2908 : vector<32x1024xi1>
    %eq3A_2915 = arith.constant dense<true> : vector<32x1024xi1>
    %eq3A_2916 = arith.xori %eq3A_2914, %eq3A_2915 : vector<32x1024xi1>
    %eq3A_2917 = arith.xori %eq3A_2916, %ne3A_2885 : vector<32x1024xi1>
    %eq3A_2918 = arith.constant dense<true> : vector<32x1024xi1>
    %eq3A_2919 = arith.xori %eq3A_2917, %eq3A_2918 : vector<32x1024xi1>
    %select_n3A_2920 = arith.select %eq3A_2919, %select_n3A_2877, %select_n3A_2899 : vector<32x1024xi1>, vector<32x1024xf32>
    %select_n3A_2921 = arith.select %eq3A_2919, %select_n3A_2878, %select_n3A_2906 : vector<32x1024xi1>, vector<32x1024xi32>
    %reshape3A_2922 = vector.shape_cast %select_n3A_2920 : vector<32x1024xf32> to vector<16x2x1024xf32>
    %reshape3A_2923 = vector.shape_cast %select_n3A_2921 : vector<32x1024xi32> to vector<16x2x1024xi32>
    %slice3A_2924 = vector.extract_strided_slice %reshape3A_2922 {offsets = [0, 0, 0], sizes = [16, 1, 1024], strides = [1, 1, 1]} : vector<16x2x1024xf32> to vector<16x1x1024xf32>
    %squeeze3A = vector.shape_cast %slice3A_2924 : vector<16x1x1024xf32> to vector<16x1024xf32>
    %slice3A_2925 = vector.extract_strided_slice %reshape3A_2922 {offsets = [0, 1, 0], sizes = [16, 1, 1024], strides = [1, 1, 1]} : vector<16x2x1024xf32> to vector<16x1x1024xf32>
    %squeeze3A_2926 = vector.shape_cast %slice3A_2925 : vector<16x1x1024xf32> to vector<16x1024xf32>
    %slice3A_2927 = vector.extract_strided_slice %reshape3A_2923 {offsets = [0, 0, 0], sizes = [16, 1, 1024], strides = [1, 1, 1]} : vector<16x2x1024xi32> to vector<16x1x1024xi32>
    %squeeze3A_2928 = vector.shape_cast %slice3A_2927 : vector<16x1x1024xi32> to vector<16x1024xi32>
    %slice3A_2929 = vector.extract_strided_slice %reshape3A_2923 {offsets = [0, 1, 0], sizes = [16, 1, 1024], strides = [1, 1, 1]} : vector<16x2x1024xi32> to vector<16x1x1024xi32>
    %squeeze3A_2930 = vector.shape_cast %slice3A_2929 : vector<16x1x1024xi32> to vector<16x1024xi32>
    %gt3A_2931 = arith.cmpf ogt, %squeeze3A, %squeeze3A_2926 : vector<16x1024xf32>
    %eq3A_2932 = arith.cmpf oeq, %squeeze3A, %squeeze3A_2926 : vector<16x1024xf32>
    %lt3A_2933 = arith.cmpi slt, %squeeze3A_2928, %squeeze3A_2930 : vector<16x1024xi32>
    %and3A_2934 = arith.andi %eq3A_2932, %lt3A_2933 : vector<16x1024xi1>
    %or3A_2935 = arith.ori %gt3A_2931, %and3A_2934 : vector<16x1024xi1>
    %select_n3A_2936 = arith.select %or3A_2935, %squeeze3A, %squeeze3A_2926 : vector<16x1024xi1>, vector<16x1024xf32>
    %select_n3A_2937 = arith.select %or3A_2935, %squeeze3A_2928, %squeeze3A_2930 : vector<16x1024xi1>, vector<16x1024xi32>
    %iota3A_2938 = tpu.iota {dimensions = array<i32: 0>} : vector<16x1024xi32>
    %and3A_2939 = arith.constant 1 : i32
    %and3A_2940 = vector.broadcast %and3A_2939 : i32 to vector<16x1024xi32>
    %and3A_2941 = arith.andi %iota3A_2938, %and3A_2940 : vector<16x1024xi32>
    %eq3A_2942 = arith.constant 0 : i32
    %eq3A_2943 = vector.broadcast %eq3A_2942 : i32 to vector<16x1024xi32>
    %eq3A_2944 = arith.cmpi eq, %and3A_2941, %eq3A_2943 : vector<16x1024xi32>
    %iota3A_2945 = tpu.iota {dimensions = array<i32: 1>} : vector<16x1024xi32>
    %and3A_2946 = arith.constant 512 : i32
    %and3A_2947 = vector.broadcast %and3A_2946 : i32 to vector<16x1024xi32>
    %and3A_2948 = arith.andi %iota3A_2945, %and3A_2947 : vector<16x1024xi32>
    %ne3A_2949 = arith.constant 0 : i32
    %ne3A_2950 = vector.broadcast %ne3A_2949 : i32 to vector<16x1024xi32>
    %ne3A_2951 = arith.cmpi ne, %and3A_2948, %ne3A_2950 : vector<16x1024xi32>
    %slice3A_2952 = vector.extract_strided_slice %select_n3A_2936 {offsets = [0, 512], sizes = [16, 512], strides = [1, 1]} : vector<16x1024xf32> to vector<16x512xf32>
    %slice3A_2953 = vector.extract_strided_slice %select_n3A_2936 {offsets = [0, 0], sizes = [16, 512], strides = [1, 1]} : vector<16x1024xf32> to vector<16x512xf32>
    %concatenate3A_2954 = tpu.concatenate %slice3A_2952, %slice3A_2953 in 1 : vector<16x512xf32>, vector<16x512xf32> -> vector<16x1024xf32>
    %slice3A_2955 = vector.extract_strided_slice %select_n3A_2936 {offsets = [0, 512], sizes = [16, 512], strides = [1, 1]} : vector<16x1024xf32> to vector<16x512xf32>
    %slice3A_2956 = vector.extract_strided_slice %select_n3A_2936 {offsets = [0, 0], sizes = [16, 512], strides = [1, 1]} : vector<16x1024xf32> to vector<16x512xf32>
    %concatenate3A_2957 = tpu.concatenate %slice3A_2955, %slice3A_2956 in 1 : vector<16x512xf32>, vector<16x512xf32> -> vector<16x1024xf32>
    %select_n3A_2958 = arith.select %ne3A_2951, %concatenate3A_2954, %concatenate3A_2957 : vector<16x1024xi1>, vector<16x1024xf32>
    %slice3A_2959 = vector.extract_strided_slice %select_n3A_2937 {offsets = [0, 512], sizes = [16, 512], strides = [1, 1]} : vector<16x1024xi32> to vector<16x512xi32>
    %slice3A_2960 = vector.extract_strided_slice %select_n3A_2937 {offsets = [0, 0], sizes = [16, 512], strides = [1, 1]} : vector<16x1024xi32> to vector<16x512xi32>
    %concatenate3A_2961 = tpu.concatenate %slice3A_2959, %slice3A_2960 in 1 : vector<16x512xi32>, vector<16x512xi32> -> vector<16x1024xi32>
    %slice3A_2962 = vector.extract_strided_slice %select_n3A_2937 {offsets = [0, 512], sizes = [16, 512], strides = [1, 1]} : vector<16x1024xi32> to vector<16x512xi32>
    %slice3A_2963 = vector.extract_strided_slice %select_n3A_2937 {offsets = [0, 0], sizes = [16, 512], strides = [1, 1]} : vector<16x1024xi32> to vector<16x512xi32>
    %concatenate3A_2964 = tpu.concatenate %slice3A_2962, %slice3A_2963 in 1 : vector<16x512xi32>, vector<16x512xi32> -> vector<16x1024xi32>
    %select_n3A_2965 = arith.select %ne3A_2951, %concatenate3A_2961, %concatenate3A_2964 : vector<16x1024xi1>, vector<16x1024xi32>
    %not3A_2966 = arith.constant dense<true> : vector<16x1024xi1>
    %not3A_2967 = arith.xori %ne3A_2951, %not3A_2966 : vector<16x1024xi1>
    %gt3A_2968 = arith.cmpf ogt, %select_n3A_2936, %select_n3A_2958 : vector<16x1024xf32>
    %eq3A_2969 = arith.cmpf oeq, %select_n3A_2936, %select_n3A_2958 : vector<16x1024xf32>
    %lt3A_2970 = arith.cmpi slt, %select_n3A_2937, %select_n3A_2965 : vector<16x1024xi32>
    %and3A_2971 = arith.andi %eq3A_2969, %lt3A_2970 : vector<16x1024xi1>
    %or3A_2972 = arith.ori %gt3A_2968, %and3A_2971 : vector<16x1024xi1>
    %eq3A_2973 = arith.xori %or3A_2972, %not3A_2967 : vector<16x1024xi1>
    %eq3A_2974 = arith.constant dense<true> : vector<16x1024xi1>
    %eq3A_2975 = arith.xori %eq3A_2973, %eq3A_2974 : vector<16x1024xi1>
    %eq3A_2976 = arith.xori %eq3A_2975, %eq3A_2944 : vector<16x1024xi1>
    %eq3A_2977 = arith.constant dense<true> : vector<16x1024xi1>
    %eq3A_2978 = arith.xori %eq3A_2976, %eq3A_2977 : vector<16x1024xi1>
    %select_n3A_2979 = arith.select %eq3A_2978, %select_n3A_2936, %select_n3A_2958 : vector<16x1024xi1>, vector<16x1024xf32>
    %select_n3A_2980 = arith.select %eq3A_2978, %select_n3A_2937, %select_n3A_2965 : vector<16x1024xi1>, vector<16x1024xi32>
    %iota3A_2981 = tpu.iota {dimensions = array<i32: 1>} : vector<16x1024xi32>
    %and3A_2982 = arith.constant 256 : i32
    %and3A_2983 = vector.broadcast %and3A_2982 : i32 to vector<16x1024xi32>
    %and3A_2984 = arith.andi %iota3A_2981, %and3A_2983 : vector<16x1024xi32>
    %ne3A_2985 = arith.constant 0 : i32
    %ne3A_2986 = vector.broadcast %ne3A_2985 : i32 to vector<16x1024xi32>
    %ne3A_2987 = arith.cmpi ne, %and3A_2984, %ne3A_2986 : vector<16x1024xi32>
    %slice3A_2988 = vector.extract_strided_slice %select_n3A_2979 {offsets = [0, 768], sizes = [16, 256], strides = [1, 1]} : vector<16x1024xf32> to vector<16x256xf32>
    %slice3A_2989 = vector.extract_strided_slice %select_n3A_2979 {offsets = [0, 0], sizes = [16, 768], strides = [1, 1]} : vector<16x1024xf32> to vector<16x768xf32>
    %concatenate3A_2990 = tpu.concatenate %slice3A_2988, %slice3A_2989 in 1 : vector<16x256xf32>, vector<16x768xf32> -> vector<16x1024xf32>
    %slice3A_2991 = vector.extract_strided_slice %select_n3A_2979 {offsets = [0, 256], sizes = [16, 768], strides = [1, 1]} : vector<16x1024xf32> to vector<16x768xf32>
    %slice3A_2992 = vector.extract_strided_slice %select_n3A_2979 {offsets = [0, 0], sizes = [16, 256], strides = [1, 1]} : vector<16x1024xf32> to vector<16x256xf32>
    %concatenate3A_2993 = tpu.concatenate %slice3A_2991, %slice3A_2992 in 1 : vector<16x768xf32>, vector<16x256xf32> -> vector<16x1024xf32>
    %select_n3A_2994 = arith.select %ne3A_2987, %concatenate3A_2990, %concatenate3A_2993 : vector<16x1024xi1>, vector<16x1024xf32>
    %slice3A_2995 = vector.extract_strided_slice %select_n3A_2980 {offsets = [0, 768], sizes = [16, 256], strides = [1, 1]} : vector<16x1024xi32> to vector<16x256xi32>
    %slice3A_2996 = vector.extract_strided_slice %select_n3A_2980 {offsets = [0, 0], sizes = [16, 768], strides = [1, 1]} : vector<16x1024xi32> to vector<16x768xi32>
    %concatenate3A_2997 = tpu.concatenate %slice3A_2995, %slice3A_2996 in 1 : vector<16x256xi32>, vector<16x768xi32> -> vector<16x1024xi32>
    %slice3A_2998 = vector.extract_strided_slice %select_n3A_2980 {offsets = [0, 256], sizes = [16, 768], strides = [1, 1]} : vector<16x1024xi32> to vector<16x768xi32>
    %slice3A_2999 = vector.extract_strided_slice %select_n3A_2980 {offsets = [0, 0], sizes = [16, 256], strides = [1, 1]} : vector<16x1024xi32> to vector<16x256xi32>
    %concatenate3A_3000 = tpu.concatenate %slice3A_2998, %slice3A_2999 in 1 : vector<16x768xi32>, vector<16x256xi32> -> vector<16x1024xi32>
    %select_n3A_3001 = arith.select %ne3A_2987, %concatenate3A_2997, %concatenate3A_3000 : vector<16x1024xi1>, vector<16x1024xi32>
    %not3A_3002 = arith.constant dense<true> : vector<16x1024xi1>
    %not3A_3003 = arith.xori %ne3A_2987, %not3A_3002 : vector<16x1024xi1>
    %gt3A_3004 = arith.cmpf ogt, %select_n3A_2979, %select_n3A_2994 : vector<16x1024xf32>
    %eq3A_3005 = arith.cmpf oeq, %select_n3A_2979, %select_n3A_2994 : vector<16x1024xf32>
    %lt3A_3006 = arith.cmpi slt, %select_n3A_2980, %select_n3A_3001 : vector<16x1024xi32>
    %and3A_3007 = arith.andi %eq3A_3005, %lt3A_3006 : vector<16x1024xi1>
    %or3A_3008 = arith.ori %gt3A_3004, %and3A_3007 : vector<16x1024xi1>
    %eq3A_3009 = arith.xori %or3A_3008, %not3A_3003 : vector<16x1024xi1>
    %eq3A_3010 = arith.constant dense<true> : vector<16x1024xi1>
    %eq3A_3011 = arith.xori %eq3A_3009, %eq3A_3010 : vector<16x1024xi1>
    %eq3A_3012 = arith.xori %eq3A_3011, %eq3A_2944 : vector<16x1024xi1>
    %eq3A_3013 = arith.constant dense<true> : vector<16x1024xi1>
    %eq3A_3014 = arith.xori %eq3A_3012, %eq3A_3013 : vector<16x1024xi1>
    %select_n3A_3015 = arith.select %eq3A_3014, %select_n3A_2979, %select_n3A_2994 : vector<16x1024xi1>, vector<16x1024xf32>
    %select_n3A_3016 = arith.select %eq3A_3014, %select_n3A_2980, %select_n3A_3001 : vector<16x1024xi1>, vector<16x1024xi32>
    %iota3A_3017 = tpu.iota {dimensions = array<i32: 1>} : vector<16x1024xi32>
    %and3A_3018 = arith.constant 128 : i32
    %and3A_3019 = vector.broadcast %and3A_3018 : i32 to vector<16x1024xi32>
    %and3A_3020 = arith.andi %iota3A_3017, %and3A_3019 : vector<16x1024xi32>
    %ne3A_3021 = arith.constant 0 : i32
    %ne3A_3022 = vector.broadcast %ne3A_3021 : i32 to vector<16x1024xi32>
    %ne3A_3023 = arith.cmpi ne, %and3A_3020, %ne3A_3022 : vector<16x1024xi32>
    %slice3A_3024 = vector.extract_strided_slice %select_n3A_3015 {offsets = [0, 896], sizes = [16, 128], strides = [1, 1]} : vector<16x1024xf32> to vector<16x128xf32>
    %slice3A_3025 = vector.extract_strided_slice %select_n3A_3015 {offsets = [0, 0], sizes = [16, 896], strides = [1, 1]} : vector<16x1024xf32> to vector<16x896xf32>
    %concatenate3A_3026 = tpu.concatenate %slice3A_3024, %slice3A_3025 in 1 : vector<16x128xf32>, vector<16x896xf32> -> vector<16x1024xf32>
    %slice3A_3027 = vector.extract_strided_slice %select_n3A_3015 {offsets = [0, 128], sizes = [16, 896], strides = [1, 1]} : vector<16x1024xf32> to vector<16x896xf32>
    %slice3A_3028 = vector.extract_strided_slice %select_n3A_3015 {offsets = [0, 0], sizes = [16, 128], strides = [1, 1]} : vector<16x1024xf32> to vector<16x128xf32>
    %concatenate3A_3029 = tpu.concatenate %slice3A_3027, %slice3A_3028 in 1 : vector<16x896xf32>, vector<16x128xf32> -> vector<16x1024xf32>
    %select_n3A_3030 = arith.select %ne3A_3023, %concatenate3A_3026, %concatenate3A_3029 : vector<16x1024xi1>, vector<16x1024xf32>
    %slice3A_3031 = vector.extract_strided_slice %select_n3A_3016 {offsets = [0, 896], sizes = [16, 128], strides = [1, 1]} : vector<16x1024xi32> to vector<16x128xi32>
    %slice3A_3032 = vector.extract_strided_slice %select_n3A_3016 {offsets = [0, 0], sizes = [16, 896], strides = [1, 1]} : vector<16x1024xi32> to vector<16x896xi32>
    %concatenate3A_3033 = tpu.concatenate %slice3A_3031, %slice3A_3032 in 1 : vector<16x128xi32>, vector<16x896xi32> -> vector<16x1024xi32>
    %slice3A_3034 = vector.extract_strided_slice %select_n3A_3016 {offsets = [0, 128], sizes = [16, 896], strides = [1, 1]} : vector<16x1024xi32> to vector<16x896xi32>
    %slice3A_3035 = vector.extract_strided_slice %select_n3A_3016 {offsets = [0, 0], sizes = [16, 128], strides = [1, 1]} : vector<16x1024xi32> to vector<16x128xi32>
    %concatenate3A_3036 = tpu.concatenate %slice3A_3034, %slice3A_3035 in 1 : vector<16x896xi32>, vector<16x128xi32> -> vector<16x1024xi32>
    %select_n3A_3037 = arith.select %ne3A_3023, %concatenate3A_3033, %concatenate3A_3036 : vector<16x1024xi1>, vector<16x1024xi32>
    %not3A_3038 = arith.constant dense<true> : vector<16x1024xi1>
    %not3A_3039 = arith.xori %ne3A_3023, %not3A_3038 : vector<16x1024xi1>
    %gt3A_3040 = arith.cmpf ogt, %select_n3A_3015, %select_n3A_3030 : vector<16x1024xf32>
    %eq3A_3041 = arith.cmpf oeq, %select_n3A_3015, %select_n3A_3030 : vector<16x1024xf32>
    %lt3A_3042 = arith.cmpi slt, %select_n3A_3016, %select_n3A_3037 : vector<16x1024xi32>
    %and3A_3043 = arith.andi %eq3A_3041, %lt3A_3042 : vector<16x1024xi1>
    %or3A_3044 = arith.ori %gt3A_3040, %and3A_3043 : vector<16x1024xi1>
    %eq3A_3045 = arith.xori %or3A_3044, %not3A_3039 : vector<16x1024xi1>
    %eq3A_3046 = arith.constant dense<true> : vector<16x1024xi1>
    %eq3A_3047 = arith.xori %eq3A_3045, %eq3A_3046 : vector<16x1024xi1>
    %eq3A_3048 = arith.xori %eq3A_3047, %eq3A_2944 : vector<16x1024xi1>
    %eq3A_3049 = arith.constant dense<true> : vector<16x1024xi1>
    %eq3A_3050 = arith.xori %eq3A_3048, %eq3A_3049 : vector<16x1024xi1>
    %select_n3A_3051 = arith.select %eq3A_3050, %select_n3A_3015, %select_n3A_3030 : vector<16x1024xi1>, vector<16x1024xf32>
    %select_n3A_3052 = arith.select %eq3A_3050, %select_n3A_3016, %select_n3A_3037 : vector<16x1024xi1>, vector<16x1024xi32>
    %iota3A_3053 = tpu.iota {dimensions = array<i32: 1>} : vector<16x1024xi32>
    %and3A_3054 = arith.constant 64 : i32
    %and3A_3055 = vector.broadcast %and3A_3054 : i32 to vector<16x1024xi32>
    %and3A_3056 = arith.andi %iota3A_3053, %and3A_3055 : vector<16x1024xi32>
    %ne3A_3057 = arith.constant 0 : i32
    %ne3A_3058 = vector.broadcast %ne3A_3057 : i32 to vector<16x1024xi32>
    %ne3A_3059 = arith.cmpi ne, %and3A_3056, %ne3A_3058 : vector<16x1024xi32>
    %slice3A_3060 = vector.extract_strided_slice %select_n3A_3051 {offsets = [0, 960], sizes = [16, 64], strides = [1, 1]} : vector<16x1024xf32> to vector<16x64xf32>
    %slice3A_3061 = vector.extract_strided_slice %select_n3A_3051 {offsets = [0, 0], sizes = [16, 960], strides = [1, 1]} : vector<16x1024xf32> to vector<16x960xf32>
    %concatenate3A_3062 = tpu.concatenate %slice3A_3060, %slice3A_3061 in 1 : vector<16x64xf32>, vector<16x960xf32> -> vector<16x1024xf32>
    %slice3A_3063 = vector.extract_strided_slice %select_n3A_3051 {offsets = [0, 64], sizes = [16, 960], strides = [1, 1]} : vector<16x1024xf32> to vector<16x960xf32>
    %slice3A_3064 = vector.extract_strided_slice %select_n3A_3051 {offsets = [0, 0], sizes = [16, 64], strides = [1, 1]} : vector<16x1024xf32> to vector<16x64xf32>
    %concatenate3A_3065 = tpu.concatenate %slice3A_3063, %slice3A_3064 in 1 : vector<16x960xf32>, vector<16x64xf32> -> vector<16x1024xf32>
    %select_n3A_3066 = arith.select %ne3A_3059, %concatenate3A_3062, %concatenate3A_3065 : vector<16x1024xi1>, vector<16x1024xf32>
    %slice3A_3067 = vector.extract_strided_slice %select_n3A_3052 {offsets = [0, 960], sizes = [16, 64], strides = [1, 1]} : vector<16x1024xi32> to vector<16x64xi32>
    %slice3A_3068 = vector.extract_strided_slice %select_n3A_3052 {offsets = [0, 0], sizes = [16, 960], strides = [1, 1]} : vector<16x1024xi32> to vector<16x960xi32>
    %concatenate3A_3069 = tpu.concatenate %slice3A_3067, %slice3A_3068 in 1 : vector<16x64xi32>, vector<16x960xi32> -> vector<16x1024xi32>
    %slice3A_3070 = vector.extract_strided_slice %select_n3A_3052 {offsets = [0, 64], sizes = [16, 960], strides = [1, 1]} : vector<16x1024xi32> to vector<16x960xi32>
    %slice3A_3071 = vector.extract_strided_slice %select_n3A_3052 {offsets = [0, 0], sizes = [16, 64], strides = [1, 1]} : vector<16x1024xi32> to vector<16x64xi32>
    %concatenate3A_3072 = tpu.concatenate %slice3A_3070, %slice3A_3071 in 1 : vector<16x960xi32>, vector<16x64xi32> -> vector<16x1024xi32>
    %select_n3A_3073 = arith.select %ne3A_3059, %concatenate3A_3069, %concatenate3A_3072 : vector<16x1024xi1>, vector<16x1024xi32>
    %not3A_3074 = arith.constant dense<true> : vector<16x1024xi1>
    %not3A_3075 = arith.xori %ne3A_3059, %not3A_3074 : vector<16x1024xi1>
    %gt3A_3076 = arith.cmpf ogt, %select_n3A_3051, %select_n3A_3066 : vector<16x1024xf32>
    %eq3A_3077 = arith.cmpf oeq, %select_n3A_3051, %select_n3A_3066 : vector<16x1024xf32>
    %lt3A_3078 = arith.cmpi slt, %select_n3A_3052, %select_n3A_3073 : vector<16x1024xi32>
    %and3A_3079 = arith.andi %eq3A_3077, %lt3A_3078 : vector<16x1024xi1>
    %or3A_3080 = arith.ori %gt3A_3076, %and3A_3079 : vector<16x1024xi1>
    %eq3A_3081 = arith.xori %or3A_3080, %not3A_3075 : vector<16x1024xi1>
    %eq3A_3082 = arith.constant dense<true> : vector<16x1024xi1>
    %eq3A_3083 = arith.xori %eq3A_3081, %eq3A_3082 : vector<16x1024xi1>
    %eq3A_3084 = arith.xori %eq3A_3083, %eq3A_2944 : vector<16x1024xi1>
    %eq3A_3085 = arith.constant dense<true> : vector<16x1024xi1>
    %eq3A_3086 = arith.xori %eq3A_3084, %eq3A_3085 : vector<16x1024xi1>
    %select_n3A_3087 = arith.select %eq3A_3086, %select_n3A_3051, %select_n3A_3066 : vector<16x1024xi1>, vector<16x1024xf32>
    %select_n3A_3088 = arith.select %eq3A_3086, %select_n3A_3052, %select_n3A_3073 : vector<16x1024xi1>, vector<16x1024xi32>
    %iota3A_3089 = tpu.iota {dimensions = array<i32: 1>} : vector<16x1024xi32>
    %and3A_3090 = arith.constant 32 : i32
    %and3A_3091 = vector.broadcast %and3A_3090 : i32 to vector<16x1024xi32>
    %and3A_3092 = arith.andi %iota3A_3089, %and3A_3091 : vector<16x1024xi32>
    %ne3A_3093 = arith.constant 0 : i32
    %ne3A_3094 = vector.broadcast %ne3A_3093 : i32 to vector<16x1024xi32>
    %ne3A_3095 = arith.cmpi ne, %and3A_3092, %ne3A_3094 : vector<16x1024xi32>
    %slice3A_3096 = vector.extract_strided_slice %select_n3A_3087 {offsets = [0, 992], sizes = [16, 32], strides = [1, 1]} : vector<16x1024xf32> to vector<16x32xf32>
    %slice3A_3097 = vector.extract_strided_slice %select_n3A_3087 {offsets = [0, 0], sizes = [16, 992], strides = [1, 1]} : vector<16x1024xf32> to vector<16x992xf32>
    %concatenate3A_3098 = tpu.concatenate %slice3A_3096, %slice3A_3097 in 1 : vector<16x32xf32>, vector<16x992xf32> -> vector<16x1024xf32>
    %slice3A_3099 = vector.extract_strided_slice %select_n3A_3087 {offsets = [0, 32], sizes = [16, 992], strides = [1, 1]} : vector<16x1024xf32> to vector<16x992xf32>
    %slice3A_3100 = vector.extract_strided_slice %select_n3A_3087 {offsets = [0, 0], sizes = [16, 32], strides = [1, 1]} : vector<16x1024xf32> to vector<16x32xf32>
    %concatenate3A_3101 = tpu.concatenate %slice3A_3099, %slice3A_3100 in 1 : vector<16x992xf32>, vector<16x32xf32> -> vector<16x1024xf32>
    %select_n3A_3102 = arith.select %ne3A_3095, %concatenate3A_3098, %concatenate3A_3101 : vector<16x1024xi1>, vector<16x1024xf32>
    %slice3A_3103 = vector.extract_strided_slice %select_n3A_3088 {offsets = [0, 992], sizes = [16, 32], strides = [1, 1]} : vector<16x1024xi32> to vector<16x32xi32>
    %slice3A_3104 = vector.extract_strided_slice %select_n3A_3088 {offsets = [0, 0], sizes = [16, 992], strides = [1, 1]} : vector<16x1024xi32> to vector<16x992xi32>
    %concatenate3A_3105 = tpu.concatenate %slice3A_3103, %slice3A_3104 in 1 : vector<16x32xi32>, vector<16x992xi32> -> vector<16x1024xi32>
    %slice3A_3106 = vector.extract_strided_slice %select_n3A_3088 {offsets = [0, 32], sizes = [16, 992], strides = [1, 1]} : vector<16x1024xi32> to vector<16x992xi32>
    %slice3A_3107 = vector.extract_strided_slice %select_n3A_3088 {offsets = [0, 0], sizes = [16, 32], strides = [1, 1]} : vector<16x1024xi32> to vector<16x32xi32>
    %concatenate3A_3108 = tpu.concatenate %slice3A_3106, %slice3A_3107 in 1 : vector<16x992xi32>, vector<16x32xi32> -> vector<16x1024xi32>
    %select_n3A_3109 = arith.select %ne3A_3095, %concatenate3A_3105, %concatenate3A_3108 : vector<16x1024xi1>, vector<16x1024xi32>
    %not3A_3110 = arith.constant dense<true> : vector<16x1024xi1>
    %not3A_3111 = arith.xori %ne3A_3095, %not3A_3110 : vector<16x1024xi1>
    %gt3A_3112 = arith.cmpf ogt, %select_n3A_3087, %select_n3A_3102 : vector<16x1024xf32>
    %eq3A_3113 = arith.cmpf oeq, %select_n3A_3087, %select_n3A_3102 : vector<16x1024xf32>
    %lt3A_3114 = arith.cmpi slt, %select_n3A_3088, %select_n3A_3109 : vector<16x1024xi32>
    %and3A_3115 = arith.andi %eq3A_3113, %lt3A_3114 : vector<16x1024xi1>
    %or3A_3116 = arith.ori %gt3A_3112, %and3A_3115 : vector<16x1024xi1>
    %eq3A_3117 = arith.xori %or3A_3116, %not3A_3111 : vector<16x1024xi1>
    %eq3A_3118 = arith.constant dense<true> : vector<16x1024xi1>
    %eq3A_3119 = arith.xori %eq3A_3117, %eq3A_3118 : vector<16x1024xi1>
    %eq3A_3120 = arith.xori %eq3A_3119, %eq3A_2944 : vector<16x1024xi1>
    %eq3A_3121 = arith.constant dense<true> : vector<16x1024xi1>
    %eq3A_3122 = arith.xori %eq3A_3120, %eq3A_3121 : vector<16x1024xi1>
    %select_n3A_3123 = arith.select %eq3A_3122, %select_n3A_3087, %select_n3A_3102 : vector<16x1024xi1>, vector<16x1024xf32>
    %select_n3A_3124 = arith.select %eq3A_3122, %select_n3A_3088, %select_n3A_3109 : vector<16x1024xi1>, vector<16x1024xi32>
    %iota3A_3125 = tpu.iota {dimensions = array<i32: 1>} : vector<16x1024xi32>
    %and3A_3126 = arith.constant 16 : i32
    %and3A_3127 = vector.broadcast %and3A_3126 : i32 to vector<16x1024xi32>
    %and3A_3128 = arith.andi %iota3A_3125, %and3A_3127 : vector<16x1024xi32>
    %ne3A_3129 = arith.constant 0 : i32
    %ne3A_3130 = vector.broadcast %ne3A_3129 : i32 to vector<16x1024xi32>
    %ne3A_3131 = arith.cmpi ne, %and3A_3128, %ne3A_3130 : vector<16x1024xi32>
    %slice3A_3132 = vector.extract_strided_slice %select_n3A_3123 {offsets = [0, 1008], sizes = [16, 16], strides = [1, 1]} : vector<16x1024xf32> to vector<16x16xf32>
    %slice3A_3133 = vector.extract_strided_slice %select_n3A_3123 {offsets = [0, 0], sizes = [16, 1008], strides = [1, 1]} : vector<16x1024xf32> to vector<16x1008xf32>
    %concatenate3A_3134 = tpu.concatenate %slice3A_3132, %slice3A_3133 in 1 : vector<16x16xf32>, vector<16x1008xf32> -> vector<16x1024xf32>
    %slice3A_3135 = vector.extract_strided_slice %select_n3A_3123 {offsets = [0, 16], sizes = [16, 1008], strides = [1, 1]} : vector<16x1024xf32> to vector<16x1008xf32>
    %slice3A_3136 = vector.extract_strided_slice %select_n3A_3123 {offsets = [0, 0], sizes = [16, 16], strides = [1, 1]} : vector<16x1024xf32> to vector<16x16xf32>
    %concatenate3A_3137 = tpu.concatenate %slice3A_3135, %slice3A_3136 in 1 : vector<16x1008xf32>, vector<16x16xf32> -> vector<16x1024xf32>
    %select_n3A_3138 = arith.select %ne3A_3131, %concatenate3A_3134, %concatenate3A_3137 : vector<16x1024xi1>, vector<16x1024xf32>
    %slice3A_3139 = vector.extract_strided_slice %select_n3A_3124 {offsets = [0, 1008], sizes = [16, 16], strides = [1, 1]} : vector<16x1024xi32> to vector<16x16xi32>
    %slice3A_3140 = vector.extract_strided_slice %select_n3A_3124 {offsets = [0, 0], sizes = [16, 1008], strides = [1, 1]} : vector<16x1024xi32> to vector<16x1008xi32>
    %concatenate3A_3141 = tpu.concatenate %slice3A_3139, %slice3A_3140 in 1 : vector<16x16xi32>, vector<16x1008xi32> -> vector<16x1024xi32>
    %slice3A_3142 = vector.extract_strided_slice %select_n3A_3124 {offsets = [0, 16], sizes = [16, 1008], strides = [1, 1]} : vector<16x1024xi32> to vector<16x1008xi32>
    %slice3A_3143 = vector.extract_strided_slice %select_n3A_3124 {offsets = [0, 0], sizes = [16, 16], strides = [1, 1]} : vector<16x1024xi32> to vector<16x16xi32>
    %concatenate3A_3144 = tpu.concatenate %slice3A_3142, %slice3A_3143 in 1 : vector<16x1008xi32>, vector<16x16xi32> -> vector<16x1024xi32>
    %select_n3A_3145 = arith.select %ne3A_3131, %concatenate3A_3141, %concatenate3A_3144 : vector<16x1024xi1>, vector<16x1024xi32>
    %not3A_3146 = arith.constant dense<true> : vector<16x1024xi1>
    %not3A_3147 = arith.xori %ne3A_3131, %not3A_3146 : vector<16x1024xi1>
    %gt3A_3148 = arith.cmpf ogt, %select_n3A_3123, %select_n3A_3138 : vector<16x1024xf32>
    %eq3A_3149 = arith.cmpf oeq, %select_n3A_3123, %select_n3A_3138 : vector<16x1024xf32>
    %lt3A_3150 = arith.cmpi slt, %select_n3A_3124, %select_n3A_3145 : vector<16x1024xi32>
    %and3A_3151 = arith.andi %eq3A_3149, %lt3A_3150 : vector<16x1024xi1>
    %or3A_3152 = arith.ori %gt3A_3148, %and3A_3151 : vector<16x1024xi1>
    %eq3A_3153 = arith.xori %or3A_3152, %not3A_3147 : vector<16x1024xi1>
    %eq3A_3154 = arith.constant dense<true> : vector<16x1024xi1>
    %eq3A_3155 = arith.xori %eq3A_3153, %eq3A_3154 : vector<16x1024xi1>
    %eq3A_3156 = arith.xori %eq3A_3155, %eq3A_2944 : vector<16x1024xi1>
    %eq3A_3157 = arith.constant dense<true> : vector<16x1024xi1>
    %eq3A_3158 = arith.xori %eq3A_3156, %eq3A_3157 : vector<16x1024xi1>
    %select_n3A_3159 = arith.select %eq3A_3158, %select_n3A_3123, %select_n3A_3138 : vector<16x1024xi1>, vector<16x1024xf32>
    %select_n3A_3160 = arith.select %eq3A_3158, %select_n3A_3124, %select_n3A_3145 : vector<16x1024xi1>, vector<16x1024xi32>
    %iota3A_3161 = tpu.iota {dimensions = array<i32: 1>} : vector<16x1024xi32>
    %and3A_3162 = arith.constant 8 : i32
    %and3A_3163 = vector.broadcast %and3A_3162 : i32 to vector<16x1024xi32>
    %and3A_3164 = arith.andi %iota3A_3161, %and3A_3163 : vector<16x1024xi32>
    %ne3A_3165 = arith.constant 0 : i32
    %ne3A_3166 = vector.broadcast %ne3A_3165 : i32 to vector<16x1024xi32>
    %ne3A_3167 = arith.cmpi ne, %and3A_3164, %ne3A_3166 : vector<16x1024xi32>
    %slice3A_3168 = vector.extract_strided_slice %select_n3A_3159 {offsets = [0, 1016], sizes = [16, 8], strides = [1, 1]} : vector<16x1024xf32> to vector<16x8xf32>
    %slice3A_3169 = vector.extract_strided_slice %select_n3A_3159 {offsets = [0, 0], sizes = [16, 1016], strides = [1, 1]} : vector<16x1024xf32> to vector<16x1016xf32>
    %concatenate3A_3170 = tpu.concatenate %slice3A_3168, %slice3A_3169 in 1 : vector<16x8xf32>, vector<16x1016xf32> -> vector<16x1024xf32>
    %slice3A_3171 = vector.extract_strided_slice %select_n3A_3159 {offsets = [0, 8], sizes = [16, 1016], strides = [1, 1]} : vector<16x1024xf32> to vector<16x1016xf32>
    %slice3A_3172 = vector.extract_strided_slice %select_n3A_3159 {offsets = [0, 0], sizes = [16, 8], strides = [1, 1]} : vector<16x1024xf32> to vector<16x8xf32>
    %concatenate3A_3173 = tpu.concatenate %slice3A_3171, %slice3A_3172 in 1 : vector<16x1016xf32>, vector<16x8xf32> -> vector<16x1024xf32>
    %select_n3A_3174 = arith.select %ne3A_3167, %concatenate3A_3170, %concatenate3A_3173 : vector<16x1024xi1>, vector<16x1024xf32>
    %slice3A_3175 = vector.extract_strided_slice %select_n3A_3160 {offsets = [0, 1016], sizes = [16, 8], strides = [1, 1]} : vector<16x1024xi32> to vector<16x8xi32>
    %slice3A_3176 = vector.extract_strided_slice %select_n3A_3160 {offsets = [0, 0], sizes = [16, 1016], strides = [1, 1]} : vector<16x1024xi32> to vector<16x1016xi32>
    %concatenate3A_3177 = tpu.concatenate %slice3A_3175, %slice3A_3176 in 1 : vector<16x8xi32>, vector<16x1016xi32> -> vector<16x1024xi32>
    %slice3A_3178 = vector.extract_strided_slice %select_n3A_3160 {offsets = [0, 8], sizes = [16, 1016], strides = [1, 1]} : vector<16x1024xi32> to vector<16x1016xi32>
    %slice3A_3179 = vector.extract_strided_slice %select_n3A_3160 {offsets = [0, 0], sizes = [16, 8], strides = [1, 1]} : vector<16x1024xi32> to vector<16x8xi32>
    %concatenate3A_3180 = tpu.concatenate %slice3A_3178, %slice3A_3179 in 1 : vector<16x1016xi32>, vector<16x8xi32> -> vector<16x1024xi32>
    %select_n3A_3181 = arith.select %ne3A_3167, %concatenate3A_3177, %concatenate3A_3180 : vector<16x1024xi1>, vector<16x1024xi32>
    %not3A_3182 = arith.constant dense<true> : vector<16x1024xi1>
    %not3A_3183 = arith.xori %ne3A_3167, %not3A_3182 : vector<16x1024xi1>
    %gt3A_3184 = arith.cmpf ogt, %select_n3A_3159, %select_n3A_3174 : vector<16x1024xf32>
    %eq3A_3185 = arith.cmpf oeq, %select_n3A_3159, %select_n3A_3174 : vector<16x1024xf32>
    %lt3A_3186 = arith.cmpi slt, %select_n3A_3160, %select_n3A_3181 : vector<16x1024xi32>
    %and3A_3187 = arith.andi %eq3A_3185, %lt3A_3186 : vector<16x1024xi1>
    %or3A_3188 = arith.ori %gt3A_3184, %and3A_3187 : vector<16x1024xi1>
    %eq3A_3189 = arith.xori %or3A_3188, %not3A_3183 : vector<16x1024xi1>
    %eq3A_3190 = arith.constant dense<true> : vector<16x1024xi1>
    %eq3A_3191 = arith.xori %eq3A_3189, %eq3A_3190 : vector<16x1024xi1>
    %eq3A_3192 = arith.xori %eq3A_3191, %eq3A_2944 : vector<16x1024xi1>
    %eq3A_3193 = arith.constant dense<true> : vector<16x1024xi1>
    %eq3A_3194 = arith.xori %eq3A_3192, %eq3A_3193 : vector<16x1024xi1>
    %select_n3A_3195 = arith.select %eq3A_3194, %select_n3A_3159, %select_n3A_3174 : vector<16x1024xi1>, vector<16x1024xf32>
    %select_n3A_3196 = arith.select %eq3A_3194, %select_n3A_3160, %select_n3A_3181 : vector<16x1024xi1>, vector<16x1024xi32>
    %iota3A_3197 = tpu.iota {dimensions = array<i32: 1>} : vector<16x1024xi32>
    %and3A_3198 = arith.constant 4 : i32
    %and3A_3199 = vector.broadcast %and3A_3198 : i32 to vector<16x1024xi32>
    %and3A_3200 = arith.andi %iota3A_3197, %and3A_3199 : vector<16x1024xi32>
    %ne3A_3201 = arith.constant 0 : i32
    %ne3A_3202 = vector.broadcast %ne3A_3201 : i32 to vector<16x1024xi32>
    %ne3A_3203 = arith.cmpi ne, %and3A_3200, %ne3A_3202 : vector<16x1024xi32>
    %slice3A_3204 = vector.extract_strided_slice %select_n3A_3195 {offsets = [0, 1020], sizes = [16, 4], strides = [1, 1]} : vector<16x1024xf32> to vector<16x4xf32>
    %slice3A_3205 = vector.extract_strided_slice %select_n3A_3195 {offsets = [0, 0], sizes = [16, 1020], strides = [1, 1]} : vector<16x1024xf32> to vector<16x1020xf32>
    %concatenate3A_3206 = tpu.concatenate %slice3A_3204, %slice3A_3205 in 1 : vector<16x4xf32>, vector<16x1020xf32> -> vector<16x1024xf32>
    %slice3A_3207 = vector.extract_strided_slice %select_n3A_3195 {offsets = [0, 4], sizes = [16, 1020], strides = [1, 1]} : vector<16x1024xf32> to vector<16x1020xf32>
    %slice3A_3208 = vector.extract_strided_slice %select_n3A_3195 {offsets = [0, 0], sizes = [16, 4], strides = [1, 1]} : vector<16x1024xf32> to vector<16x4xf32>
    %concatenate3A_3209 = tpu.concatenate %slice3A_3207, %slice3A_3208 in 1 : vector<16x1020xf32>, vector<16x4xf32> -> vector<16x1024xf32>
    %select_n3A_3210 = arith.select %ne3A_3203, %concatenate3A_3206, %concatenate3A_3209 : vector<16x1024xi1>, vector<16x1024xf32>
    %slice3A_3211 = vector.extract_strided_slice %select_n3A_3196 {offsets = [0, 1020], sizes = [16, 4], strides = [1, 1]} : vector<16x1024xi32> to vector<16x4xi32>
    %slice3A_3212 = vector.extract_strided_slice %select_n3A_3196 {offsets = [0, 0], sizes = [16, 1020], strides = [1, 1]} : vector<16x1024xi32> to vector<16x1020xi32>
    %concatenate3A_3213 = tpu.concatenate %slice3A_3211, %slice3A_3212 in 1 : vector<16x4xi32>, vector<16x1020xi32> -> vector<16x1024xi32>
    %slice3A_3214 = vector.extract_strided_slice %select_n3A_3196 {offsets = [0, 4], sizes = [16, 1020], strides = [1, 1]} : vector<16x1024xi32> to vector<16x1020xi32>
    %slice3A_3215 = vector.extract_strided_slice %select_n3A_3196 {offsets = [0, 0], sizes = [16, 4], strides = [1, 1]} : vector<16x1024xi32> to vector<16x4xi32>
    %concatenate3A_3216 = tpu.concatenate %slice3A_3214, %slice3A_3215 in 1 : vector<16x1020xi32>, vector<16x4xi32> -> vector<16x1024xi32>
    %select_n3A_3217 = arith.select %ne3A_3203, %concatenate3A_3213, %concatenate3A_3216 : vector<16x1024xi1>, vector<16x1024xi32>
    %not3A_3218 = arith.constant dense<true> : vector<16x1024xi1>
    %not3A_3219 = arith.xori %ne3A_3203, %not3A_3218 : vector<16x1024xi1>
    %gt3A_3220 = arith.cmpf ogt, %select_n3A_3195, %select_n3A_3210 : vector<16x1024xf32>
    %eq3A_3221 = arith.cmpf oeq, %select_n3A_3195, %select_n3A_3210 : vector<16x1024xf32>
    %lt3A_3222 = arith.cmpi slt, %select_n3A_3196, %select_n3A_3217 : vector<16x1024xi32>
    %and3A_3223 = arith.andi %eq3A_3221, %lt3A_3222 : vector<16x1024xi1>
    %or3A_3224 = arith.ori %gt3A_3220, %and3A_3223 : vector<16x1024xi1>
    %eq3A_3225 = arith.xori %or3A_3224, %not3A_3219 : vector<16x1024xi1>
    %eq3A_3226 = arith.constant dense<true> : vector<16x1024xi1>
    %eq3A_3227 = arith.xori %eq3A_3225, %eq3A_3226 : vector<16x1024xi1>
    %eq3A_3228 = arith.xori %eq3A_3227, %eq3A_2944 : vector<16x1024xi1>
    %eq3A_3229 = arith.constant dense<true> : vector<16x1024xi1>
    %eq3A_3230 = arith.xori %eq3A_3228, %eq3A_3229 : vector<16x1024xi1>
    %select_n3A_3231 = arith.select %eq3A_3230, %select_n3A_3195, %select_n3A_3210 : vector<16x1024xi1>, vector<16x1024xf32>
    %select_n3A_3232 = arith.select %eq3A_3230, %select_n3A_3196, %select_n3A_3217 : vector<16x1024xi1>, vector<16x1024xi32>
    %iota3A_3233 = tpu.iota {dimensions = array<i32: 1>} : vector<16x1024xi32>
    %and3A_3234 = arith.constant 2 : i32
    %and3A_3235 = vector.broadcast %and3A_3234 : i32 to vector<16x1024xi32>
    %and3A_3236 = arith.andi %iota3A_3233, %and3A_3235 : vector<16x1024xi32>
    %ne3A_3237 = arith.constant 0 : i32
    %ne3A_3238 = vector.broadcast %ne3A_3237 : i32 to vector<16x1024xi32>
    %ne3A_3239 = arith.cmpi ne, %and3A_3236, %ne3A_3238 : vector<16x1024xi32>
    %slice3A_3240 = vector.extract_strided_slice %select_n3A_3231 {offsets = [0, 1022], sizes = [16, 2], strides = [1, 1]} : vector<16x1024xf32> to vector<16x2xf32>
    %slice3A_3241 = vector.extract_strided_slice %select_n3A_3231 {offsets = [0, 0], sizes = [16, 1022], strides = [1, 1]} : vector<16x1024xf32> to vector<16x1022xf32>
    %concatenate3A_3242 = tpu.concatenate %slice3A_3240, %slice3A_3241 in 1 : vector<16x2xf32>, vector<16x1022xf32> -> vector<16x1024xf32>
    %slice3A_3243 = vector.extract_strided_slice %select_n3A_3231 {offsets = [0, 2], sizes = [16, 1022], strides = [1, 1]} : vector<16x1024xf32> to vector<16x1022xf32>
    %slice3A_3244 = vector.extract_strided_slice %select_n3A_3231 {offsets = [0, 0], sizes = [16, 2], strides = [1, 1]} : vector<16x1024xf32> to vector<16x2xf32>
    %concatenate3A_3245 = tpu.concatenate %slice3A_3243, %slice3A_3244 in 1 : vector<16x1022xf32>, vector<16x2xf32> -> vector<16x1024xf32>
    %select_n3A_3246 = arith.select %ne3A_3239, %concatenate3A_3242, %concatenate3A_3245 : vector<16x1024xi1>, vector<16x1024xf32>
    %slice3A_3247 = vector.extract_strided_slice %select_n3A_3232 {offsets = [0, 1022], sizes = [16, 2], strides = [1, 1]} : vector<16x1024xi32> to vector<16x2xi32>
    %slice3A_3248 = vector.extract_strided_slice %select_n3A_3232 {offsets = [0, 0], sizes = [16, 1022], strides = [1, 1]} : vector<16x1024xi32> to vector<16x1022xi32>
    %concatenate3A_3249 = tpu.concatenate %slice3A_3247, %slice3A_3248 in 1 : vector<16x2xi32>, vector<16x1022xi32> -> vector<16x1024xi32>
    %slice3A_3250 = vector.extract_strided_slice %select_n3A_3232 {offsets = [0, 2], sizes = [16, 1022], strides = [1, 1]} : vector<16x1024xi32> to vector<16x1022xi32>
    %slice3A_3251 = vector.extract_strided_slice %select_n3A_3232 {offsets = [0, 0], sizes = [16, 2], strides = [1, 1]} : vector<16x1024xi32> to vector<16x2xi32>
    %concatenate3A_3252 = tpu.concatenate %slice3A_3250, %slice3A_3251 in 1 : vector<16x1022xi32>, vector<16x2xi32> -> vector<16x1024xi32>
    %select_n3A_3253 = arith.select %ne3A_3239, %concatenate3A_3249, %concatenate3A_3252 : vector<16x1024xi1>, vector<16x1024xi32>
    %not3A_3254 = arith.constant dense<true> : vector<16x1024xi1>
    %not3A_3255 = arith.xori %ne3A_3239, %not3A_3254 : vector<16x1024xi1>
    %gt3A_3256 = arith.cmpf ogt, %select_n3A_3231, %select_n3A_3246 : vector<16x1024xf32>
    %eq3A_3257 = arith.cmpf oeq, %select_n3A_3231, %select_n3A_3246 : vector<16x1024xf32>
    %lt3A_3258 = arith.cmpi slt, %select_n3A_3232, %select_n3A_3253 : vector<16x1024xi32>
    %and3A_3259 = arith.andi %eq3A_3257, %lt3A_3258 : vector<16x1024xi1>
    %or3A_3260 = arith.ori %gt3A_3256, %and3A_3259 : vector<16x1024xi1>
    %eq3A_3261 = arith.xori %or3A_3260, %not3A_3255 : vector<16x1024xi1>
    %eq3A_3262 = arith.constant dense<true> : vector<16x1024xi1>
    %eq3A_3263 = arith.xori %eq3A_3261, %eq3A_3262 : vector<16x1024xi1>
    %eq3A_3264 = arith.xori %eq3A_3263, %eq3A_2944 : vector<16x1024xi1>
    %eq3A_3265 = arith.constant dense<true> : vector<16x1024xi1>
    %eq3A_3266 = arith.xori %eq3A_3264, %eq3A_3265 : vector<16x1024xi1>
    %select_n3A_3267 = arith.select %eq3A_3266, %select_n3A_3231, %select_n3A_3246 : vector<16x1024xi1>, vector<16x1024xf32>
    %select_n3A_3268 = arith.select %eq3A_3266, %select_n3A_3232, %select_n3A_3253 : vector<16x1024xi1>, vector<16x1024xi32>
    %iota3A_3269 = tpu.iota {dimensions = array<i32: 1>} : vector<16x1024xi32>
    %and3A_3270 = arith.constant 1 : i32
    %and3A_3271 = vector.broadcast %and3A_3270 : i32 to vector<16x1024xi32>
    %and3A_3272 = arith.andi %iota3A_3269, %and3A_3271 : vector<16x1024xi32>
    %ne3A_3273 = arith.constant 0 : i32
    %ne3A_3274 = vector.broadcast %ne3A_3273 : i32 to vector<16x1024xi32>
    %ne3A_3275 = arith.cmpi ne, %and3A_3272, %ne3A_3274 : vector<16x1024xi32>
    %slice3A_3276 = vector.extract_strided_slice %select_n3A_3267 {offsets = [0, 1023], sizes = [16, 1], strides = [1, 1]} : vector<16x1024xf32> to vector<16x1xf32>
    %slice3A_3277 = vector.extract_strided_slice %select_n3A_3267 {offsets = [0, 0], sizes = [16, 1023], strides = [1, 1]} : vector<16x1024xf32> to vector<16x1023xf32>
    %concatenate3A_3278 = tpu.concatenate %slice3A_3276, %slice3A_3277 in 1 : vector<16x1xf32>, vector<16x1023xf32> -> vector<16x1024xf32>
    %slice3A_3279 = vector.extract_strided_slice %select_n3A_3267 {offsets = [0, 1], sizes = [16, 1023], strides = [1, 1]} : vector<16x1024xf32> to vector<16x1023xf32>
    %slice3A_3280 = vector.extract_strided_slice %select_n3A_3267 {offsets = [0, 0], sizes = [16, 1], strides = [1, 1]} : vector<16x1024xf32> to vector<16x1xf32>
    %concatenate3A_3281 = tpu.concatenate %slice3A_3279, %slice3A_3280 in 1 : vector<16x1023xf32>, vector<16x1xf32> -> vector<16x1024xf32>
    %select_n3A_3282 = arith.select %ne3A_3275, %concatenate3A_3278, %concatenate3A_3281 : vector<16x1024xi1>, vector<16x1024xf32>
    %slice3A_3283 = vector.extract_strided_slice %select_n3A_3268 {offsets = [0, 1023], sizes = [16, 1], strides = [1, 1]} : vector<16x1024xi32> to vector<16x1xi32>
    %slice3A_3284 = vector.extract_strided_slice %select_n3A_3268 {offsets = [0, 0], sizes = [16, 1023], strides = [1, 1]} : vector<16x1024xi32> to vector<16x1023xi32>
    %concatenate3A_3285 = tpu.concatenate %slice3A_3283, %slice3A_3284 in 1 : vector<16x1xi32>, vector<16x1023xi32> -> vector<16x1024xi32>
    %slice3A_3286 = vector.extract_strided_slice %select_n3A_3268 {offsets = [0, 1], sizes = [16, 1023], strides = [1, 1]} : vector<16x1024xi32> to vector<16x1023xi32>
    %slice3A_3287 = vector.extract_strided_slice %select_n3A_3268 {offsets = [0, 0], sizes = [16, 1], strides = [1, 1]} : vector<16x1024xi32> to vector<16x1xi32>
    %concatenate3A_3288 = tpu.concatenate %slice3A_3286, %slice3A_3287 in 1 : vector<16x1023xi32>, vector<16x1xi32> -> vector<16x1024xi32>
    %select_n3A_3289 = arith.select %ne3A_3275, %concatenate3A_3285, %concatenate3A_3288 : vector<16x1024xi1>, vector<16x1024xi32>
    %not3A_3290 = arith.constant dense<true> : vector<16x1024xi1>
    %not3A_3291 = arith.xori %ne3A_3275, %not3A_3290 : vector<16x1024xi1>
    %gt3A_3292 = arith.cmpf ogt, %select_n3A_3267, %select_n3A_3282 : vector<16x1024xf32>
    %eq3A_3293 = arith.cmpf oeq, %select_n3A_3267, %select_n3A_3282 : vector<16x1024xf32>
    %lt3A_3294 = arith.cmpi slt, %select_n3A_3268, %select_n3A_3289 : vector<16x1024xi32>
    %and3A_3295 = arith.andi %eq3A_3293, %lt3A_3294 : vector<16x1024xi1>
    %or3A_3296 = arith.ori %gt3A_3292, %and3A_3295 : vector<16x1024xi1>
    %eq3A_3297 = arith.xori %or3A_3296, %not3A_3291 : vector<16x1024xi1>
    %eq3A_3298 = arith.constant dense<true> : vector<16x1024xi1>
    %eq3A_3299 = arith.xori %eq3A_3297, %eq3A_3298 : vector<16x1024xi1>
    %eq3A_3300 = arith.xori %eq3A_3299, %eq3A_2944 : vector<16x1024xi1>
    %eq3A_3301 = arith.constant dense<true> : vector<16x1024xi1>
    %eq3A_3302 = arith.xori %eq3A_3300, %eq3A_3301 : vector<16x1024xi1>
    %select_n3A_3303 = arith.select %eq3A_3302, %select_n3A_3267, %select_n3A_3282 : vector<16x1024xi1>, vector<16x1024xf32>
    %select_n3A_3304 = arith.select %eq3A_3302, %select_n3A_3268, %select_n3A_3289 : vector<16x1024xi1>, vector<16x1024xi32>
    %reshape3A_3305 = vector.shape_cast %select_n3A_3303 : vector<16x1024xf32> to vector<8x2x1024xf32>
    %reshape3A_3306 = vector.shape_cast %select_n3A_3304 : vector<16x1024xi32> to vector<8x2x1024xi32>
    %slice3A_3307 = vector.extract_strided_slice %reshape3A_3305 {offsets = [0, 0, 0], sizes = [8, 1, 1024], strides = [1, 1, 1]} : vector<8x2x1024xf32> to vector<8x1x1024xf32>
    %squeeze3A_3308 = vector.shape_cast %slice3A_3307 : vector<8x1x1024xf32> to vector<8x1024xf32>
    %slice3A_3309 = vector.extract_strided_slice %reshape3A_3305 {offsets = [0, 1, 0], sizes = [8, 1, 1024], strides = [1, 1, 1]} : vector<8x2x1024xf32> to vector<8x1x1024xf32>
    %squeeze3A_3310 = vector.shape_cast %slice3A_3309 : vector<8x1x1024xf32> to vector<8x1024xf32>
    %slice3A_3311 = vector.extract_strided_slice %reshape3A_3306 {offsets = [0, 0, 0], sizes = [8, 1, 1024], strides = [1, 1, 1]} : vector<8x2x1024xi32> to vector<8x1x1024xi32>
    %squeeze3A_3312 = vector.shape_cast %slice3A_3311 : vector<8x1x1024xi32> to vector<8x1024xi32>
    %slice3A_3313 = vector.extract_strided_slice %reshape3A_3306 {offsets = [0, 1, 0], sizes = [8, 1, 1024], strides = [1, 1, 1]} : vector<8x2x1024xi32> to vector<8x1x1024xi32>
    %squeeze3A_3314 = vector.shape_cast %slice3A_3313 : vector<8x1x1024xi32> to vector<8x1024xi32>
    %gt3A_3315 = arith.cmpf ogt, %squeeze3A_3308, %squeeze3A_3310 : vector<8x1024xf32>
    %eq3A_3316 = arith.cmpf oeq, %squeeze3A_3308, %squeeze3A_3310 : vector<8x1024xf32>
    %lt3A_3317 = arith.cmpi slt, %squeeze3A_3312, %squeeze3A_3314 : vector<8x1024xi32>
    %and3A_3318 = arith.andi %eq3A_3316, %lt3A_3317 : vector<8x1024xi1>
    %or3A_3319 = arith.ori %gt3A_3315, %and3A_3318 : vector<8x1024xi1>
    %select_n3A_3320 = arith.select %or3A_3319, %squeeze3A_3308, %squeeze3A_3310 : vector<8x1024xi1>, vector<8x1024xf32>
    %select_n3A_3321 = arith.select %or3A_3319, %squeeze3A_3312, %squeeze3A_3314 : vector<8x1024xi1>, vector<8x1024xi32>
    %iota3A_3322 = tpu.iota {dimensions = array<i32: 0>} : vector<8x1024xi32>
    %and3A_3323 = arith.constant 1 : i32
    %and3A_3324 = vector.broadcast %and3A_3323 : i32 to vector<8x1024xi32>
    %and3A_3325 = arith.andi %iota3A_3322, %and3A_3324 : vector<8x1024xi32>
    %eq3A_3326 = arith.constant 0 : i32
    %eq3A_3327 = vector.broadcast %eq3A_3326 : i32 to vector<8x1024xi32>
    %eq3A_3328 = arith.cmpi eq, %and3A_3325, %eq3A_3327 : vector<8x1024xi32>
    %iota3A_3329 = tpu.iota {dimensions = array<i32: 1>} : vector<8x1024xi32>
    %and3A_3330 = arith.constant 512 : i32
    %and3A_3331 = vector.broadcast %and3A_3330 : i32 to vector<8x1024xi32>
    %and3A_3332 = arith.andi %iota3A_3329, %and3A_3331 : vector<8x1024xi32>
    %ne3A_3333 = arith.constant 0 : i32
    %ne3A_3334 = vector.broadcast %ne3A_3333 : i32 to vector<8x1024xi32>
    %ne3A_3335 = arith.cmpi ne, %and3A_3332, %ne3A_3334 : vector<8x1024xi32>
    %slice3A_3336 = vector.extract_strided_slice %select_n3A_3320 {offsets = [0, 512], sizes = [8, 512], strides = [1, 1]} : vector<8x1024xf32> to vector<8x512xf32>
    %slice3A_3337 = vector.extract_strided_slice %select_n3A_3320 {offsets = [0, 0], sizes = [8, 512], strides = [1, 1]} : vector<8x1024xf32> to vector<8x512xf32>
    %concatenate3A_3338 = tpu.concatenate %slice3A_3336, %slice3A_3337 in 1 : vector<8x512xf32>, vector<8x512xf32> -> vector<8x1024xf32>
    %slice3A_3339 = vector.extract_strided_slice %select_n3A_3320 {offsets = [0, 512], sizes = [8, 512], strides = [1, 1]} : vector<8x1024xf32> to vector<8x512xf32>
    %slice3A_3340 = vector.extract_strided_slice %select_n3A_3320 {offsets = [0, 0], sizes = [8, 512], strides = [1, 1]} : vector<8x1024xf32> to vector<8x512xf32>
    %concatenate3A_3341 = tpu.concatenate %slice3A_3339, %slice3A_3340 in 1 : vector<8x512xf32>, vector<8x512xf32> -> vector<8x1024xf32>
    %select_n3A_3342 = arith.select %ne3A_3335, %concatenate3A_3338, %concatenate3A_3341 : vector<8x1024xi1>, vector<8x1024xf32>
    %slice3A_3343 = vector.extract_strided_slice %select_n3A_3321 {offsets = [0, 512], sizes = [8, 512], strides = [1, 1]} : vector<8x1024xi32> to vector<8x512xi32>
    %slice3A_3344 = vector.extract_strided_slice %select_n3A_3321 {offsets = [0, 0], sizes = [8, 512], strides = [1, 1]} : vector<8x1024xi32> to vector<8x512xi32>
    %concatenate3A_3345 = tpu.concatenate %slice3A_3343, %slice3A_3344 in 1 : vector<8x512xi32>, vector<8x512xi32> -> vector<8x1024xi32>
    %slice3A_3346 = vector.extract_strided_slice %select_n3A_3321 {offsets = [0, 512], sizes = [8, 512], strides = [1, 1]} : vector<8x1024xi32> to vector<8x512xi32>
    %slice3A_3347 = vector.extract_strided_slice %select_n3A_3321 {offsets = [0, 0], sizes = [8, 512], strides = [1, 1]} : vector<8x1024xi32> to vector<8x512xi32>
    %concatenate3A_3348 = tpu.concatenate %slice3A_3346, %slice3A_3347 in 1 : vector<8x512xi32>, vector<8x512xi32> -> vector<8x1024xi32>
    %select_n3A_3349 = arith.select %ne3A_3335, %concatenate3A_3345, %concatenate3A_3348 : vector<8x1024xi1>, vector<8x1024xi32>
    %not3A_3350 = arith.constant dense<true> : vector<8x1024xi1>
    %not3A_3351 = arith.xori %ne3A_3335, %not3A_3350 : vector<8x1024xi1>
    %gt3A_3352 = arith.cmpf ogt, %select_n3A_3320, %select_n3A_3342 : vector<8x1024xf32>
    %eq3A_3353 = arith.cmpf oeq, %select_n3A_3320, %select_n3A_3342 : vector<8x1024xf32>
    %lt3A_3354 = arith.cmpi slt, %select_n3A_3321, %select_n3A_3349 : vector<8x1024xi32>
    %and3A_3355 = arith.andi %eq3A_3353, %lt3A_3354 : vector<8x1024xi1>
    %or3A_3356 = arith.ori %gt3A_3352, %and3A_3355 : vector<8x1024xi1>
    %eq3A_3357 = arith.xori %or3A_3356, %not3A_3351 : vector<8x1024xi1>
    %eq3A_3358 = arith.constant dense<true> : vector<8x1024xi1>
    %eq3A_3359 = arith.xori %eq3A_3357, %eq3A_3358 : vector<8x1024xi1>
    %eq3A_3360 = arith.xori %eq3A_3359, %eq3A_3328 : vector<8x1024xi1>
    %eq3A_3361 = arith.constant dense<true> : vector<8x1024xi1>
    %eq3A_3362 = arith.xori %eq3A_3360, %eq3A_3361 : vector<8x1024xi1>
    %select_n3A_3363 = arith.select %eq3A_3362, %select_n3A_3320, %select_n3A_3342 : vector<8x1024xi1>, vector<8x1024xf32>
    %select_n3A_3364 = arith.select %eq3A_3362, %select_n3A_3321, %select_n3A_3349 : vector<8x1024xi1>, vector<8x1024xi32>
    %iota3A_3365 = tpu.iota {dimensions = array<i32: 1>} : vector<8x1024xi32>
    %and3A_3366 = arith.constant 256 : i32
    %and3A_3367 = vector.broadcast %and3A_3366 : i32 to vector<8x1024xi32>
    %and3A_3368 = arith.andi %iota3A_3365, %and3A_3367 : vector<8x1024xi32>
    %ne3A_3369 = arith.constant 0 : i32
    %ne3A_3370 = vector.broadcast %ne3A_3369 : i32 to vector<8x1024xi32>
    %ne3A_3371 = arith.cmpi ne, %and3A_3368, %ne3A_3370 : vector<8x1024xi32>
    %slice3A_3372 = vector.extract_strided_slice %select_n3A_3363 {offsets = [0, 768], sizes = [8, 256], strides = [1, 1]} : vector<8x1024xf32> to vector<8x256xf32>
    %slice3A_3373 = vector.extract_strided_slice %select_n3A_3363 {offsets = [0, 0], sizes = [8, 768], strides = [1, 1]} : vector<8x1024xf32> to vector<8x768xf32>
    %concatenate3A_3374 = tpu.concatenate %slice3A_3372, %slice3A_3373 in 1 : vector<8x256xf32>, vector<8x768xf32> -> vector<8x1024xf32>
    %slice3A_3375 = vector.extract_strided_slice %select_n3A_3363 {offsets = [0, 256], sizes = [8, 768], strides = [1, 1]} : vector<8x1024xf32> to vector<8x768xf32>
    %slice3A_3376 = vector.extract_strided_slice %select_n3A_3363 {offsets = [0, 0], sizes = [8, 256], strides = [1, 1]} : vector<8x1024xf32> to vector<8x256xf32>
    %concatenate3A_3377 = tpu.concatenate %slice3A_3375, %slice3A_3376 in 1 : vector<8x768xf32>, vector<8x256xf32> -> vector<8x1024xf32>
    %select_n3A_3378 = arith.select %ne3A_3371, %concatenate3A_3374, %concatenate3A_3377 : vector<8x1024xi1>, vector<8x1024xf32>
    %slice3A_3379 = vector.extract_strided_slice %select_n3A_3364 {offsets = [0, 768], sizes = [8, 256], strides = [1, 1]} : vector<8x1024xi32> to vector<8x256xi32>
    %slice3A_3380 = vector.extract_strided_slice %select_n3A_3364 {offsets = [0, 0], sizes = [8, 768], strides = [1, 1]} : vector<8x1024xi32> to vector<8x768xi32>
    %concatenate3A_3381 = tpu.concatenate %slice3A_3379, %slice3A_3380 in 1 : vector<8x256xi32>, vector<8x768xi32> -> vector<8x1024xi32>
    %slice3A_3382 = vector.extract_strided_slice %select_n3A_3364 {offsets = [0, 256], sizes = [8, 768], strides = [1, 1]} : vector<8x1024xi32> to vector<8x768xi32>
    %slice3A_3383 = vector.extract_strided_slice %select_n3A_3364 {offsets = [0, 0], sizes = [8, 256], strides = [1, 1]} : vector<8x1024xi32> to vector<8x256xi32>
    %concatenate3A_3384 = tpu.concatenate %slice3A_3382, %slice3A_3383 in 1 : vector<8x768xi32>, vector<8x256xi32> -> vector<8x1024xi32>
    %select_n3A_3385 = arith.select %ne3A_3371, %concatenate3A_3381, %concatenate3A_3384 : vector<8x1024xi1>, vector<8x1024xi32>
    %not3A_3386 = arith.constant dense<true> : vector<8x1024xi1>
    %not3A_3387 = arith.xori %ne3A_3371, %not3A_3386 : vector<8x1024xi1>
    %gt3A_3388 = arith.cmpf ogt, %select_n3A_3363, %select_n3A_3378 : vector<8x1024xf32>
    %eq3A_3389 = arith.cmpf oeq, %select_n3A_3363, %select_n3A_3378 : vector<8x1024xf32>
    %lt3A_3390 = arith.cmpi slt, %select_n3A_3364, %select_n3A_3385 : vector<8x1024xi32>
    %and3A_3391 = arith.andi %eq3A_3389, %lt3A_3390 : vector<8x1024xi1>
    %or3A_3392 = arith.ori %gt3A_3388, %and3A_3391 : vector<8x1024xi1>
    %eq3A_3393 = arith.xori %or3A_3392, %not3A_3387 : vector<8x1024xi1>
    %eq3A_3394 = arith.constant dense<true> : vector<8x1024xi1>
    %eq3A_3395 = arith.xori %eq3A_3393, %eq3A_3394 : vector<8x1024xi1>
    %eq3A_3396 = arith.xori %eq3A_3395, %eq3A_3328 : vector<8x1024xi1>
    %eq3A_3397 = arith.constant dense<true> : vector<8x1024xi1>
    %eq3A_3398 = arith.xori %eq3A_3396, %eq3A_3397 : vector<8x1024xi1>
    %select_n3A_3399 = arith.select %eq3A_3398, %select_n3A_3363, %select_n3A_3378 : vector<8x1024xi1>, vector<8x1024xf32>
    %select_n3A_3400 = arith.select %eq3A_3398, %select_n3A_3364, %select_n3A_3385 : vector<8x1024xi1>, vector<8x1024xi32>
    %iota3A_3401 = tpu.iota {dimensions = array<i32: 1>} : vector<8x1024xi32>
    %and3A_3402 = arith.constant 128 : i32
    %and3A_3403 = vector.broadcast %and3A_3402 : i32 to vector<8x1024xi32>
    %and3A_3404 = arith.andi %iota3A_3401, %and3A_3403 : vector<8x1024xi32>
    %ne3A_3405 = arith.constant 0 : i32
    %ne3A_3406 = vector.broadcast %ne3A_3405 : i32 to vector<8x1024xi32>
    %ne3A_3407 = arith.cmpi ne, %and3A_3404, %ne3A_3406 : vector<8x1024xi32>
    %slice3A_3408 = vector.extract_strided_slice %select_n3A_3399 {offsets = [0, 896], sizes = [8, 128], strides = [1, 1]} : vector<8x1024xf32> to vector<8x128xf32>
    %slice3A_3409 = vector.extract_strided_slice %select_n3A_3399 {offsets = [0, 0], sizes = [8, 896], strides = [1, 1]} : vector<8x1024xf32> to vector<8x896xf32>
    %concatenate3A_3410 = tpu.concatenate %slice3A_3408, %slice3A_3409 in 1 : vector<8x128xf32>, vector<8x896xf32> -> vector<8x1024xf32>
    %slice3A_3411 = vector.extract_strided_slice %select_n3A_3399 {offsets = [0, 128], sizes = [8, 896], strides = [1, 1]} : vector<8x1024xf32> to vector<8x896xf32>
    %slice3A_3412 = vector.extract_strided_slice %select_n3A_3399 {offsets = [0, 0], sizes = [8, 128], strides = [1, 1]} : vector<8x1024xf32> to vector<8x128xf32>
    %concatenate3A_3413 = tpu.concatenate %slice3A_3411, %slice3A_3412 in 1 : vector<8x896xf32>, vector<8x128xf32> -> vector<8x1024xf32>
    %select_n3A_3414 = arith.select %ne3A_3407, %concatenate3A_3410, %concatenate3A_3413 : vector<8x1024xi1>, vector<8x1024xf32>
    %slice3A_3415 = vector.extract_strided_slice %select_n3A_3400 {offsets = [0, 896], sizes = [8, 128], strides = [1, 1]} : vector<8x1024xi32> to vector<8x128xi32>
    %slice3A_3416 = vector.extract_strided_slice %select_n3A_3400 {offsets = [0, 0], sizes = [8, 896], strides = [1, 1]} : vector<8x1024xi32> to vector<8x896xi32>
    %concatenate3A_3417 = tpu.concatenate %slice3A_3415, %slice3A_3416 in 1 : vector<8x128xi32>, vector<8x896xi32> -> vector<8x1024xi32>
    %slice3A_3418 = vector.extract_strided_slice %select_n3A_3400 {offsets = [0, 128], sizes = [8, 896], strides = [1, 1]} : vector<8x1024xi32> to vector<8x896xi32>
    %slice3A_3419 = vector.extract_strided_slice %select_n3A_3400 {offsets = [0, 0], sizes = [8, 128], strides = [1, 1]} : vector<8x1024xi32> to vector<8x128xi32>
    %concatenate3A_3420 = tpu.concatenate %slice3A_3418, %slice3A_3419 in 1 : vector<8x896xi32>, vector<8x128xi32> -> vector<8x1024xi32>
    %select_n3A_3421 = arith.select %ne3A_3407, %concatenate3A_3417, %concatenate3A_3420 : vector<8x1024xi1>, vector<8x1024xi32>
    %not3A_3422 = arith.constant dense<true> : vector<8x1024xi1>
    %not3A_3423 = arith.xori %ne3A_3407, %not3A_3422 : vector<8x1024xi1>
    %gt3A_3424 = arith.cmpf ogt, %select_n3A_3399, %select_n3A_3414 : vector<8x1024xf32>
    %eq3A_3425 = arith.cmpf oeq, %select_n3A_3399, %select_n3A_3414 : vector<8x1024xf32>
    %lt3A_3426 = arith.cmpi slt, %select_n3A_3400, %select_n3A_3421 : vector<8x1024xi32>
    %and3A_3427 = arith.andi %eq3A_3425, %lt3A_3426 : vector<8x1024xi1>
    %or3A_3428 = arith.ori %gt3A_3424, %and3A_3427 : vector<8x1024xi1>
    %eq3A_3429 = arith.xori %or3A_3428, %not3A_3423 : vector<8x1024xi1>
    %eq3A_3430 = arith.constant dense<true> : vector<8x1024xi1>
    %eq3A_3431 = arith.xori %eq3A_3429, %eq3A_3430 : vector<8x1024xi1>
    %eq3A_3432 = arith.xori %eq3A_3431, %eq3A_3328 : vector<8x1024xi1>
    %eq3A_3433 = arith.constant dense<true> : vector<8x1024xi1>
    %eq3A_3434 = arith.xori %eq3A_3432, %eq3A_3433 : vector<8x1024xi1>
    %select_n3A_3435 = arith.select %eq3A_3434, %select_n3A_3399, %select_n3A_3414 : vector<8x1024xi1>, vector<8x1024xf32>
    %select_n3A_3436 = arith.select %eq3A_3434, %select_n3A_3400, %select_n3A_3421 : vector<8x1024xi1>, vector<8x1024xi32>
    %iota3A_3437 = tpu.iota {dimensions = array<i32: 1>} : vector<8x1024xi32>
    %and3A_3438 = arith.constant 64 : i32
    %and3A_3439 = vector.broadcast %and3A_3438 : i32 to vector<8x1024xi32>
    %and3A_3440 = arith.andi %iota3A_3437, %and3A_3439 : vector<8x1024xi32>
    %ne3A_3441 = arith.constant 0 : i32
    %ne3A_3442 = vector.broadcast %ne3A_3441 : i32 to vector<8x1024xi32>
    %ne3A_3443 = arith.cmpi ne, %and3A_3440, %ne3A_3442 : vector<8x1024xi32>
    %slice3A_3444 = vector.extract_strided_slice %select_n3A_3435 {offsets = [0, 960], sizes = [8, 64], strides = [1, 1]} : vector<8x1024xf32> to vector<8x64xf32>
    %slice3A_3445 = vector.extract_strided_slice %select_n3A_3435 {offsets = [0, 0], sizes = [8, 960], strides = [1, 1]} : vector<8x1024xf32> to vector<8x960xf32>
    %concatenate3A_3446 = tpu.concatenate %slice3A_3444, %slice3A_3445 in 1 : vector<8x64xf32>, vector<8x960xf32> -> vector<8x1024xf32>
    %slice3A_3447 = vector.extract_strided_slice %select_n3A_3435 {offsets = [0, 64], sizes = [8, 960], strides = [1, 1]} : vector<8x1024xf32> to vector<8x960xf32>
    %slice3A_3448 = vector.extract_strided_slice %select_n3A_3435 {offsets = [0, 0], sizes = [8, 64], strides = [1, 1]} : vector<8x1024xf32> to vector<8x64xf32>
    %concatenate3A_3449 = tpu.concatenate %slice3A_3447, %slice3A_3448 in 1 : vector<8x960xf32>, vector<8x64xf32> -> vector<8x1024xf32>
    %select_n3A_3450 = arith.select %ne3A_3443, %concatenate3A_3446, %concatenate3A_3449 : vector<8x1024xi1>, vector<8x1024xf32>
    %slice3A_3451 = vector.extract_strided_slice %select_n3A_3436 {offsets = [0, 960], sizes = [8, 64], strides = [1, 1]} : vector<8x1024xi32> to vector<8x64xi32>
    %slice3A_3452 = vector.extract_strided_slice %select_n3A_3436 {offsets = [0, 0], sizes = [8, 960], strides = [1, 1]} : vector<8x1024xi32> to vector<8x960xi32>
    %concatenate3A_3453 = tpu.concatenate %slice3A_3451, %slice3A_3452 in 1 : vector<8x64xi32>, vector<8x960xi32> -> vector<8x1024xi32>
    %slice3A_3454 = vector.extract_strided_slice %select_n3A_3436 {offsets = [0, 64], sizes = [8, 960], strides = [1, 1]} : vector<8x1024xi32> to vector<8x960xi32>
    %slice3A_3455 = vector.extract_strided_slice %select_n3A_3436 {offsets = [0, 0], sizes = [8, 64], strides = [1, 1]} : vector<8x1024xi32> to vector<8x64xi32>
    %concatenate3A_3456 = tpu.concatenate %slice3A_3454, %slice3A_3455 in 1 : vector<8x960xi32>, vector<8x64xi32> -> vector<8x1024xi32>
    %select_n3A_3457 = arith.select %ne3A_3443, %concatenate3A_3453, %concatenate3A_3456 : vector<8x1024xi1>, vector<8x1024xi32>
    %not3A_3458 = arith.constant dense<true> : vector<8x1024xi1>
    %not3A_3459 = arith.xori %ne3A_3443, %not3A_3458 : vector<8x1024xi1>
    %gt3A_3460 = arith.cmpf ogt, %select_n3A_3435, %select_n3A_3450 : vector<8x1024xf32>
    %eq3A_3461 = arith.cmpf oeq, %select_n3A_3435, %select_n3A_3450 : vector<8x1024xf32>
    %lt3A_3462 = arith.cmpi slt, %select_n3A_3436, %select_n3A_3457 : vector<8x1024xi32>
    %and3A_3463 = arith.andi %eq3A_3461, %lt3A_3462 : vector<8x1024xi1>
    %or3A_3464 = arith.ori %gt3A_3460, %and3A_3463 : vector<8x1024xi1>
    %eq3A_3465 = arith.xori %or3A_3464, %not3A_3459 : vector<8x1024xi1>
    %eq3A_3466 = arith.constant dense<true> : vector<8x1024xi1>
    %eq3A_3467 = arith.xori %eq3A_3465, %eq3A_3466 : vector<8x1024xi1>
    %eq3A_3468 = arith.xori %eq3A_3467, %eq3A_3328 : vector<8x1024xi1>
    %eq3A_3469 = arith.constant dense<true> : vector<8x1024xi1>
    %eq3A_3470 = arith.xori %eq3A_3468, %eq3A_3469 : vector<8x1024xi1>
    %select_n3A_3471 = arith.select %eq3A_3470, %select_n3A_3435, %select_n3A_3450 : vector<8x1024xi1>, vector<8x1024xf32>
    %select_n3A_3472 = arith.select %eq3A_3470, %select_n3A_3436, %select_n3A_3457 : vector<8x1024xi1>, vector<8x1024xi32>
    %iota3A_3473 = tpu.iota {dimensions = array<i32: 1>} : vector<8x1024xi32>
    %and3A_3474 = arith.constant 32 : i32
    %and3A_3475 = vector.broadcast %and3A_3474 : i32 to vector<8x1024xi32>
    %and3A_3476 = arith.andi %iota3A_3473, %and3A_3475 : vector<8x1024xi32>
    %ne3A_3477 = arith.constant 0 : i32
    %ne3A_3478 = vector.broadcast %ne3A_3477 : i32 to vector<8x1024xi32>
    %ne3A_3479 = arith.cmpi ne, %and3A_3476, %ne3A_3478 : vector<8x1024xi32>
    %slice3A_3480 = vector.extract_strided_slice %select_n3A_3471 {offsets = [0, 992], sizes = [8, 32], strides = [1, 1]} : vector<8x1024xf32> to vector<8x32xf32>
    %slice3A_3481 = vector.extract_strided_slice %select_n3A_3471 {offsets = [0, 0], sizes = [8, 992], strides = [1, 1]} : vector<8x1024xf32> to vector<8x992xf32>
    %concatenate3A_3482 = tpu.concatenate %slice3A_3480, %slice3A_3481 in 1 : vector<8x32xf32>, vector<8x992xf32> -> vector<8x1024xf32>
    %slice3A_3483 = vector.extract_strided_slice %select_n3A_3471 {offsets = [0, 32], sizes = [8, 992], strides = [1, 1]} : vector<8x1024xf32> to vector<8x992xf32>
    %slice3A_3484 = vector.extract_strided_slice %select_n3A_3471 {offsets = [0, 0], sizes = [8, 32], strides = [1, 1]} : vector<8x1024xf32> to vector<8x32xf32>
    %concatenate3A_3485 = tpu.concatenate %slice3A_3483, %slice3A_3484 in 1 : vector<8x992xf32>, vector<8x32xf32> -> vector<8x1024xf32>
    %select_n3A_3486 = arith.select %ne3A_3479, %concatenate3A_3482, %concatenate3A_3485 : vector<8x1024xi1>, vector<8x1024xf32>
    %slice3A_3487 = vector.extract_strided_slice %select_n3A_3472 {offsets = [0, 992], sizes = [8, 32], strides = [1, 1]} : vector<8x1024xi32> to vector<8x32xi32>
    %slice3A_3488 = vector.extract_strided_slice %select_n3A_3472 {offsets = [0, 0], sizes = [8, 992], strides = [1, 1]} : vector<8x1024xi32> to vector<8x992xi32>
    %concatenate3A_3489 = tpu.concatenate %slice3A_3487, %slice3A_3488 in 1 : vector<8x32xi32>, vector<8x992xi32> -> vector<8x1024xi32>
    %slice3A_3490 = vector.extract_strided_slice %select_n3A_3472 {offsets = [0, 32], sizes = [8, 992], strides = [1, 1]} : vector<8x1024xi32> to vector<8x992xi32>
    %slice3A_3491 = vector.extract_strided_slice %select_n3A_3472 {offsets = [0, 0], sizes = [8, 32], strides = [1, 1]} : vector<8x1024xi32> to vector<8x32xi32>
    %concatenate3A_3492 = tpu.concatenate %slice3A_3490, %slice3A_3491 in 1 : vector<8x992xi32>, vector<8x32xi32> -> vector<8x1024xi32>
    %select_n3A_3493 = arith.select %ne3A_3479, %concatenate3A_3489, %concatenate3A_3492 : vector<8x1024xi1>, vector<8x1024xi32>
    %not3A_3494 = arith.constant dense<true> : vector<8x1024xi1>
    %not3A_3495 = arith.xori %ne3A_3479, %not3A_3494 : vector<8x1024xi1>
    %gt3A_3496 = arith.cmpf ogt, %select_n3A_3471, %select_n3A_3486 : vector<8x1024xf32>
    %eq3A_3497 = arith.cmpf oeq, %select_n3A_3471, %select_n3A_3486 : vector<8x1024xf32>
    %lt3A_3498 = arith.cmpi slt, %select_n3A_3472, %select_n3A_3493 : vector<8x1024xi32>
    %and3A_3499 = arith.andi %eq3A_3497, %lt3A_3498 : vector<8x1024xi1>
    %or3A_3500 = arith.ori %gt3A_3496, %and3A_3499 : vector<8x1024xi1>
    %eq3A_3501 = arith.xori %or3A_3500, %not3A_3495 : vector<8x1024xi1>
    %eq3A_3502 = arith.constant dense<true> : vector<8x1024xi1>
    %eq3A_3503 = arith.xori %eq3A_3501, %eq3A_3502 : vector<8x1024xi1>
    %eq3A_3504 = arith.xori %eq3A_3503, %eq3A_3328 : vector<8x1024xi1>
    %eq3A_3505 = arith.constant dense<true> : vector<8x1024xi1>
    %eq3A_3506 = arith.xori %eq3A_3504, %eq3A_3505 : vector<8x1024xi1>
    %select_n3A_3507 = arith.select %eq3A_3506, %select_n3A_3471, %select_n3A_3486 : vector<8x1024xi1>, vector<8x1024xf32>
    %select_n3A_3508 = arith.select %eq3A_3506, %select_n3A_3472, %select_n3A_3493 : vector<8x1024xi1>, vector<8x1024xi32>
    %iota3A_3509 = tpu.iota {dimensions = array<i32: 1>} : vector<8x1024xi32>
    %and3A_3510 = arith.constant 16 : i32
    %and3A_3511 = vector.broadcast %and3A_3510 : i32 to vector<8x1024xi32>
    %and3A_3512 = arith.andi %iota3A_3509, %and3A_3511 : vector<8x1024xi32>
    %ne3A_3513 = arith.constant 0 : i32
    %ne3A_3514 = vector.broadcast %ne3A_3513 : i32 to vector<8x1024xi32>
    %ne3A_3515 = arith.cmpi ne, %and3A_3512, %ne3A_3514 : vector<8x1024xi32>
    %slice3A_3516 = vector.extract_strided_slice %select_n3A_3507 {offsets = [0, 1008], sizes = [8, 16], strides = [1, 1]} : vector<8x1024xf32> to vector<8x16xf32>
    %slice3A_3517 = vector.extract_strided_slice %select_n3A_3507 {offsets = [0, 0], sizes = [8, 1008], strides = [1, 1]} : vector<8x1024xf32> to vector<8x1008xf32>
    %concatenate3A_3518 = tpu.concatenate %slice3A_3516, %slice3A_3517 in 1 : vector<8x16xf32>, vector<8x1008xf32> -> vector<8x1024xf32>
    %slice3A_3519 = vector.extract_strided_slice %select_n3A_3507 {offsets = [0, 16], sizes = [8, 1008], strides = [1, 1]} : vector<8x1024xf32> to vector<8x1008xf32>
    %slice3A_3520 = vector.extract_strided_slice %select_n3A_3507 {offsets = [0, 0], sizes = [8, 16], strides = [1, 1]} : vector<8x1024xf32> to vector<8x16xf32>
    %concatenate3A_3521 = tpu.concatenate %slice3A_3519, %slice3A_3520 in 1 : vector<8x1008xf32>, vector<8x16xf32> -> vector<8x1024xf32>
    %select_n3A_3522 = arith.select %ne3A_3515, %concatenate3A_3518, %concatenate3A_3521 : vector<8x1024xi1>, vector<8x1024xf32>
    %slice3A_3523 = vector.extract_strided_slice %select_n3A_3508 {offsets = [0, 1008], sizes = [8, 16], strides = [1, 1]} : vector<8x1024xi32> to vector<8x16xi32>
    %slice3A_3524 = vector.extract_strided_slice %select_n3A_3508 {offsets = [0, 0], sizes = [8, 1008], strides = [1, 1]} : vector<8x1024xi32> to vector<8x1008xi32>
    %concatenate3A_3525 = tpu.concatenate %slice3A_3523, %slice3A_3524 in 1 : vector<8x16xi32>, vector<8x1008xi32> -> vector<8x1024xi32>
    %slice3A_3526 = vector.extract_strided_slice %select_n3A_3508 {offsets = [0, 16], sizes = [8, 1008], strides = [1, 1]} : vector<8x1024xi32> to vector<8x1008xi32>
    %slice3A_3527 = vector.extract_strided_slice %select_n3A_3508 {offsets = [0, 0], sizes = [8, 16], strides = [1, 1]} : vector<8x1024xi32> to vector<8x16xi32>
    %concatenate3A_3528 = tpu.concatenate %slice3A_3526, %slice3A_3527 in 1 : vector<8x1008xi32>, vector<8x16xi32> -> vector<8x1024xi32>
    %select_n3A_3529 = arith.select %ne3A_3515, %concatenate3A_3525, %concatenate3A_3528 : vector<8x1024xi1>, vector<8x1024xi32>
    %not3A_3530 = arith.constant dense<true> : vector<8x1024xi1>
    %not3A_3531 = arith.xori %ne3A_3515, %not3A_3530 : vector<8x1024xi1>
    %gt3A_3532 = arith.cmpf ogt, %select_n3A_3507, %select_n3A_3522 : vector<8x1024xf32>
    %eq3A_3533 = arith.cmpf oeq, %select_n3A_3507, %select_n3A_3522 : vector<8x1024xf32>
    %lt3A_3534 = arith.cmpi slt, %select_n3A_3508, %select_n3A_3529 : vector<8x1024xi32>
    %and3A_3535 = arith.andi %eq3A_3533, %lt3A_3534 : vector<8x1024xi1>
    %or3A_3536 = arith.ori %gt3A_3532, %and3A_3535 : vector<8x1024xi1>
    %eq3A_3537 = arith.xori %or3A_3536, %not3A_3531 : vector<8x1024xi1>
    %eq3A_3538 = arith.constant dense<true> : vector<8x1024xi1>
    %eq3A_3539 = arith.xori %eq3A_3537, %eq3A_3538 : vector<8x1024xi1>
    %eq3A_3540 = arith.xori %eq3A_3539, %eq3A_3328 : vector<8x1024xi1>
    %eq3A_3541 = arith.constant dense<true> : vector<8x1024xi1>
    %eq3A_3542 = arith.xori %eq3A_3540, %eq3A_3541 : vector<8x1024xi1>
    %select_n3A_3543 = arith.select %eq3A_3542, %select_n3A_3507, %select_n3A_3522 : vector<8x1024xi1>, vector<8x1024xf32>
    %select_n3A_3544 = arith.select %eq3A_3542, %select_n3A_3508, %select_n3A_3529 : vector<8x1024xi1>, vector<8x1024xi32>
    %iota3A_3545 = tpu.iota {dimensions = array<i32: 1>} : vector<8x1024xi32>
    %and3A_3546 = arith.constant 8 : i32
    %and3A_3547 = vector.broadcast %and3A_3546 : i32 to vector<8x1024xi32>
    %and3A_3548 = arith.andi %iota3A_3545, %and3A_3547 : vector<8x1024xi32>
    %ne3A_3549 = arith.constant 0 : i32
    %ne3A_3550 = vector.broadcast %ne3A_3549 : i32 to vector<8x1024xi32>
    %ne3A_3551 = arith.cmpi ne, %and3A_3548, %ne3A_3550 : vector<8x1024xi32>
    %slice3A_3552 = vector.extract_strided_slice %select_n3A_3543 {offsets = [0, 1016], sizes = [8, 8], strides = [1, 1]} : vector<8x1024xf32> to vector<8x8xf32>
    %slice3A_3553 = vector.extract_strided_slice %select_n3A_3543 {offsets = [0, 0], sizes = [8, 1016], strides = [1, 1]} : vector<8x1024xf32> to vector<8x1016xf32>
    %concatenate3A_3554 = tpu.concatenate %slice3A_3552, %slice3A_3553 in 1 : vector<8x8xf32>, vector<8x1016xf32> -> vector<8x1024xf32>
    %slice3A_3555 = vector.extract_strided_slice %select_n3A_3543 {offsets = [0, 8], sizes = [8, 1016], strides = [1, 1]} : vector<8x1024xf32> to vector<8x1016xf32>
    %slice3A_3556 = vector.extract_strided_slice %select_n3A_3543 {offsets = [0, 0], sizes = [8, 8], strides = [1, 1]} : vector<8x1024xf32> to vector<8x8xf32>
    %concatenate3A_3557 = tpu.concatenate %slice3A_3555, %slice3A_3556 in 1 : vector<8x1016xf32>, vector<8x8xf32> -> vector<8x1024xf32>
    %select_n3A_3558 = arith.select %ne3A_3551, %concatenate3A_3554, %concatenate3A_3557 : vector<8x1024xi1>, vector<8x1024xf32>
    %slice3A_3559 = vector.extract_strided_slice %select_n3A_3544 {offsets = [0, 1016], sizes = [8, 8], strides = [1, 1]} : vector<8x1024xi32> to vector<8x8xi32>
    %slice3A_3560 = vector.extract_strided_slice %select_n3A_3544 {offsets = [0, 0], sizes = [8, 1016], strides = [1, 1]} : vector<8x1024xi32> to vector<8x1016xi32>
    %concatenate3A_3561 = tpu.concatenate %slice3A_3559, %slice3A_3560 in 1 : vector<8x8xi32>, vector<8x1016xi32> -> vector<8x1024xi32>
    %slice3A_3562 = vector.extract_strided_slice %select_n3A_3544 {offsets = [0, 8], sizes = [8, 1016], strides = [1, 1]} : vector<8x1024xi32> to vector<8x1016xi32>
    %slice3A_3563 = vector.extract_strided_slice %select_n3A_3544 {offsets = [0, 0], sizes = [8, 8], strides = [1, 1]} : vector<8x1024xi32> to vector<8x8xi32>
    %concatenate3A_3564 = tpu.concatenate %slice3A_3562, %slice3A_3563 in 1 : vector<8x1016xi32>, vector<8x8xi32> -> vector<8x1024xi32>
    %select_n3A_3565 = arith.select %ne3A_3551, %concatenate3A_3561, %concatenate3A_3564 : vector<8x1024xi1>, vector<8x1024xi32>
    %not3A_3566 = arith.constant dense<true> : vector<8x1024xi1>
    %not3A_3567 = arith.xori %ne3A_3551, %not3A_3566 : vector<8x1024xi1>
    %gt3A_3568 = arith.cmpf ogt, %select_n3A_3543, %select_n3A_3558 : vector<8x1024xf32>
    %eq3A_3569 = arith.cmpf oeq, %select_n3A_3543, %select_n3A_3558 : vector<8x1024xf32>
    %lt3A_3570 = arith.cmpi slt, %select_n3A_3544, %select_n3A_3565 : vector<8x1024xi32>
    %and3A_3571 = arith.andi %eq3A_3569, %lt3A_3570 : vector<8x1024xi1>
    %or3A_3572 = arith.ori %gt3A_3568, %and3A_3571 : vector<8x1024xi1>
    %eq3A_3573 = arith.xori %or3A_3572, %not3A_3567 : vector<8x1024xi1>
    %eq3A_3574 = arith.constant dense<true> : vector<8x1024xi1>
    %eq3A_3575 = arith.xori %eq3A_3573, %eq3A_3574 : vector<8x1024xi1>
    %eq3A_3576 = arith.xori %eq3A_3575, %eq3A_3328 : vector<8x1024xi1>
    %eq3A_3577 = arith.constant dense<true> : vector<8x1024xi1>
    %eq3A_3578 = arith.xori %eq3A_3576, %eq3A_3577 : vector<8x1024xi1>
    %select_n3A_3579 = arith.select %eq3A_3578, %select_n3A_3543, %select_n3A_3558 : vector<8x1024xi1>, vector<8x1024xf32>
    %select_n3A_3580 = arith.select %eq3A_3578, %select_n3A_3544, %select_n3A_3565 : vector<8x1024xi1>, vector<8x1024xi32>
    %iota3A_3581 = tpu.iota {dimensions = array<i32: 1>} : vector<8x1024xi32>
    %and3A_3582 = arith.constant 4 : i32
    %and3A_3583 = vector.broadcast %and3A_3582 : i32 to vector<8x1024xi32>
    %and3A_3584 = arith.andi %iota3A_3581, %and3A_3583 : vector<8x1024xi32>
    %ne3A_3585 = arith.constant 0 : i32
    %ne3A_3586 = vector.broadcast %ne3A_3585 : i32 to vector<8x1024xi32>
    %ne3A_3587 = arith.cmpi ne, %and3A_3584, %ne3A_3586 : vector<8x1024xi32>
    %slice3A_3588 = vector.extract_strided_slice %select_n3A_3579 {offsets = [0, 1020], sizes = [8, 4], strides = [1, 1]} : vector<8x1024xf32> to vector<8x4xf32>
    %slice3A_3589 = vector.extract_strided_slice %select_n3A_3579 {offsets = [0, 0], sizes = [8, 1020], strides = [1, 1]} : vector<8x1024xf32> to vector<8x1020xf32>
    %concatenate3A_3590 = tpu.concatenate %slice3A_3588, %slice3A_3589 in 1 : vector<8x4xf32>, vector<8x1020xf32> -> vector<8x1024xf32>
    %slice3A_3591 = vector.extract_strided_slice %select_n3A_3579 {offsets = [0, 4], sizes = [8, 1020], strides = [1, 1]} : vector<8x1024xf32> to vector<8x1020xf32>
    %slice3A_3592 = vector.extract_strided_slice %select_n3A_3579 {offsets = [0, 0], sizes = [8, 4], strides = [1, 1]} : vector<8x1024xf32> to vector<8x4xf32>
    %concatenate3A_3593 = tpu.concatenate %slice3A_3591, %slice3A_3592 in 1 : vector<8x1020xf32>, vector<8x4xf32> -> vector<8x1024xf32>
    %select_n3A_3594 = arith.select %ne3A_3587, %concatenate3A_3590, %concatenate3A_3593 : vector<8x1024xi1>, vector<8x1024xf32>
    %slice3A_3595 = vector.extract_strided_slice %select_n3A_3580 {offsets = [0, 1020], sizes = [8, 4], strides = [1, 1]} : vector<8x1024xi32> to vector<8x4xi32>
    %slice3A_3596 = vector.extract_strided_slice %select_n3A_3580 {offsets = [0, 0], sizes = [8, 1020], strides = [1, 1]} : vector<8x1024xi32> to vector<8x1020xi32>
    %concatenate3A_3597 = tpu.concatenate %slice3A_3595, %slice3A_3596 in 1 : vector<8x4xi32>, vector<8x1020xi32> -> vector<8x1024xi32>
    %slice3A_3598 = vector.extract_strided_slice %select_n3A_3580 {offsets = [0, 4], sizes = [8, 1020], strides = [1, 1]} : vector<8x1024xi32> to vector<8x1020xi32>
    %slice3A_3599 = vector.extract_strided_slice %select_n3A_3580 {offsets = [0, 0], sizes = [8, 4], strides = [1, 1]} : vector<8x1024xi32> to vector<8x4xi32>
    %concatenate3A_3600 = tpu.concatenate %slice3A_3598, %slice3A_3599 in 1 : vector<8x1020xi32>, vector<8x4xi32> -> vector<8x1024xi32>
    %select_n3A_3601 = arith.select %ne3A_3587, %concatenate3A_3597, %concatenate3A_3600 : vector<8x1024xi1>, vector<8x1024xi32>
    %not3A_3602 = arith.constant dense<true> : vector<8x1024xi1>
    %not3A_3603 = arith.xori %ne3A_3587, %not3A_3602 : vector<8x1024xi1>
    %gt3A_3604 = arith.cmpf ogt, %select_n3A_3579, %select_n3A_3594 : vector<8x1024xf32>
    %eq3A_3605 = arith.cmpf oeq, %select_n3A_3579, %select_n3A_3594 : vector<8x1024xf32>
    %lt3A_3606 = arith.cmpi slt, %select_n3A_3580, %select_n3A_3601 : vector<8x1024xi32>
    %and3A_3607 = arith.andi %eq3A_3605, %lt3A_3606 : vector<8x1024xi1>
    %or3A_3608 = arith.ori %gt3A_3604, %and3A_3607 : vector<8x1024xi1>
    %eq3A_3609 = arith.xori %or3A_3608, %not3A_3603 : vector<8x1024xi1>
    %eq3A_3610 = arith.constant dense<true> : vector<8x1024xi1>
    %eq3A_3611 = arith.xori %eq3A_3609, %eq3A_3610 : vector<8x1024xi1>
    %eq3A_3612 = arith.xori %eq3A_3611, %eq3A_3328 : vector<8x1024xi1>
    %eq3A_3613 = arith.constant dense<true> : vector<8x1024xi1>
    %eq3A_3614 = arith.xori %eq3A_3612, %eq3A_3613 : vector<8x1024xi1>
    %select_n3A_3615 = arith.select %eq3A_3614, %select_n3A_3579, %select_n3A_3594 : vector<8x1024xi1>, vector<8x1024xf32>
    %select_n3A_3616 = arith.select %eq3A_3614, %select_n3A_3580, %select_n3A_3601 : vector<8x1024xi1>, vector<8x1024xi32>
    %iota3A_3617 = tpu.iota {dimensions = array<i32: 1>} : vector<8x1024xi32>
    %and3A_3618 = arith.constant 2 : i32
    %and3A_3619 = vector.broadcast %and3A_3618 : i32 to vector<8x1024xi32>
    %and3A_3620 = arith.andi %iota3A_3617, %and3A_3619 : vector<8x1024xi32>
    %ne3A_3621 = arith.constant 0 : i32
    %ne3A_3622 = vector.broadcast %ne3A_3621 : i32 to vector<8x1024xi32>
    %ne3A_3623 = arith.cmpi ne, %and3A_3620, %ne3A_3622 : vector<8x1024xi32>
    %slice3A_3624 = vector.extract_strided_slice %select_n3A_3615 {offsets = [0, 1022], sizes = [8, 2], strides = [1, 1]} : vector<8x1024xf32> to vector<8x2xf32>
    %slice3A_3625 = vector.extract_strided_slice %select_n3A_3615 {offsets = [0, 0], sizes = [8, 1022], strides = [1, 1]} : vector<8x1024xf32> to vector<8x1022xf32>
    %concatenate3A_3626 = tpu.concatenate %slice3A_3624, %slice3A_3625 in 1 : vector<8x2xf32>, vector<8x1022xf32> -> vector<8x1024xf32>
    %slice3A_3627 = vector.extract_strided_slice %select_n3A_3615 {offsets = [0, 2], sizes = [8, 1022], strides = [1, 1]} : vector<8x1024xf32> to vector<8x1022xf32>
    %slice3A_3628 = vector.extract_strided_slice %select_n3A_3615 {offsets = [0, 0], sizes = [8, 2], strides = [1, 1]} : vector<8x1024xf32> to vector<8x2xf32>
    %concatenate3A_3629 = tpu.concatenate %slice3A_3627, %slice3A_3628 in 1 : vector<8x1022xf32>, vector<8x2xf32> -> vector<8x1024xf32>
    %select_n3A_3630 = arith.select %ne3A_3623, %concatenate3A_3626, %concatenate3A_3629 : vector<8x1024xi1>, vector<8x1024xf32>
    %slice3A_3631 = vector.extract_strided_slice %select_n3A_3616 {offsets = [0, 1022], sizes = [8, 2], strides = [1, 1]} : vector<8x1024xi32> to vector<8x2xi32>
    %slice3A_3632 = vector.extract_strided_slice %select_n3A_3616 {offsets = [0, 0], sizes = [8, 1022], strides = [1, 1]} : vector<8x1024xi32> to vector<8x1022xi32>
    %concatenate3A_3633 = tpu.concatenate %slice3A_3631, %slice3A_3632 in 1 : vector<8x2xi32>, vector<8x1022xi32> -> vector<8x1024xi32>
    %slice3A_3634 = vector.extract_strided_slice %select_n3A_3616 {offsets = [0, 2], sizes = [8, 1022], strides = [1, 1]} : vector<8x1024xi32> to vector<8x1022xi32>
    %slice3A_3635 = vector.extract_strided_slice %select_n3A_3616 {offsets = [0, 0], sizes = [8, 2], strides = [1, 1]} : vector<8x1024xi32> to vector<8x2xi32>
    %concatenate3A_3636 = tpu.concatenate %slice3A_3634, %slice3A_3635 in 1 : vector<8x1022xi32>, vector<8x2xi32> -> vector<8x1024xi32>
    %select_n3A_3637 = arith.select %ne3A_3623, %concatenate3A_3633, %concatenate3A_3636 : vector<8x1024xi1>, vector<8x1024xi32>
    %not3A_3638 = arith.constant dense<true> : vector<8x1024xi1>
    %not3A_3639 = arith.xori %ne3A_3623, %not3A_3638 : vector<8x1024xi1>
    %gt3A_3640 = arith.cmpf ogt, %select_n3A_3615, %select_n3A_3630 : vector<8x1024xf32>
    %eq3A_3641 = arith.cmpf oeq, %select_n3A_3615, %select_n3A_3630 : vector<8x1024xf32>
    %lt3A_3642 = arith.cmpi slt, %select_n3A_3616, %select_n3A_3637 : vector<8x1024xi32>
    %and3A_3643 = arith.andi %eq3A_3641, %lt3A_3642 : vector<8x1024xi1>
    %or3A_3644 = arith.ori %gt3A_3640, %and3A_3643 : vector<8x1024xi1>
    %eq3A_3645 = arith.xori %or3A_3644, %not3A_3639 : vector<8x1024xi1>
    %eq3A_3646 = arith.constant dense<true> : vector<8x1024xi1>
    %eq3A_3647 = arith.xori %eq3A_3645, %eq3A_3646 : vector<8x1024xi1>
    %eq3A_3648 = arith.xori %eq3A_3647, %eq3A_3328 : vector<8x1024xi1>
    %eq3A_3649 = arith.constant dense<true> : vector<8x1024xi1>
    %eq3A_3650 = arith.xori %eq3A_3648, %eq3A_3649 : vector<8x1024xi1>
    %select_n3A_3651 = arith.select %eq3A_3650, %select_n3A_3615, %select_n3A_3630 : vector<8x1024xi1>, vector<8x1024xf32>
    %select_n3A_3652 = arith.select %eq3A_3650, %select_n3A_3616, %select_n3A_3637 : vector<8x1024xi1>, vector<8x1024xi32>
    %iota3A_3653 = tpu.iota {dimensions = array<i32: 1>} : vector<8x1024xi32>
    %and3A_3654 = arith.constant 1 : i32
    %and3A_3655 = vector.broadcast %and3A_3654 : i32 to vector<8x1024xi32>
    %and3A_3656 = arith.andi %iota3A_3653, %and3A_3655 : vector<8x1024xi32>
    %ne3A_3657 = arith.constant 0 : i32
    %ne3A_3658 = vector.broadcast %ne3A_3657 : i32 to vector<8x1024xi32>
    %ne3A_3659 = arith.cmpi ne, %and3A_3656, %ne3A_3658 : vector<8x1024xi32>
    %slice3A_3660 = vector.extract_strided_slice %select_n3A_3651 {offsets = [0, 1023], sizes = [8, 1], strides = [1, 1]} : vector<8x1024xf32> to vector<8x1xf32>
    %slice3A_3661 = vector.extract_strided_slice %select_n3A_3651 {offsets = [0, 0], sizes = [8, 1023], strides = [1, 1]} : vector<8x1024xf32> to vector<8x1023xf32>
    %concatenate3A_3662 = tpu.concatenate %slice3A_3660, %slice3A_3661 in 1 : vector<8x1xf32>, vector<8x1023xf32> -> vector<8x1024xf32>
    %slice3A_3663 = vector.extract_strided_slice %select_n3A_3651 {offsets = [0, 1], sizes = [8, 1023], strides = [1, 1]} : vector<8x1024xf32> to vector<8x1023xf32>
    %slice3A_3664 = vector.extract_strided_slice %select_n3A_3651 {offsets = [0, 0], sizes = [8, 1], strides = [1, 1]} : vector<8x1024xf32> to vector<8x1xf32>
    %concatenate3A_3665 = tpu.concatenate %slice3A_3663, %slice3A_3664 in 1 : vector<8x1023xf32>, vector<8x1xf32> -> vector<8x1024xf32>
    %select_n3A_3666 = arith.select %ne3A_3659, %concatenate3A_3662, %concatenate3A_3665 : vector<8x1024xi1>, vector<8x1024xf32>
    %slice3A_3667 = vector.extract_strided_slice %select_n3A_3652 {offsets = [0, 1023], sizes = [8, 1], strides = [1, 1]} : vector<8x1024xi32> to vector<8x1xi32>
    %slice3A_3668 = vector.extract_strided_slice %select_n3A_3652 {offsets = [0, 0], sizes = [8, 1023], strides = [1, 1]} : vector<8x1024xi32> to vector<8x1023xi32>
    %concatenate3A_3669 = tpu.concatenate %slice3A_3667, %slice3A_3668 in 1 : vector<8x1xi32>, vector<8x1023xi32> -> vector<8x1024xi32>
    %slice3A_3670 = vector.extract_strided_slice %select_n3A_3652 {offsets = [0, 1], sizes = [8, 1023], strides = [1, 1]} : vector<8x1024xi32> to vector<8x1023xi32>
    %slice3A_3671 = vector.extract_strided_slice %select_n3A_3652 {offsets = [0, 0], sizes = [8, 1], strides = [1, 1]} : vector<8x1024xi32> to vector<8x1xi32>
    %concatenate3A_3672 = tpu.concatenate %slice3A_3670, %slice3A_3671 in 1 : vector<8x1023xi32>, vector<8x1xi32> -> vector<8x1024xi32>
    %select_n3A_3673 = arith.select %ne3A_3659, %concatenate3A_3669, %concatenate3A_3672 : vector<8x1024xi1>, vector<8x1024xi32>
    %not3A_3674 = arith.constant dense<true> : vector<8x1024xi1>
    %not3A_3675 = arith.xori %ne3A_3659, %not3A_3674 : vector<8x1024xi1>
    %gt3A_3676 = arith.cmpf ogt, %select_n3A_3651, %select_n3A_3666 : vector<8x1024xf32>
    %eq3A_3677 = arith.cmpf oeq, %select_n3A_3651, %select_n3A_3666 : vector<8x1024xf32>
    %lt3A_3678 = arith.cmpi slt, %select_n3A_3652, %select_n3A_3673 : vector<8x1024xi32>
    %and3A_3679 = arith.andi %eq3A_3677, %lt3A_3678 : vector<8x1024xi1>
    %or3A_3680 = arith.ori %gt3A_3676, %and3A_3679 : vector<8x1024xi1>
    %eq3A_3681 = arith.xori %or3A_3680, %not3A_3675 : vector<8x1024xi1>
    %eq3A_3682 = arith.constant dense<true> : vector<8x1024xi1>
    %eq3A_3683 = arith.xori %eq3A_3681, %eq3A_3682 : vector<8x1024xi1>
    %eq3A_3684 = arith.xori %eq3A_3683, %eq3A_3328 : vector<8x1024xi1>
    %eq3A_3685 = arith.constant dense<true> : vector<8x1024xi1>
    %eq3A_3686 = arith.xori %eq3A_3684, %eq3A_3685 : vector<8x1024xi1>
    %select_n3A_3687 = arith.select %eq3A_3686, %select_n3A_3651, %select_n3A_3666 : vector<8x1024xi1>, vector<8x1024xf32>
    %select_n3A_3688 = arith.select %eq3A_3686, %select_n3A_3652, %select_n3A_3673 : vector<8x1024xi1>, vector<8x1024xi32>
    %reshape3A_3689 = vector.shape_cast %select_n3A_3687 : vector<8x1024xf32> to vector<4x2x1024xf32>
    %reshape3A_3690 = vector.shape_cast %select_n3A_3688 : vector<8x1024xi32> to vector<4x2x1024xi32>
    %slice3A_3691 = vector.extract_strided_slice %reshape3A_3689 {offsets = [0, 0, 0], sizes = [4, 1, 1024], strides = [1, 1, 1]} : vector<4x2x1024xf32> to vector<4x1x1024xf32>
    %squeeze3A_3692 = vector.shape_cast %slice3A_3691 : vector<4x1x1024xf32> to vector<4x1024xf32>
    %slice3A_3693 = vector.extract_strided_slice %reshape3A_3689 {offsets = [0, 1, 0], sizes = [4, 1, 1024], strides = [1, 1, 1]} : vector<4x2x1024xf32> to vector<4x1x1024xf32>
    %squeeze3A_3694 = vector.shape_cast %slice3A_3693 : vector<4x1x1024xf32> to vector<4x1024xf32>
    %slice3A_3695 = vector.extract_strided_slice %reshape3A_3690 {offsets = [0, 0, 0], sizes = [4, 1, 1024], strides = [1, 1, 1]} : vector<4x2x1024xi32> to vector<4x1x1024xi32>
    %squeeze3A_3696 = vector.shape_cast %slice3A_3695 : vector<4x1x1024xi32> to vector<4x1024xi32>
    %slice3A_3697 = vector.extract_strided_slice %reshape3A_3690 {offsets = [0, 1, 0], sizes = [4, 1, 1024], strides = [1, 1, 1]} : vector<4x2x1024xi32> to vector<4x1x1024xi32>
    %squeeze3A_3698 = vector.shape_cast %slice3A_3697 : vector<4x1x1024xi32> to vector<4x1024xi32>
    %gt3A_3699 = arith.cmpf ogt, %squeeze3A_3692, %squeeze3A_3694 : vector<4x1024xf32>
    %eq3A_3700 = arith.cmpf oeq, %squeeze3A_3692, %squeeze3A_3694 : vector<4x1024xf32>
    %lt3A_3701 = arith.cmpi slt, %squeeze3A_3696, %squeeze3A_3698 : vector<4x1024xi32>
    %and3A_3702 = arith.andi %eq3A_3700, %lt3A_3701 : vector<4x1024xi1>
    %or3A_3703 = arith.ori %gt3A_3699, %and3A_3702 : vector<4x1024xi1>
    %select_n3A_3704 = arith.select %or3A_3703, %squeeze3A_3692, %squeeze3A_3694 : vector<4x1024xi1>, vector<4x1024xf32>
    %select_n3A_3705 = arith.select %or3A_3703, %squeeze3A_3696, %squeeze3A_3698 : vector<4x1024xi1>, vector<4x1024xi32>
    %iota3A_3706 = tpu.iota {dimensions = array<i32: 1>} : vector<4x1024xi32>
    %and3A_3707 = arith.constant 512 : i32
    %and3A_3708 = vector.broadcast %and3A_3707 : i32 to vector<4x1024xi32>
    %and3A_3709 = arith.andi %iota3A_3706, %and3A_3708 : vector<4x1024xi32>
    %ne3A_3710 = arith.constant 0 : i32
    %ne3A_3711 = vector.broadcast %ne3A_3710 : i32 to vector<4x1024xi32>
    %ne3A_3712 = arith.cmpi ne, %and3A_3709, %ne3A_3711 : vector<4x1024xi32>
    %slice3A_3713 = vector.extract_strided_slice %select_n3A_3704 {offsets = [0, 512], sizes = [4, 512], strides = [1, 1]} : vector<4x1024xf32> to vector<4x512xf32>
    %slice3A_3714 = vector.extract_strided_slice %select_n3A_3704 {offsets = [0, 0], sizes = [4, 512], strides = [1, 1]} : vector<4x1024xf32> to vector<4x512xf32>
    %concatenate3A_3715 = tpu.concatenate %slice3A_3713, %slice3A_3714 in 1 : vector<4x512xf32>, vector<4x512xf32> -> vector<4x1024xf32>
    %slice3A_3716 = vector.extract_strided_slice %select_n3A_3704 {offsets = [0, 512], sizes = [4, 512], strides = [1, 1]} : vector<4x1024xf32> to vector<4x512xf32>
    %slice3A_3717 = vector.extract_strided_slice %select_n3A_3704 {offsets = [0, 0], sizes = [4, 512], strides = [1, 1]} : vector<4x1024xf32> to vector<4x512xf32>
    %concatenate3A_3718 = tpu.concatenate %slice3A_3716, %slice3A_3717 in 1 : vector<4x512xf32>, vector<4x512xf32> -> vector<4x1024xf32>
    %select_n3A_3719 = arith.select %ne3A_3712, %concatenate3A_3715, %concatenate3A_3718 : vector<4x1024xi1>, vector<4x1024xf32>
    %slice3A_3720 = vector.extract_strided_slice %select_n3A_3705 {offsets = [0, 512], sizes = [4, 512], strides = [1, 1]} : vector<4x1024xi32> to vector<4x512xi32>
    %slice3A_3721 = vector.extract_strided_slice %select_n3A_3705 {offsets = [0, 0], sizes = [4, 512], strides = [1, 1]} : vector<4x1024xi32> to vector<4x512xi32>
    %concatenate3A_3722 = tpu.concatenate %slice3A_3720, %slice3A_3721 in 1 : vector<4x512xi32>, vector<4x512xi32> -> vector<4x1024xi32>
    %slice3A_3723 = vector.extract_strided_slice %select_n3A_3705 {offsets = [0, 512], sizes = [4, 512], strides = [1, 1]} : vector<4x1024xi32> to vector<4x512xi32>
    %slice3A_3724 = vector.extract_strided_slice %select_n3A_3705 {offsets = [0, 0], sizes = [4, 512], strides = [1, 1]} : vector<4x1024xi32> to vector<4x512xi32>
    %concatenate3A_3725 = tpu.concatenate %slice3A_3723, %slice3A_3724 in 1 : vector<4x512xi32>, vector<4x512xi32> -> vector<4x1024xi32>
    %select_n3A_3726 = arith.select %ne3A_3712, %concatenate3A_3722, %concatenate3A_3725 : vector<4x1024xi1>, vector<4x1024xi32>
    %not3A_3727 = arith.constant dense<true> : vector<4x1024xi1>
    %not3A_3728 = arith.xori %ne3A_3712, %not3A_3727 : vector<4x1024xi1>
    %gt3A_3729 = arith.cmpf ogt, %select_n3A_3704, %select_n3A_3719 : vector<4x1024xf32>
    %eq3A_3730 = arith.cmpf oeq, %select_n3A_3704, %select_n3A_3719 : vector<4x1024xf32>
    %lt3A_3731 = arith.cmpi slt, %select_n3A_3705, %select_n3A_3726 : vector<4x1024xi32>
    %and3A_3732 = arith.andi %eq3A_3730, %lt3A_3731 : vector<4x1024xi1>
    %or3A_3733 = arith.ori %gt3A_3729, %and3A_3732 : vector<4x1024xi1>
    %eq3A_3734 = arith.xori %or3A_3733, %not3A_3728 : vector<4x1024xi1>
    %eq3A_3735 = arith.constant dense<true> : vector<4x1024xi1>
    %eq3A_3736 = arith.xori %eq3A_3734, %eq3A_3735 : vector<4x1024xi1>
    %eq3A_3737 = arith.constant true
    %eq3A_3738 = vector.broadcast %eq3A_3737 : i1 to vector<4x1024xi1>
    %eq3A_3739 = vector.broadcast %eq3A_3738 : vector<4x1024xi1> to vector<4x1024xi1>
    %eq3A_3740 = arith.xori %eq3A_3736, %eq3A_3739 : vector<4x1024xi1>
    %eq3A_3741 = arith.constant dense<true> : vector<4x1024xi1>
    %eq3A_3742 = arith.xori %eq3A_3740, %eq3A_3741 : vector<4x1024xi1>
    %select_n3A_3743 = arith.select %eq3A_3742, %select_n3A_3704, %select_n3A_3719 : vector<4x1024xi1>, vector<4x1024xf32>
    %select_n3A_3744 = arith.select %eq3A_3742, %select_n3A_3705, %select_n3A_3726 : vector<4x1024xi1>, vector<4x1024xi32>
    %iota3A_3745 = tpu.iota {dimensions = array<i32: 1>} : vector<4x1024xi32>
    %and3A_3746 = arith.constant 256 : i32
    %and3A_3747 = vector.broadcast %and3A_3746 : i32 to vector<4x1024xi32>
    %and3A_3748 = arith.andi %iota3A_3745, %and3A_3747 : vector<4x1024xi32>
    %ne3A_3749 = arith.constant 0 : i32
    %ne3A_3750 = vector.broadcast %ne3A_3749 : i32 to vector<4x1024xi32>
    %ne3A_3751 = arith.cmpi ne, %and3A_3748, %ne3A_3750 : vector<4x1024xi32>
    %slice3A_3752 = vector.extract_strided_slice %select_n3A_3743 {offsets = [0, 768], sizes = [4, 256], strides = [1, 1]} : vector<4x1024xf32> to vector<4x256xf32>
    %slice3A_3753 = vector.extract_strided_slice %select_n3A_3743 {offsets = [0, 0], sizes = [4, 768], strides = [1, 1]} : vector<4x1024xf32> to vector<4x768xf32>
    %concatenate3A_3754 = tpu.concatenate %slice3A_3752, %slice3A_3753 in 1 : vector<4x256xf32>, vector<4x768xf32> -> vector<4x1024xf32>
    %slice3A_3755 = vector.extract_strided_slice %select_n3A_3743 {offsets = [0, 256], sizes = [4, 768], strides = [1, 1]} : vector<4x1024xf32> to vector<4x768xf32>
    %slice3A_3756 = vector.extract_strided_slice %select_n3A_3743 {offsets = [0, 0], sizes = [4, 256], strides = [1, 1]} : vector<4x1024xf32> to vector<4x256xf32>
    %concatenate3A_3757 = tpu.concatenate %slice3A_3755, %slice3A_3756 in 1 : vector<4x768xf32>, vector<4x256xf32> -> vector<4x1024xf32>
    %select_n3A_3758 = arith.select %ne3A_3751, %concatenate3A_3754, %concatenate3A_3757 : vector<4x1024xi1>, vector<4x1024xf32>
    %slice3A_3759 = vector.extract_strided_slice %select_n3A_3744 {offsets = [0, 768], sizes = [4, 256], strides = [1, 1]} : vector<4x1024xi32> to vector<4x256xi32>
    %slice3A_3760 = vector.extract_strided_slice %select_n3A_3744 {offsets = [0, 0], sizes = [4, 768], strides = [1, 1]} : vector<4x1024xi32> to vector<4x768xi32>
    %concatenate3A_3761 = tpu.concatenate %slice3A_3759, %slice3A_3760 in 1 : vector<4x256xi32>, vector<4x768xi32> -> vector<4x1024xi32>
    %slice3A_3762 = vector.extract_strided_slice %select_n3A_3744 {offsets = [0, 256], sizes = [4, 768], strides = [1, 1]} : vector<4x1024xi32> to vector<4x768xi32>
    %slice3A_3763 = vector.extract_strided_slice %select_n3A_3744 {offsets = [0, 0], sizes = [4, 256], strides = [1, 1]} : vector<4x1024xi32> to vector<4x256xi32>
    %concatenate3A_3764 = tpu.concatenate %slice3A_3762, %slice3A_3763 in 1 : vector<4x768xi32>, vector<4x256xi32> -> vector<4x1024xi32>
    %select_n3A_3765 = arith.select %ne3A_3751, %concatenate3A_3761, %concatenate3A_3764 : vector<4x1024xi1>, vector<4x1024xi32>
    %not3A_3766 = arith.constant dense<true> : vector<4x1024xi1>
    %not3A_3767 = arith.xori %ne3A_3751, %not3A_3766 : vector<4x1024xi1>
    %gt3A_3768 = arith.cmpf ogt, %select_n3A_3743, %select_n3A_3758 : vector<4x1024xf32>
    %eq3A_3769 = arith.cmpf oeq, %select_n3A_3743, %select_n3A_3758 : vector<4x1024xf32>
    %lt3A_3770 = arith.cmpi slt, %select_n3A_3744, %select_n3A_3765 : vector<4x1024xi32>
    %and3A_3771 = arith.andi %eq3A_3769, %lt3A_3770 : vector<4x1024xi1>
    %or3A_3772 = arith.ori %gt3A_3768, %and3A_3771 : vector<4x1024xi1>
    %eq3A_3773 = arith.xori %or3A_3772, %not3A_3767 : vector<4x1024xi1>
    %eq3A_3774 = arith.constant dense<true> : vector<4x1024xi1>
    %eq3A_3775 = arith.xori %eq3A_3773, %eq3A_3774 : vector<4x1024xi1>
    %eq3A_3776 = arith.constant true
    %eq3A_3777 = vector.broadcast %eq3A_3776 : i1 to vector<4x1024xi1>
    %eq3A_3778 = vector.broadcast %eq3A_3777 : vector<4x1024xi1> to vector<4x1024xi1>
    %eq3A_3779 = arith.xori %eq3A_3775, %eq3A_3778 : vector<4x1024xi1>
    %eq3A_3780 = arith.constant dense<true> : vector<4x1024xi1>
    %eq3A_3781 = arith.xori %eq3A_3779, %eq3A_3780 : vector<4x1024xi1>
    %select_n3A_3782 = arith.select %eq3A_3781, %select_n3A_3743, %select_n3A_3758 : vector<4x1024xi1>, vector<4x1024xf32>
    %select_n3A_3783 = arith.select %eq3A_3781, %select_n3A_3744, %select_n3A_3765 : vector<4x1024xi1>, vector<4x1024xi32>
    %iota3A_3784 = tpu.iota {dimensions = array<i32: 1>} : vector<4x1024xi32>
    %and3A_3785 = arith.constant 128 : i32
    %and3A_3786 = vector.broadcast %and3A_3785 : i32 to vector<4x1024xi32>
    %and3A_3787 = arith.andi %iota3A_3784, %and3A_3786 : vector<4x1024xi32>
    %ne3A_3788 = arith.constant 0 : i32
    %ne3A_3789 = vector.broadcast %ne3A_3788 : i32 to vector<4x1024xi32>
    %ne3A_3790 = arith.cmpi ne, %and3A_3787, %ne3A_3789 : vector<4x1024xi32>
    %slice3A_3791 = vector.extract_strided_slice %select_n3A_3782 {offsets = [0, 896], sizes = [4, 128], strides = [1, 1]} : vector<4x1024xf32> to vector<4x128xf32>
    %slice3A_3792 = vector.extract_strided_slice %select_n3A_3782 {offsets = [0, 0], sizes = [4, 896], strides = [1, 1]} : vector<4x1024xf32> to vector<4x896xf32>
    %concatenate3A_3793 = tpu.concatenate %slice3A_3791, %slice3A_3792 in 1 : vector<4x128xf32>, vector<4x896xf32> -> vector<4x1024xf32>
    %slice3A_3794 = vector.extract_strided_slice %select_n3A_3782 {offsets = [0, 128], sizes = [4, 896], strides = [1, 1]} : vector<4x1024xf32> to vector<4x896xf32>
    %slice3A_3795 = vector.extract_strided_slice %select_n3A_3782 {offsets = [0, 0], sizes = [4, 128], strides = [1, 1]} : vector<4x1024xf32> to vector<4x128xf32>
    %concatenate3A_3796 = tpu.concatenate %slice3A_3794, %slice3A_3795 in 1 : vector<4x896xf32>, vector<4x128xf32> -> vector<4x1024xf32>
    %select_n3A_3797 = arith.select %ne3A_3790, %concatenate3A_3793, %concatenate3A_3796 : vector<4x1024xi1>, vector<4x1024xf32>
    %slice3A_3798 = vector.extract_strided_slice %select_n3A_3783 {offsets = [0, 896], sizes = [4, 128], strides = [1, 1]} : vector<4x1024xi32> to vector<4x128xi32>
    %slice3A_3799 = vector.extract_strided_slice %select_n3A_3783 {offsets = [0, 0], sizes = [4, 896], strides = [1, 1]} : vector<4x1024xi32> to vector<4x896xi32>
    %concatenate3A_3800 = tpu.concatenate %slice3A_3798, %slice3A_3799 in 1 : vector<4x128xi32>, vector<4x896xi32> -> vector<4x1024xi32>
    %slice3A_3801 = vector.extract_strided_slice %select_n3A_3783 {offsets = [0, 128], sizes = [4, 896], strides = [1, 1]} : vector<4x1024xi32> to vector<4x896xi32>
    %slice3A_3802 = vector.extract_strided_slice %select_n3A_3783 {offsets = [0, 0], sizes = [4, 128], strides = [1, 1]} : vector<4x1024xi32> to vector<4x128xi32>
    %concatenate3A_3803 = tpu.concatenate %slice3A_3801, %slice3A_3802 in 1 : vector<4x896xi32>, vector<4x128xi32> -> vector<4x1024xi32>
    %select_n3A_3804 = arith.select %ne3A_3790, %concatenate3A_3800, %concatenate3A_3803 : vector<4x1024xi1>, vector<4x1024xi32>
    %not3A_3805 = arith.constant dense<true> : vector<4x1024xi1>
    %not3A_3806 = arith.xori %ne3A_3790, %not3A_3805 : vector<4x1024xi1>
    %gt3A_3807 = arith.cmpf ogt, %select_n3A_3782, %select_n3A_3797 : vector<4x1024xf32>
    %eq3A_3808 = arith.cmpf oeq, %select_n3A_3782, %select_n3A_3797 : vector<4x1024xf32>
    %lt3A_3809 = arith.cmpi slt, %select_n3A_3783, %select_n3A_3804 : vector<4x1024xi32>
    %and3A_3810 = arith.andi %eq3A_3808, %lt3A_3809 : vector<4x1024xi1>
    %or3A_3811 = arith.ori %gt3A_3807, %and3A_3810 : vector<4x1024xi1>
    %eq3A_3812 = arith.xori %or3A_3811, %not3A_3806 : vector<4x1024xi1>
    %eq3A_3813 = arith.constant dense<true> : vector<4x1024xi1>
    %eq3A_3814 = arith.xori %eq3A_3812, %eq3A_3813 : vector<4x1024xi1>
    %eq3A_3815 = arith.constant true
    %eq3A_3816 = vector.broadcast %eq3A_3815 : i1 to vector<4x1024xi1>
    %eq3A_3817 = vector.broadcast %eq3A_3816 : vector<4x1024xi1> to vector<4x1024xi1>
    %eq3A_3818 = arith.xori %eq3A_3814, %eq3A_3817 : vector<4x1024xi1>
    %eq3A_3819 = arith.constant dense<true> : vector<4x1024xi1>
    %eq3A_3820 = arith.xori %eq3A_3818, %eq3A_3819 : vector<4x1024xi1>
    %select_n3A_3821 = arith.select %eq3A_3820, %select_n3A_3782, %select_n3A_3797 : vector<4x1024xi1>, vector<4x1024xf32>
    %select_n3A_3822 = arith.select %eq3A_3820, %select_n3A_3783, %select_n3A_3804 : vector<4x1024xi1>, vector<4x1024xi32>
    %iota3A_3823 = tpu.iota {dimensions = array<i32: 1>} : vector<4x1024xi32>
    %and3A_3824 = arith.constant 64 : i32
    %and3A_3825 = vector.broadcast %and3A_3824 : i32 to vector<4x1024xi32>
    %and3A_3826 = arith.andi %iota3A_3823, %and3A_3825 : vector<4x1024xi32>
    %ne3A_3827 = arith.constant 0 : i32
    %ne3A_3828 = vector.broadcast %ne3A_3827 : i32 to vector<4x1024xi32>
    %ne3A_3829 = arith.cmpi ne, %and3A_3826, %ne3A_3828 : vector<4x1024xi32>
    %slice3A_3830 = vector.extract_strided_slice %select_n3A_3821 {offsets = [0, 960], sizes = [4, 64], strides = [1, 1]} : vector<4x1024xf32> to vector<4x64xf32>
    %slice3A_3831 = vector.extract_strided_slice %select_n3A_3821 {offsets = [0, 0], sizes = [4, 960], strides = [1, 1]} : vector<4x1024xf32> to vector<4x960xf32>
    %concatenate3A_3832 = tpu.concatenate %slice3A_3830, %slice3A_3831 in 1 : vector<4x64xf32>, vector<4x960xf32> -> vector<4x1024xf32>
    %slice3A_3833 = vector.extract_strided_slice %select_n3A_3821 {offsets = [0, 64], sizes = [4, 960], strides = [1, 1]} : vector<4x1024xf32> to vector<4x960xf32>
    %slice3A_3834 = vector.extract_strided_slice %select_n3A_3821 {offsets = [0, 0], sizes = [4, 64], strides = [1, 1]} : vector<4x1024xf32> to vector<4x64xf32>
    %concatenate3A_3835 = tpu.concatenate %slice3A_3833, %slice3A_3834 in 1 : vector<4x960xf32>, vector<4x64xf32> -> vector<4x1024xf32>
    %select_n3A_3836 = arith.select %ne3A_3829, %concatenate3A_3832, %concatenate3A_3835 : vector<4x1024xi1>, vector<4x1024xf32>
    %slice3A_3837 = vector.extract_strided_slice %select_n3A_3822 {offsets = [0, 960], sizes = [4, 64], strides = [1, 1]} : vector<4x1024xi32> to vector<4x64xi32>
    %slice3A_3838 = vector.extract_strided_slice %select_n3A_3822 {offsets = [0, 0], sizes = [4, 960], strides = [1, 1]} : vector<4x1024xi32> to vector<4x960xi32>
    %concatenate3A_3839 = tpu.concatenate %slice3A_3837, %slice3A_3838 in 1 : vector<4x64xi32>, vector<4x960xi32> -> vector<4x1024xi32>
    %slice3A_3840 = vector.extract_strided_slice %select_n3A_3822 {offsets = [0, 64], sizes = [4, 960], strides = [1, 1]} : vector<4x1024xi32> to vector<4x960xi32>
    %slice3A_3841 = vector.extract_strided_slice %select_n3A_3822 {offsets = [0, 0], sizes = [4, 64], strides = [1, 1]} : vector<4x1024xi32> to vector<4x64xi32>
    %concatenate3A_3842 = tpu.concatenate %slice3A_3840, %slice3A_3841 in 1 : vector<4x960xi32>, vector<4x64xi32> -> vector<4x1024xi32>
    %select_n3A_3843 = arith.select %ne3A_3829, %concatenate3A_3839, %concatenate3A_3842 : vector<4x1024xi1>, vector<4x1024xi32>
    %not3A_3844 = arith.constant dense<true> : vector<4x1024xi1>
    %not3A_3845 = arith.xori %ne3A_3829, %not3A_3844 : vector<4x1024xi1>
    %gt3A_3846 = arith.cmpf ogt, %select_n3A_3821, %select_n3A_3836 : vector<4x1024xf32>
    %eq3A_3847 = arith.cmpf oeq, %select_n3A_3821, %select_n3A_3836 : vector<4x1024xf32>
    %lt3A_3848 = arith.cmpi slt, %select_n3A_3822, %select_n3A_3843 : vector<4x1024xi32>
    %and3A_3849 = arith.andi %eq3A_3847, %lt3A_3848 : vector<4x1024xi1>
    %or3A_3850 = arith.ori %gt3A_3846, %and3A_3849 : vector<4x1024xi1>
    %eq3A_3851 = arith.xori %or3A_3850, %not3A_3845 : vector<4x1024xi1>
    %eq3A_3852 = arith.constant dense<true> : vector<4x1024xi1>
    %eq3A_3853 = arith.xori %eq3A_3851, %eq3A_3852 : vector<4x1024xi1>
    %eq3A_3854 = arith.constant true
    %eq3A_3855 = vector.broadcast %eq3A_3854 : i1 to vector<4x1024xi1>
    %eq3A_3856 = vector.broadcast %eq3A_3855 : vector<4x1024xi1> to vector<4x1024xi1>
    %eq3A_3857 = arith.xori %eq3A_3853, %eq3A_3856 : vector<4x1024xi1>
    %eq3A_3858 = arith.constant dense<true> : vector<4x1024xi1>
    %eq3A_3859 = arith.xori %eq3A_3857, %eq3A_3858 : vector<4x1024xi1>
    %select_n3A_3860 = arith.select %eq3A_3859, %select_n3A_3821, %select_n3A_3836 : vector<4x1024xi1>, vector<4x1024xf32>
    %select_n3A_3861 = arith.select %eq3A_3859, %select_n3A_3822, %select_n3A_3843 : vector<4x1024xi1>, vector<4x1024xi32>
    %iota3A_3862 = tpu.iota {dimensions = array<i32: 1>} : vector<4x1024xi32>
    %and3A_3863 = arith.constant 32 : i32
    %and3A_3864 = vector.broadcast %and3A_3863 : i32 to vector<4x1024xi32>
    %and3A_3865 = arith.andi %iota3A_3862, %and3A_3864 : vector<4x1024xi32>
    %ne3A_3866 = arith.constant 0 : i32
    %ne3A_3867 = vector.broadcast %ne3A_3866 : i32 to vector<4x1024xi32>
    %ne3A_3868 = arith.cmpi ne, %and3A_3865, %ne3A_3867 : vector<4x1024xi32>
    %slice3A_3869 = vector.extract_strided_slice %select_n3A_3860 {offsets = [0, 992], sizes = [4, 32], strides = [1, 1]} : vector<4x1024xf32> to vector<4x32xf32>
    %slice3A_3870 = vector.extract_strided_slice %select_n3A_3860 {offsets = [0, 0], sizes = [4, 992], strides = [1, 1]} : vector<4x1024xf32> to vector<4x992xf32>
    %concatenate3A_3871 = tpu.concatenate %slice3A_3869, %slice3A_3870 in 1 : vector<4x32xf32>, vector<4x992xf32> -> vector<4x1024xf32>
    %slice3A_3872 = vector.extract_strided_slice %select_n3A_3860 {offsets = [0, 32], sizes = [4, 992], strides = [1, 1]} : vector<4x1024xf32> to vector<4x992xf32>
    %slice3A_3873 = vector.extract_strided_slice %select_n3A_3860 {offsets = [0, 0], sizes = [4, 32], strides = [1, 1]} : vector<4x1024xf32> to vector<4x32xf32>
    %concatenate3A_3874 = tpu.concatenate %slice3A_3872, %slice3A_3873 in 1 : vector<4x992xf32>, vector<4x32xf32> -> vector<4x1024xf32>
    %select_n3A_3875 = arith.select %ne3A_3868, %concatenate3A_3871, %concatenate3A_3874 : vector<4x1024xi1>, vector<4x1024xf32>
    %slice3A_3876 = vector.extract_strided_slice %select_n3A_3861 {offsets = [0, 992], sizes = [4, 32], strides = [1, 1]} : vector<4x1024xi32> to vector<4x32xi32>
    %slice3A_3877 = vector.extract_strided_slice %select_n3A_3861 {offsets = [0, 0], sizes = [4, 992], strides = [1, 1]} : vector<4x1024xi32> to vector<4x992xi32>
    %concatenate3A_3878 = tpu.concatenate %slice3A_3876, %slice3A_3877 in 1 : vector<4x32xi32>, vector<4x992xi32> -> vector<4x1024xi32>
    %slice3A_3879 = vector.extract_strided_slice %select_n3A_3861 {offsets = [0, 32], sizes = [4, 992], strides = [1, 1]} : vector<4x1024xi32> to vector<4x992xi32>
    %slice3A_3880 = vector.extract_strided_slice %select_n3A_3861 {offsets = [0, 0], sizes = [4, 32], strides = [1, 1]} : vector<4x1024xi32> to vector<4x32xi32>
    %concatenate3A_3881 = tpu.concatenate %slice3A_3879, %slice3A_3880 in 1 : vector<4x992xi32>, vector<4x32xi32> -> vector<4x1024xi32>
    %select_n3A_3882 = arith.select %ne3A_3868, %concatenate3A_3878, %concatenate3A_3881 : vector<4x1024xi1>, vector<4x1024xi32>
    %not3A_3883 = arith.constant dense<true> : vector<4x1024xi1>
    %not3A_3884 = arith.xori %ne3A_3868, %not3A_3883 : vector<4x1024xi1>
    %gt3A_3885 = arith.cmpf ogt, %select_n3A_3860, %select_n3A_3875 : vector<4x1024xf32>
    %eq3A_3886 = arith.cmpf oeq, %select_n3A_3860, %select_n3A_3875 : vector<4x1024xf32>
    %lt3A_3887 = arith.cmpi slt, %select_n3A_3861, %select_n3A_3882 : vector<4x1024xi32>
    %and3A_3888 = arith.andi %eq3A_3886, %lt3A_3887 : vector<4x1024xi1>
    %or3A_3889 = arith.ori %gt3A_3885, %and3A_3888 : vector<4x1024xi1>
    %eq3A_3890 = arith.xori %or3A_3889, %not3A_3884 : vector<4x1024xi1>
    %eq3A_3891 = arith.constant dense<true> : vector<4x1024xi1>
    %eq3A_3892 = arith.xori %eq3A_3890, %eq3A_3891 : vector<4x1024xi1>
    %eq3A_3893 = arith.constant true
    %eq3A_3894 = vector.broadcast %eq3A_3893 : i1 to vector<4x1024xi1>
    %eq3A_3895 = vector.broadcast %eq3A_3894 : vector<4x1024xi1> to vector<4x1024xi1>
    %eq3A_3896 = arith.xori %eq3A_3892, %eq3A_3895 : vector<4x1024xi1>
    %eq3A_3897 = arith.constant dense<true> : vector<4x1024xi1>
    %eq3A_3898 = arith.xori %eq3A_3896, %eq3A_3897 : vector<4x1024xi1>
    %select_n3A_3899 = arith.select %eq3A_3898, %select_n3A_3860, %select_n3A_3875 : vector<4x1024xi1>, vector<4x1024xf32>
    %select_n3A_3900 = arith.select %eq3A_3898, %select_n3A_3861, %select_n3A_3882 : vector<4x1024xi1>, vector<4x1024xi32>
    %iota3A_3901 = tpu.iota {dimensions = array<i32: 1>} : vector<4x1024xi32>
    %and3A_3902 = arith.constant 16 : i32
    %and3A_3903 = vector.broadcast %and3A_3902 : i32 to vector<4x1024xi32>
    %and3A_3904 = arith.andi %iota3A_3901, %and3A_3903 : vector<4x1024xi32>
    %ne3A_3905 = arith.constant 0 : i32
    %ne3A_3906 = vector.broadcast %ne3A_3905 : i32 to vector<4x1024xi32>
    %ne3A_3907 = arith.cmpi ne, %and3A_3904, %ne3A_3906 : vector<4x1024xi32>
    %slice3A_3908 = vector.extract_strided_slice %select_n3A_3899 {offsets = [0, 1008], sizes = [4, 16], strides = [1, 1]} : vector<4x1024xf32> to vector<4x16xf32>
    %slice3A_3909 = vector.extract_strided_slice %select_n3A_3899 {offsets = [0, 0], sizes = [4, 1008], strides = [1, 1]} : vector<4x1024xf32> to vector<4x1008xf32>
    %concatenate3A_3910 = tpu.concatenate %slice3A_3908, %slice3A_3909 in 1 : vector<4x16xf32>, vector<4x1008xf32> -> vector<4x1024xf32>
    %slice3A_3911 = vector.extract_strided_slice %select_n3A_3899 {offsets = [0, 16], sizes = [4, 1008], strides = [1, 1]} : vector<4x1024xf32> to vector<4x1008xf32>
    %slice3A_3912 = vector.extract_strided_slice %select_n3A_3899 {offsets = [0, 0], sizes = [4, 16], strides = [1, 1]} : vector<4x1024xf32> to vector<4x16xf32>
    %concatenate3A_3913 = tpu.concatenate %slice3A_3911, %slice3A_3912 in 1 : vector<4x1008xf32>, vector<4x16xf32> -> vector<4x1024xf32>
    %select_n3A_3914 = arith.select %ne3A_3907, %concatenate3A_3910, %concatenate3A_3913 : vector<4x1024xi1>, vector<4x1024xf32>
    %slice3A_3915 = vector.extract_strided_slice %select_n3A_3900 {offsets = [0, 1008], sizes = [4, 16], strides = [1, 1]} : vector<4x1024xi32> to vector<4x16xi32>
    %slice3A_3916 = vector.extract_strided_slice %select_n3A_3900 {offsets = [0, 0], sizes = [4, 1008], strides = [1, 1]} : vector<4x1024xi32> to vector<4x1008xi32>
    %concatenate3A_3917 = tpu.concatenate %slice3A_3915, %slice3A_3916 in 1 : vector<4x16xi32>, vector<4x1008xi32> -> vector<4x1024xi32>
    %slice3A_3918 = vector.extract_strided_slice %select_n3A_3900 {offsets = [0, 16], sizes = [4, 1008], strides = [1, 1]} : vector<4x1024xi32> to vector<4x1008xi32>
    %slice3A_3919 = vector.extract_strided_slice %select_n3A_3900 {offsets = [0, 0], sizes = [4, 16], strides = [1, 1]} : vector<4x1024xi32> to vector<4x16xi32>
    %concatenate3A_3920 = tpu.concatenate %slice3A_3918, %slice3A_3919 in 1 : vector<4x1008xi32>, vector<4x16xi32> -> vector<4x1024xi32>
    %select_n3A_3921 = arith.select %ne3A_3907, %concatenate3A_3917, %concatenate3A_3920 : vector<4x1024xi1>, vector<4x1024xi32>
    %not3A_3922 = arith.constant dense<true> : vector<4x1024xi1>
    %not3A_3923 = arith.xori %ne3A_3907, %not3A_3922 : vector<4x1024xi1>
    %gt3A_3924 = arith.cmpf ogt, %select_n3A_3899, %select_n3A_3914 : vector<4x1024xf32>
    %eq3A_3925 = arith.cmpf oeq, %select_n3A_3899, %select_n3A_3914 : vector<4x1024xf32>
    %lt3A_3926 = arith.cmpi slt, %select_n3A_3900, %select_n3A_3921 : vector<4x1024xi32>
    %and3A_3927 = arith.andi %eq3A_3925, %lt3A_3926 : vector<4x1024xi1>
    %or3A_3928 = arith.ori %gt3A_3924, %and3A_3927 : vector<4x1024xi1>
    %eq3A_3929 = arith.xori %or3A_3928, %not3A_3923 : vector<4x1024xi1>
    %eq3A_3930 = arith.constant dense<true> : vector<4x1024xi1>
    %eq3A_3931 = arith.xori %eq3A_3929, %eq3A_3930 : vector<4x1024xi1>
    %eq3A_3932 = arith.constant true
    %eq3A_3933 = vector.broadcast %eq3A_3932 : i1 to vector<4x1024xi1>
    %eq3A_3934 = vector.broadcast %eq3A_3933 : vector<4x1024xi1> to vector<4x1024xi1>
    %eq3A_3935 = arith.xori %eq3A_3931, %eq3A_3934 : vector<4x1024xi1>
    %eq3A_3936 = arith.constant dense<true> : vector<4x1024xi1>
    %eq3A_3937 = arith.xori %eq3A_3935, %eq3A_3936 : vector<4x1024xi1>
    %select_n3A_3938 = arith.select %eq3A_3937, %select_n3A_3899, %select_n3A_3914 : vector<4x1024xi1>, vector<4x1024xf32>
    %select_n3A_3939 = arith.select %eq3A_3937, %select_n3A_3900, %select_n3A_3921 : vector<4x1024xi1>, vector<4x1024xi32>
    %iota3A_3940 = tpu.iota {dimensions = array<i32: 1>} : vector<4x1024xi32>
    %and3A_3941 = arith.constant 8 : i32
    %and3A_3942 = vector.broadcast %and3A_3941 : i32 to vector<4x1024xi32>
    %and3A_3943 = arith.andi %iota3A_3940, %and3A_3942 : vector<4x1024xi32>
    %ne3A_3944 = arith.constant 0 : i32
    %ne3A_3945 = vector.broadcast %ne3A_3944 : i32 to vector<4x1024xi32>
    %ne3A_3946 = arith.cmpi ne, %and3A_3943, %ne3A_3945 : vector<4x1024xi32>
    %slice3A_3947 = vector.extract_strided_slice %select_n3A_3938 {offsets = [0, 1016], sizes = [4, 8], strides = [1, 1]} : vector<4x1024xf32> to vector<4x8xf32>
    %slice3A_3948 = vector.extract_strided_slice %select_n3A_3938 {offsets = [0, 0], sizes = [4, 1016], strides = [1, 1]} : vector<4x1024xf32> to vector<4x1016xf32>
    %concatenate3A_3949 = tpu.concatenate %slice3A_3947, %slice3A_3948 in 1 : vector<4x8xf32>, vector<4x1016xf32> -> vector<4x1024xf32>
    %slice3A_3950 = vector.extract_strided_slice %select_n3A_3938 {offsets = [0, 8], sizes = [4, 1016], strides = [1, 1]} : vector<4x1024xf32> to vector<4x1016xf32>
    %slice3A_3951 = vector.extract_strided_slice %select_n3A_3938 {offsets = [0, 0], sizes = [4, 8], strides = [1, 1]} : vector<4x1024xf32> to vector<4x8xf32>
    %concatenate3A_3952 = tpu.concatenate %slice3A_3950, %slice3A_3951 in 1 : vector<4x1016xf32>, vector<4x8xf32> -> vector<4x1024xf32>
    %select_n3A_3953 = arith.select %ne3A_3946, %concatenate3A_3949, %concatenate3A_3952 : vector<4x1024xi1>, vector<4x1024xf32>
    %slice3A_3954 = vector.extract_strided_slice %select_n3A_3939 {offsets = [0, 1016], sizes = [4, 8], strides = [1, 1]} : vector<4x1024xi32> to vector<4x8xi32>
    %slice3A_3955 = vector.extract_strided_slice %select_n3A_3939 {offsets = [0, 0], sizes = [4, 1016], strides = [1, 1]} : vector<4x1024xi32> to vector<4x1016xi32>
    %concatenate3A_3956 = tpu.concatenate %slice3A_3954, %slice3A_3955 in 1 : vector<4x8xi32>, vector<4x1016xi32> -> vector<4x1024xi32>
    %slice3A_3957 = vector.extract_strided_slice %select_n3A_3939 {offsets = [0, 8], sizes = [4, 1016], strides = [1, 1]} : vector<4x1024xi32> to vector<4x1016xi32>
    %slice3A_3958 = vector.extract_strided_slice %select_n3A_3939 {offsets = [0, 0], sizes = [4, 8], strides = [1, 1]} : vector<4x1024xi32> to vector<4x8xi32>
    %concatenate3A_3959 = tpu.concatenate %slice3A_3957, %slice3A_3958 in 1 : vector<4x1016xi32>, vector<4x8xi32> -> vector<4x1024xi32>
    %select_n3A_3960 = arith.select %ne3A_3946, %concatenate3A_3956, %concatenate3A_3959 : vector<4x1024xi1>, vector<4x1024xi32>
    %not3A_3961 = arith.constant dense<true> : vector<4x1024xi1>
    %not3A_3962 = arith.xori %ne3A_3946, %not3A_3961 : vector<4x1024xi1>
    %gt3A_3963 = arith.cmpf ogt, %select_n3A_3938, %select_n3A_3953 : vector<4x1024xf32>
    %eq3A_3964 = arith.cmpf oeq, %select_n3A_3938, %select_n3A_3953 : vector<4x1024xf32>
    %lt3A_3965 = arith.cmpi slt, %select_n3A_3939, %select_n3A_3960 : vector<4x1024xi32>
    %and3A_3966 = arith.andi %eq3A_3964, %lt3A_3965 : vector<4x1024xi1>
    %or3A_3967 = arith.ori %gt3A_3963, %and3A_3966 : vector<4x1024xi1>
    %eq3A_3968 = arith.xori %or3A_3967, %not3A_3962 : vector<4x1024xi1>
    %eq3A_3969 = arith.constant dense<true> : vector<4x1024xi1>
    %eq3A_3970 = arith.xori %eq3A_3968, %eq3A_3969 : vector<4x1024xi1>
    %eq3A_3971 = arith.constant true
    %eq3A_3972 = vector.broadcast %eq3A_3971 : i1 to vector<4x1024xi1>
    %eq3A_3973 = vector.broadcast %eq3A_3972 : vector<4x1024xi1> to vector<4x1024xi1>
    %eq3A_3974 = arith.xori %eq3A_3970, %eq3A_3973 : vector<4x1024xi1>
    %eq3A_3975 = arith.constant dense<true> : vector<4x1024xi1>
    %eq3A_3976 = arith.xori %eq3A_3974, %eq3A_3975 : vector<4x1024xi1>
    %select_n3A_3977 = arith.select %eq3A_3976, %select_n3A_3938, %select_n3A_3953 : vector<4x1024xi1>, vector<4x1024xf32>
    %select_n3A_3978 = arith.select %eq3A_3976, %select_n3A_3939, %select_n3A_3960 : vector<4x1024xi1>, vector<4x1024xi32>
    %iota3A_3979 = tpu.iota {dimensions = array<i32: 1>} : vector<4x1024xi32>
    %and3A_3980 = arith.constant 4 : i32
    %and3A_3981 = vector.broadcast %and3A_3980 : i32 to vector<4x1024xi32>
    %and3A_3982 = arith.andi %iota3A_3979, %and3A_3981 : vector<4x1024xi32>
    %ne3A_3983 = arith.constant 0 : i32
    %ne3A_3984 = vector.broadcast %ne3A_3983 : i32 to vector<4x1024xi32>
    %ne3A_3985 = arith.cmpi ne, %and3A_3982, %ne3A_3984 : vector<4x1024xi32>
    %slice3A_3986 = vector.extract_strided_slice %select_n3A_3977 {offsets = [0, 1020], sizes = [4, 4], strides = [1, 1]} : vector<4x1024xf32> to vector<4x4xf32>
    %slice3A_3987 = vector.extract_strided_slice %select_n3A_3977 {offsets = [0, 0], sizes = [4, 1020], strides = [1, 1]} : vector<4x1024xf32> to vector<4x1020xf32>
    %concatenate3A_3988 = tpu.concatenate %slice3A_3986, %slice3A_3987 in 1 : vector<4x4xf32>, vector<4x1020xf32> -> vector<4x1024xf32>
    %slice3A_3989 = vector.extract_strided_slice %select_n3A_3977 {offsets = [0, 4], sizes = [4, 1020], strides = [1, 1]} : vector<4x1024xf32> to vector<4x1020xf32>
    %slice3A_3990 = vector.extract_strided_slice %select_n3A_3977 {offsets = [0, 0], sizes = [4, 4], strides = [1, 1]} : vector<4x1024xf32> to vector<4x4xf32>
    %concatenate3A_3991 = tpu.concatenate %slice3A_3989, %slice3A_3990 in 1 : vector<4x1020xf32>, vector<4x4xf32> -> vector<4x1024xf32>
    %select_n3A_3992 = arith.select %ne3A_3985, %concatenate3A_3988, %concatenate3A_3991 : vector<4x1024xi1>, vector<4x1024xf32>
    %slice3A_3993 = vector.extract_strided_slice %select_n3A_3978 {offsets = [0, 1020], sizes = [4, 4], strides = [1, 1]} : vector<4x1024xi32> to vector<4x4xi32>
    %slice3A_3994 = vector.extract_strided_slice %select_n3A_3978 {offsets = [0, 0], sizes = [4, 1020], strides = [1, 1]} : vector<4x1024xi32> to vector<4x1020xi32>
    %concatenate3A_3995 = tpu.concatenate %slice3A_3993, %slice3A_3994 in 1 : vector<4x4xi32>, vector<4x1020xi32> -> vector<4x1024xi32>
    %slice3A_3996 = vector.extract_strided_slice %select_n3A_3978 {offsets = [0, 4], sizes = [4, 1020], strides = [1, 1]} : vector<4x1024xi32> to vector<4x1020xi32>
    %slice3A_3997 = vector.extract_strided_slice %select_n3A_3978 {offsets = [0, 0], sizes = [4, 4], strides = [1, 1]} : vector<4x1024xi32> to vector<4x4xi32>
    %concatenate3A_3998 = tpu.concatenate %slice3A_3996, %slice3A_3997 in 1 : vector<4x1020xi32>, vector<4x4xi32> -> vector<4x1024xi32>
    %select_n3A_3999 = arith.select %ne3A_3985, %concatenate3A_3995, %concatenate3A_3998 : vector<4x1024xi1>, vector<4x1024xi32>
    %not3A_4000 = arith.constant dense<true> : vector<4x1024xi1>
    %not3A_4001 = arith.xori %ne3A_3985, %not3A_4000 : vector<4x1024xi1>
    %gt3A_4002 = arith.cmpf ogt, %select_n3A_3977, %select_n3A_3992 : vector<4x1024xf32>
    %eq3A_4003 = arith.cmpf oeq, %select_n3A_3977, %select_n3A_3992 : vector<4x1024xf32>
    %lt3A_4004 = arith.cmpi slt, %select_n3A_3978, %select_n3A_3999 : vector<4x1024xi32>
    %and3A_4005 = arith.andi %eq3A_4003, %lt3A_4004 : vector<4x1024xi1>
    %or3A_4006 = arith.ori %gt3A_4002, %and3A_4005 : vector<4x1024xi1>
    %eq3A_4007 = arith.xori %or3A_4006, %not3A_4001 : vector<4x1024xi1>
    %eq3A_4008 = arith.constant dense<true> : vector<4x1024xi1>
    %eq3A_4009 = arith.xori %eq3A_4007, %eq3A_4008 : vector<4x1024xi1>
    %eq3A_4010 = arith.constant true
    %eq3A_4011 = vector.broadcast %eq3A_4010 : i1 to vector<4x1024xi1>
    %eq3A_4012 = vector.broadcast %eq3A_4011 : vector<4x1024xi1> to vector<4x1024xi1>
    %eq3A_4013 = arith.xori %eq3A_4009, %eq3A_4012 : vector<4x1024xi1>
    %eq3A_4014 = arith.constant dense<true> : vector<4x1024xi1>
    %eq3A_4015 = arith.xori %eq3A_4013, %eq3A_4014 : vector<4x1024xi1>
    %select_n3A_4016 = arith.select %eq3A_4015, %select_n3A_3977, %select_n3A_3992 : vector<4x1024xi1>, vector<4x1024xf32>
    %select_n3A_4017 = arith.select %eq3A_4015, %select_n3A_3978, %select_n3A_3999 : vector<4x1024xi1>, vector<4x1024xi32>
    %iota3A_4018 = tpu.iota {dimensions = array<i32: 1>} : vector<4x1024xi32>
    %and3A_4019 = arith.constant 2 : i32
    %and3A_4020 = vector.broadcast %and3A_4019 : i32 to vector<4x1024xi32>
    %and3A_4021 = arith.andi %iota3A_4018, %and3A_4020 : vector<4x1024xi32>
    %ne3A_4022 = arith.constant 0 : i32
    %ne3A_4023 = vector.broadcast %ne3A_4022 : i32 to vector<4x1024xi32>
    %ne3A_4024 = arith.cmpi ne, %and3A_4021, %ne3A_4023 : vector<4x1024xi32>
    %slice3A_4025 = vector.extract_strided_slice %select_n3A_4016 {offsets = [0, 1022], sizes = [4, 2], strides = [1, 1]} : vector<4x1024xf32> to vector<4x2xf32>
    %slice3A_4026 = vector.extract_strided_slice %select_n3A_4016 {offsets = [0, 0], sizes = [4, 1022], strides = [1, 1]} : vector<4x1024xf32> to vector<4x1022xf32>
    %concatenate3A_4027 = tpu.concatenate %slice3A_4025, %slice3A_4026 in 1 : vector<4x2xf32>, vector<4x1022xf32> -> vector<4x1024xf32>
    %slice3A_4028 = vector.extract_strided_slice %select_n3A_4016 {offsets = [0, 2], sizes = [4, 1022], strides = [1, 1]} : vector<4x1024xf32> to vector<4x1022xf32>
    %slice3A_4029 = vector.extract_strided_slice %select_n3A_4016 {offsets = [0, 0], sizes = [4, 2], strides = [1, 1]} : vector<4x1024xf32> to vector<4x2xf32>
    %concatenate3A_4030 = tpu.concatenate %slice3A_4028, %slice3A_4029 in 1 : vector<4x1022xf32>, vector<4x2xf32> -> vector<4x1024xf32>
    %select_n3A_4031 = arith.select %ne3A_4024, %concatenate3A_4027, %concatenate3A_4030 : vector<4x1024xi1>, vector<4x1024xf32>
    %slice3A_4032 = vector.extract_strided_slice %select_n3A_4017 {offsets = [0, 1022], sizes = [4, 2], strides = [1, 1]} : vector<4x1024xi32> to vector<4x2xi32>
    %slice3A_4033 = vector.extract_strided_slice %select_n3A_4017 {offsets = [0, 0], sizes = [4, 1022], strides = [1, 1]} : vector<4x1024xi32> to vector<4x1022xi32>
    %concatenate3A_4034 = tpu.concatenate %slice3A_4032, %slice3A_4033 in 1 : vector<4x2xi32>, vector<4x1022xi32> -> vector<4x1024xi32>
    %slice3A_4035 = vector.extract_strided_slice %select_n3A_4017 {offsets = [0, 2], sizes = [4, 1022], strides = [1, 1]} : vector<4x1024xi32> to vector<4x1022xi32>
    %slice3A_4036 = vector.extract_strided_slice %select_n3A_4017 {offsets = [0, 0], sizes = [4, 2], strides = [1, 1]} : vector<4x1024xi32> to vector<4x2xi32>
    %concatenate3A_4037 = tpu.concatenate %slice3A_4035, %slice3A_4036 in 1 : vector<4x1022xi32>, vector<4x2xi32> -> vector<4x1024xi32>
    %select_n3A_4038 = arith.select %ne3A_4024, %concatenate3A_4034, %concatenate3A_4037 : vector<4x1024xi1>, vector<4x1024xi32>
    %not3A_4039 = arith.constant dense<true> : vector<4x1024xi1>
    %not3A_4040 = arith.xori %ne3A_4024, %not3A_4039 : vector<4x1024xi1>
    %gt3A_4041 = arith.cmpf ogt, %select_n3A_4016, %select_n3A_4031 : vector<4x1024xf32>
    %eq3A_4042 = arith.cmpf oeq, %select_n3A_4016, %select_n3A_4031 : vector<4x1024xf32>
    %lt3A_4043 = arith.cmpi slt, %select_n3A_4017, %select_n3A_4038 : vector<4x1024xi32>
    %and3A_4044 = arith.andi %eq3A_4042, %lt3A_4043 : vector<4x1024xi1>
    %or3A_4045 = arith.ori %gt3A_4041, %and3A_4044 : vector<4x1024xi1>
    %eq3A_4046 = arith.xori %or3A_4045, %not3A_4040 : vector<4x1024xi1>
    %eq3A_4047 = arith.constant dense<true> : vector<4x1024xi1>
    %eq3A_4048 = arith.xori %eq3A_4046, %eq3A_4047 : vector<4x1024xi1>
    %eq3A_4049 = arith.constant true
    %eq3A_4050 = vector.broadcast %eq3A_4049 : i1 to vector<4x1024xi1>
    %eq3A_4051 = vector.broadcast %eq3A_4050 : vector<4x1024xi1> to vector<4x1024xi1>
    %eq3A_4052 = arith.xori %eq3A_4048, %eq3A_4051 : vector<4x1024xi1>
    %eq3A_4053 = arith.constant dense<true> : vector<4x1024xi1>
    %eq3A_4054 = arith.xori %eq3A_4052, %eq3A_4053 : vector<4x1024xi1>
    %select_n3A_4055 = arith.select %eq3A_4054, %select_n3A_4016, %select_n3A_4031 : vector<4x1024xi1>, vector<4x1024xf32>
    %select_n3A_4056 = arith.select %eq3A_4054, %select_n3A_4017, %select_n3A_4038 : vector<4x1024xi1>, vector<4x1024xi32>
    %iota3A_4057 = tpu.iota {dimensions = array<i32: 1>} : vector<4x1024xi32>
    %and3A_4058 = arith.constant 1 : i32
    %and3A_4059 = vector.broadcast %and3A_4058 : i32 to vector<4x1024xi32>
    %and3A_4060 = arith.andi %iota3A_4057, %and3A_4059 : vector<4x1024xi32>
    %ne3A_4061 = arith.constant 0 : i32
    %ne3A_4062 = vector.broadcast %ne3A_4061 : i32 to vector<4x1024xi32>
    %ne3A_4063 = arith.cmpi ne, %and3A_4060, %ne3A_4062 : vector<4x1024xi32>
    %slice3A_4064 = vector.extract_strided_slice %select_n3A_4055 {offsets = [0, 1023], sizes = [4, 1], strides = [1, 1]} : vector<4x1024xf32> to vector<4x1xf32>
    %slice3A_4065 = vector.extract_strided_slice %select_n3A_4055 {offsets = [0, 0], sizes = [4, 1023], strides = [1, 1]} : vector<4x1024xf32> to vector<4x1023xf32>
    %concatenate3A_4066 = tpu.concatenate %slice3A_4064, %slice3A_4065 in 1 : vector<4x1xf32>, vector<4x1023xf32> -> vector<4x1024xf32>
    %slice3A_4067 = vector.extract_strided_slice %select_n3A_4055 {offsets = [0, 1], sizes = [4, 1023], strides = [1, 1]} : vector<4x1024xf32> to vector<4x1023xf32>
    %slice3A_4068 = vector.extract_strided_slice %select_n3A_4055 {offsets = [0, 0], sizes = [4, 1], strides = [1, 1]} : vector<4x1024xf32> to vector<4x1xf32>
    %concatenate3A_4069 = tpu.concatenate %slice3A_4067, %slice3A_4068 in 1 : vector<4x1023xf32>, vector<4x1xf32> -> vector<4x1024xf32>
    %select_n3A_4070 = arith.select %ne3A_4063, %concatenate3A_4066, %concatenate3A_4069 : vector<4x1024xi1>, vector<4x1024xf32>
    %slice3A_4071 = vector.extract_strided_slice %select_n3A_4056 {offsets = [0, 1023], sizes = [4, 1], strides = [1, 1]} : vector<4x1024xi32> to vector<4x1xi32>
    %slice3A_4072 = vector.extract_strided_slice %select_n3A_4056 {offsets = [0, 0], sizes = [4, 1023], strides = [1, 1]} : vector<4x1024xi32> to vector<4x1023xi32>
    %concatenate3A_4073 = tpu.concatenate %slice3A_4071, %slice3A_4072 in 1 : vector<4x1xi32>, vector<4x1023xi32> -> vector<4x1024xi32>
    %slice3A_4074 = vector.extract_strided_slice %select_n3A_4056 {offsets = [0, 1], sizes = [4, 1023], strides = [1, 1]} : vector<4x1024xi32> to vector<4x1023xi32>
    %slice3A_4075 = vector.extract_strided_slice %select_n3A_4056 {offsets = [0, 0], sizes = [4, 1], strides = [1, 1]} : vector<4x1024xi32> to vector<4x1xi32>
    %concatenate3A_4076 = tpu.concatenate %slice3A_4074, %slice3A_4075 in 1 : vector<4x1023xi32>, vector<4x1xi32> -> vector<4x1024xi32>
    %select_n3A_4077 = arith.select %ne3A_4063, %concatenate3A_4073, %concatenate3A_4076 : vector<4x1024xi1>, vector<4x1024xi32>
    %not3A_4078 = arith.constant dense<true> : vector<4x1024xi1>
    %not3A_4079 = arith.xori %ne3A_4063, %not3A_4078 : vector<4x1024xi1>
    %gt3A_4080 = arith.cmpf ogt, %select_n3A_4055, %select_n3A_4070 : vector<4x1024xf32>
    %eq3A_4081 = arith.cmpf oeq, %select_n3A_4055, %select_n3A_4070 : vector<4x1024xf32>
    %lt3A_4082 = arith.cmpi slt, %select_n3A_4056, %select_n3A_4077 : vector<4x1024xi32>
    %and3A_4083 = arith.andi %eq3A_4081, %lt3A_4082 : vector<4x1024xi1>
    %or3A_4084 = arith.ori %gt3A_4080, %and3A_4083 : vector<4x1024xi1>
    %eq3A_4085 = arith.xori %or3A_4084, %not3A_4079 : vector<4x1024xi1>
    %eq3A_4086 = arith.constant dense<true> : vector<4x1024xi1>
    %eq3A_4087 = arith.xori %eq3A_4085, %eq3A_4086 : vector<4x1024xi1>
    %eq3A_4088 = arith.constant true
    %eq3A_4089 = vector.broadcast %eq3A_4088 : i1 to vector<4x1024xi1>
    %eq3A_4090 = vector.broadcast %eq3A_4089 : vector<4x1024xi1> to vector<4x1024xi1>
    %eq3A_4091 = arith.xori %eq3A_4087, %eq3A_4090 : vector<4x1024xi1>
    %eq3A_4092 = arith.constant dense<true> : vector<4x1024xi1>
    %eq3A_4093 = arith.xori %eq3A_4091, %eq3A_4092 : vector<4x1024xi1>
    %select_n3A_4094 = arith.select %eq3A_4093, %select_n3A_4055, %select_n3A_4070 : vector<4x1024xi1>, vector<4x1024xf32>
    %select_n3A_4095 = arith.select %eq3A_4093, %select_n3A_4056, %select_n3A_4077 : vector<4x1024xi1>, vector<4x1024xi32>
    %swap3A = arith.constant 0 : index
    %swap3A_4096 = arith.constant 0 : index
    %swap3A_4097 = vector.load %arg2[%swap3A, %swap3A_4096] : memref<4x1024xi32, #tpu.memory_space<vmem>>, vector<4x1024xi32>
    tpu.vector_store %arg2[%swap3A, %swap3A_4096], %select_n3A_4095 {strides = array<i32>} : memref<4x1024xi32, #tpu.memory_space<vmem>>, vector<4x1024xi32>,
    %sub3A_4098 = arith.constant 1.000000e+00 : f32
    %sub3A_4099 = vector.broadcast %sub3A_4098 : f32 to vector<4x1024xf32>
    %sub3A_4100 = arith.subf %sub3A_4099, %select_n3A_4094 : vector<4x1024xf32>
    %add3A_4101 = arith.addf %select_n3A_4094, %sub3A_4100 : vector<4x1024xf32>
    %swap3A_4102 = arith.constant 0 : index
    %swap3A_4103 = arith.constant 0 : index
    %swap3A_4104 = vector.load %arg3[%swap3A_4102, %swap3A_4103] : memref<4x1024xf32, #tpu.memory_space<vmem>>, vector<4x1024xf32>
    tpu.vector_store %arg3[%swap3A_4102, %swap3A_4103], %add3A_4101 {strides = array<i32>} : memref<4x1024xf32, #tpu.memory_space<vmem>>, vector<4x1024xf32>,
    %iota3A_4105 = tpu.iota {dimensions = array<i32: 0>} : vector<4x1024xi32>
    %mul3A_4106 = arith.constant 8192 : i32
    %mul3A_4107 = vector.broadcast %mul3A_4106 : i32 to vector<4x1024xi32>
    %mul3A_4108 = arith.muli %iota3A_4105, %mul3A_4107 : vector<4x1024xi32>
    %add3A_4109 = arith.addi %mul3A_4108, %select_n3A_4095 : vector<4x1024xi32>
    %swap3A_4110 = arith.constant 0 : index
    %swap3A_4111 = arith.constant 0 : index
    %swap3A_4112 = vector.load %arg4[%swap3A_4110, %swap3A_4111] : memref<4x1024xi32, #tpu.memory_space<vmem>>, vector<4x1024xi32>
    tpu.vector_store %arg4[%swap3A_4110, %swap3A_4111], %add3A_4109 {strides = array<i32>} : memref<4x1024xi32, #tpu.memory_space<vmem>>, vector<4x1024xi32>,
    return
  }
}

</mosaic_0001>

<sc_bundles>
// kernel: kernel.5.cloned.1.call-start
scs
__scs_entry_jumppad:
0x0: {  	(pc) =	sbr.rel $0x88, $3  }
0x1: {  	(tag) =	ssettag $0x0;
	lr =	simm.s32 $0x1  }
0x2: {  	[smem:$0x3F9E] =	sst lr;
	_ =	strace $0xD0000000  }
0x3: {  	_ = 	snop  }
0x4: {  	_ = 	snop  }
0x5: {  	_ = 	snop  }
0x6: {  	_ = 	snop  }
0x7: {  	_ = 	snop  }
__scs_overlays_trampoline_lowered:
0x8: {  	[smem:$0x3FAD] =	sst s0  }
0x9: {  	[smem:$0x3FAE] =	sst s1  }
0xa: {  	[smem:$0x3FAF] =	sst s2  }
0xb: {  	[smem:$0x3FB0] =	sst s3  }
0xc: {  	[smem:$0x3FB1] =	sst s4  }
0xd: {  	[smem:$0x3FB2] =	sst s5  }
0xe: {  	[smem:$0x3FB3] =	sst s6  }
0xf: {  	[smem:$0x3FB4] =	sst s7  }
0x10: {  	[smem:$0x3FB5] =	sst s8  }
0x11: {  	[smem:$0x3FB6] =	sst s9;
	s0 =	simm.s32 @!p0 $0x0  }
0x12: {  	s1 =	sld [smem:$0x3F9C];
	s0 =	simm.s32 @p0 $0x1  }
0x13: {  	[smem:$0x3FB7] =	sst s0;
	s0 =	simm.s32 @!p1 $0x0  }
0x14: {  	s2 =	sld [smem:$0x3F9B];
	s0 =	simm.s32 @p1 $0x1  }
0x15: {  	[smem:$0x3FB8] =	sst s0;
	s0 =	simm.s32 @!p2 $0x0  }
0x16: {  	s3 =	sld [smem:$0x3FDB];
	s0 =	simm.s32 @p2 $0x1  }
0x17: {  	s4 =	simm.s32 $0x1BF5;
	[smem:$0x3FBA] =	sst s0  }
0x18: {  	s0 =	sld [smem:$0x3F9D];
	_ =	swait.ge [sflag:s4], $0x0  }
0x19: {  	s7 =	sld [smem:$0x3F9E]  }
0x1a: {  	s8 =	sadd.s32 $0xFFFFE003, lr  }
0x1b: {  	s9 =	sadd.s32 $0xFFFFFEF7, lr;
	s5 =	simm.s32 $0xFFFFFFFF;
	p2 =	slt.u32 s8, $0xFFFFF086  }
0x1c: {  	p1 =	slt.u32 s9, $0xF7A;
	s5 =	simm.s32 @!p2 $0x0  }
0x1d: {  	s5 =	simm.s32 @p1 $0x1;
	p0 =	seq.s32 s7, s2  }
0x1e: {  	s7 =	smul.u32 @!p0 $0xF7A, s2;
	p2 =	seq.s32 @!p0 s5, $0x0  }
0x1f: {  	s9 =	smul.u32 $0xF7A, s1;
	s8 =	simm.s32 @!p0 $0x1BF5;
	p2 =	por !p2, p0  }
0x20: {  	[sflag:s8] =	ssyncset.s32 @!p0 $0xFFFFF086;
	s6 =	sadd.s32 @!p0 s3, s7;
	s7 =	simm.s32 @!p0 $0x108  }
0x21: {  	s3 =	sadd.s32 s3, s9;
	s6 =	sadd.s32 @!p0 $0x88, s6;
	s7 =	simm.s32 @p2 $0x1082  }
0x22: {  	[simem:s7], [sflag:s8] =	dma.local @!p0 [hbm:s6], $0xF7A  }
0x23: {  	s9 =	sor.u32 $0xD0000000, s2;
	s6 =	simm.s32 $0x108;
	_ =	swait.ge @!p0 [sflag:s8], $0x0  }
0x24: {  	s3 =	sadd.s32 $0x88, s3;
	s6 =	simm.s32 @!p1 $0x1082;
	[sflag:s4] =	ssyncset.s32 $0xFFFFF086  }
0x25: {  	[simem:s6], [sflag:s4] =	dma.local [hbm:s3], $0xF7A  }
0x26: {  	[smem:$0x3F9E] =	sst s1;
	(tag) =	ssettag s2;
	_ =	strace s9  }
0x27: {  	s1 =	sld [smem:$0x3FAE]  }
0x28: {  	s2 =	sld [smem:$0x3FAF]  }
0x29: {  	s4 =	sld [smem:$0x3FB1]  }
0x2a: {  	p0 =	seq.s32 s5, $0x0;
	s5 =	sld [smem:$0x3FB2]  }
0x2b: {  	s6 =	sld [smem:$0x3FB3]  }
0x2c: {  	s7 =	sld [smem:$0x3FB4]  }
0x2d: {  	s3 =	simm.s32 $0x108;
	s8 =	sld [smem:$0x3FB5]  }
0x2e: {  	s3 =	simm.s32 @!p0 $0x1082;
	s9 =	sld [smem:$0x3FB6]  }
0x2f: {  	lr =	sadd.s32 s0, s3;
	s0 =	sld [smem:$0x3FAD]  }
0x30: {  	s3 =	sld [smem:$0x3FB0]  }
0x31: {  	[smem:$0x3FB9] =	sst s10  }
0x32: {  	s10 =	sld [smem:$0x3FB7];
	_ =	sdelay $0x3  }
0x33: {  	p0 =	seq.s32 s10, $0x1;
	s10 =	sld [smem:$0x3FB9];
	_ =	sdelay $0x3  }
0x34: {  	[smem:$0x3FB9] =	sst s10  }
0x35: {  	s10 =	sld [smem:$0x3FB8];
	_ =	sdelay $0x3  }
0x36: {  	p1 =	seq.s32 s10, $0x1;
	s10 =	sld [smem:$0x3FB9];
	_ =	sdelay $0x3  }
0x37: {  	[smem:$0x3FB9] =	sst s10  }
0x38: {  	s10 =	sld [smem:$0x3FBA]  }
0x39: {  	_ = 	snop;
	(pc) =	sbr.ind lr, $3  }
0x3a: {  	_ = 	snop  }
0x3b: {  	_ = 	snop  }
0x3c: {  	p2 =	seq.s32 s10, $0x1;
	s10 =	sld [smem:$0x3FB9]  }
0x3d: {  	_ =	shalt  }
0x3e: {  	_ =	shalt  }
0x3f: {  	_ =	shalt  }
0x40: {  	_ =	shalt  }
0x41: {  	_ =	shalt  }
0x42: {  	_ =	shalt  }
0x43: {  	_ =	shalt  }
0x44: {  	_ =	shalt  }
0x45: {  	_ =	shalt  }
0x46: {  	_ =	shalt  }
0x47: {  	_ =	shalt  }
0x48: {  	_ =	shalt  }
0x49: {  	_ =	shalt  }
0x4a: {  	_ =	shalt  }
0x4b: {  	_ =	shalt  }
0x4c: {  	_ =	shalt  }
0x4d: {  	_ =	shalt  }
0x4e: {  	_ =	shalt  }
0x4f: {  	_ =	shalt  }
0x50: {  	_ =	shalt  }
0x51: {  	_ =	shalt  }
0x52: {  	_ =	shalt  }
0x53: {  	_ =	shalt  }
0x54: {  	_ =	shalt  }
0x55: {  	_ =	shalt  }
0x56: {  	_ =	shalt  }
0x57: {  	_ =	shalt  }
0x58: {  	_ =	shalt  }
0x59: {  	_ =	shalt  }
0x5a: {  	_ =	shalt  }
0x5b: {  	_ =	shalt  }
0x5c: {  	_ =	shalt  }
0x5d: {  	_ =	shalt  }
0x5e: {  	_ =	shalt  }
0x5f: {  	_ =	shalt  }
0x60: {  	_ =	shalt  }
0x61: {  	_ =	shalt  }
0x62: {  	_ =	shalt  }
0x63: {  	_ =	shalt  }
0x64: {  	_ =	shalt  }
0x65: {  	_ =	shalt  }
0x66: {  	_ =	shalt  }
0x67: {  	_ =	shalt  }
0x68: {  	_ =	shalt  }
0x69: {  	_ =	shalt  }
0x6a: {  	_ =	shalt  }
0x6b: {  	_ =	shalt  }
0x6c: {  	_ =	shalt  }
0x6d: {  	_ =	shalt  }
0x6e: {  	_ =	shalt  }
0x6f: {  	_ =	shalt  }
0x70: {  	_ =	shalt  }
0x71: {  	_ =	shalt  }
0x72: {  	_ =	shalt  }
0x73: {  	_ =	shalt  }
0x74: {  	_ =	shalt  }
0x75: {  	_ =	shalt  }
0x76: {  	_ =	shalt  }
0x77: {  	_ =	shalt  }
0x78: {  	_ =	shalt  }
0x79: {  	_ =	shalt  }
0x7a: {  	_ =	shalt  }
0x7b: {  	_ =	shalt  }
0x7c: {  	_ =	shalt  }
0x7d: {  	_ =	shalt  }
0x7e: {  	_ =	shalt  }
0x7f: {  	_ =	shalt  }
0x80: {  	_ =	shalt  }
0x81: {  	_ =	shalt  }
0x82: {  	_ =	shalt  }
0x83: {  	_ =	shalt  }
0x84: {  	_ =	shalt  }
0x85: {  	_ =	shalt  }
0x86: {  	_ =	shalt  }
0x87: {  	_ =	shalt  }
.Lfunc_end0:
.L_simem_size_0:
called_computation_lowered:
.L_overlay_start_0:
0x88: {  	s2 =	sld [smem:$0x3FD9]  }
0x89: {  	s3 =	sld [smem:$0x3FFE];
	_ =	sdelay $0x1  }
0x8a: {  	s1 =	srdreg.scid  }
0x8b: {  	s0 =	sand.u32 $0x1, s1  }
0x8c: {  	s14 =	sshll.u32 s0, $0xA;
	s2 =	sadd.s32 s3, s2  }
0x8d: {  	s2 =	sadd.s32 s2, s14  }
0x8e: {  	[smem:$0x3FC5] =	sst s2  }
0x8f: {  	_ = 	snop  }
0x90: {  	s2 =	sld [smem:$0x3FD0];
	_ =	sdelay $0x2  }
0x91: {  	s4 =	simm.s32 $0xA;
	s5 =	simm.s32 $0x10;
	s15 =	sld [smem:$0x3FC9]  }
0x92: {  	[smem:s5], [sflag:s4] =	dma.local [hbm:s2], $0x1  }
0x93: {  	_ =	swait.eq [sflag:s4], $0x1  }
0x94: {  	[sflag:s4] =	ssyncset.done $0x0  }
0x95: {  	[sflag:s4] =	ssyncadd.s32 $0xFFFFFFFF  }
0x96: {  	s16 =	sld [smem:$0x12];
	(tm) =	ssettm $0x1  }
0x97: {  	s17 =	sld [smem:$0x3FFB];
	_ =	sdelay $0x3  }
0x98: {  	_ =	strace s17  }
0x99: {  	s4 =	sld [smem:$0x3FFC];
	_ =	sdelay $0x3  }
0x9a: {  	_ =	strace s4  }
0x9b: {  	s4 =	sld [smem:$0x3FFD];
	_ =	sdelay $0x3  }
0x9c: {  	_ =	strace s4  }
0x9d: {  	_ =	strace $0x8FFFFFFF  }
0x9e: {  	s18 =	sld [smem:$0x3FDB];
	_ =	sdelay $0x1  }
0x9f: {  	s19 =	simm.s32 $_scs_section_size  }
0xa0: {  	s6 =	simm.s32 $_size__tile_overlayer_lowered;
	s7 =	simm.s32 $_tile_overlayer_lowered  }
0xa1: {  	s22 =	simm.s32 $0x1BFF;
	s21 =	sshll.u32 s7, $0x1;
	s4 =	sadd.s32 s19, s18  }
0xa2: {  	s8 =	simm.s32 $0x0;
	s20 =	sshll.u32 s6, $0x1;
	s6 =	sadd.s32 s21, s4  }
0xa3: {  	[timem:s8], [sflag:s22] =	dma.local [hbm:s6], s20  }
0xa4: {  	_ =	swait.ge [sflag:s22], s20  }
0xa5: {  	s5 =	ssub.s32 $0x0, s20;
	[sflag:s22] =	ssyncset.done $0x0  }
0xa6: {  	[sflag:s22] =	ssyncadd.s32 s5;
	_ =	sdelay $0x1  }
0xa7: {  	s23 =	simm.s32 $0x1B8B  }
0xa8: {  	_ =	swait.ge [sflag:s23], $0x1  }
0xa9: {  	[sflag:s23] =	ssyncset.done $0x0  }
0xaa: {  	s25 =	simm.s32 $0x1B8E;
	s24 =	sld [smem:$0x3FFE];
	[sflag:s23] =	ssyncadd.s32 $0xFFFFFFFF  }
0xab: {  	s26 =	simm.s32 $execute0_lowered;
	[smem:$0x3FD2] =	sst s25  }
0xac: {  	s6 =	sshll.u32 s26, $0x1;
	_ =	strace $0x80000046;
	[dreg:$0x1] =	wrdreg $0xFFFFFFFF  }
0xad: {  	s28 =	simm.s32 $_size_execute0_lowered;
	s4 =	sadd.s32 s4, s6;
	[dreg:$0x0] =	wrdreg $0x0  }
0xae: {  	s6 =	sshll.u32 s28, $0x1;
	[dreg:$0x2] =	wrdreg s4  }
0xaf: {  	[dreg:$0x3] =	wrdreg s6  }
0xb0: {  	[dreg:$0x4] =	wrdreg $0xC0  }
0xb1: {  	_ =	task [dreg:s8], $0x5FFFF  }
0xb2: {  	[dreg:$0x1] =	wrdreg $0xFFFFFFFF  }
0xb3: {  	[dreg:$0x0] =	wrdreg $0x60  }
0xb4: {  	[dreg:$0x2] =	wrdreg s24  }
0xb5: {  	[dreg:$0x3] =	wrdreg s15  }
0xb6: {  	[dreg:$0x4] =	wrdreg s16  }
0xb7: {  	[dreg:$0x5] =	wrdreg $0x9  }
0xb8: {  	_ =	task.clear_ibuf [dreg:s8], $0x6FFFF;
	_ =	strace $0x90000046  }
0xb9: {  	s29 =	simm.s32 $0x9;
	_ =	strace $0x80000048  }
0xba: {  	_ =	swait.ge [sflag:s29], $0x1  }
0xbb: {  	[sflag:s29] =	ssyncadd.s32 $0xFFFFFFFF  }
0xbc: {  	_ =	strace $0x90000048  }
0xbd: {  	_ =	sfence  }
0xbe: {  	s30 =	sld [smem:$0x0];
	_ =	sdelay $0x2  }
0xbf: {  	s31 =	sshll.u32 s1, $0xD;
	s1 =	sshrl.u32 s1, $0x2  }
0xc0: {  	s3 =	sand.u32 $0x4000, s31;
	s1 =	sadd.s32 s1, s30  }
0xc1: {  	s0 =	sor.u32 s3, s0;
	s1 =	sshll.u32 s1, $0x11  }
0xc2: {  	s0 =	sor.u32 s1, s0  }
0xc3: {  	s0 =	sadd.s32 $0x8F2B, s0  }
0xc4: {  	[sflag:s0] =	ssyncadd.remote.s32 $0x1  }
0xc5: {  	_ =	sfence.sel $0xFFFF  }
0xc6: {  	[dreg:$0x0] =	wrdreg $0xFFFFFFFF;
	(pc) =	sbr.abs _section_cstart, $3  }
0xc7: {  	[dreg:$0x1] =	wrdreg $0xFFFFFFFF  }
0xc8: {  	_ =	task.clear_ibuf [dreg:s8], $0x2FFFF;
	_ =	strace $0x9FFFFFFF  }
0xc9: {  	(tm) =	ssettm $0x7FFFFFFF  }
tec
execute0_lowered:
.L_overlay_start_1:
0x0: {  	(tag) =	ssettag $0x1  }
0x1: {  	s0 =	rddreg [dreg:$0x0]  }
0x2: {  	s2 =	rddreg [dreg:$0x1]  }
0x3: {  	s5 =	stileid.u32;
	s1 =	srdreg.scid  }
0x4: {  	s4 =	rddreg [dreg:$0x2];
	s9 =	simm.s32 $0x3;
	s10 =	simm.s32 $0x1  }
0x5: {  	s20 =	simm.s32 $0x2;
	s28 =	simm.s32 $0x2880;
	s29 =	simm.s32 $0x3080  }
0x6: {  	s30 =	simm.s32 $0x3880;
	s31 =	simm.s32 $0x4080;
	s11 =	simm.s32 $0x5880  }
0x7: {  	s12 =	simm.s32 $0x6080;
	s13 =	simm.s32 $0x6880;
	s14 =	simm.s32 $0x7080  }
0x8: {  	s15 =	simm.s32 $0x7880;
	s16 =	simm.s32 $0x8880;
	s17 =	simm.s32 $0x9080  }
0x9: {  	s18 =	simm.s32 $0x9880;
	s1 =	sand.u32 $0x1, s1;
	s3 =	sshll.u32 s5, $0x1  }
0xa: {  	s19 =	simm.s32 $0xA080;
	s5 =	sshll.u32 s5, $0x2;
	s6 =	sor.u32 s1, s3  }
0xb: {  	s3 =	simm.s32 $0x0;
	s5 =	sand.u32 $0x30, s5;
	s1 =	ssub.s32 $0x2, s1  }
0xc: {  	s7 =	sshll.u32 s6, $0x6;
	[smem:$0x7FF] =	sst s3;
	s0 =	sadd.s32 s5, s0  }
0xd: {  	s22 =	sshll.u32 s6, $0xE;
	s23 =	sshrl.u32 s1, $0x1;
	s5 =	sadd.s32 $0x100, s2  }
0xe: {  	s21 =	sand.u32 $0x1C0, s7;
	_ =	strace $0x80000047;
	s6 =	sadd.s32 s4, s22  }
0xf: {  	s1 =	ssub.s32 s1, s23;
	s7 =	sadd.s32 $0x300, s2;
	s22 =	simm.s32 $0x880  }
0x10: {  	s23 =	simm.s32 $0x1080;
	s4 =	simm.s32 $0x8080;
	s0 =	sadd.s32 s21, s0  }
0x11: {  	s24 =	sadd.s32 $0x1000, s6;
	s25 =	sadd.s32 $0x2000, s6;
	[dreg:$0x8] =	wrdreg s6  }
0x12: {  	s26 =	sadd.s32 $0x3000, s6;
	s6 =	sadd.s32 $0x200, s2;
	[dreg:$0x5] =	wrdreg s24  }
0x13: {  	v2 =	vlaneseq.u32;
	s8 =	smax.u32 s1, $0x1;
	s1 =	simm.s32 $0x4880;
	[dreg:$0x6] =	wrdreg s25  }
0x14: {  	vm0 =	vmmov $0xffff;
	v1 =	vshrl.u32 v2, $0x3;
	s0 =	sadd.s32 $0x600, s0;
	[dreg:$0x7] =	wrdreg s26;
	s26 =	simm.s32 $0x80  }
0x15: {  	v0 =	vand.u32 $0x7, v2;
	v2 =	vor.u32 $0x8, v2;
	v1 =	vmul.u32 $0x8, v1;
	s24 =	simm.s32 $0x1880;
	s25 =	simm.s32 $0x2080;
	[dreg:$0x4] =	wrdreg s0  }
.LBB2_1:
0x16: {  	s21 =	rddreg [dreg:$0x4]  }
0x17: {  	[tilespmem:s3], [sflag:$0x3] =	stream.linear.gather [hbm4b:s21+s3], $0x80, $0x38;
	[tilespmem:$0x10080] =	vst v63  }
0x18: {  	_ =	swait.ge [sflag:s9], $0x80  }
0x19: {  	[sflag:s9] =	ssyncset.done $0x0  }
0x1a: {  	[sflag:s9] =	ssyncadd.s32 $0xFFFFFF80  }
0x1b: {  	v3 =	vld [tilespmem:$0x0];
	_ =	sdelay $0x4  }
0x1c: {  	v4 =	vshll.u32 v3, $0x3  }
0x1d: {  	v3 =	vand.u32 $0x7, v3;
	v4 =	vand.u32 $0xFFFFFFC0, v4  }
0x1e: {  	v3 =	vor.u32 v3, v4  }
0x1f: {  	v4 =	vperm.xlane v3, v0;
	_ =	sdelay $0x1  }
0x20: {  	v4 =	vadd.s32 v1, v4;
	_ =	sdelay $0x4  }
0x21: {  	[tilespmem:s26], [sflag:$0x1] =	stream.indirect_vreg.gather [hbm4b:s2+s3], $0x80, v4, vm0, $0xb8;
	[tilespmem:$0x10080] =	vst v63  }
0x22: {  	v3 =	vperm.xlane v3, v2  }
0x23: {  	[tilespmem:s22], [sflag:$0x1] =	stream.indirect_vreg.gather [hbm4b:s5+s3], $0x80, v4, vm0, $0xb8;
	[tilespmem:$0x10080] =	vst v63  }
0x24: {  	v3 =	vadd.s32 v1, v3  }
0x25: {  	[tilespmem:s23], [sflag:$0x1] =	stream.indirect_vreg.gather [hbm4b:s6+s3], $0x80, v4, vm0, $0xb8;
	[tilespmem:$0x10080] =	vst v63  }
0x26: {  	_ = 	snop  }
0x27: {  	[tilespmem:s24], [sflag:$0x1] =	stream.indirect_vreg.gather [hbm4b:s7+s3], $0x80, v4, vm0, $0xb8;
	[tilespmem:$0x10080] =	vst v63  }
0x28: {  	_ = 	snop  }
0x29: {  	[tilespmem:s25], [sflag:$0x1] =	stream.indirect_vreg.gather [hbm4b:s2+s3], $0x80, v3, vm0, $0xb8;
	[tilespmem:$0x10080] =	vst v63  }
0x2a: {  	_ = 	snop  }
0x2b: {  	[tilespmem:s28], [sflag:$0x1] =	stream.indirect_vreg.gather [hbm4b:s5+s3], $0x80, v3, vm0, $0xb8;
	[tilespmem:$0x10080] =	vst v63  }
0x2c: {  	_ = 	snop  }
0x2d: {  	[tilespmem:s29], [sflag:$0x1] =	stream.indirect_vreg.gather [hbm4b:s6+s3], $0x80, v3, vm0, $0xb8;
	[tilespmem:$0x10080] =	vst v63  }
0x2e: {  	_ = 	snop  }
0x2f: {  	[tilespmem:s30], [sflag:$0x1] =	stream.indirect_vreg.gather [hbm4b:s7+s3], $0x80, v3, vm0, $0xb8;
	[tilespmem:$0x10080] =	vst v63  }
0x30: {  	v3 =	vld [tilespmem:$0x10];
	_ =	sdelay $0x4  }
0x31: {  	v57 =	vshll.u32 v3, $0x3  }
0x32: {  	v3 =	vand.u32 $0x7, v3;
	v4 =	vand.u32 $0xFFFFFFC0, v57  }
0x33: {  	v3 =	vor.u32 v3, v4  }
0x34: {  	v4 =	vperm.xlane v3, v0;
	_ =	sdelay $0x1  }
0x35: {  	v4 =	vadd.s32 v1, v4;
	_ =	sdelay $0x4  }
0x36: {  	[tilespmem:s31], [sflag:$0x1] =	stream.indirect_vreg.gather [hbm4b:s2+s3], $0x80, v4, vm0, $0xb8;
	[tilespmem:$0x10080] =	vst v63  }
0x37: {  	v3 =	vperm.xlane v3, v2  }
0x38: {  	[tilespmem:s1], [sflag:$0x1] =	stream.indirect_vreg.gather [hbm4b:s5+s3], $0x80, v4, vm0, $0xb8;
	[tilespmem:$0x10080] =	vst v63  }
0x39: {  	s0 =	simm.s32 $0x5080;
	v3 =	vadd.s32 v1, v3  }
0x3a: {  	[tilespmem:s0], [sflag:$0x1] =	stream.indirect_vreg.gather [hbm4b:s6+s3], $0x80, v4, vm0, $0xb8;
	[tilespmem:$0x10080] =	vst v63  }
0x3b: {  	_ = 	snop  }
0x3c: {  	[tilespmem:s11], [sflag:$0x1] =	stream.indirect_vreg.gather [hbm4b:s7+s3], $0x80, v4, vm0, $0xb8;
	[tilespmem:$0x10080] =	vst v63  }
0x3d: {  	_ = 	snop  }
0x3e: {  	[tilespmem:s12], [sflag:$0x1] =	stream.indirect_vreg.gather [hbm4b:s2+s3], $0x80, v3, vm0, $0xb8;
	[tilespmem:$0x10080] =	vst v63  }
0x3f: {  	_ = 	snop  }
0x40: {  	[tilespmem:s13], [sflag:$0x1] =	stream.indirect_vreg.gather [hbm4b:s5+s3], $0x80, v3, vm0, $0xb8;
	[tilespmem:$0x10080] =	vst v63  }
0x41: {  	_ = 	snop  }
0x42: {  	[tilespmem:s14], [sflag:$0x1] =	stream.indirect_vreg.gather [hbm4b:s6+s3], $0x80, v3, vm0, $0xb8;
	[tilespmem:$0x10080] =	vst v63  }
0x43: {  	_ = 	snop  }
0x44: {  	[tilespmem:s15], [sflag:$0x1] =	stream.indirect_vreg.gather [hbm4b:s7+s3], $0x80, v3, vm0, $0xb8;
	[tilespmem:$0x10080] =	vst v63  }
0x45: {  	v3 =	vld [tilespmem:$0x20];
	_ =	sdelay $0x4  }
0x46: {  	v58 =	vshll.u32 v3, $0x3  }
0x47: {  	v3 =	vand.u32 $0x7, v3;
	v4 =	vand.u32 $0xFFFFFFC0, v58  }
0x48: {  	v3 =	vor.u32 v3, v4  }
0x49: {  	v4 =	vperm.xlane v3, v0;
	_ =	sdelay $0x1  }
0x4a: {  	v4 =	vadd.s32 v1, v4;
	_ =	sdelay $0x4  }
0x4b: {  	[tilespmem:s4], [sflag:$0x2] =	stream.indirect_vreg.gather [hbm4b:s2+s3], $0x80, v4, vm0, $0xb8;
	[tilespmem:$0x10080] =	vst v63  }
0x4c: {  	v3 =	vperm.xlane v3, v2  }
0x4d: {  	[tilespmem:s16], [sflag:$0x2] =	stream.indirect_vreg.gather [hbm4b:s5+s3], $0x80, v4, vm0, $0xb8;
	[tilespmem:$0x10080] =	vst v63  }
0x4e: {  	v3 =	vadd.s32 v1, v3  }
0x4f: {  	[tilespmem:s17], [sflag:$0x2] =	stream.indirect_vreg.gather [hbm4b:s6+s3], $0x80, v4, vm0, $0xb8;
	[tilespmem:$0x10080] =	vst v63  }
0x50: {  	_ = 	snop  }
0x51: {  	[tilespmem:s18], [sflag:$0x2] =	stream.indirect_vreg.gather [hbm4b:s7+s3], $0x80, v4, vm0, $0xb8;
	[tilespmem:$0x10080] =	vst v63  }
0x52: {  	_ = 	snop  }
0x53: {  	[tilespmem:s19], [sflag:$0x2] =	stream.indirect_vreg.gather [hbm4b:s2+s3], $0x80, v3, vm0, $0xb8;
	[tilespmem:$0x10080] =	vst v63  }
0x54: {  	s21 =	simm.s32 $0xA880  }
0x55: {  	[tilespmem:s21], [sflag:$0x2] =	stream.indirect_vreg.gather [hbm4b:s5+s3], $0x80, v3, vm0, $0xb8;
	[tilespmem:$0x10080] =	vst v63  }
0x56: {  	s21 =	simm.s32 $0xB080  }
0x57: {  	[tilespmem:s21], [sflag:$0x2] =	stream.indirect_vreg.gather [hbm4b:s6+s3], $0x80, v3, vm0, $0xb8;
	[tilespmem:$0x10080] =	vst v63  }
0x58: {  	s21 =	simm.s32 $0xB880  }
0x59: {  	[tilespmem:s21], [sflag:$0x2] =	stream.indirect_vreg.gather [hbm4b:s7+s3], $0x80, v3, vm0, $0xb8;
	[tilespmem:$0x10080] =	vst v63  }
0x5a: {  	v3 =	vld [tilespmem:$0x30];
	_ =	sdelay $0x4  }
0x5b: {  	v59 =	vshll.u32 v3, $0x3  }
0x5c: {  	v3 =	vand.u32 $0x7, v3;
	v4 =	vand.u32 $0xFFFFFFC0, v59  }
0x5d: {  	v3 =	vor.u32 v3, v4  }
0x5e: {  	v4 =	vperm.xlane v3, v0;
	_ =	sdelay $0x1  }
0x5f: {  	v4 =	vadd.s32 v1, v4;
	_ =	sdelay $0x3  }
0x60: {  	s21 =	simm.s32 $0xC080  }
0x61: {  	[tilespmem:s21], [sflag:$0x2] =	stream.indirect_vreg.gather [hbm4b:s2+s3], $0x80, v4, vm0, $0xb8;
	[tilespmem:$0x10080] =	vst v63  }
0x62: {  	v3 =	vperm.xlane v3, v2;
	s21 =	simm.s32 $0xC880  }
0x63: {  	[tilespmem:s21], [sflag:$0x2] =	stream.indirect_vreg.gather [hbm4b:s5+s3], $0x80, v4, vm0, $0xb8;
	[tilespmem:$0x10080] =	vst v63  }
0x64: {  	v3 =	vadd.s32 v1, v3;
	s21 =	simm.s32 $0xD080  }
0x65: {  	[tilespmem:s21], [sflag:$0x2] =	stream.indirect_vreg.gather [hbm4b:s6+s3], $0x80, v4, vm0, $0xb8;
	[tilespmem:$0x10080] =	vst v63  }
0x66: {  	s21 =	simm.s32 $0xD880  }
0x67: {  	[tilespmem:s21], [sflag:$0x2] =	stream.indirect_vreg.gather [hbm4b:s7+s3], $0x80, v4, vm0, $0xb8;
	[tilespmem:$0x10080] =	vst v63  }
0x68: {  	s21 =	simm.s32 $0xE080  }
0x69: {  	[tilespmem:s21], [sflag:$0x2] =	stream.indirect_vreg.gather [hbm4b:s2+s3], $0x80, v3, vm0, $0xb8;
	[tilespmem:$0x10080] =	vst v63  }
0x6a: {  	s21 =	simm.s32 $0xE880  }
0x6b: {  	[tilespmem:s21], [sflag:$0x2] =	stream.indirect_vreg.gather [hbm4b:s5+s3], $0x80, v3, vm0, $0xb8;
	[tilespmem:$0x10080] =	vst v63  }
0x6c: {  	s21 =	simm.s32 $0xF080  }
0x6d: {  	[tilespmem:s21], [sflag:$0x2] =	stream.indirect_vreg.gather [hbm4b:s6+s3], $0x80, v3, vm0, $0xb8;
	[tilespmem:$0x10080] =	vst v63  }
0x6e: {  	s21 =	simm.s32 $0xF880  }
0x6f: {  	[tilespmem:s21], [sflag:$0x2] =	stream.indirect_vreg.gather [hbm4b:s7+s3], $0x80, v3, vm0, $0xb8;
	[tilespmem:$0x10080] =	vst v63  }
0x70: {  	_ =	swait.ge [sflag:s10], $0x8000  }
0x71: {  	[sflag:s10] =	ssyncset.done $0x0  }
0x72: {  	s21 =	rddreg [dreg:$0x8];
	[sflag:s10] =	ssyncadd.s32 $0xFFFF8000  }
0x73: {  	[hbm4b:s21+s3] =	stream.linear.scatter [tilespmem:s26], [sflag:$0x3], $0x8000, $0x38;
	[tilespmem:$0x10080] =	vst v63  }
0x74: {  	_ =	swait.ge [sflag:s9], $0x8000  }
0x75: {  	[sflag:s9] =	ssyncset.done $0x0  }
0x76: {  	[sflag:s9] =	ssyncadd.s32 $0xFFFF8000  }
0x77: {  	v3 =	vld [tilespmem:$0x40];
	_ =	sdelay $0x4  }
0x78: {  	v60 =	vshll.u32 v3, $0x3  }
0x79: {  	v3 =	vand.u32 $0x7, v3;
	v4 =	vand.u32 $0xFFFFFFC0, v60  }
0x7a: {  	v3 =	vor.u32 v3, v4  }
0x7b: {  	v4 =	vperm.xlane v3, v0;
	_ =	sdelay $0x1  }
0x7c: {  	v4 =	vadd.s32 v1, v4;
	_ =	sdelay $0x4  }
0x7d: {  	[tilespmem:s26], [sflag:$0x1] =	stream.indirect_vreg.gather [hbm4b:s2+s3], $0x80, v4, vm0, $0xb8;
	[tilespmem:$0x10080] =	vst v63  }
0x7e: {  	v3 =	vperm.xlane v3, v2  }
0x7f: {  	[tilespmem:s22], [sflag:$0x1] =	stream.indirect_vreg.gather [hbm4b:s5+s3], $0x80, v4, vm0, $0xb8;
	[tilespmem:$0x10080] =	vst v63  }
0x80: {  	v3 =	vadd.s32 v1, v3  }
0x81: {  	[tilespmem:s23], [sflag:$0x1] =	stream.indirect_vreg.gather [hbm4b:s6+s3], $0x80, v4, vm0, $0xb8;
	[tilespmem:$0x10080] =	vst v63  }
0x82: {  	_ = 	snop  }
0x83: {  	[tilespmem:s24], [sflag:$0x1] =	stream.indirect_vreg.gather [hbm4b:s7+s3], $0x80, v4, vm0, $0xb8;
	[tilespmem:$0x10080] =	vst v63  }
0x84: {  	_ = 	snop  }
0x85: {  	[tilespmem:s25], [sflag:$0x1] =	stream.indirect_vreg.gather [hbm4b:s2+s3], $0x80, v3, vm0, $0xb8;
	[tilespmem:$0x10080] =	vst v63  }
0x86: {  	_ = 	snop  }
0x87: {  	[tilespmem:s28], [sflag:$0x1] =	stream.indirect_vreg.gather [hbm4b:s5+s3], $0x80, v3, vm0, $0xb8;
	[tilespmem:$0x10080] =	vst v63  }
0x88: {  	_ = 	snop  }
0x89: {  	[tilespmem:s29], [sflag:$0x1] =	stream.indirect_vreg.gather [hbm4b:s6+s3], $0x80, v3, vm0, $0xb8;
	[tilespmem:$0x10080] =	vst v63  }
0x8a: {  	_ = 	snop  }
0x8b: {  	[tilespmem:s30], [sflag:$0x1] =	stream.indirect_vreg.gather [hbm4b:s7+s3], $0x80, v3, vm0, $0xb8;
	[tilespmem:$0x10080] =	vst v63  }
0x8c: {  	v3 =	vld [tilespmem:$0x50];
	_ =	sdelay $0x4  }
0x8d: {  	v61 =	vshll.u32 v3, $0x3  }
0x8e: {  	v3 =	vand.u32 $0x7, v3;
	v4 =	vand.u32 $0xFFFFFFC0, v61  }
0x8f: {  	v3 =	vor.u32 v3, v4  }
0x90: {  	v4 =	vperm.xlane v3, v0;
	_ =	sdelay $0x1  }
0x91: {  	v4 =	vadd.s32 v1, v4;
	_ =	sdelay $0x4  }
0x92: {  	[tilespmem:s31], [sflag:$0x1] =	stream.indirect_vreg.gather [hbm4b:s2+s3], $0x80, v4, vm0, $0xb8;
	[tilespmem:$0x10080] =	vst v63  }
0x93: {  	v3 =	vperm.xlane v3, v2  }
0x94: {  	[tilespmem:s1], [sflag:$0x1] =	stream.indirect_vreg.gather [hbm4b:s5+s3], $0x80, v4, vm0, $0xb8;
	[tilespmem:$0x10080] =	vst v63  }
0x95: {  	v3 =	vadd.s32 v1, v3  }
0x96: {  	[tilespmem:s0], [sflag:$0x1] =	stream.indirect_vreg.gather [hbm4b:s6+s3], $0x80, v4, vm0, $0xb8;
	[tilespmem:$0x10080] =	vst v63  }
0x97: {  	_ = 	snop  }
0x98: {  	[tilespmem:s11], [sflag:$0x1] =	stream.indirect_vreg.gather [hbm4b:s7+s3], $0x80, v4, vm0, $0xb8;
	[tilespmem:$0x10080] =	vst v63  }
0x99: {  	_ = 	snop  }
0x9a: {  	[tilespmem:s12], [sflag:$0x1] =	stream.indirect_vreg.gather [hbm4b:s2+s3], $0x80, v3, vm0, $0xb8;
	[tilespmem:$0x10080] =	vst v63  }
0x9b: {  	_ = 	snop  }
0x9c: {  	[tilespmem:s13], [sflag:$0x1] =	stream.indirect_vreg.gather [hbm4b:s5+s3], $0x80, v3, vm0, $0xb8;
	[tilespmem:$0x10080] =	vst v63  }
0x9d: {  	_ = 	snop  }
0x9e: {  	[tilespmem:s14], [sflag:$0x1] =	stream.indirect_vreg.gather [hbm4b:s6+s3], $0x80, v3, vm0, $0xb8;
	[tilespmem:$0x10080] =	vst v63  }
0x9f: {  	_ = 	snop  }
0xa0: {  	[tilespmem:s15], [sflag:$0x1] =	stream.indirect_vreg.gather [hbm4b:s7+s3], $0x80, v3, vm0, $0xb8;
	[tilespmem:$0x10080] =	vst v63  }
0xa1: {  	_ =	swait.ge [sflag:s20], $0x8000  }
0xa2: {  	[sflag:s20] =	ssyncset.done $0x0  }
0xa3: {  	s0 =	rddreg [dreg:$0x5];
	[sflag:s20] =	ssyncadd.s32 $0xFFFF8000  }
0xa4: {  	[hbm4b:s0+s3] =	stream.linear.scatter [tilespmem:s4], [sflag:$0x3], $0x8000, $0x38;
	[tilespmem:$0x10080] =	vst v63  }
0xa5: {  	_ =	swait.ge [sflag:s9], $0x8000  }
0xa6: {  	[sflag:s9] =	ssyncset.done $0x0  }
0xa7: {  	[sflag:s9] =	ssyncadd.s32 $0xFFFF8000  }
0xa8: {  	v3 =	vld [tilespmem:$0x60];
	_ =	sdelay $0x4  }
0xa9: {  	v62 =	vshll.u32 v3, $0x3  }
0xaa: {  	v3 =	vand.u32 $0x7, v3;
	v4 =	vand.u32 $0xFFFFFFC0, v62  }
0xab: {  	v3 =	vor.u32 v3, v4  }
0xac: {  	v4 =	vperm.xlane v3, v0;
	_ =	sdelay $0x1  }
0xad: {  	v4 =	vadd.s32 v1, v4;
	_ =	sdelay $0x4  }
0xae: {  	[tilespmem:s4], [sflag:$0x2] =	stream.indirect_vreg.gather [hbm4b:s2+s3], $0x80, v4, vm0, $0xb8;
	[tilespmem:$0x10080] =	vst v63  }
0xaf: {  	v3 =	vperm.xlane v3, v2  }
0xb0: {  	[tilespmem:s16], [sflag:$0x2] =	stream.indirect_vreg.gather [hbm4b:s5+s3], $0x80, v4, vm0, $0xb8;
	[tilespmem:$0x10080] =	vst v63  }
0xb1: {  	v3 =	vadd.s32 v1, v3  }
0xb2: {  	[tilespmem:s17], [sflag:$0x2] =	stream.indirect_vreg.gather [hbm4b:s6+s3], $0x80, v4, vm0, $0xb8;
	[tilespmem:$0x10080] =	vst v63  }
0xb3: {  	_ = 	snop  }
0xb4: {  	[tilespmem:s18], [sflag:$0x2] =	stream.indirect_vreg.gather [hbm4b:s7+s3], $0x80, v4, vm0, $0xb8;
	[tilespmem:$0x10080] =	vst v63  }
0xb5: {  	_ = 	snop  }
0xb6: {  	[tilespmem:s19], [sflag:$0x2] =	stream.indirect_vreg.gather [hbm4b:s2+s3], $0x80, v3, vm0, $0xb8;
	[tilespmem:$0x10080] =	vst v63  }
0xb7: {  	s21 =	simm.s32 $0xA880  }
0xb8: {  	[tilespmem:s21], [sflag:$0x2] =	stream.indirect_vreg.gather [hbm4b:s5+s3], $0x80, v3, vm0, $0xb8;
	[tilespmem:$0x10080] =	vst v63  }
0xb9: {  	s21 =	simm.s32 $0xB080  }
0xba: {  	[tilespmem:s21], [sflag:$0x2] =	stream.indirect_vreg.gather [hbm4b:s6+s3], $0x80, v3, vm0, $0xb8;
	[tilespmem:$0x10080] =	vst v63  }
0xbb: {  	s21 =	simm.s32 $0xB880  }
0xbc: {  	[tilespmem:s21], [sflag:$0x2] =	stream.indirect_vreg.gather [hbm4b:s7+s3], $0x80, v3, vm0, $0xb8;
	[tilespmem:$0x10080] =	vst v63  }
0xbd: {  	v3 =	vld [tilespmem:$0x70];
	_ =	sdelay $0x4  }
0xbe: {  	v63 =	vshll.u32 v3, $0x3  }
0xbf: {  	v3 =	vand.u32 $0x7, v3;
	v4 =	vand.u32 $0xFFFFFFC0, v63  }
0xc0: {  	v3 =	vor.u32 v3, v4  }
0xc1: {  	v4 =	vperm.xlane v3, v0;
	_ =	sdelay $0x1  }
0xc2: {  	v4 =	vadd.s32 v1, v4;
	_ =	sdelay $0x3  }
0xc3: {  	s21 =	simm.s32 $0xC080  }
0xc4: {  	[tilespmem:s21], [sflag:$0x2] =	stream.indirect_vreg.gather [hbm4b:s2+s3], $0x80, v4, vm0, $0xb8;
	[tilespmem:$0x10080] =	vst v63  }
0xc5: {  	v3 =	vperm.xlane v3, v2;
	s21 =	simm.s32 $0xC880  }
0xc6: {  	[tilespmem:s21], [sflag:$0x2] =	stream.indirect_vreg.gather [hbm4b:s5+s3], $0x80, v4, vm0, $0xb8;
	[tilespmem:$0x10080] =	vst v63  }
0xc7: {  	v3 =	vadd.s32 v1, v3;
	s21 =	simm.s32 $0xD080  }
0xc8: {  	[tilespmem:s21], [sflag:$0x2] =	stream.indirect_vreg.gather [hbm4b:s6+s3], $0x80, v4, vm0, $0xb8;
	[tilespmem:$0x10080] =	vst v63  }
0xc9: {  	s21 =	simm.s32 $0xD880  }
0xca: {  	[tilespmem:s21], [sflag:$0x2] =	stream.indirect_vreg.gather [hbm4b:s7+s3], $0x80, v4, vm0, $0xb8;
	[tilespmem:$0x10080] =	vst v63  }
0xcb: {  	s21 =	simm.s32 $0xE080  }
0xcc: {  	[tilespmem:s21], [sflag:$0x2] =	stream.indirect_vreg.gather [hbm4b:s2+s3], $0x80, v3, vm0, $0xb8;
	[tilespmem:$0x10080] =	vst v63  }
0xcd: {  	s21 =	simm.s32 $0xE880  }
0xce: {  	[tilespmem:s21], [sflag:$0x2] =	stream.indirect_vreg.gather [hbm4b:s5+s3], $0x80, v3, vm0, $0xb8;
	[tilespmem:$0x10080] =	vst v63  }
0xcf: {  	s21 =	simm.s32 $0xF080  }
0xd0: {  	[tilespmem:s21], [sflag:$0x2] =	stream.indirect_vreg.gather [hbm4b:s6+s3], $0x80, v3, vm0, $0xb8;
	[tilespmem:$0x10080] =	vst v63  }
0xd1: {  	s21 =	simm.s32 $0xF880  }
0xd2: {  	[tilespmem:s21], [sflag:$0x2] =	stream.indirect_vreg.gather [hbm4b:s7+s3], $0x80, v3, vm0, $0xb8;
	[tilespmem:$0x10080] =	vst v63  }
0xd3: {  	_ =	swait.ge [sflag:s10], $0x8000  }
0xd4: {  	[sflag:s10] =	ssyncset.done $0x0  }
0xd5: {  	s0 =	rddreg [dreg:$0x6];
	[sflag:s10] =	ssyncadd.s32 $0xFFFF8000  }
0xd6: {  	[hbm4b:s0+s3] =	stream.linear.scatter [tilespmem:s26], [sflag:$0x3], $0x8000, $0x38;
	[tilespmem:$0x10080] =	vst v63  }
0xd7: {  	_ =	swait.ge [sflag:s9], $0x8000  }
0xd8: {  	[sflag:s9] =	ssyncset.done $0x0  }
0xd9: {  	[sflag:s9] =	ssyncadd.s32 $0xFFFF8000  }
0xda: {  	_ =	swait.ge [sflag:s20], $0x8000  }
0xdb: {  	p0 =	sne.s32 s8, $0x1;
	[sflag:s20] =	ssyncset.done $0x0  }
.Ltmp0:
0xdc: {  	s0 =	rddreg [dreg:$0x7];
	[sflag:s20] =	ssyncadd.s32 $0xFFFF8000;
	(pc) =	sbr.rel @p0 .LBB2_1-.Ltmp0, $4  }
0xdd: {  	[hbm4b:s0+s3] =	stream.linear.scatter [tilespmem:s4], [sflag:$0x3], $0x8000, $0x38;
	[tilespmem:$0x10080] =	vst v63  }
0xde: {  	_ =	swait.ge [sflag:s9], $0x8000  }
0xdf: {  	[sflag:s9] =	ssyncset.done $0x0  }
0xe0: {  	s8 =	sadd.s32 $0xFFFFFFFF, s8;
	[sflag:s9] =	ssyncadd.s32 $0xFFFF8000  }
0xe1: {  	_ =	sfence.sel $0x180000  }
0xe2: {  	[bflag:$0x0] =	sbarrier.arrive $0xFFFF  }
0xe3: {  	_ =	strace $0x90000047  }
0xe4: {  	s0 =	stileid.u32;
	[bflag:$0x2] =	sbarrier.arrive $0xFFFF  }
0xe5: {  	p0 =	sne.s32 s0, $0x0;
	s0 =	rddreg [dreg:$0x3]  }
0xe6: {  	s0 =	sadd.s32 @!p0 $0x100000, s0  }
0xe7: {  	[sflag:s0] =	ssyncadd.tile.s32 @!p0 $0x1;
	_ =	shalt  }
.Lfunc_end2:
_tile_overlayer_lowered:
.L_overlay_start_2:
0xe8: {  	(tag) =	ssettag $0x2  }
0xe9: {  	s0 =	rddreg [dreg:$0x0];
	s2 =	stileid.u32  }
0xea: {  	s1 =	rddreg [dreg:$0x1];
	p0 =	sne.s32 s2, $0x0  }
0xeb: {  	s3 =	rddreg [dreg:$0x2];
	[bflag:$0x3] =	sbarrier.arrive $0xFFFF;
	s2 =	simm.s32 @!p0 $0x1C03  }
0xec: {  	[timem:s3], [sflag:s2] =	dma.local @!p0 [hbm:s0], s1  }
0xed: {  	s0 =	simm.s32 @!p0 $0x3  }
0xee: {  	_ =	swait.ge @!p0 [sflag:s0], s1  }
0xef: {  	s1 =	ssub.s32 @!p0 $0x0, s1;
	[sflag:s0] =	ssyncset.done @!p0 $0x0  }
0xf0: {  	[sflag:s0] =	ssyncadd.s32 @!p0 s1  }
0xf1: {  	[bflag:$0x3] =	sbarrier.arrive $0xFFFF  }
0xf2: {  	_ =	shalt  }

</sc_bundles>
